<compile_context>
chip_gen: v7x
topology: tpu7x:2x2x1
jax: 0.10.2.dev20260603
libtpu: 0.0.44.dev20260713+nightly
codegen_flags: <defaults>
</compile_context>

<pallas_src>
import functools

import jax
import jax.numpy as jnp
from jax import lax
from jax.experimental import pallas as pl
from jax.experimental.pallas import tpu as pltpu
from jax.experimental.pallas import tpu_sc as plsc

N = 10000
E = 320000
D = 128
NC = 2
NS = 16
NW = NC * NS

CW = 100
CWA = 100
NCH_A = E // NW // CWA
BI = 20
NBLK = NCH_A // BI
NBUF = 3
RING = 6
TAIL = BI - NBUF * RING
NCH_D = E // NS // CW
RPT = N // NS
DEG_PAD = 640
NPAD = NS * DEG_PAD

ROW_BLK = 1000


def _sc_mesh():
    return plsc.VectorSubcoreMesh(
        core_axis_name="c", subcore_axis_name="s", num_cores=NC, num_subcores=NS
    )


def _degrees(edges4d):
    @functools.partial(
        pl.kernel,
        out_type=jax.ShapeDtypeStruct((NC, 1, NPAD), jnp.float32),
        mesh=_sc_mesh(),
        scratch_types=[
            pltpu.VMEM((NCH_D, CW), jnp.int32),
            pltpu.VMEM((112,), jnp.float32),
            pltpu.VMEM((DEG_PAD,), jnp.float32),
            pltpu.VMEM_SHARED((NPAD,), jnp.float32),
            pltpu.SemaphoreType.DMA,
        ],
    )
    def deg_kernel(edges_hbm, out_hbm, idxv, onesv, zv, acc, sem):
        c = lax.axis_index("c")
        s = lax.axis_index("s")
        pltpu.sync_copy(edges_hbm.at[c].at[s], idxv)
        for k in range(7):
            onesv[pl.ds(16 * k, 16)] = jnp.ones((16,), jnp.float32)
            zv[pl.ds(16 * k, 16)] = jnp.zeros((16,), jnp.float32)
        for k in range(7, DEG_PAD // 16):
            zv[pl.ds(16 * k, 16)] = jnp.zeros((16,), jnp.float32)
        pltpu.sync_copy(zv, acc.at[pl.ds(s * DEG_PAD, DEG_PAD)])
        plsc.subcore_barrier()

        ones_cw = onesv.at[pl.ds(0, CW)]
        G = 25

        def group(g, carry):
            base = g * G
            for k in range(G):
                pltpu.async_copy(ones_cw, acc.at[idxv.at[base + k]], sem, add=True)
            for k in range(G):
                pltpu.make_async_copy(ones_cw, acc.at[idxv.at[base + k]], sem).wait()
            return carry

        lax.fori_loop(0, NCH_D // G, group, 0)
        plsc.subcore_barrier()
        pltpu.sync_copy(
            acc.at[pl.ds(s * DEG_PAD, DEG_PAD)],
            out_hbm.at[c].at[0].at[pl.ds(s * DEG_PAD, DEG_PAD)],
        )

    return deg_kernel(edges4d)


def _aggregate(table, edges5w, zerosf):
    @functools.partial(
        pl.kernel,
        out_type=jax.ShapeDtypeStruct((NC, NS, RPT, D), jnp.float32),
        mesh=_sc_mesh(),
        scratch_types=[
            pltpu.VMEM((BI, CWA), jnp.int32),
            pltpu.VMEM((BI, CWA), jnp.int32),
            pltpu.VMEM((CWA, D), jnp.float32),
            pltpu.VMEM((CWA, D), jnp.float32),
            pltpu.VMEM((CWA, D), jnp.float32),
            pltpu.VMEM_SHARED((N, D), jnp.float32),
            pltpu.SemaphoreType.DMA,
            pltpu.SemaphoreType.DMA,
            pltpu.SemaphoreType.DMA,
            pltpu.SemaphoreType.DMA,
            pltpu.SemaphoreType.DMA,
            pltpu.SemaphoreType.DMA,
            pltpu.SemaphoreType.DMA,
        ],
    )
    def agg_kernel(
        table_hbm, edges_hbm, zeros_hbm, out_hbm,
        srcv, dstv, b0, b1, b2, acc,
        g0, g1, g2, s0, s1, s2, zsem,
    ):
        bufs = [b0, b1, b2]
        gsem = [g0, g1, g2]
        ssem = [s0, s1, s2]
        c = lax.axis_index("c")
        s = lax.axis_index("s")
        p = c * NS + s

        def gfire(i, u):
            pltpu.async_copy(table_hbm.at[srcv.at[i]], bufs[u], gsem[u])

        def gwait(i, u):
            pltpu.make_async_copy(table_hbm.at[srcv.at[i]], bufs[u], gsem[u]).wait()

        def sfire(i, u):
            pltpu.async_copy(bufs[u], acc.at[dstv.at[i]], ssem[u], add=True)

        def swait(i, u):
            pltpu.make_async_copy(bufs[u], acc.at[dstv.at[i]], ssem[u]).wait()

        pltpu.async_copy(zeros_hbm.at[s], acc.at[pl.ds(s * RPT, RPT)], zsem)
        pltpu.sync_copy(edges_hbm.at[0].at[p].at[0], srcv)
        pltpu.sync_copy(edges_hbm.at[1].at[p].at[0], dstv)
        for u in range(NBUF - 1):
            gfire(u, u)
        pltpu.make_async_copy(zeros_hbm.at[s], acc.at[pl.ds(s * RPT, RPT)], zsem).wait()
        plsc.subcore_barrier()

        def blk_body(blk, carry):
            @pl.when(blk > 0)
            def _():
                pltpu.sync_copy(edges_hbm.at[0].at[p].at[blk], srcv)
                pltpu.sync_copy(edges_hbm.at[1].at[p].at[blk], dstv)
                for u in range(NBUF - 1):
                    gfire(u, u)

            def ring(kk, carry2):
                for u in range(NBUF):
                    i = NBUF * kk + u
                    gwait(i, u)
                    sfire(i, u)
                    if u == 0:
                        @pl.when(kk > 0)
                        def _():
                            swait(NBUF * kk - 1, NBUF - 1)
                    else:
                        swait(i - 1, u - 1)

                    @pl.when(i + NBUF - 1 < BI)
                    def _():
                        gfire(i + NBUF - 1, (u + NBUF - 1) % NBUF)
                return carry2

            lax.fori_loop(0, RING, ring, 0)
            for i in range(NBUF * RING, BI):
                u = i % NBUF
                gwait(i, u)
                sfire(i, u)
                swait(i - 1, (i - 1) % NBUF)
            swait(BI - 1, (BI - 1) % NBUF)
            return carry

        lax.fori_loop(0, NBLK, blk_body, 0)
        plsc.subcore_barrier()
        pltpu.sync_copy(acc.at[pl.ds(s * RPT, RPT)], out_hbm.at[c].at[s])

    return agg_kernel(table, edges5w, zerosf)


def _norm(deg_blk):
    return lax.rsqrt(jnp.maximum(deg_blk, 1.0))


def _stage1(features, W1, deg):
    def body(f_ref, w_ref, deg_ref, o_ref):
        no = _norm(deg_ref[0])
        o_ref[...] = (
            jnp.dot(f_ref[...], w_ref[...], preferred_element_type=jnp.float32) * no
        )

    return pl.pallas_call(
        body,
        grid=(N // ROW_BLK,),
        in_specs=[
            pl.BlockSpec((ROW_BLK, D), lambda j: (j, 0)),
            pl.BlockSpec((D, D), lambda j: (0, 0)),
            pl.BlockSpec((NC, ROW_BLK, 1), lambda j: (0, j, 0)),
        ],
        out_specs=pl.BlockSpec((ROW_BLK, D), lambda j: (j, 0)),
        out_shape=jax.ShapeDtypeStruct((N, D), jnp.float32),
    )(features, W1, deg)


def _stage2(agg, deg, b, W2):
    def body(m_ref, deg_ref, b_ref, w_ref, o_ref):
        m = m_ref[0] + m_ref[1]
        ni = _norm(deg_ref[1])
        no = _norm(deg_ref[0])
        h = jnp.maximum(m * ni + b_ref[...], 0.0)
        o_ref[...] = (
            jnp.dot(h, w_ref[...], preferred_element_type=jnp.float32) * no
        )

    return pl.pallas_call(
        body,
        grid=(N // ROW_BLK,),
        in_specs=[
            pl.BlockSpec((NC, ROW_BLK, D), lambda j: (0, j, 0)),
            pl.BlockSpec((NC, ROW_BLK, 1), lambda j: (0, j, 0)),
            pl.BlockSpec((1, D), lambda j: (0, 0)),
            pl.BlockSpec((D, D), lambda j: (0, 0)),
        ],
        out_specs=pl.BlockSpec((ROW_BLK, D), lambda j: (j, 0)),
        out_shape=jax.ShapeDtypeStruct((N, D), jnp.float32),
    )(agg, deg, b, W2)


def _stage3(agg, deg, b):
    def body(m_ref, deg_ref, b_ref, o_ref):
        m = m_ref[0] + m_ref[1]
        ni = _norm(deg_ref[1])
        o_ref[...] = jnp.maximum(m * ni + b_ref[...], 0.0)

    return pl.pallas_call(
        body,
        grid=(N // ROW_BLK,),
        in_specs=[
            pl.BlockSpec((NC, ROW_BLK, D), lambda j: (0, j, 0)),
            pl.BlockSpec((NC, ROW_BLK, 1), lambda j: (0, j, 0)),
            pl.BlockSpec((1, D), lambda j: (0, 0)),
        ],
        out_specs=pl.BlockSpec((ROW_BLK, D), lambda j: (j, 0)),
        out_shape=jax.ShapeDtypeStruct((N, D), jnp.float32),
    )(agg, deg, b)


def kernel(features, edge_index, W1, b1, W2, b2):
    edges4d = edge_index.reshape(2, NS, NCH_D, CW)
    edges5w = edge_index.reshape(2, NW, NBLK, BI, CWA)
    zerosf = jnp.zeros((NS, RPT, D), jnp.float32)

    degp = _degrees(edges4d)
    deg = degp.reshape(NC, NPAD)[:, :N].reshape(NC, N, 1)

    h1p = _stage1(features, W1, deg)
    agg1 = _aggregate(h1p, edges5w, zerosf).reshape(NC, N, D)
    h2p = _stage2(agg1, deg, b1.reshape(1, D), W2)
    agg2 = _aggregate(h2p, edges5w, zerosf).reshape(NC, N, D)
    return _stage3(agg2, deg, b2.reshape(1, D))

# --- scband reference (transcript-rebuilt; emitter-appended) ---
"""Pipeline reference for scband-gcn-55997783605387 (READ-ONLY COPY).

The authoritative reference and input builder live on the scoring server;
editing this copy changes nothing except your own understanding.
"""

import jax, jax.numpy as jnp
import numpy as np

N_NODES = 10000
N_EDGES = 320000
D_FEAT = 128
D_OUT = 128


def setup_inputs(seed: int = 0) -> dict:
    key = jax.random.key(seed)
    k1, k2, k3, k4, k5, k6 = jax.random.split(key, 6)
    features = jax.random.normal(k1, (N_NODES, D_FEAT), dtype=jnp.float32)
    edge_index = jax.random.randint(k2, (2, N_EDGES), 0, N_NODES, dtype=jnp.int32)
    # GraphConv layer 1 params (glorot-ish init)
    W1 = jax.random.normal(k3, (D_FEAT, D_OUT), dtype=jnp.float32) * (1.0 / np.sqrt(D_FEAT))
    b1 = jnp.zeros((D_OUT,), dtype=jnp.float32)
    # GraphConv layer 2 params
    W2 = jax.random.normal(k4, (D_OUT, D_OUT), dtype=jnp.float32) * (1.0 / np.sqrt(D_OUT))
    b2 = jnp.zeros((D_OUT,), dtype=jnp.float32)
    return {"features": features, "edge_index": edge_index, "W1": W1, "b1": b1, "W2": W2, "b2": b2}


def _graph_conv(h, W, b, src, dst, norm_out, norm_in, n_nodes):
    # DGL GraphConv with norm='both': symmetric normalization D^-1/2 A D^-1/2
    h = h @ W
    h = h * norm_out[:, None]
    m = jax.ops.segment_sum(h[src], dst, num_segments=n_nodes)
    m = m * norm_in[:, None]
    return jax.nn.relu(m + b)


def reference(features, edge_index, W1, b1, W2, b2):
    src = edge_index[0]
    dst = edge_index[1]
    deg_out = jnp.bincount(src, length=N_NODES)
    deg_in = jnp.bincount(dst, length=N_NODES)
    norm_out = jnp.where(deg_out > 0, deg_out, 1).astype(jnp.float32) ** -0.5
    norm_in = jnp.where(deg_in > 0, deg_in, 1).astype(jnp.float32) ** -0.5
    h = _graph_conv(features, W1, b1, src, dst, norm_out, norm_in, N_NODES)
    h = _graph_conv(h, W2, b2, src, dst, norm_out, norm_in, N_NODES)
    return h

if __name__ == "__main__":
    import jax
    _d = setup_inputs()
    print(jax.jit(kernel)(*tuple(_d.values())))

</pallas_src>

<mosaic_0001>
#map = affine_map<(d0, d1) -> (0, 0)>
#map1 = affine_map<(d0, d1) -> (0, 0, 0, 0, 0)>
#map2 = affine_map<(d0, d1) -> (0, 0, 0)>
#map3 = affine_map<(d0, d1) -> (0, 0, 0, 0)>
module attributes {stable_mosaic.version = 14 : i64} {
  func.func @agg_kernel(%arg0: i32, %arg1: i32, %arg2: memref<10000x128xf32, #tpu.memory_space<hbm>>, %arg3: memref<2x32x5x20x100xi32, #tpu.memory_space<hbm>>, %arg4: memref<16x625x128xf32, #tpu.memory_space<hbm>>, %arg5: memref<2x16x625x128xf32, #tpu.memory_space<hbm>>, %arg6: memref<20x100xi32, #tpu.memory_space<vmem>>, %arg7: memref<20x100xi32, #tpu.memory_space<vmem>>, %arg8: memref<100x128xf32, #tpu.memory_space<vmem>>, %arg9: memref<100x128xf32, #tpu.memory_space<vmem>>, %arg10: memref<100x128xf32, #tpu.memory_space<vmem>>, %arg11: memref<10000x128xf32, #tpu.memory_space<vmem_shared>>, %arg12: memref<!tpu.dma_semaphore, #tpu.memory_space<semaphore_mem>>, %arg13: memref<!tpu.dma_semaphore, #tpu.memory_space<semaphore_mem>>, %arg14: memref<!tpu.dma_semaphore, #tpu.memory_space<semaphore_mem>>, %arg15: memref<!tpu.dma_semaphore, #tpu.memory_space<semaphore_mem>>, %arg16: memref<!tpu.dma_semaphore, #tpu.memory_space<semaphore_mem>>, %arg17: memref<!tpu.dma_semaphore, #tpu.memory_space<semaphore_mem>>, %arg18: memref<!tpu.dma_semaphore, #tpu.memory_space<semaphore_mem>>) attributes {dimension_semantics = [#tpu.dimension_semantics<core_parallel>, #tpu.dimension_semantics<subcore_parallel>], iteration_bounds = array<i64: 2, 16>, scalar_prefetch = 0 : i64, scratch_operands = 13 : i64, tpu.core_type = #tpu.core_type<sc_vector_subcore>, window_params = [{transform_indices = #map}, {transform_indices = #map1}, {transform_indices = #map2}, {transform_indices = #map3}]} {
    %mul3A = arith.constant 16 : i32
    %mul3A_0 = arith.muli %arg0, %mul3A : i32
    %add3A = arith.addi %mul3A_0, %arg1 : i32
    %mul3A_1 = arith.constant 625 : i32
    %mul3A_2 = arith.muli %arg1, %mul3A_1 : i32
    %dma_start3A = arith.constant 0 : i32
    %dma_start3A_3 = tpu.memref_slice %arg11[%mul3A_2, %dma_start3A] : memref<10000x128xf32, #tpu.memory_space<vmem_shared>> -> memref<625x128xf32, #tpu.memory_space<vmem_shared>>
    %dma_start3A_4 = arith.constant 0 : i32
    %dma_start3A_5 = arith.constant 0 : i32
    %dma_start3A_6 = tpu.memref_slice %arg4[%arg1, %dma_start3A_4, %dma_start3A_5] : memref<16x625x128xf32, #tpu.memory_space<hbm>> -> memref<1x625x128xf32, #tpu.memory_space<hbm>>
    %dma_start3A_7 = tpu.memref_squeeze %dma_start3A_6 : memref<1x625x128xf32, #tpu.memory_space<hbm>> -> memref<625x128xf32, #tpu.memory_space<hbm>>
    tpu.enqueue_dma source(%dma_start3A_7 : memref<625x128xf32, #tpu.memory_space<hbm>>) target(%dma_start3A_3 : memref<625x128xf32, #tpu.memory_space<vmem_shared>>) target_semaphore(%arg18 : memref<!tpu.dma_semaphore, #tpu.memory_space<semaphore_mem>>)
    %run_scoped3A = arith.constant 0 : i32
    %run_scoped3A_8 = arith.constant 0 : i32
    "tpu.region"() ({
      %run_scoped3A_40 = tpu.sem_alloc : memref<!tpu.dma_semaphore, #tpu.memory_space<semaphore_mem>>
      %dma_start3A_41 = arith.constant 0 : i32
      %dma_start3A_42 = arith.constant 0 : i32
      %dma_start3A_43 = arith.constant 0 : i32
      %dma_start3A_44 = arith.constant 0 : i32
      %dma_start3A_45 = tpu.memref_slice %arg3[%run_scoped3A, %dma_start3A_41, %dma_start3A_42, %dma_start3A_43, %dma_start3A_44] : memref<2x32x5x20x100xi32, #tpu.memory_space<hbm>> -> memref<1x32x5x20x100xi32, #tpu.memory_space<hbm>>
      %dma_start3A_46 = tpu.memref_squeeze %dma_start3A_45 : memref<1x32x5x20x100xi32, #tpu.memory_space<hbm>> -> memref<32x5x20x100xi32, #tpu.memory_space<hbm>>
      %dma_start3A_47 = arith.constant 0 : i32
      %dma_start3A_48 = arith.constant 0 : i32
      %dma_start3A_49 = arith.constant 0 : i32
      %dma_start3A_50 = tpu.memref_slice %dma_start3A_46[%add3A, %dma_start3A_47, %dma_start3A_48, %dma_start3A_49] : memref<32x5x20x100xi32, #tpu.memory_space<hbm>> -> memref<1x5x20x100xi32, #tpu.memory_space<hbm>>
      %dma_start3A_51 = tpu.memref_squeeze %dma_start3A_50 : memref<1x5x20x100xi32, #tpu.memory_space<hbm>> -> memref<5x20x100xi32, #tpu.memory_space<hbm>>
      %dma_start3A_52 = arith.constant 0 : i32
      %dma_start3A_53 = arith.constant 0 : i32
      %dma_start3A_54 = tpu.memref_slice %dma_start3A_51[%run_scoped3A_8, %dma_start3A_52, %dma_start3A_53] : memref<5x20x100xi32, #tpu.memory_space<hbm>> -> memref<1x20x100xi32, #tpu.memory_space<hbm>>
      %dma_start3A_55 = tpu.memref_squeeze %dma_start3A_54 : memref<1x20x100xi32, #tpu.memory_space<hbm>> -> memref<20x100xi32, #tpu.memory_space<hbm>>
      %dma_start3A_56 = arith.constant 0 : i32
      %dma_start3A_57 = arith.constant 0 : i32
      %dma_start3A_58 = arith.constant 0 : i32
      %dma_start3A_59 = arith.constant 0 : i32
      %dma_start3A_60 = tpu.memref_slice %arg3[%run_scoped3A, %dma_start3A_56, %dma_start3A_57, %dma_start3A_58, %dma_start3A_59] : memref<2x32x5x20x100xi32, #tpu.memory_space<hbm>> -> memref<1x32x5x20x100xi32, #tpu.memory_space<hbm>>
      %dma_start3A_61 = tpu.memref_squeeze %dma_start3A_60 : memref<1x32x5x20x100xi32, #tpu.memory_space<hbm>> -> memref<32x5x20x100xi32, #tpu.memory_space<hbm>>
      %dma_start3A_62 = arith.constant 0 : i32
      %dma_start3A_63 = arith.constant 0 : i32
      %dma_start3A_64 = arith.constant 0 : i32
      %dma_start3A_65 = tpu.memref_slice %dma_start3A_61[%add3A, %dma_start3A_62, %dma_start3A_63, %dma_start3A_64] : memref<32x5x20x100xi32, #tpu.memory_space<hbm>> -> memref<1x5x20x100xi32, #tpu.memory_space<hbm>>
      %dma_start3A_66 = tpu.memref_squeeze %dma_start3A_65 : memref<1x5x20x100xi32, #tpu.memory_space<hbm>> -> memref<5x20x100xi32, #tpu.memory_space<hbm>>
      %dma_start3A_67 = arith.constant 0 : i32
      %dma_start3A_68 = arith.constant 0 : i32
      %dma_start3A_69 = tpu.memref_slice %dma_start3A_66[%run_scoped3A_8, %dma_start3A_67, %dma_start3A_68] : memref<5x20x100xi32, #tpu.memory_space<hbm>> -> memref<1x20x100xi32, #tpu.memory_space<hbm>>
      %dma_start3A_70 = tpu.memref_squeeze %dma_start3A_69 : memref<1x20x100xi32, #tpu.memory_space<hbm>> -> memref<20x100xi32, #tpu.memory_space<hbm>>
      tpu.enqueue_dma source(%dma_start3A_70 : memref<20x100xi32, #tpu.memory_space<hbm>>) target(%arg6 : memref<20x100xi32, #tpu.memory_space<vmem>>) target_semaphore(%run_scoped3A_40 : memref<!tpu.dma_semaphore, #tpu.memory_space<semaphore_mem>>)
      %dma_wait3A_71 = arith.constant 0 : i32
      %dma_wait3A_72 = arith.constant 0 : i32
      %dma_wait3A_73 = arith.constant 0 : i32
      %dma_wait3A_74 = arith.constant 0 : i32
      %dma_wait3A_75 = tpu.memref_slice %arg3[%run_scoped3A, %dma_wait3A_71, %dma_wait3A_72, %dma_wait3A_73, %dma_wait3A_74] : memref<2x32x5x20x100xi32, #tpu.memory_space<hbm>> -> memref<1x32x5x20x100xi32, #tpu.memory_space<hbm>>
      %dma_wait3A_76 = tpu.memref_squeeze %dma_wait3A_75 : memref<1x32x5x20x100xi32, #tpu.memory_space<hbm>> -> memref<32x5x20x100xi32, #tpu.memory_space<hbm>>
      %dma_wait3A_77 = arith.constant 0 : i32
      %dma_wait3A_78 = arith.constant 0 : i32
      %dma_wait3A_79 = arith.constant 0 : i32
      %dma_wait3A_80 = tpu.memref_slice %dma_wait3A_76[%add3A, %dma_wait3A_77, %dma_wait3A_78, %dma_wait3A_79] : memref<32x5x20x100xi32, #tpu.memory_space<hbm>> -> memref<1x5x20x100xi32, #tpu.memory_space<hbm>>
      %dma_wait3A_81 = tpu.memref_squeeze %dma_wait3A_80 : memref<1x5x20x100xi32, #tpu.memory_space<hbm>> -> memref<5x20x100xi32, #tpu.memory_space<hbm>>
      %dma_wait3A_82 = arith.constant 0 : i32
      %dma_wait3A_83 = arith.constant 0 : i32
      %dma_wait3A_84 = tpu.memref_slice %dma_wait3A_81[%run_scoped3A_8, %dma_wait3A_82, %dma_wait3A_83] : memref<5x20x100xi32, #tpu.memory_space<hbm>> -> memref<1x20x100xi32, #tpu.memory_space<hbm>>
      %dma_wait3A_85 = tpu.memref_squeeze %dma_wait3A_84 : memref<1x20x100xi32, #tpu.memory_space<hbm>> -> memref<20x100xi32, #tpu.memory_space<hbm>>
      %dma_wait3A_86 = arith.constant 0 : i32
      %dma_wait3A_87 = arith.constant 0 : i32
      %dma_wait3A_88 = arith.constant 0 : i32
      %dma_wait3A_89 = arith.constant 0 : i32
      %dma_wait3A_90 = tpu.memref_slice %arg3[%run_scoped3A, %dma_wait3A_86, %dma_wait3A_87, %dma_wait3A_88, %dma_wait3A_89] : memref<2x32x5x20x100xi32, #tpu.memory_space<hbm>> -> memref<1x32x5x20x100xi32, #tpu.memory_space<hbm>>
      %dma_wait3A_91 = tpu.memref_squeeze %dma_wait3A_90 : memref<1x32x5x20x100xi32, #tpu.memory_space<hbm>> -> memref<32x5x20x100xi32, #tpu.memory_space<hbm>>
      %dma_wait3A_92 = arith.constant 0 : i32
      %dma_wait3A_93 = arith.constant 0 : i32
      %dma_wait3A_94 = arith.constant 0 : i32
      %dma_wait3A_95 = tpu.memref_slice %dma_wait3A_91[%add3A, %dma_wait3A_92, %dma_wait3A_93, %dma_wait3A_94] : memref<32x5x20x100xi32, #tpu.memory_space<hbm>> -> memref<1x5x20x100xi32, #tpu.memory_space<hbm>>
      %dma_wait3A_96 = tpu.memref_squeeze %dma_wait3A_95 : memref<1x5x20x100xi32, #tpu.memory_space<hbm>> -> memref<5x20x100xi32, #tpu.memory_space<hbm>>
      %dma_wait3A_97 = arith.constant 0 : i32
      %dma_wait3A_98 = arith.constant 0 : i32
      %dma_wait3A_99 = tpu.memref_slice %dma_wait3A_96[%run_scoped3A_8, %dma_wait3A_97, %dma_wait3A_98] : memref<5x20x100xi32, #tpu.memory_space<hbm>> -> memref<1x20x100xi32, #tpu.memory_space<hbm>>
      %dma_wait3A_100 = tpu.memref_squeeze %dma_wait3A_99 : memref<1x20x100xi32, #tpu.memory_space<hbm>> -> memref<20x100xi32, #tpu.memory_space<hbm>>
      tpu.wait_dma2 semaphore(%run_scoped3A_40 : memref<!tpu.dma_semaphore, #tpu.memory_space<semaphore_mem>>) src(%dma_wait3A_100 : memref<20x100xi32, #tpu.memory_space<hbm>>) dst(%arg6 : memref<20x100xi32, #tpu.memory_space<vmem>>)
      tpu.yield
    }) : () -> ()
    %run_scoped3A_9 = arith.constant 1 : i32
    %run_scoped3A_10 = arith.constant 0 : i32
    "tpu.region"() ({
      %run_scoped3A_40 = tpu.sem_alloc : memref<!tpu.dma_semaphore, #tpu.memory_space<semaphore_mem>>
      %dma_start3A_41 = arith.constant 0 : i32
      %dma_start3A_42 = arith.constant 0 : i32
      %dma_start3A_43 = arith.constant 0 : i32
      %dma_start3A_44 = arith.constant 0 : i32
      %dma_start3A_45 = tpu.memref_slice %arg3[%run_scoped3A_9, %dma_start3A_41, %dma_start3A_42, %dma_start3A_43, %dma_start3A_44] : memref<2x32x5x20x100xi32, #tpu.memory_space<hbm>> -> memref<1x32x5x20x100xi32, #tpu.memory_space<hbm>>
      %dma_start3A_46 = tpu.memref_squeeze %dma_start3A_45 : memref<1x32x5x20x100xi32, #tpu.memory_space<hbm>> -> memref<32x5x20x100xi32, #tpu.memory_space<hbm>>
      %dma_start3A_47 = arith.constant 0 : i32
      %dma_start3A_48 = arith.constant 0 : i32
      %dma_start3A_49 = arith.constant 0 : i32
      %dma_start3A_50 = tpu.memref_slice %dma_start3A_46[%add3A, %dma_start3A_47, %dma_start3A_48, %dma_start3A_49] : memref<32x5x20x100xi32, #tpu.memory_space<hbm>> -> memref<1x5x20x100xi32, #tpu.memory_space<hbm>>
      %dma_start3A_51 = tpu.memref_squeeze %dma_start3A_50 : memref<1x5x20x100xi32, #tpu.memory_space<hbm>> -> memref<5x20x100xi32, #tpu.memory_space<hbm>>
      %dma_start3A_52 = arith.constant 0 : i32
      %dma_start3A_53 = arith.constant 0 : i32
      %dma_start3A_54 = tpu.memref_slice %dma_start3A_51[%run_scoped3A_10, %dma_start3A_52, %dma_start3A_53] : memref<5x20x100xi32, #tpu.memory_space<hbm>> -> memref<1x20x100xi32, #tpu.memory_space<hbm>>
      %dma_start3A_55 = tpu.memref_squeeze %dma_start3A_54 : memref<1x20x100xi32, #tpu.memory_space<hbm>> -> memref<20x100xi32, #tpu.memory_space<hbm>>
      %dma_start3A_56 = arith.constant 0 : i32
      %dma_start3A_57 = arith.constant 0 : i32
      %dma_start3A_58 = arith.constant 0 : i32
      %dma_start3A_59 = arith.constant 0 : i32
      %dma_start3A_60 = tpu.memref_slice %arg3[%run_scoped3A_9, %dma_start3A_56, %dma_start3A_57, %dma_start3A_58, %dma_start3A_59] : memref<2x32x5x20x100xi32, #tpu.memory_space<hbm>> -> memref<1x32x5x20x100xi32, #tpu.memory_space<hbm>>
      %dma_start3A_61 = tpu.memref_squeeze %dma_start3A_60 : memref<1x32x5x20x100xi32, #tpu.memory_space<hbm>> -> memref<32x5x20x100xi32, #tpu.memory_space<hbm>>
      %dma_start3A_62 = arith.constant 0 : i32
      %dma_start3A_63 = arith.constant 0 : i32
      %dma_start3A_64 = arith.constant 0 : i32
      %dma_start3A_65 = tpu.memref_slice %dma_start3A_61[%add3A, %dma_start3A_62, %dma_start3A_63, %dma_start3A_64] : memref<32x5x20x100xi32, #tpu.memory_space<hbm>> -> memref<1x5x20x100xi32, #tpu.memory_space<hbm>>
      %dma_start3A_66 = tpu.memref_squeeze %dma_start3A_65 : memref<1x5x20x100xi32, #tpu.memory_space<hbm>> -> memref<5x20x100xi32, #tpu.memory_space<hbm>>
      %dma_start3A_67 = arith.constant 0 : i32
      %dma_start3A_68 = arith.constant 0 : i32
      %dma_start3A_69 = tpu.memref_slice %dma_start3A_66[%run_scoped3A_10, %dma_start3A_67, %dma_start3A_68] : memref<5x20x100xi32, #tpu.memory_space<hbm>> -> memref<1x20x100xi32, #tpu.memory_space<hbm>>
      %dma_start3A_70 = tpu.memref_squeeze %dma_start3A_69 : memref<1x20x100xi32, #tpu.memory_space<hbm>> -> memref<20x100xi32, #tpu.memory_space<hbm>>
      tpu.enqueue_dma source(%dma_start3A_70 : memref<20x100xi32, #tpu.memory_space<hbm>>) target(%arg7 : memref<20x100xi32, #tpu.memory_space<vmem>>) target_semaphore(%run_scoped3A_40 : memref<!tpu.dma_semaphore, #tpu.memory_space<semaphore_mem>>)
      %dma_wait3A_71 = arith.constant 0 : i32
      %dma_wait3A_72 = arith.constant 0 : i32
      %dma_wait3A_73 = arith.constant 0 : i32
      %dma_wait3A_74 = arith.constant 0 : i32
      %dma_wait3A_75 = tpu.memref_slice %arg3[%run_scoped3A_9, %dma_wait3A_71, %dma_wait3A_72, %dma_wait3A_73, %dma_wait3A_74] : memref<2x32x5x20x100xi32, #tpu.memory_space<hbm>> -> memref<1x32x5x20x100xi32, #tpu.memory_space<hbm>>
      %dma_wait3A_76 = tpu.memref_squeeze %dma_wait3A_75 : memref<1x32x5x20x100xi32, #tpu.memory_space<hbm>> -> memref<32x5x20x100xi32, #tpu.memory_space<hbm>>
      %dma_wait3A_77 = arith.constant 0 : i32
      %dma_wait3A_78 = arith.constant 0 : i32
      %dma_wait3A_79 = arith.constant 0 : i32
      %dma_wait3A_80 = tpu.memref_slice %dma_wait3A_76[%add3A, %dma_wait3A_77, %dma_wait3A_78, %dma_wait3A_79] : memref<32x5x20x100xi32, #tpu.memory_space<hbm>> -> memref<1x5x20x100xi32, #tpu.memory_space<hbm>>
      %dma_wait3A_81 = tpu.memref_squeeze %dma_wait3A_80 : memref<1x5x20x100xi32, #tpu.memory_space<hbm>> -> memref<5x20x100xi32, #tpu.memory_space<hbm>>
      %dma_wait3A_82 = arith.constant 0 : i32
      %dma_wait3A_83 = arith.constant 0 : i32
      %dma_wait3A_84 = tpu.memref_slice %dma_wait3A_81[%run_scoped3A_10, %dma_wait3A_82, %dma_wait3A_83] : memref<5x20x100xi32, #tpu.memory_space<hbm>> -> memref<1x20x100xi32, #tpu.memory_space<hbm>>
      %dma_wait3A_85 = tpu.memref_squeeze %dma_wait3A_84 : memref<1x20x100xi32, #tpu.memory_space<hbm>> -> memref<20x100xi32, #tpu.memory_space<hbm>>
      %dma_wait3A_86 = arith.constant 0 : i32
      %dma_wait3A_87 = arith.constant 0 : i32
      %dma_wait3A_88 = arith.constant 0 : i32
      %dma_wait3A_89 = arith.constant 0 : i32
      %dma_wait3A_90 = tpu.memref_slice %arg3[%run_scoped3A_9, %dma_wait3A_86, %dma_wait3A_87, %dma_wait3A_88, %dma_wait3A_89] : memref<2x32x5x20x100xi32, #tpu.memory_space<hbm>> -> memref<1x32x5x20x100xi32, #tpu.memory_space<hbm>>
      %dma_wait3A_91 = tpu.memref_squeeze %dma_wait3A_90 : memref<1x32x5x20x100xi32, #tpu.memory_space<hbm>> -> memref<32x5x20x100xi32, #tpu.memory_space<hbm>>
      %dma_wait3A_92 = arith.constant 0 : i32
      %dma_wait3A_93 = arith.constant 0 : i32
      %dma_wait3A_94 = arith.constant 0 : i32
      %dma_wait3A_95 = tpu.memref_slice %dma_wait3A_91[%add3A, %dma_wait3A_92, %dma_wait3A_93, %dma_wait3A_94] : memref<32x5x20x100xi32, #tpu.memory_space<hbm>> -> memref<1x5x20x100xi32, #tpu.memory_space<hbm>>
      %dma_wait3A_96 = tpu.memref_squeeze %dma_wait3A_95 : memref<1x5x20x100xi32, #tpu.memory_space<hbm>> -> memref<5x20x100xi32, #tpu.memory_space<hbm>>
      %dma_wait3A_97 = arith.constant 0 : i32
      %dma_wait3A_98 = arith.constant 0 : i32
      %dma_wait3A_99 = tpu.memref_slice %dma_wait3A_96[%run_scoped3A_10, %dma_wait3A_97, %dma_wait3A_98] : memref<5x20x100xi32, #tpu.memory_space<hbm>> -> memref<1x20x100xi32, #tpu.memory_space<hbm>>
      %dma_wait3A_100 = tpu.memref_squeeze %dma_wait3A_99 : memref<1x20x100xi32, #tpu.memory_space<hbm>> -> memref<20x100xi32, #tpu.memory_space<hbm>>
      tpu.wait_dma2 semaphore(%run_scoped3A_40 : memref<!tpu.dma_semaphore, #tpu.memory_space<semaphore_mem>>) src(%dma_wait3A_100 : memref<20x100xi32, #tpu.memory_space<hbm>>) dst(%arg7 : memref<20x100xi32, #tpu.memory_space<vmem>>)
      tpu.yield
    }) : () -> ()
    %dma_start3A_11 = arith.constant 0 : i32
    %dma_start3A_12 = arith.constant 0 : i32
    %dma_start3A_13 = tpu.memref_slice %arg6[%dma_start3A_11, %dma_start3A_12] : memref<20x100xi32, #tpu.memory_space<vmem>> -> memref<1x100xi32, #tpu.memory_space<vmem>>
    %dma_start3A_14 = tpu.memref_squeeze %dma_start3A_13 : memref<1x100xi32, #tpu.memory_space<vmem>> -> memref<100xi32, #tpu.memory_space<vmem>>
    %dma_start3A_15 = arith.constant 0 : i32
    %dma_start3A_16 = arith.constant 0 : i32
    %dma_start3A_17 = tpu.memref_slice %arg2[%dma_start3A_15, %dma_start3A_16] : memref<10000x128xf32, #tpu.memory_space<hbm>> -> memref<10000x128xf32, #tpu.memory_space<hbm>>
    tpu.enqueue_indirect_dma source(%dma_start3A_17 : memref<10000x128xf32, #tpu.memory_space<hbm>>) target(%arg8 : memref<100x128xf32, #tpu.memory_space<vmem>>) offsets(%dma_start3A_14 : memref<100xi32, #tpu.memory_space<vmem>>) semaphore(%arg12 : memref<!tpu.dma_semaphore, #tpu.memory_space<semaphore_mem>>)
    %dma_start3A_18 = arith.constant 1 : i32
    %dma_start3A_19 = arith.constant 0 : i32
    %dma_start3A_20 = tpu.memref_slice %arg6[%dma_start3A_18, %dma_start3A_19] : memref<20x100xi32, #tpu.memory_space<vmem>> -> memref<1x100xi32, #tpu.memory_space<vmem>>
    %dma_start3A_21 = tpu.memref_squeeze %dma_start3A_20 : memref<1x100xi32, #tpu.memory_space<vmem>> -> memref<100xi32, #tpu.memory_space<vmem>>
    %dma_start3A_22 = arith.constant 0 : i32
    %dma_start3A_23 = arith.constant 0 : i32
    %dma_start3A_24 = tpu.memref_slice %arg2[%dma_start3A_22, %dma_start3A_23] : memref<10000x128xf32, #tpu.memory_space<hbm>> -> memref<10000x128xf32, #tpu.memory_space<hbm>>
    tpu.enqueue_indirect_dma source(%dma_start3A_24 : memref<10000x128xf32, #tpu.memory_space<hbm>>) target(%arg9 : memref<100x128xf32, #tpu.memory_space<vmem>>) offsets(%dma_start3A_21 : memref<100xi32, #tpu.memory_space<vmem>>) semaphore(%arg13 : memref<!tpu.dma_semaphore, #tpu.memory_space<semaphore_mem>>)
    %mul3A_25 = arith.constant 625 : i32
    %mul3A_26 = arith.muli %arg1, %mul3A_25 : i32
    %dma_wait3A = arith.constant 0 : i32
    %dma_wait3A_27 = tpu.memref_slice %arg11[%mul3A_26, %dma_wait3A] : memref<10000x128xf32, #tpu.memory_space<vmem_shared>> -> memref<625x128xf32, #tpu.memory_space<vmem_shared>>
    %dma_wait3A_28 = arith.constant 0 : i32
    %dma_wait3A_29 = arith.constant 0 : i32
    %dma_wait3A_30 = tpu.memref_slice %arg4[%arg1, %dma_wait3A_28, %dma_wait3A_29] : memref<16x625x128xf32, #tpu.memory_space<hbm>> -> memref<1x625x128xf32, #tpu.memory_space<hbm>>
    %dma_wait3A_31 = tpu.memref_squeeze %dma_wait3A_30 : memref<1x625x128xf32, #tpu.memory_space<hbm>> -> memref<625x128xf32, #tpu.memory_space<hbm>>
    tpu.wait_dma2 semaphore(%arg18 : memref<!tpu.dma_semaphore, #tpu.memory_space<semaphore_mem>>) src(%dma_wait3A_31 : memref<625x128xf32, #tpu.memory_space<hbm>>) dst(%dma_wait3A_27 : memref<625x128xf32, #tpu.memory_space<vmem_shared>>)
    %barrier3A = arith.constant 0 : index
    tpu.barrier barrier_id(%barrier3A)
    %scan3A = arith.constant 0 : i32
    %scan3A_32 = arith.constant 0 : i32
    %scan3A_33 = arith.constant 5 : i32
    %scan3A_34 = arith.addi %scan3A_32, %scan3A_33 : i32
    %scan3A_35 = arith.constant 1 : i32
    scf.for %scan3A_40 = %scan3A_32 to %scan3A_34 step %scan3A_35  : i32 {
      %gt3A = arith.constant 0 : i32
      %gt3A_41 = arith.cmpi sgt, %scan3A_40, %gt3A : i32
      %convert_element_type3A = arith.extui %gt3A_41 : i1 to i32
      %cond3A = arith.constant 0 : i32
      %cond3A_42 = arith.cmpi ne, %convert_element_type3A, %cond3A : i32
      scf.if %cond3A_42 {
        %run_scoped3A_98 = arith.constant 0 : i32
        "tpu.region"() ({
          %run_scoped3A_114 = tpu.sem_alloc : memref<!tpu.dma_semaphore, #tpu.memory_space<semaphore_mem>>
          %dma_start3A_115 = arith.constant 0 : i32
          %dma_start3A_116 = arith.constant 0 : i32
          %dma_start3A_117 = arith.constant 0 : i32
          %dma_start3A_118 = arith.constant 0 : i32
          %dma_start3A_119 = tpu.memref_slice %arg3[%run_scoped3A_98, %dma_start3A_115, %dma_start3A_116, %dma_start3A_117, %dma_start3A_118] : memref<2x32x5x20x100xi32, #tpu.memory_space<hbm>> -> memref<1x32x5x20x100xi32, #tpu.memory_space<hbm>>
          %dma_start3A_120 = tpu.memref_squeeze %dma_start3A_119 : memref<1x32x5x20x100xi32, #tpu.memory_space<hbm>> -> memref<32x5x20x100xi32, #tpu.memory_space<hbm>>
          %dma_start3A_121 = arith.constant 0 : i32
          %dma_start3A_122 = arith.constant 0 : i32
          %dma_start3A_123 = arith.constant 0 : i32
          %dma_start3A_124 = tpu.memref_slice %dma_start3A_120[%add3A, %dma_start3A_121, %dma_start3A_122, %dma_start3A_123] : memref<32x5x20x100xi32, #tpu.memory_space<hbm>> -> memref<1x5x20x100xi32, #tpu.memory_space<hbm>>
          %dma_start3A_125 = tpu.memref_squeeze %dma_start3A_124 : memref<1x5x20x100xi32, #tpu.memory_space<hbm>> -> memref<5x20x100xi32, #tpu.memory_space<hbm>>
          %dma_start3A_126 = arith.constant 0 : i32
          %dma_start3A_127 = arith.constant 0 : i32
          %dma_start3A_128 = tpu.memref_slice %dma_start3A_125[%scan3A_40, %dma_start3A_126, %dma_start3A_127] : memref<5x20x100xi32, #tpu.memory_space<hbm>> -> memref<1x20x100xi32, #tpu.memory_space<hbm>>
          %dma_start3A_129 = tpu.memref_squeeze %dma_start3A_128 : memref<1x20x100xi32, #tpu.memory_space<hbm>> -> memref<20x100xi32, #tpu.memory_space<hbm>>
          %dma_start3A_130 = arith.constant 0 : i32
          %dma_start3A_131 = arith.constant 0 : i32
          %dma_start3A_132 = arith.constant 0 : i32
          %dma_start3A_133 = arith.constant 0 : i32
          %dma_start3A_134 = tpu.memref_slice %arg3[%run_scoped3A_98, %dma_start3A_130, %dma_start3A_131, %dma_start3A_132, %dma_start3A_133] : memref<2x32x5x20x100xi32, #tpu.memory_space<hbm>> -> memref<1x32x5x20x100xi32, #tpu.memory_space<hbm>>
          %dma_start3A_135 = tpu.memref_squeeze %dma_start3A_134 : memref<1x32x5x20x100xi32, #tpu.memory_space<hbm>> -> memref<32x5x20x100xi32, #tpu.memory_space<hbm>>
          %dma_start3A_136 = arith.constant 0 : i32
          %dma_start3A_137 = arith.constant 0 : i32
          %dma_start3A_138 = arith.constant 0 : i32
          %dma_start3A_139 = tpu.memref_slice %dma_start3A_135[%add3A, %dma_start3A_136, %dma_start3A_137, %dma_start3A_138] : memref<32x5x20x100xi32, #tpu.memory_space<hbm>> -> memref<1x5x20x100xi32, #tpu.memory_space<hbm>>
          %dma_start3A_140 = tpu.memref_squeeze %dma_start3A_139 : memref<1x5x20x100xi32, #tpu.memory_space<hbm>> -> memref<5x20x100xi32, #tpu.memory_space<hbm>>
          %dma_start3A_141 = arith.constant 0 : i32
          %dma_start3A_142 = arith.constant 0 : i32
          %dma_start3A_143 = tpu.memref_slice %dma_start3A_140[%scan3A_40, %dma_start3A_141, %dma_start3A_142] : memref<5x20x100xi32, #tpu.memory_space<hbm>> -> memref<1x20x100xi32, #tpu.memory_space<hbm>>
          %dma_start3A_144 = tpu.memref_squeeze %dma_start3A_143 : memref<1x20x100xi32, #tpu.memory_space<hbm>> -> memref<20x100xi32, #tpu.memory_space<hbm>>
          tpu.enqueue_dma source(%dma_start3A_144 : memref<20x100xi32, #tpu.memory_space<hbm>>) target(%arg6 : memref<20x100xi32, #tpu.memory_space<vmem>>) target_semaphore(%run_scoped3A_114 : memref<!tpu.dma_semaphore, #tpu.memory_space<semaphore_mem>>)
          %dma_wait3A_145 = arith.constant 0 : i32
          %dma_wait3A_146 = arith.constant 0 : i32
          %dma_wait3A_147 = arith.constant 0 : i32
          %dma_wait3A_148 = arith.constant 0 : i32
          %dma_wait3A_149 = tpu.memref_slice %arg3[%run_scoped3A_98, %dma_wait3A_145, %dma_wait3A_146, %dma_wait3A_147, %dma_wait3A_148] : memref<2x32x5x20x100xi32, #tpu.memory_space<hbm>> -> memref<1x32x5x20x100xi32, #tpu.memory_space<hbm>>
          %dma_wait3A_150 = tpu.memref_squeeze %dma_wait3A_149 : memref<1x32x5x20x100xi32, #tpu.memory_space<hbm>> -> memref<32x5x20x100xi32, #tpu.memory_space<hbm>>
          %dma_wait3A_151 = arith.constant 0 : i32
          %dma_wait3A_152 = arith.constant 0 : i32
          %dma_wait3A_153 = arith.constant 0 : i32
          %dma_wait3A_154 = tpu.memref_slice %dma_wait3A_150[%add3A, %dma_wait3A_151, %dma_wait3A_152, %dma_wait3A_153] : memref<32x5x20x100xi32, #tpu.memory_space<hbm>> -> memref<1x5x20x100xi32, #tpu.memory_space<hbm>>
          %dma_wait3A_155 = tpu.memref_squeeze %dma_wait3A_154 : memref<1x5x20x100xi32, #tpu.memory_space<hbm>> -> memref<5x20x100xi32, #tpu.memory_space<hbm>>
          %dma_wait3A_156 = arith.constant 0 : i32
          %dma_wait3A_157 = arith.constant 0 : i32
          %dma_wait3A_158 = tpu.memref_slice %dma_wait3A_155[%scan3A_40, %dma_wait3A_156, %dma_wait3A_157] : memref<5x20x100xi32, #tpu.memory_space<hbm>> -> memref<1x20x100xi32, #tpu.memory_space<hbm>>
          %dma_wait3A_159 = tpu.memref_squeeze %dma_wait3A_158 : memref<1x20x100xi32, #tpu.memory_space<hbm>> -> memref<20x100xi32, #tpu.memory_space<hbm>>
          %dma_wait3A_160 = arith.constant 0 : i32
          %dma_wait3A_161 = arith.constant 0 : i32
          %dma_wait3A_162 = arith.constant 0 : i32
          %dma_wait3A_163 = arith.constant 0 : i32
          %dma_wait3A_164 = tpu.memref_slice %arg3[%run_scoped3A_98, %dma_wait3A_160, %dma_wait3A_161, %dma_wait3A_162, %dma_wait3A_163] : memref<2x32x5x20x100xi32, #tpu.memory_space<hbm>> -> memref<1x32x5x20x100xi32, #tpu.memory_space<hbm>>
          %dma_wait3A_165 = tpu.memref_squeeze %dma_wait3A_164 : memref<1x32x5x20x100xi32, #tpu.memory_space<hbm>> -> memref<32x5x20x100xi32, #tpu.memory_space<hbm>>
          %dma_wait3A_166 = arith.constant 0 : i32
          %dma_wait3A_167 = arith.constant 0 : i32
          %dma_wait3A_168 = arith.constant 0 : i32
          %dma_wait3A_169 = tpu.memref_slice %dma_wait3A_165[%add3A, %dma_wait3A_166, %dma_wait3A_167, %dma_wait3A_168] : memref<32x5x20x100xi32, #tpu.memory_space<hbm>> -> memref<1x5x20x100xi32, #tpu.memory_space<hbm>>
          %dma_wait3A_170 = tpu.memref_squeeze %dma_wait3A_169 : memref<1x5x20x100xi32, #tpu.memory_space<hbm>> -> memref<5x20x100xi32, #tpu.memory_space<hbm>>
          %dma_wait3A_171 = arith.constant 0 : i32
          %dma_wait3A_172 = arith.constant 0 : i32
          %dma_wait3A_173 = tpu.memref_slice %dma_wait3A_170[%scan3A_40, %dma_wait3A_171, %dma_wait3A_172] : memref<5x20x100xi32, #tpu.memory_space<hbm>> -> memref<1x20x100xi32, #tpu.memory_space<hbm>>
          %dma_wait3A_174 = tpu.memref_squeeze %dma_wait3A_173 : memref<1x20x100xi32, #tpu.memory_space<hbm>> -> memref<20x100xi32, #tpu.memory_space<hbm>>
          tpu.wait_dma2 semaphore(%run_scoped3A_114 : memref<!tpu.dma_semaphore, #tpu.memory_space<semaphore_mem>>) src(%dma_wait3A_174 : memref<20x100xi32, #tpu.memory_space<hbm>>) dst(%arg6 : memref<20x100xi32, #tpu.memory_space<vmem>>)
          tpu.yield
        }) : () -> ()
        %run_scoped3A_99 = arith.constant 1 : i32
        "tpu.region"() ({
          %run_scoped3A_114 = tpu.sem_alloc : memref<!tpu.dma_semaphore, #tpu.memory_space<semaphore_mem>>
          %dma_start3A_115 = arith.constant 0 : i32
          %dma_start3A_116 = arith.constant 0 : i32
          %dma_start3A_117 = arith.constant 0 : i32
          %dma_start3A_118 = arith.constant 0 : i32
          %dma_start3A_119 = tpu.memref_slice %arg3[%run_scoped3A_99, %dma_start3A_115, %dma_start3A_116, %dma_start3A_117, %dma_start3A_118] : memref<2x32x5x20x100xi32, #tpu.memory_space<hbm>> -> memref<1x32x5x20x100xi32, #tpu.memory_space<hbm>>
          %dma_start3A_120 = tpu.memref_squeeze %dma_start3A_119 : memref<1x32x5x20x100xi32, #tpu.memory_space<hbm>> -> memref<32x5x20x100xi32, #tpu.memory_space<hbm>>
          %dma_start3A_121 = arith.constant 0 : i32
          %dma_start3A_122 = arith.constant 0 : i32
          %dma_start3A_123 = arith.constant 0 : i32
          %dma_start3A_124 = tpu.memref_slice %dma_start3A_120[%add3A, %dma_start3A_121, %dma_start3A_122, %dma_start3A_123] : memref<32x5x20x100xi32, #tpu.memory_space<hbm>> -> memref<1x5x20x100xi32, #tpu.memory_space<hbm>>
          %dma_start3A_125 = tpu.memref_squeeze %dma_start3A_124 : memref<1x5x20x100xi32, #tpu.memory_space<hbm>> -> memref<5x20x100xi32, #tpu.memory_space<hbm>>
          %dma_start3A_126 = arith.constant 0 : i32
          %dma_start3A_127 = arith.constant 0 : i32
          %dma_start3A_128 = tpu.memref_slice %dma_start3A_125[%scan3A_40, %dma_start3A_126, %dma_start3A_127] : memref<5x20x100xi32, #tpu.memory_space<hbm>> -> memref<1x20x100xi32, #tpu.memory_space<hbm>>
          %dma_start3A_129 = tpu.memref_squeeze %dma_start3A_128 : memref<1x20x100xi32, #tpu.memory_space<hbm>> -> memref<20x100xi32, #tpu.memory_space<hbm>>
          %dma_start3A_130 = arith.constant 0 : i32
          %dma_start3A_131 = arith.constant 0 : i32
          %dma_start3A_132 = arith.constant 0 : i32
          %dma_start3A_133 = arith.constant 0 : i32
          %dma_start3A_134 = tpu.memref_slice %arg3[%run_scoped3A_99, %dma_start3A_130, %dma_start3A_131, %dma_start3A_132, %dma_start3A_133] : memref<2x32x5x20x100xi32, #tpu.memory_space<hbm>> -> memref<1x32x5x20x100xi32, #tpu.memory_space<hbm>>
          %dma_start3A_135 = tpu.memref_squeeze %dma_start3A_134 : memref<1x32x5x20x100xi32, #tpu.memory_space<hbm>> -> memref<32x5x20x100xi32, #tpu.memory_space<hbm>>
          %dma_start3A_136 = arith.constant 0 : i32
          %dma_start3A_137 = arith.constant 0 : i32
          %dma_start3A_138 = arith.constant 0 : i32
          %dma_start3A_139 = tpu.memref_slice %dma_start3A_135[%add3A, %dma_start3A_136, %dma_start3A_137, %dma_start3A_138] : memref<32x5x20x100xi32, #tpu.memory_space<hbm>> -> memref<1x5x20x100xi32, #tpu.memory_space<hbm>>
          %dma_start3A_140 = tpu.memref_squeeze %dma_start3A_139 : memref<1x5x20x100xi32, #tpu.memory_space<hbm>> -> memref<5x20x100xi32, #tpu.memory_space<hbm>>
          %dma_start3A_141 = arith.constant 0 : i32
          %dma_start3A_142 = arith.constant 0 : i32
          %dma_start3A_143 = tpu.memref_slice %dma_start3A_140[%scan3A_40, %dma_start3A_141, %dma_start3A_142] : memref<5x20x100xi32, #tpu.memory_space<hbm>> -> memref<1x20x100xi32, #tpu.memory_space<hbm>>
          %dma_start3A_144 = tpu.memref_squeeze %dma_start3A_143 : memref<1x20x100xi32, #tpu.memory_space<hbm>> -> memref<20x100xi32, #tpu.memory_space<hbm>>
          tpu.enqueue_dma source(%dma_start3A_144 : memref<20x100xi32, #tpu.memory_space<hbm>>) target(%arg7 : memref<20x100xi32, #tpu.memory_space<vmem>>) target_semaphore(%run_scoped3A_114 : memref<!tpu.dma_semaphore, #tpu.memory_space<semaphore_mem>>)
          %dma_wait3A_145 = arith.constant 0 : i32
          %dma_wait3A_146 = arith.constant 0 : i32
          %dma_wait3A_147 = arith.constant 0 : i32
          %dma_wait3A_148 = arith.constant 0 : i32
          %dma_wait3A_149 = tpu.memref_slice %arg3[%run_scoped3A_99, %dma_wait3A_145, %dma_wait3A_146, %dma_wait3A_147, %dma_wait3A_148] : memref<2x32x5x20x100xi32, #tpu.memory_space<hbm>> -> memref<1x32x5x20x100xi32, #tpu.memory_space<hbm>>
          %dma_wait3A_150 = tpu.memref_squeeze %dma_wait3A_149 : memref<1x32x5x20x100xi32, #tpu.memory_space<hbm>> -> memref<32x5x20x100xi32, #tpu.memory_space<hbm>>
          %dma_wait3A_151 = arith.constant 0 : i32
          %dma_wait3A_152 = arith.constant 0 : i32
          %dma_wait3A_153 = arith.constant 0 : i32
          %dma_wait3A_154 = tpu.memref_slice %dma_wait3A_150[%add3A, %dma_wait3A_151, %dma_wait3A_152, %dma_wait3A_153] : memref<32x5x20x100xi32, #tpu.memory_space<hbm>> -> memref<1x5x20x100xi32, #tpu.memory_space<hbm>>
          %dma_wait3A_155 = tpu.memref_squeeze %dma_wait3A_154 : memref<1x5x20x100xi32, #tpu.memory_space<hbm>> -> memref<5x20x100xi32, #tpu.memory_space<hbm>>
          %dma_wait3A_156 = arith.constant 0 : i32
          %dma_wait3A_157 = arith.constant 0 : i32
          %dma_wait3A_158 = tpu.memref_slice %dma_wait3A_155[%scan3A_40, %dma_wait3A_156, %dma_wait3A_157] : memref<5x20x100xi32, #tpu.memory_space<hbm>> -> memref<1x20x100xi32, #tpu.memory_space<hbm>>
          %dma_wait3A_159 = tpu.memref_squeeze %dma_wait3A_158 : memref<1x20x100xi32, #tpu.memory_space<hbm>> -> memref<20x100xi32, #tpu.memory_space<hbm>>
          %dma_wait3A_160 = arith.constant 0 : i32
          %dma_wait3A_161 = arith.constant 0 : i32
          %dma_wait3A_162 = arith.constant 0 : i32
          %dma_wait3A_163 = arith.constant 0 : i32
          %dma_wait3A_164 = tpu.memref_slice %arg3[%run_scoped3A_99, %dma_wait3A_160, %dma_wait3A_161, %dma_wait3A_162, %dma_wait3A_163] : memref<2x32x5x20x100xi32, #tpu.memory_space<hbm>> -> memref<1x32x5x20x100xi32, #tpu.memory_space<hbm>>
          %dma_wait3A_165 = tpu.memref_squeeze %dma_wait3A_164 : memref<1x32x5x20x100xi32, #tpu.memory_space<hbm>> -> memref<32x5x20x100xi32, #tpu.memory_space<hbm>>
          %dma_wait3A_166 = arith.constant 0 : i32
          %dma_wait3A_167 = arith.constant 0 : i32
          %dma_wait3A_168 = arith.constant 0 : i32
          %dma_wait3A_169 = tpu.memref_slice %dma_wait3A_165[%add3A, %dma_wait3A_166, %dma_wait3A_167, %dma_wait3A_168] : memref<32x5x20x100xi32, #tpu.memory_space<hbm>> -> memref<1x5x20x100xi32, #tpu.memory_space<hbm>>
          %dma_wait3A_170 = tpu.memref_squeeze %dma_wait3A_169 : memref<1x5x20x100xi32, #tpu.memory_space<hbm>> -> memref<5x20x100xi32, #tpu.memory_space<hbm>>
          %dma_wait3A_171 = arith.constant 0 : i32
          %dma_wait3A_172 = arith.constant 0 : i32
          %dma_wait3A_173 = tpu.memref_slice %dma_wait3A_170[%scan3A_40, %dma_wait3A_171, %dma_wait3A_172] : memref<5x20x100xi32, #tpu.memory_space<hbm>> -> memref<1x20x100xi32, #tpu.memory_space<hbm>>
          %dma_wait3A_174 = tpu.memref_squeeze %dma_wait3A_173 : memref<1x20x100xi32, #tpu.memory_space<hbm>> -> memref<20x100xi32, #tpu.memory_space<hbm>>
          tpu.wait_dma2 semaphore(%run_scoped3A_114 : memref<!tpu.dma_semaphore, #tpu.memory_space<semaphore_mem>>) src(%dma_wait3A_174 : memref<20x100xi32, #tpu.memory_space<hbm>>) dst(%arg7 : memref<20x100xi32, #tpu.memory_space<vmem>>)
          tpu.yield
        }) : () -> ()
        %dma_start3A_100 = arith.constant 0 : i32
        %dma_start3A_101 = arith.constant 0 : i32
        %dma_start3A_102 = tpu.memref_slice %arg6[%dma_start3A_100, %dma_start3A_101] : memref<20x100xi32, #tpu.memory_space<vmem>> -> memref<1x100xi32, #tpu.memory_space<vmem>>
        %dma_start3A_103 = tpu.memref_squeeze %dma_start3A_102 : memref<1x100xi32, #tpu.memory_space<vmem>> -> memref<100xi32, #tpu.memory_space<vmem>>
        %dma_start3A_104 = arith.constant 0 : i32
        %dma_start3A_105 = arith.constant 0 : i32
        %dma_start3A_106 = tpu.memref_slice %arg2[%dma_start3A_104, %dma_start3A_105] : memref<10000x128xf32, #tpu.memory_space<hbm>> -> memref<10000x128xf32, #tpu.memory_space<hbm>>
        tpu.enqueue_indirect_dma source(%dma_start3A_106 : memref<10000x128xf32, #tpu.memory_space<hbm>>) target(%arg8 : memref<100x128xf32, #tpu.memory_space<vmem>>) offsets(%dma_start3A_103 : memref<100xi32, #tpu.memory_space<vmem>>) semaphore(%arg12 : memref<!tpu.dma_semaphore, #tpu.memory_space<semaphore_mem>>)
        %dma_start3A_107 = arith.constant 1 : i32
        %dma_start3A_108 = arith.constant 0 : i32
        %dma_start3A_109 = tpu.memref_slice %arg6[%dma_start3A_107, %dma_start3A_108] : memref<20x100xi32, #tpu.memory_space<vmem>> -> memref<1x100xi32, #tpu.memory_space<vmem>>
        %dma_start3A_110 = tpu.memref_squeeze %dma_start3A_109 : memref<1x100xi32, #tpu.memory_space<vmem>> -> memref<100xi32, #tpu.memory_space<vmem>>
        %dma_start3A_111 = arith.constant 0 : i32
        %dma_start3A_112 = arith.constant 0 : i32
        %dma_start3A_113 = tpu.memref_slice %arg2[%dma_start3A_111, %dma_start3A_112] : memref<10000x128xf32, #tpu.memory_space<hbm>> -> memref<10000x128xf32, #tpu.memory_space<hbm>>
        tpu.enqueue_indirect_dma source(%dma_start3A_113 : memref<10000x128xf32, #tpu.memory_space<hbm>>) target(%arg9 : memref<100x128xf32, #tpu.memory_space<vmem>>) offsets(%dma_start3A_110 : memref<100xi32, #tpu.memory_space<vmem>>) semaphore(%arg13 : memref<!tpu.dma_semaphore, #tpu.memory_space<semaphore_mem>>)
      } else {
      }
      %scan3A_43 = arith.constant 0 : i32
      %scan3A_44 = arith.constant 0 : i32
      %scan3A_45 = arith.constant 6 : i32
      %scan3A_46 = arith.addi %scan3A_44, %scan3A_45 : i32
      %scan3A_47 = arith.constant 1 : i32
      scf.for %scan3A_98 = %scan3A_44 to %scan3A_46 step %scan3A_47  : i32 {
        %mul3A_99 = arith.constant 3 : i32
        %mul3A_100 = arith.muli %mul3A_99, %scan3A_98 : i32
        %add3A_101 = arith.constant 0 : i32
        %add3A_102 = arith.addi %mul3A_100, %add3A_101 : i32
        %dma_wait3A_103 = arith.constant 0 : i32
        %dma_wait3A_104 = tpu.memref_slice %arg6[%add3A_102, %dma_wait3A_103] : memref<20x100xi32, #tpu.memory_space<vmem>> -> memref<1x100xi32, #tpu.memory_space<vmem>>
        %dma_wait3A_105 = tpu.memref_squeeze %dma_wait3A_104 : memref<1x100xi32, #tpu.memory_space<vmem>> -> memref<100xi32, #tpu.memory_space<vmem>>
        %dma_wait3A_106 = arith.constant 0 : i32
        %dma_wait3A_107 = arith.constant 0 : i32
        %dma_wait3A_108 = tpu.memref_slice %arg2[%dma_wait3A_106, %dma_wait3A_107] : memref<10000x128xf32, #tpu.memory_space<hbm>> -> memref<10000x128xf32, #tpu.memory_space<hbm>>
        tpu.wait_indirect_dma semaphore(%arg12 : memref<!tpu.dma_semaphore, #tpu.memory_space<semaphore_mem>>) src(%dma_wait3A_108 : memref<10000x128xf32, #tpu.memory_space<hbm>>) dst(%arg8 : memref<100x128xf32, #tpu.memory_space<vmem>>)
        %dma_start3A_109 = arith.constant 0 : i32
        %dma_start3A_110 = tpu.memref_slice %arg7[%add3A_102, %dma_start3A_109] : memref<20x100xi32, #tpu.memory_space<vmem>> -> memref<1x100xi32, #tpu.memory_space<vmem>>
        %dma_start3A_111 = tpu.memref_squeeze %dma_start3A_110 : memref<1x100xi32, #tpu.memory_space<vmem>> -> memref<100xi32, #tpu.memory_space<vmem>>
        %dma_start3A_112 = arith.constant 0 : i32
        %dma_start3A_113 = arith.constant 0 : i32
        %dma_start3A_114 = tpu.memref_slice %arg11[%dma_start3A_112, %dma_start3A_113] : memref<10000x128xf32, #tpu.memory_space<vmem_shared>> -> memref<10000x128xf32, #tpu.memory_space<vmem_shared>>
        tpu.enqueue_indirect_dma source(%arg8 : memref<100x128xf32, #tpu.memory_space<vmem>>) target(%dma_start3A_114 : memref<10000x128xf32, #tpu.memory_space<vmem_shared>>) offsets(%dma_start3A_111 : memref<100xi32, #tpu.memory_space<vmem>>) semaphore(%arg15 : memref<!tpu.dma_semaphore, #tpu.memory_space<semaphore_mem>>) {add = true}
        %gt3A_115 = arith.constant 0 : i32
        %gt3A_116 = arith.cmpi sgt, %scan3A_98, %gt3A_115 : i32
        %convert_element_type3A_117 = arith.extui %gt3A_116 : i1 to i32
        %cond3A_118 = arith.constant 0 : i32
        %cond3A_119 = arith.cmpi ne, %convert_element_type3A_117, %cond3A_118 : i32
        scf.if %cond3A_119 {
          %mul3A_193 = arith.constant 3 : i32
          %mul3A_194 = arith.muli %mul3A_193, %scan3A_98 : i32
          %sub3A_195 = arith.constant 1 : i32
          %sub3A_196 = arith.subi %mul3A_194, %sub3A_195 : i32
          %dma_wait3A_197 = arith.constant 0 : i32
          %dma_wait3A_198 = tpu.memref_slice %arg7[%sub3A_196, %dma_wait3A_197] : memref<20x100xi32, #tpu.memory_space<vmem>> -> memref<1x100xi32, #tpu.memory_space<vmem>>
          %dma_wait3A_199 = tpu.memref_squeeze %dma_wait3A_198 : memref<1x100xi32, #tpu.memory_space<vmem>> -> memref<100xi32, #tpu.memory_space<vmem>>
          %dma_wait3A_200 = arith.constant 0 : i32
          %dma_wait3A_201 = arith.constant 0 : i32
          %dma_wait3A_202 = tpu.memref_slice %arg11[%dma_wait3A_200, %dma_wait3A_201] : memref<10000x128xf32, #tpu.memory_space<vmem_shared>> -> memref<10000x128xf32, #tpu.memory_space<vmem_shared>>
          tpu.wait_indirect_dma semaphore(%arg17 : memref<!tpu.dma_semaphore, #tpu.memory_space<semaphore_mem>>) src(%arg10 : memref<100x128xf32, #tpu.memory_space<vmem>>) dst(%dma_wait3A_202 : memref<10000x128xf32, #tpu.memory_space<vmem_shared>>)
        } else {
        }
        %add3A_120 = arith.constant 3 : i32
        %add3A_121 = arith.addi %add3A_102, %add3A_120 : i32
        %sub3A = arith.constant 1 : i32
        %sub3A_122 = arith.subi %add3A_121, %sub3A : i32
        %lt3A = arith.constant 20 : i32
        %lt3A_123 = arith.cmpi slt, %sub3A_122, %lt3A : i32
        %convert_element_type3A_124 = arith.extui %lt3A_123 : i1 to i32
        %cond3A_125 = arith.constant 0 : i32
        %cond3A_126 = arith.cmpi ne, %convert_element_type3A_124, %cond3A_125 : i32
        scf.if %cond3A_126 {
          %add3A_193 = arith.constant 3 : i32
          %add3A_194 = arith.addi %add3A_102, %add3A_193 : i32
          %sub3A_195 = arith.constant 1 : i32
          %sub3A_196 = arith.subi %add3A_194, %sub3A_195 : i32
          %dma_start3A_197 = arith.constant 0 : i32
          %dma_start3A_198 = tpu.memref_slice %arg6[%sub3A_196, %dma_start3A_197] : memref<20x100xi32, #tpu.memory_space<vmem>> -> memref<1x100xi32, #tpu.memory_space<vmem>>
          %dma_start3A_199 = tpu.memref_squeeze %dma_start3A_198 : memref<1x100xi32, #tpu.memory_space<vmem>> -> memref<100xi32, #tpu.memory_space<vmem>>
          %dma_start3A_200 = arith.constant 0 : i32
          %dma_start3A_201 = arith.constant 0 : i32
          %dma_start3A_202 = tpu.memref_slice %arg2[%dma_start3A_200, %dma_start3A_201] : memref<10000x128xf32, #tpu.memory_space<hbm>> -> memref<10000x128xf32, #tpu.memory_space<hbm>>
          tpu.enqueue_indirect_dma source(%dma_start3A_202 : memref<10000x128xf32, #tpu.memory_space<hbm>>) target(%arg10 : memref<100x128xf32, #tpu.memory_space<vmem>>) offsets(%dma_start3A_199 : memref<100xi32, #tpu.memory_space<vmem>>) semaphore(%arg14 : memref<!tpu.dma_semaphore, #tpu.memory_space<semaphore_mem>>)
        } else {
        }
        %mul3A_127 = arith.constant 3 : i32
        %mul3A_128 = arith.muli %mul3A_127, %scan3A_98 : i32
        %add3A_129 = arith.constant 1 : i32
        %add3A_130 = arith.addi %mul3A_128, %add3A_129 : i32
        %dma_wait3A_131 = arith.constant 0 : i32
        %dma_wait3A_132 = tpu.memref_slice %arg6[%add3A_130, %dma_wait3A_131] : memref<20x100xi32, #tpu.memory_space<vmem>> -> memref<1x100xi32, #tpu.memory_space<vmem>>
        %dma_wait3A_133 = tpu.memref_squeeze %dma_wait3A_132 : memref<1x100xi32, #tpu.memory_space<vmem>> -> memref<100xi32, #tpu.memory_space<vmem>>
        %dma_wait3A_134 = arith.constant 0 : i32
        %dma_wait3A_135 = arith.constant 0 : i32
        %dma_wait3A_136 = tpu.memref_slice %arg2[%dma_wait3A_134, %dma_wait3A_135] : memref<10000x128xf32, #tpu.memory_space<hbm>> -> memref<10000x128xf32, #tpu.memory_space<hbm>>
        tpu.wait_indirect_dma semaphore(%arg13 : memref<!tpu.dma_semaphore, #tpu.memory_space<semaphore_mem>>) src(%dma_wait3A_136 : memref<10000x128xf32, #tpu.memory_space<hbm>>) dst(%arg9 : memref<100x128xf32, #tpu.memory_space<vmem>>)
        %dma_start3A_137 = arith.constant 0 : i32
        %dma_start3A_138 = tpu.memref_slice %arg7[%add3A_130, %dma_start3A_137] : memref<20x100xi32, #tpu.memory_space<vmem>> -> memref<1x100xi32, #tpu.memory_space<vmem>>
        %dma_start3A_139 = tpu.memref_squeeze %dma_start3A_138 : memref<1x100xi32, #tpu.memory_space<vmem>> -> memref<100xi32, #tpu.memory_space<vmem>>
        %dma_start3A_140 = arith.constant 0 : i32
        %dma_start3A_141 = arith.constant 0 : i32
        %dma_start3A_142 = tpu.memref_slice %arg11[%dma_start3A_140, %dma_start3A_141] : memref<10000x128xf32, #tpu.memory_space<vmem_shared>> -> memref<10000x128xf32, #tpu.memory_space<vmem_shared>>
        tpu.enqueue_indirect_dma source(%arg9 : memref<100x128xf32, #tpu.memory_space<vmem>>) target(%dma_start3A_142 : memref<10000x128xf32, #tpu.memory_space<vmem_shared>>) offsets(%dma_start3A_139 : memref<100xi32, #tpu.memory_space<vmem>>) semaphore(%arg16 : memref<!tpu.dma_semaphore, #tpu.memory_space<semaphore_mem>>) {add = true}
        %sub3A_143 = arith.constant 1 : i32
        %sub3A_144 = arith.subi %add3A_130, %sub3A_143 : i32
        %dma_wait3A_145 = arith.constant 0 : i32
        %dma_wait3A_146 = tpu.memref_slice %arg7[%sub3A_144, %dma_wait3A_145] : memref<20x100xi32, #tpu.memory_space<vmem>> -> memref<1x100xi32, #tpu.memory_space<vmem>>
        %dma_wait3A_147 = tpu.memref_squeeze %dma_wait3A_146 : memref<1x100xi32, #tpu.memory_space<vmem>> -> memref<100xi32, #tpu.memory_space<vmem>>
        %dma_wait3A_148 = arith.constant 0 : i32
        %dma_wait3A_149 = arith.constant 0 : i32
        %dma_wait3A_150 = tpu.memref_slice %arg11[%dma_wait3A_148, %dma_wait3A_149] : memref<10000x128xf32, #tpu.memory_space<vmem_shared>> -> memref<10000x128xf32, #tpu.memory_space<vmem_shared>>
        tpu.wait_indirect_dma semaphore(%arg15 : memref<!tpu.dma_semaphore, #tpu.memory_space<semaphore_mem>>) src(%arg8 : memref<100x128xf32, #tpu.memory_space<vmem>>) dst(%dma_wait3A_150 : memref<10000x128xf32, #tpu.memory_space<vmem_shared>>)
        %add3A_151 = arith.constant 3 : i32
        %add3A_152 = arith.addi %add3A_130, %add3A_151 : i32
        %sub3A_153 = arith.constant 1 : i32
        %sub3A_154 = arith.subi %add3A_152, %sub3A_153 : i32
        %lt3A_155 = arith.constant 20 : i32
        %lt3A_156 = arith.cmpi slt, %sub3A_154, %lt3A_155 : i32
        %convert_element_type3A_157 = arith.extui %lt3A_156 : i1 to i32
        %cond3A_158 = arith.constant 0 : i32
        %cond3A_159 = arith.cmpi ne, %convert_element_type3A_157, %cond3A_158 : i32
        scf.if %cond3A_159 {
          %add3A_193 = arith.constant 3 : i32
          %add3A_194 = arith.addi %add3A_130, %add3A_193 : i32
          %sub3A_195 = arith.constant 1 : i32
          %sub3A_196 = arith.subi %add3A_194, %sub3A_195 : i32
          %dma_start3A_197 = arith.constant 0 : i32
          %dma_start3A_198 = tpu.memref_slice %arg6[%sub3A_196, %dma_start3A_197] : memref<20x100xi32, #tpu.memory_space<vmem>> -> memref<1x100xi32, #tpu.memory_space<vmem>>
          %dma_start3A_199 = tpu.memref_squeeze %dma_start3A_198 : memref<1x100xi32, #tpu.memory_space<vmem>> -> memref<100xi32, #tpu.memory_space<vmem>>
          %dma_start3A_200 = arith.constant 0 : i32
          %dma_start3A_201 = arith.constant 0 : i32
          %dma_start3A_202 = tpu.memref_slice %arg2[%dma_start3A_200, %dma_start3A_201] : memref<10000x128xf32, #tpu.memory_space<hbm>> -> memref<10000x128xf32, #tpu.memory_space<hbm>>
          tpu.enqueue_indirect_dma source(%dma_start3A_202 : memref<10000x128xf32, #tpu.memory_space<hbm>>) target(%arg8 : memref<100x128xf32, #tpu.memory_space<vmem>>) offsets(%dma_start3A_199 : memref<100xi32, #tpu.memory_space<vmem>>) semaphore(%arg12 : memref<!tpu.dma_semaphore, #tpu.memory_space<semaphore_mem>>)
        } else {
        }
        %mul3A_160 = arith.constant 3 : i32
        %mul3A_161 = arith.muli %mul3A_160, %scan3A_98 : i32
        %add3A_162 = arith.constant 2 : i32
        %add3A_163 = arith.addi %mul3A_161, %add3A_162 : i32
        %dma_wait3A_164 = arith.constant 0 : i32
        %dma_wait3A_165 = tpu.memref_slice %arg6[%add3A_163, %dma_wait3A_164] : memref<20x100xi32, #tpu.memory_space<vmem>> -> memref<1x100xi32, #tpu.memory_space<vmem>>
        %dma_wait3A_166 = tpu.memref_squeeze %dma_wait3A_165 : memref<1x100xi32, #tpu.memory_space<vmem>> -> memref<100xi32, #tpu.memory_space<vmem>>
        %dma_wait3A_167 = arith.constant 0 : i32
        %dma_wait3A_168 = arith.constant 0 : i32
        %dma_wait3A_169 = tpu.memref_slice %arg2[%dma_wait3A_167, %dma_wait3A_168] : memref<10000x128xf32, #tpu.memory_space<hbm>> -> memref<10000x128xf32, #tpu.memory_space<hbm>>
        tpu.wait_indirect_dma semaphore(%arg14 : memref<!tpu.dma_semaphore, #tpu.memory_space<semaphore_mem>>) src(%dma_wait3A_169 : memref<10000x128xf32, #tpu.memory_space<hbm>>) dst(%arg10 : memref<100x128xf32, #tpu.memory_space<vmem>>)
        %dma_start3A_170 = arith.constant 0 : i32
        %dma_start3A_171 = tpu.memref_slice %arg7[%add3A_163, %dma_start3A_170] : memref<20x100xi32, #tpu.memory_space<vmem>> -> memref<1x100xi32, #tpu.memory_space<vmem>>
        %dma_start3A_172 = tpu.memref_squeeze %dma_start3A_171 : memref<1x100xi32, #tpu.memory_space<vmem>> -> memref<100xi32, #tpu.memory_space<vmem>>
        %dma_start3A_173 = arith.constant 0 : i32
        %dma_start3A_174 = arith.constant 0 : i32
        %dma_start3A_175 = tpu.memref_slice %arg11[%dma_start3A_173, %dma_start3A_174] : memref<10000x128xf32, #tpu.memory_space<vmem_shared>> -> memref<10000x128xf32, #tpu.memory_space<vmem_shared>>
        tpu.enqueue_indirect_dma source(%arg10 : memref<100x128xf32, #tpu.memory_space<vmem>>) target(%dma_start3A_175 : memref<10000x128xf32, #tpu.memory_space<vmem_shared>>) offsets(%dma_start3A_172 : memref<100xi32, #tpu.memory_space<vmem>>) semaphore(%arg17 : memref<!tpu.dma_semaphore, #tpu.memory_space<semaphore_mem>>) {add = true}
        %sub3A_176 = arith.constant 1 : i32
        %sub3A_177 = arith.subi %add3A_163, %sub3A_176 : i32
        %dma_wait3A_178 = arith.constant 0 : i32
        %dma_wait3A_179 = tpu.memref_slice %arg7[%sub3A_177, %dma_wait3A_178] : memref<20x100xi32, #tpu.memory_space<vmem>> -> memref<1x100xi32, #tpu.memory_space<vmem>>
        %dma_wait3A_180 = tpu.memref_squeeze %dma_wait3A_179 : memref<1x100xi32, #tpu.memory_space<vmem>> -> memref<100xi32, #tpu.memory_space<vmem>>
        %dma_wait3A_181 = arith.constant 0 : i32
        %dma_wait3A_182 = arith.constant 0 : i32
        %dma_wait3A_183 = tpu.memref_slice %arg11[%dma_wait3A_181, %dma_wait3A_182] : memref<10000x128xf32, #tpu.memory_space<vmem_shared>> -> memref<10000x128xf32, #tpu.memory_space<vmem_shared>>
        tpu.wait_indirect_dma semaphore(%arg16 : memref<!tpu.dma_semaphore, #tpu.memory_space<semaphore_mem>>) src(%arg9 : memref<100x128xf32, #tpu.memory_space<vmem>>) dst(%dma_wait3A_183 : memref<10000x128xf32, #tpu.memory_space<vmem_shared>>)
        %add3A_184 = arith.constant 3 : i32
        %add3A_185 = arith.addi %add3A_163, %add3A_184 : i32
        %sub3A_186 = arith.constant 1 : i32
        %sub3A_187 = arith.subi %add3A_185, %sub3A_186 : i32
        %lt3A_188 = arith.constant 20 : i32
        %lt3A_189 = arith.cmpi slt, %sub3A_187, %lt3A_188 : i32
        %convert_element_type3A_190 = arith.extui %lt3A_189 : i1 to i32
        %cond3A_191 = arith.constant 0 : i32
        %cond3A_192 = arith.cmpi ne, %convert_element_type3A_190, %cond3A_191 : i32
        scf.if %cond3A_192 {
          %add3A_193 = arith.constant 3 : i32
          %add3A_194 = arith.addi %add3A_163, %add3A_193 : i32
          %sub3A_195 = arith.constant 1 : i32
          %sub3A_196 = arith.subi %add3A_194, %sub3A_195 : i32
          %dma_start3A_197 = arith.constant 0 : i32
          %dma_start3A_198 = tpu.memref_slice %arg6[%sub3A_196, %dma_start3A_197] : memref<20x100xi32, #tpu.memory_space<vmem>> -> memref<1x100xi32, #tpu.memory_space<vmem>>
          %dma_start3A_199 = tpu.memref_squeeze %dma_start3A_198 : memref<1x100xi32, #tpu.memory_space<vmem>> -> memref<100xi32, #tpu.memory_space<vmem>>
          %dma_start3A_200 = arith.constant 0 : i32
          %dma_start3A_201 = arith.constant 0 : i32
          %dma_start3A_202 = tpu.memref_slice %arg2[%dma_start3A_200, %dma_start3A_201] : memref<10000x128xf32, #tpu.memory_space<hbm>> -> memref<10000x128xf32, #tpu.memory_space<hbm>>
          tpu.enqueue_indirect_dma source(%dma_start3A_202 : memref<10000x128xf32, #tpu.memory_space<hbm>>) target(%arg9 : memref<100x128xf32, #tpu.memory_space<vmem>>) offsets(%dma_start3A_199 : memref<100xi32, #tpu.memory_space<vmem>>) semaphore(%arg13 : memref<!tpu.dma_semaphore, #tpu.memory_space<semaphore_mem>>)
        } else {
        }
      }
      %scan3A_48 = arith.constant 6 : i32
      %dma_wait3A_49 = arith.constant 18 : i32
      %dma_wait3A_50 = arith.constant 0 : i32
      %dma_wait3A_51 = tpu.memref_slice %arg6[%dma_wait3A_49, %dma_wait3A_50] : memref<20x100xi32, #tpu.memory_space<vmem>> -> memref<1x100xi32, #tpu.memory_space<vmem>>
      %dma_wait3A_52 = tpu.memref_squeeze %dma_wait3A_51 : memref<1x100xi32, #tpu.memory_space<vmem>> -> memref<100xi32, #tpu.memory_space<vmem>>
      %dma_wait3A_53 = arith.constant 0 : i32
      %dma_wait3A_54 = arith.constant 0 : i32
      %dma_wait3A_55 = tpu.memref_slice %arg2[%dma_wait3A_53, %dma_wait3A_54] : memref<10000x128xf32, #tpu.memory_space<hbm>> -> memref<10000x128xf32, #tpu.memory_space<hbm>>
      tpu.wait_indirect_dma semaphore(%arg12 : memref<!tpu.dma_semaphore, #tpu.memory_space<semaphore_mem>>) src(%dma_wait3A_55 : memref<10000x128xf32, #tpu.memory_space<hbm>>) dst(%arg8 : memref<100x128xf32, #tpu.memory_space<vmem>>)
      %dma_start3A_56 = arith.constant 18 : i32
      %dma_start3A_57 = arith.constant 0 : i32
      %dma_start3A_58 = tpu.memref_slice %arg7[%dma_start3A_56, %dma_start3A_57] : memref<20x100xi32, #tpu.memory_space<vmem>> -> memref<1x100xi32, #tpu.memory_space<vmem>>
      %dma_start3A_59 = tpu.memref_squeeze %dma_start3A_58 : memref<1x100xi32, #tpu.memory_space<vmem>> -> memref<100xi32, #tpu.memory_space<vmem>>
      %dma_start3A_60 = arith.constant 0 : i32
      %dma_start3A_61 = arith.constant 0 : i32
      %dma_start3A_62 = tpu.memref_slice %arg11[%dma_start3A_60, %dma_start3A_61] : memref<10000x128xf32, #tpu.memory_space<vmem_shared>> -> memref<10000x128xf32, #tpu.memory_space<vmem_shared>>
      tpu.enqueue_indirect_dma source(%arg8 : memref<100x128xf32, #tpu.memory_space<vmem>>) target(%dma_start3A_62 : memref<10000x128xf32, #tpu.memory_space<vmem_shared>>) offsets(%dma_start3A_59 : memref<100xi32, #tpu.memory_space<vmem>>) semaphore(%arg15 : memref<!tpu.dma_semaphore, #tpu.memory_space<semaphore_mem>>) {add = true}
      %dma_wait3A_63 = arith.constant 17 : i32
      %dma_wait3A_64 = arith.constant 0 : i32
      %dma_wait3A_65 = tpu.memref_slice %arg7[%dma_wait3A_63, %dma_wait3A_64] : memref<20x100xi32, #tpu.memory_space<vmem>> -> memref<1x100xi32, #tpu.memory_space<vmem>>
      %dma_wait3A_66 = tpu.memref_squeeze %dma_wait3A_65 : memref<1x100xi32, #tpu.memory_space<vmem>> -> memref<100xi32, #tpu.memory_space<vmem>>
      %dma_wait3A_67 = arith.constant 0 : i32
      %dma_wait3A_68 = arith.constant 0 : i32
      %dma_wait3A_69 = tpu.memref_slice %arg11[%dma_wait3A_67, %dma_wait3A_68] : memref<10000x128xf32, #tpu.memory_space<vmem_shared>> -> memref<10000x128xf32, #tpu.memory_space<vmem_shared>>
      tpu.wait_indirect_dma semaphore(%arg17 : memref<!tpu.dma_semaphore, #tpu.memory_space<semaphore_mem>>) src(%arg10 : memref<100x128xf32, #tpu.memory_space<vmem>>) dst(%dma_wait3A_69 : memref<10000x128xf32, #tpu.memory_space<vmem_shared>>)
      %dma_wait3A_70 = arith.constant 19 : i32
      %dma_wait3A_71 = arith.constant 0 : i32
      %dma_wait3A_72 = tpu.memref_slice %arg6[%dma_wait3A_70, %dma_wait3A_71] : memref<20x100xi32, #tpu.memory_space<vmem>> -> memref<1x100xi32, #tpu.memory_space<vmem>>
      %dma_wait3A_73 = tpu.memref_squeeze %dma_wait3A_72 : memref<1x100xi32, #tpu.memory_space<vmem>> -> memref<100xi32, #tpu.memory_space<vmem>>
      %dma_wait3A_74 = arith.constant 0 : i32
      %dma_wait3A_75 = arith.constant 0 : i32
      %dma_wait3A_76 = tpu.memref_slice %arg2[%dma_wait3A_74, %dma_wait3A_75] : memref<10000x128xf32, #tpu.memory_space<hbm>> -> memref<10000x128xf32, #tpu.memory_space<hbm>>
      tpu.wait_indirect_dma semaphore(%arg13 : memref<!tpu.dma_semaphore, #tpu.memory_space<semaphore_mem>>) src(%dma_wait3A_76 : memref<10000x128xf32, #tpu.memory_space<hbm>>) dst(%arg9 : memref<100x128xf32, #tpu.memory_space<vmem>>)
      %dma_start3A_77 = arith.constant 19 : i32
      %dma_start3A_78 = arith.constant 0 : i32
      %dma_start3A_79 = tpu.memref_slice %arg7[%dma_start3A_77, %dma_start3A_78] : memref<20x100xi32, #tpu.memory_space<vmem>> -> memref<1x100xi32, #tpu.memory_space<vmem>>
      %dma_start3A_80 = tpu.memref_squeeze %dma_start3A_79 : memref<1x100xi32, #tpu.memory_space<vmem>> -> memref<100xi32, #tpu.memory_space<vmem>>
      %dma_start3A_81 = arith.constant 0 : i32
      %dma_start3A_82 = arith.constant 0 : i32
      %dma_start3A_83 = tpu.memref_slice %arg11[%dma_start3A_81, %dma_start3A_82] : memref<10000x128xf32, #tpu.memory_space<vmem_shared>> -> memref<10000x128xf32, #tpu.memory_space<vmem_shared>>
      tpu.enqueue_indirect_dma source(%arg9 : memref<100x128xf32, #tpu.memory_space<vmem>>) target(%dma_start3A_83 : memref<10000x128xf32, #tpu.memory_space<vmem_shared>>) offsets(%dma_start3A_80 : memref<100xi32, #tpu.memory_space<vmem>>) semaphore(%arg16 : memref<!tpu.dma_semaphore, #tpu.memory_space<semaphore_mem>>) {add = true}
      %dma_wait3A_84 = arith.constant 18 : i32
      %dma_wait3A_85 = arith.constant 0 : i32
      %dma_wait3A_86 = tpu.memref_slice %arg7[%dma_wait3A_84, %dma_wait3A_85] : memref<20x100xi32, #tpu.memory_space<vmem>> -> memref<1x100xi32, #tpu.memory_space<vmem>>
      %dma_wait3A_87 = tpu.memref_squeeze %dma_wait3A_86 : memref<1x100xi32, #tpu.memory_space<vmem>> -> memref<100xi32, #tpu.memory_space<vmem>>
      %dma_wait3A_88 = arith.constant 0 : i32
      %dma_wait3A_89 = arith.constant 0 : i32
      %dma_wait3A_90 = tpu.memref_slice %arg11[%dma_wait3A_88, %dma_wait3A_89] : memref<10000x128xf32, #tpu.memory_space<vmem_shared>> -> memref<10000x128xf32, #tpu.memory_space<vmem_shared>>
      tpu.wait_indirect_dma semaphore(%arg15 : memref<!tpu.dma_semaphore, #tpu.memory_space<semaphore_mem>>) src(%arg8 : memref<100x128xf32, #tpu.memory_space<vmem>>) dst(%dma_wait3A_90 : memref<10000x128xf32, #tpu.memory_space<vmem_shared>>)
      %dma_wait3A_91 = arith.constant 19 : i32
      %dma_wait3A_92 = arith.constant 0 : i32
      %dma_wait3A_93 = tpu.memref_slice %arg7[%dma_wait3A_91, %dma_wait3A_92] : memref<20x100xi32, #tpu.memory_space<vmem>> -> memref<1x100xi32, #tpu.memory_space<vmem>>
      %dma_wait3A_94 = tpu.memref_squeeze %dma_wait3A_93 : memref<1x100xi32, #tpu.memory_space<vmem>> -> memref<100xi32, #tpu.memory_space<vmem>>
      %dma_wait3A_95 = arith.constant 0 : i32
      %dma_wait3A_96 = arith.constant 0 : i32
      %dma_wait3A_97 = tpu.memref_slice %arg11[%dma_wait3A_95, %dma_wait3A_96] : memref<10000x128xf32, #tpu.memory_space<vmem_shared>> -> memref<10000x128xf32, #tpu.memory_space<vmem_shared>>
      tpu.wait_indirect_dma semaphore(%arg16 : memref<!tpu.dma_semaphore, #tpu.memory_space<semaphore_mem>>) src(%arg9 : memref<100x128xf32, #tpu.memory_space<vmem>>) dst(%dma_wait3A_97 : memref<10000x128xf32, #tpu.memory_space<vmem_shared>>)
    }
    %scan3A_36 = arith.constant 5 : i32
    %barrier3A_37 = arith.constant 0 : index
    tpu.barrier barrier_id(%barrier3A_37)
    %mul3A_38 = arith.constant 625 : i32
    %mul3A_39 = arith.muli %arg1, %mul3A_38 : i32
    "tpu.region"() ({
      %run_scoped3A_40 = tpu.sem_alloc : memref<!tpu.dma_semaphore, #tpu.memory_space<semaphore_mem>>
      %dma_start3A_41 = arith.constant 0 : i32
      %dma_start3A_42 = arith.constant 0 : i32
      %dma_start3A_43 = arith.constant 0 : i32
      %dma_start3A_44 = tpu.memref_slice %arg5[%arg0, %dma_start3A_41, %dma_start3A_42, %dma_start3A_43] : memref<2x16x625x128xf32, #tpu.memory_space<hbm>> -> memref<1x16x625x128xf32, #tpu.memory_space<hbm>>
      %dma_start3A_45 = tpu.memref_squeeze %dma_start3A_44 : memref<1x16x625x128xf32, #tpu.memory_space<hbm>> -> memref<16x625x128xf32, #tpu.memory_space<hbm>>
      %dma_start3A_46 = arith.constant 0 : i32
      %dma_start3A_47 = arith.constant 0 : i32
      %dma_start3A_48 = tpu.memref_slice %dma_start3A_45[%arg1, %dma_start3A_46, %dma_start3A_47] : memref<16x625x128xf32, #tpu.memory_space<hbm>> -> memref<1x625x128xf32, #tpu.memory_space<hbm>>
      %dma_start3A_49 = tpu.memref_squeeze %dma_start3A_48 : memref<1x625x128xf32, #tpu.memory_space<hbm>> -> memref<625x128xf32, #tpu.memory_space<hbm>>
      %dma_start3A_50 = arith.constant 0 : i32
      %dma_start3A_51 = tpu.memref_slice %arg11[%mul3A_39, %dma_start3A_50] : memref<10000x128xf32, #tpu.memory_space<vmem_shared>> -> memref<625x128xf32, #tpu.memory_space<vmem_shared>>
      tpu.enqueue_dma source(%dma_start3A_51 : memref<625x128xf32, #tpu.memory_space<vmem_shared>>) target(%dma_start3A_49 : memref<625x128xf32, #tpu.memory_space<hbm>>) target_semaphore(%run_scoped3A_40 : memref<!tpu.dma_semaphore, #tpu.memory_space<semaphore_mem>>)
      %dma_wait3A_52 = arith.constant 0 : i32
      %dma_wait3A_53 = arith.constant 0 : i32
      %dma_wait3A_54 = arith.constant 0 : i32
      %dma_wait3A_55 = tpu.memref_slice %arg5[%arg0, %dma_wait3A_52, %dma_wait3A_53, %dma_wait3A_54] : memref<2x16x625x128xf32, #tpu.memory_space<hbm>> -> memref<1x16x625x128xf32, #tpu.memory_space<hbm>>
      %dma_wait3A_56 = tpu.memref_squeeze %dma_wait3A_55 : memref<1x16x625x128xf32, #tpu.memory_space<hbm>> -> memref<16x625x128xf32, #tpu.memory_space<hbm>>
      %dma_wait3A_57 = arith.constant 0 : i32
      %dma_wait3A_58 = arith.constant 0 : i32
      %dma_wait3A_59 = tpu.memref_slice %dma_wait3A_56[%arg1, %dma_wait3A_57, %dma_wait3A_58] : memref<16x625x128xf32, #tpu.memory_space<hbm>> -> memref<1x625x128xf32, #tpu.memory_space<hbm>>
      %dma_wait3A_60 = tpu.memref_squeeze %dma_wait3A_59 : memref<1x625x128xf32, #tpu.memory_space<hbm>> -> memref<625x128xf32, #tpu.memory_space<hbm>>
      %dma_wait3A_61 = arith.constant 0 : i32
      %dma_wait3A_62 = tpu.memref_slice %arg11[%mul3A_39, %dma_wait3A_61] : memref<10000x128xf32, #tpu.memory_space<vmem_shared>> -> memref<625x128xf32, #tpu.memory_space<vmem_shared>>
      tpu.wait_dma2 semaphore(%run_scoped3A_40 : memref<!tpu.dma_semaphore, #tpu.memory_space<semaphore_mem>>) src(%dma_wait3A_62 : memref<625x128xf32, #tpu.memory_space<vmem_shared>>) dst(%dma_wait3A_60 : memref<625x128xf32, #tpu.memory_space<hbm>>)
      tpu.yield
    }) : () -> ()
    return
  }
}

#map = affine_map<(d0, d1) -> (0, 0, 0, 0)>
#map1 = affine_map<(d0, d1) -> (0, 0, 0)>
module attributes {stable_mosaic.version = 14 : i64} {
  func.func @deg_kernel(%arg0: i32, %arg1: i32, %arg2: memref<2x16x200x100xi32, #tpu.memory_space<hbm>>, %arg3: memref<2x1x10240xf32, #tpu.memory_space<hbm>>, %arg4: memref<200x100xi32, #tpu.memory_space<vmem>>, %arg5: memref<112xf32, #tpu.memory_space<vmem>>, %arg6: memref<640xf32, #tpu.memory_space<vmem>>, %arg7: memref<10240xf32, #tpu.memory_space<vmem_shared>>, %arg8: memref<!tpu.dma_semaphore, #tpu.memory_space<semaphore_mem>>) attributes {dimension_semantics = [#tpu.dimension_semantics<core_parallel>, #tpu.dimension_semantics<subcore_parallel>], iteration_bounds = array<i64: 2, 16>, scalar_prefetch = 0 : i64, scratch_operands = 5 : i64, tpu.core_type = #tpu.core_type<sc_vector_subcore>, window_params = [{transform_indices = #map}, {transform_indices = #map1}]} {
    "tpu.region"() ({
      %run_scoped3A_291 = tpu.sem_alloc : memref<!tpu.dma_semaphore, #tpu.memory_space<semaphore_mem>>
      %dma_start3A = arith.constant 0 : i32
      %dma_start3A_292 = arith.constant 0 : i32
      %dma_start3A_293 = arith.constant 0 : i32
      %dma_start3A_294 = tpu.memref_slice %arg2[%arg0, %dma_start3A, %dma_start3A_292, %dma_start3A_293] : memref<2x16x200x100xi32, #tpu.memory_space<hbm>> -> memref<1x16x200x100xi32, #tpu.memory_space<hbm>>
      %dma_start3A_295 = tpu.memref_squeeze %dma_start3A_294 : memref<1x16x200x100xi32, #tpu.memory_space<hbm>> -> memref<16x200x100xi32, #tpu.memory_space<hbm>>
      %dma_start3A_296 = arith.constant 0 : i32
      %dma_start3A_297 = arith.constant 0 : i32
      %dma_start3A_298 = tpu.memref_slice %dma_start3A_295[%arg1, %dma_start3A_296, %dma_start3A_297] : memref<16x200x100xi32, #tpu.memory_space<hbm>> -> memref<1x200x100xi32, #tpu.memory_space<hbm>>
      %dma_start3A_299 = tpu.memref_squeeze %dma_start3A_298 : memref<1x200x100xi32, #tpu.memory_space<hbm>> -> memref<200x100xi32, #tpu.memory_space<hbm>>
      %dma_start3A_300 = arith.constant 0 : i32
      %dma_start3A_301 = arith.constant 0 : i32
      %dma_start3A_302 = arith.constant 0 : i32
      %dma_start3A_303 = tpu.memref_slice %arg2[%arg0, %dma_start3A_300, %dma_start3A_301, %dma_start3A_302] : memref<2x16x200x100xi32, #tpu.memory_space<hbm>> -> memref<1x16x200x100xi32, #tpu.memory_space<hbm>>
      %dma_start3A_304 = tpu.memref_squeeze %dma_start3A_303 : memref<1x16x200x100xi32, #tpu.memory_space<hbm>> -> memref<16x200x100xi32, #tpu.memory_space<hbm>>
      %dma_start3A_305 = arith.constant 0 : i32
      %dma_start3A_306 = arith.constant 0 : i32
      %dma_start3A_307 = tpu.memref_slice %dma_start3A_304[%arg1, %dma_start3A_305, %dma_start3A_306] : memref<16x200x100xi32, #tpu.memory_space<hbm>> -> memref<1x200x100xi32, #tpu.memory_space<hbm>>
      %dma_start3A_308 = tpu.memref_squeeze %dma_start3A_307 : memref<1x200x100xi32, #tpu.memory_space<hbm>> -> memref<200x100xi32, #tpu.memory_space<hbm>>
      tpu.enqueue_dma source(%dma_start3A_308 : memref<200x100xi32, #tpu.memory_space<hbm>>) target(%arg4 : memref<200x100xi32, #tpu.memory_space<vmem>>) target_semaphore(%run_scoped3A_291 : memref<!tpu.dma_semaphore, #tpu.memory_space<semaphore_mem>>)
      %dma_wait3A = arith.constant 0 : i32
      %dma_wait3A_309 = arith.constant 0 : i32
      %dma_wait3A_310 = arith.constant 0 : i32
      %dma_wait3A_311 = tpu.memref_slice %arg2[%arg0, %dma_wait3A, %dma_wait3A_309, %dma_wait3A_310] : memref<2x16x200x100xi32, #tpu.memory_space<hbm>> -> memref<1x16x200x100xi32, #tpu.memory_space<hbm>>
      %dma_wait3A_312 = tpu.memref_squeeze %dma_wait3A_311 : memref<1x16x200x100xi32, #tpu.memory_space<hbm>> -> memref<16x200x100xi32, #tpu.memory_space<hbm>>
      %dma_wait3A_313 = arith.constant 0 : i32
      %dma_wait3A_314 = arith.constant 0 : i32
      %dma_wait3A_315 = tpu.memref_slice %dma_wait3A_312[%arg1, %dma_wait3A_313, %dma_wait3A_314] : memref<16x200x100xi32, #tpu.memory_space<hbm>> -> memref<1x200x100xi32, #tpu.memory_space<hbm>>
      %dma_wait3A_316 = tpu.memref_squeeze %dma_wait3A_315 : memref<1x200x100xi32, #tpu.memory_space<hbm>> -> memref<200x100xi32, #tpu.memory_space<hbm>>
      %dma_wait3A_317 = arith.constant 0 : i32
      %dma_wait3A_318 = arith.constant 0 : i32
      %dma_wait3A_319 = arith.constant 0 : i32
      %dma_wait3A_320 = tpu.memref_slice %arg2[%arg0, %dma_wait3A_317, %dma_wait3A_318, %dma_wait3A_319] : memref<2x16x200x100xi32, #tpu.memory_space<hbm>> -> memref<1x16x200x100xi32, #tpu.memory_space<hbm>>
      %dma_wait3A_321 = tpu.memref_squeeze %dma_wait3A_320 : memref<1x16x200x100xi32, #tpu.memory_space<hbm>> -> memref<16x200x100xi32, #tpu.memory_space<hbm>>
      %dma_wait3A_322 = arith.constant 0 : i32
      %dma_wait3A_323 = arith.constant 0 : i32
      %dma_wait3A_324 = tpu.memref_slice %dma_wait3A_321[%arg1, %dma_wait3A_322, %dma_wait3A_323] : memref<16x200x100xi32, #tpu.memory_space<hbm>> -> memref<1x200x100xi32, #tpu.memory_space<hbm>>
      %dma_wait3A_325 = tpu.memref_squeeze %dma_wait3A_324 : memref<1x200x100xi32, #tpu.memory_space<hbm>> -> memref<200x100xi32, #tpu.memory_space<hbm>>
      tpu.wait_dma2 semaphore(%run_scoped3A_291 : memref<!tpu.dma_semaphore, #tpu.memory_space<semaphore_mem>>) src(%dma_wait3A_325 : memref<200x100xi32, #tpu.memory_space<hbm>>) dst(%arg4 : memref<200x100xi32, #tpu.memory_space<vmem>>)
      tpu.yield
    }) : () -> ()
    %broadcast_in_dim3A = arith.constant 1.000000e+00 : f32
    %broadcast_in_dim3A_0 = vector.broadcast %broadcast_in_dim3A : f32 to vector<16xf32>
    %swap3A = arith.constant 0 : index
    %swap3A_1 = tpu.vector_load %arg5[%swap3A] {strides = array<i32>} : memref<112xf32, #tpu.memory_space<vmem>>, vector<16xf32>,
    %swap3A_2 = vector.shape_cast %swap3A_1 : vector<16xf32> to vector<16xf32>
    %swap3A_3 = vector.shape_cast %broadcast_in_dim3A_0 : vector<16xf32> to vector<16xf32>
    tpu.vector_store %arg5[%swap3A], %swap3A_3 {strides = array<i32>} : memref<112xf32, #tpu.memory_space<vmem>>, vector<16xf32>,
    %broadcast_in_dim3A_4 = arith.constant 0.000000e+00 : f32
    %broadcast_in_dim3A_5 = vector.broadcast %broadcast_in_dim3A_4 : f32 to vector<16xf32>
    %swap3A_6 = arith.constant 0 : index
    %swap3A_7 = tpu.vector_load %arg6[%swap3A_6] {strides = array<i32>} : memref<640xf32, #tpu.memory_space<vmem>>, vector<16xf32>,
    %swap3A_8 = vector.shape_cast %swap3A_7 : vector<16xf32> to vector<16xf32>
    %swap3A_9 = vector.shape_cast %broadcast_in_dim3A_5 : vector<16xf32> to vector<16xf32>
    tpu.vector_store %arg6[%swap3A_6], %swap3A_9 {strides = array<i32>} : memref<640xf32, #tpu.memory_space<vmem>>, vector<16xf32>,
    %broadcast_in_dim3A_10 = arith.constant 1.000000e+00 : f32
    %broadcast_in_dim3A_11 = vector.broadcast %broadcast_in_dim3A_10 : f32 to vector<16xf32>
    %swap3A_12 = arith.constant 16 : index
    %swap3A_13 = tpu.vector_load %arg5[%swap3A_12] {strides = array<i32>} : memref<112xf32, #tpu.memory_space<vmem>>, vector<16xf32>,
    %swap3A_14 = vector.shape_cast %swap3A_13 : vector<16xf32> to vector<16xf32>
    %swap3A_15 = vector.shape_cast %broadcast_in_dim3A_11 : vector<16xf32> to vector<16xf32>
    tpu.vector_store %arg5[%swap3A_12], %swap3A_15 {strides = array<i32>} : memref<112xf32, #tpu.memory_space<vmem>>, vector<16xf32>,
    %broadcast_in_dim3A_16 = arith.constant 0.000000e+00 : f32
    %broadcast_in_dim3A_17 = vector.broadcast %broadcast_in_dim3A_16 : f32 to vector<16xf32>
    %swap3A_18 = arith.constant 16 : index
    %swap3A_19 = tpu.vector_load %arg6[%swap3A_18] {strides = array<i32>} : memref<640xf32, #tpu.memory_space<vmem>>, vector<16xf32>,
    %swap3A_20 = vector.shape_cast %swap3A_19 : vector<16xf32> to vector<16xf32>
    %swap3A_21 = vector.shape_cast %broadcast_in_dim3A_17 : vector<16xf32> to vector<16xf32>
    tpu.vector_store %arg6[%swap3A_18], %swap3A_21 {strides = array<i32>} : memref<640xf32, #tpu.memory_space<vmem>>, vector<16xf32>,
    %broadcast_in_dim3A_22 = arith.constant 1.000000e+00 : f32
    %broadcast_in_dim3A_23 = vector.broadcast %broadcast_in_dim3A_22 : f32 to vector<16xf32>
    %swap3A_24 = arith.constant 32 : index
    %swap3A_25 = tpu.vector_load %arg5[%swap3A_24] {strides = array<i32>} : memref<112xf32, #tpu.memory_space<vmem>>, vector<16xf32>,
    %swap3A_26 = vector.shape_cast %swap3A_25 : vector<16xf32> to vector<16xf32>
    %swap3A_27 = vector.shape_cast %broadcast_in_dim3A_23 : vector<16xf32> to vector<16xf32>
    tpu.vector_store %arg5[%swap3A_24], %swap3A_27 {strides = array<i32>} : memref<112xf32, #tpu.memory_space<vmem>>, vector<16xf32>,
    %broadcast_in_dim3A_28 = arith.constant 0.000000e+00 : f32
    %broadcast_in_dim3A_29 = vector.broadcast %broadcast_in_dim3A_28 : f32 to vector<16xf32>
    %swap3A_30 = arith.constant 32 : index
    %swap3A_31 = tpu.vector_load %arg6[%swap3A_30] {strides = array<i32>} : memref<640xf32, #tpu.memory_space<vmem>>, vector<16xf32>,
    %swap3A_32 = vector.shape_cast %swap3A_31 : vector<16xf32> to vector<16xf32>
    %swap3A_33 = vector.shape_cast %broadcast_in_dim3A_29 : vector<16xf32> to vector<16xf32>
    tpu.vector_store %arg6[%swap3A_30], %swap3A_33 {strides = array<i32>} : memref<640xf32, #tpu.memory_space<vmem>>, vector<16xf32>,
    %broadcast_in_dim3A_34 = arith.constant 1.000000e+00 : f32
    %broadcast_in_dim3A_35 = vector.broadcast %broadcast_in_dim3A_34 : f32 to vector<16xf32>
    %swap3A_36 = arith.constant 48 : index
    %swap3A_37 = tpu.vector_load %arg5[%swap3A_36] {strides = array<i32>} : memref<112xf32, #tpu.memory_space<vmem>>, vector<16xf32>,
    %swap3A_38 = vector.shape_cast %swap3A_37 : vector<16xf32> to vector<16xf32>
    %swap3A_39 = vector.shape_cast %broadcast_in_dim3A_35 : vector<16xf32> to vector<16xf32>
    tpu.vector_store %arg5[%swap3A_36], %swap3A_39 {strides = array<i32>} : memref<112xf32, #tpu.memory_space<vmem>>, vector<16xf32>,
    %broadcast_in_dim3A_40 = arith.constant 0.000000e+00 : f32
    %broadcast_in_dim3A_41 = vector.broadcast %broadcast_in_dim3A_40 : f32 to vector<16xf32>
    %swap3A_42 = arith.constant 48 : index
    %swap3A_43 = tpu.vector_load %arg6[%swap3A_42] {strides = array<i32>} : memref<640xf32, #tpu.memory_space<vmem>>, vector<16xf32>,
    %swap3A_44 = vector.shape_cast %swap3A_43 : vector<16xf32> to vector<16xf32>
    %swap3A_45 = vector.shape_cast %broadcast_in_dim3A_41 : vector<16xf32> to vector<16xf32>
    tpu.vector_store %arg6[%swap3A_42], %swap3A_45 {strides = array<i32>} : memref<640xf32, #tpu.memory_space<vmem>>, vector<16xf32>,
    %broadcast_in_dim3A_46 = arith.constant 1.000000e+00 : f32
    %broadcast_in_dim3A_47 = vector.broadcast %broadcast_in_dim3A_46 : f32 to vector<16xf32>
    %swap3A_48 = arith.constant 64 : index
    %swap3A_49 = tpu.vector_load %arg5[%swap3A_48] {strides = array<i32>} : memref<112xf32, #tpu.memory_space<vmem>>, vector<16xf32>,
    %swap3A_50 = vector.shape_cast %swap3A_49 : vector<16xf32> to vector<16xf32>
    %swap3A_51 = vector.shape_cast %broadcast_in_dim3A_47 : vector<16xf32> to vector<16xf32>
    tpu.vector_store %arg5[%swap3A_48], %swap3A_51 {strides = array<i32>} : memref<112xf32, #tpu.memory_space<vmem>>, vector<16xf32>,
    %broadcast_in_dim3A_52 = arith.constant 0.000000e+00 : f32
    %broadcast_in_dim3A_53 = vector.broadcast %broadcast_in_dim3A_52 : f32 to vector<16xf32>
    %swap3A_54 = arith.constant 64 : index
    %swap3A_55 = tpu.vector_load %arg6[%swap3A_54] {strides = array<i32>} : memref<640xf32, #tpu.memory_space<vmem>>, vector<16xf32>,
    %swap3A_56 = vector.shape_cast %swap3A_55 : vector<16xf32> to vector<16xf32>
    %swap3A_57 = vector.shape_cast %broadcast_in_dim3A_53 : vector<16xf32> to vector<16xf32>
    tpu.vector_store %arg6[%swap3A_54], %swap3A_57 {strides = array<i32>} : memref<640xf32, #tpu.memory_space<vmem>>, vector<16xf32>,
    %broadcast_in_dim3A_58 = arith.constant 1.000000e+00 : f32
    %broadcast_in_dim3A_59 = vector.broadcast %broadcast_in_dim3A_58 : f32 to vector<16xf32>
    %swap3A_60 = arith.constant 80 : index
    %swap3A_61 = tpu.vector_load %arg5[%swap3A_60] {strides = array<i32>} : memref<112xf32, #tpu.memory_space<vmem>>, vector<16xf32>,
    %swap3A_62 = vector.shape_cast %swap3A_61 : vector<16xf32> to vector<16xf32>
    %swap3A_63 = vector.shape_cast %broadcast_in_dim3A_59 : vector<16xf32> to vector<16xf32>
    tpu.vector_store %arg5[%swap3A_60], %swap3A_63 {strides = array<i32>} : memref<112xf32, #tpu.memory_space<vmem>>, vector<16xf32>,
    %broadcast_in_dim3A_64 = arith.constant 0.000000e+00 : f32
    %broadcast_in_dim3A_65 = vector.broadcast %broadcast_in_dim3A_64 : f32 to vector<16xf32>
    %swap3A_66 = arith.constant 80 : index
    %swap3A_67 = tpu.vector_load %arg6[%swap3A_66] {strides = array<i32>} : memref<640xf32, #tpu.memory_space<vmem>>, vector<16xf32>,
    %swap3A_68 = vector.shape_cast %swap3A_67 : vector<16xf32> to vector<16xf32>
    %swap3A_69 = vector.shape_cast %broadcast_in_dim3A_65 : vector<16xf32> to vector<16xf32>
    tpu.vector_store %arg6[%swap3A_66], %swap3A_69 {strides = array<i32>} : memref<640xf32, #tpu.memory_space<vmem>>, vector<16xf32>,
    %broadcast_in_dim3A_70 = arith.constant 1.000000e+00 : f32
    %broadcast_in_dim3A_71 = vector.broadcast %broadcast_in_dim3A_70 : f32 to vector<16xf32>
    %swap3A_72 = arith.constant 96 : index
    %swap3A_73 = tpu.vector_load %arg5[%swap3A_72] {strides = array<i32>} : memref<112xf32, #tpu.memory_space<vmem>>, vector<16xf32>,
    %swap3A_74 = vector.shape_cast %swap3A_73 : vector<16xf32> to vector<16xf32>
    %swap3A_75 = vector.shape_cast %broadcast_in_dim3A_71 : vector<16xf32> to vector<16xf32>
    tpu.vector_store %arg5[%swap3A_72], %swap3A_75 {strides = array<i32>} : memref<112xf32, #tpu.memory_space<vmem>>, vector<16xf32>,
    %broadcast_in_dim3A_76 = arith.constant 0.000000e+00 : f32
    %broadcast_in_dim3A_77 = vector.broadcast %broadcast_in_dim3A_76 : f32 to vector<16xf32>
    %swap3A_78 = arith.constant 96 : index
    %swap3A_79 = tpu.vector_load %arg6[%swap3A_78] {strides = array<i32>} : memref<640xf32, #tpu.memory_space<vmem>>, vector<16xf32>,
    %swap3A_80 = vector.shape_cast %swap3A_79 : vector<16xf32> to vector<16xf32>
    %swap3A_81 = vector.shape_cast %broadcast_in_dim3A_77 : vector<16xf32> to vector<16xf32>
    tpu.vector_store %arg6[%swap3A_78], %swap3A_81 {strides = array<i32>} : memref<640xf32, #tpu.memory_space<vmem>>, vector<16xf32>,
    %broadcast_in_dim3A_82 = arith.constant 0.000000e+00 : f32
    %broadcast_in_dim3A_83 = vector.broadcast %broadcast_in_dim3A_82 : f32 to vector<16xf32>
    %swap3A_84 = arith.constant 112 : index
    %swap3A_85 = tpu.vector_load %arg6[%swap3A_84] {strides = array<i32>} : memref<640xf32, #tpu.memory_space<vmem>>, vector<16xf32>,
    %swap3A_86 = vector.shape_cast %swap3A_85 : vector<16xf32> to vector<16xf32>
    %swap3A_87 = vector.shape_cast %broadcast_in_dim3A_83 : vector<16xf32> to vector<16xf32>
    tpu.vector_store %arg6[%swap3A_84], %swap3A_87 {strides = array<i32>} : memref<640xf32, #tpu.memory_space<vmem>>, vector<16xf32>,
    %broadcast_in_dim3A_88 = arith.constant 0.000000e+00 : f32
    %broadcast_in_dim3A_89 = vector.broadcast %broadcast_in_dim3A_88 : f32 to vector<16xf32>
    %swap3A_90 = arith.constant 128 : index
    %swap3A_91 = tpu.vector_load %arg6[%swap3A_90] {strides = array<i32>} : memref<640xf32, #tpu.memory_space<vmem>>, vector<16xf32>,
    %swap3A_92 = vector.shape_cast %swap3A_91 : vector<16xf32> to vector<16xf32>
    %swap3A_93 = vector.shape_cast %broadcast_in_dim3A_89 : vector<16xf32> to vector<16xf32>
    tpu.vector_store %arg6[%swap3A_90], %swap3A_93 {strides = array<i32>} : memref<640xf32, #tpu.memory_space<vmem>>, vector<16xf32>,
    %broadcast_in_dim3A_94 = arith.constant 0.000000e+00 : f32
    %broadcast_in_dim3A_95 = vector.broadcast %broadcast_in_dim3A_94 : f32 to vector<16xf32>
    %swap3A_96 = arith.constant 144 : index
    %swap3A_97 = tpu.vector_load %arg6[%swap3A_96] {strides = array<i32>} : memref<640xf32, #tpu.memory_space<vmem>>, vector<16xf32>,
    %swap3A_98 = vector.shape_cast %swap3A_97 : vector<16xf32> to vector<16xf32>
    %swap3A_99 = vector.shape_cast %broadcast_in_dim3A_95 : vector<16xf32> to vector<16xf32>
    tpu.vector_store %arg6[%swap3A_96], %swap3A_99 {strides = array<i32>} : memref<640xf32, #tpu.memory_space<vmem>>, vector<16xf32>,
    %broadcast_in_dim3A_100 = arith.constant 0.000000e+00 : f32
    %broadcast_in_dim3A_101 = vector.broadcast %broadcast_in_dim3A_100 : f32 to vector<16xf32>
    %swap3A_102 = arith.constant 160 : index
    %swap3A_103 = tpu.vector_load %arg6[%swap3A_102] {strides = array<i32>} : memref<640xf32, #tpu.memory_space<vmem>>, vector<16xf32>,
    %swap3A_104 = vector.shape_cast %swap3A_103 : vector<16xf32> to vector<16xf32>
    %swap3A_105 = vector.shape_cast %broadcast_in_dim3A_101 : vector<16xf32> to vector<16xf32>
    tpu.vector_store %arg6[%swap3A_102], %swap3A_105 {strides = array<i32>} : memref<640xf32, #tpu.memory_space<vmem>>, vector<16xf32>,
    %broadcast_in_dim3A_106 = arith.constant 0.000000e+00 : f32
    %broadcast_in_dim3A_107 = vector.broadcast %broadcast_in_dim3A_106 : f32 to vector<16xf32>
    %swap3A_108 = arith.constant 176 : index
    %swap3A_109 = tpu.vector_load %arg6[%swap3A_108] {strides = array<i32>} : memref<640xf32, #tpu.memory_space<vmem>>, vector<16xf32>,
    %swap3A_110 = vector.shape_cast %swap3A_109 : vector<16xf32> to vector<16xf32>
    %swap3A_111 = vector.shape_cast %broadcast_in_dim3A_107 : vector<16xf32> to vector<16xf32>
    tpu.vector_store %arg6[%swap3A_108], %swap3A_111 {strides = array<i32>} : memref<640xf32, #tpu.memory_space<vmem>>, vector<16xf32>,
    %broadcast_in_dim3A_112 = arith.constant 0.000000e+00 : f32
    %broadcast_in_dim3A_113 = vector.broadcast %broadcast_in_dim3A_112 : f32 to vector<16xf32>
    %swap3A_114 = arith.constant 192 : index
    %swap3A_115 = tpu.vector_load %arg6[%swap3A_114] {strides = array<i32>} : memref<640xf32, #tpu.memory_space<vmem>>, vector<16xf32>,
    %swap3A_116 = vector.shape_cast %swap3A_115 : vector<16xf32> to vector<16xf32>
    %swap3A_117 = vector.shape_cast %broadcast_in_dim3A_113 : vector<16xf32> to vector<16xf32>
    tpu.vector_store %arg6[%swap3A_114], %swap3A_117 {strides = array<i32>} : memref<640xf32, #tpu.memory_space<vmem>>, vector<16xf32>,
    %broadcast_in_dim3A_118 = arith.constant 0.000000e+00 : f32
    %broadcast_in_dim3A_119 = vector.broadcast %broadcast_in_dim3A_118 : f32 to vector<16xf32>
    %swap3A_120 = arith.constant 208 : index
    %swap3A_121 = tpu.vector_load %arg6[%swap3A_120] {strides = array<i32>} : memref<640xf32, #tpu.memory_space<vmem>>, vector<16xf32>,
    %swap3A_122 = vector.shape_cast %swap3A_121 : vector<16xf32> to vector<16xf32>
    %swap3A_123 = vector.shape_cast %broadcast_in_dim3A_119 : vector<16xf32> to vector<16xf32>
    tpu.vector_store %arg6[%swap3A_120], %swap3A_123 {strides = array<i32>} : memref<640xf32, #tpu.memory_space<vmem>>, vector<16xf32>,
    %broadcast_in_dim3A_124 = arith.constant 0.000000e+00 : f32
    %broadcast_in_dim3A_125 = vector.broadcast %broadcast_in_dim3A_124 : f32 to vector<16xf32>
    %swap3A_126 = arith.constant 224 : index
    %swap3A_127 = tpu.vector_load %arg6[%swap3A_126] {strides = array<i32>} : memref<640xf32, #tpu.memory_space<vmem>>, vector<16xf32>,
    %swap3A_128 = vector.shape_cast %swap3A_127 : vector<16xf32> to vector<16xf32>
    %swap3A_129 = vector.shape_cast %broadcast_in_dim3A_125 : vector<16xf32> to vector<16xf32>
    tpu.vector_store %arg6[%swap3A_126], %swap3A_129 {strides = array<i32>} : memref<640xf32, #tpu.memory_space<vmem>>, vector<16xf32>,
    %broadcast_in_dim3A_130 = arith.constant 0.000000e+00 : f32
    %broadcast_in_dim3A_131 = vector.broadcast %broadcast_in_dim3A_130 : f32 to vector<16xf32>
    %swap3A_132 = arith.constant 240 : index
    %swap3A_133 = tpu.vector_load %arg6[%swap3A_132] {strides = array<i32>} : memref<640xf32, #tpu.memory_space<vmem>>, vector<16xf32>,
    %swap3A_134 = vector.shape_cast %swap3A_133 : vector<16xf32> to vector<16xf32>
    %swap3A_135 = vector.shape_cast %broadcast_in_dim3A_131 : vector<16xf32> to vector<16xf32>
    tpu.vector_store %arg6[%swap3A_132], %swap3A_135 {strides = array<i32>} : memref<640xf32, #tpu.memory_space<vmem>>, vector<16xf32>,
    %broadcast_in_dim3A_136 = arith.constant 0.000000e+00 : f32
    %broadcast_in_dim3A_137 = vector.broadcast %broadcast_in_dim3A_136 : f32 to vector<16xf32>
    %swap3A_138 = arith.constant 256 : index
    %swap3A_139 = tpu.vector_load %arg6[%swap3A_138] {strides = array<i32>} : memref<640xf32, #tpu.memory_space<vmem>>, vector<16xf32>,
    %swap3A_140 = vector.shape_cast %swap3A_139 : vector<16xf32> to vector<16xf32>
    %swap3A_141 = vector.shape_cast %broadcast_in_dim3A_137 : vector<16xf32> to vector<16xf32>
    tpu.vector_store %arg6[%swap3A_138], %swap3A_141 {strides = array<i32>} : memref<640xf32, #tpu.memory_space<vmem>>, vector<16xf32>,
    %broadcast_in_dim3A_142 = arith.constant 0.000000e+00 : f32
    %broadcast_in_dim3A_143 = vector.broadcast %broadcast_in_dim3A_142 : f32 to vector<16xf32>
    %swap3A_144 = arith.constant 272 : index
    %swap3A_145 = tpu.vector_load %arg6[%swap3A_144] {strides = array<i32>} : memref<640xf32, #tpu.memory_space<vmem>>, vector<16xf32>,
    %swap3A_146 = vector.shape_cast %swap3A_145 : vector<16xf32> to vector<16xf32>
    %swap3A_147 = vector.shape_cast %broadcast_in_dim3A_143 : vector<16xf32> to vector<16xf32>
    tpu.vector_store %arg6[%swap3A_144], %swap3A_147 {strides = array<i32>} : memref<640xf32, #tpu.memory_space<vmem>>, vector<16xf32>,
    %broadcast_in_dim3A_148 = arith.constant 0.000000e+00 : f32
    %broadcast_in_dim3A_149 = vector.broadcast %broadcast_in_dim3A_148 : f32 to vector<16xf32>
    %swap3A_150 = arith.constant 288 : index
    %swap3A_151 = tpu.vector_load %arg6[%swap3A_150] {strides = array<i32>} : memref<640xf32, #tpu.memory_space<vmem>>, vector<16xf32>,
    %swap3A_152 = vector.shape_cast %swap3A_151 : vector<16xf32> to vector<16xf32>
    %swap3A_153 = vector.shape_cast %broadcast_in_dim3A_149 : vector<16xf32> to vector<16xf32>
    tpu.vector_store %arg6[%swap3A_150], %swap3A_153 {strides = array<i32>} : memref<640xf32, #tpu.memory_space<vmem>>, vector<16xf32>,
    %broadcast_in_dim3A_154 = arith.constant 0.000000e+00 : f32
    %broadcast_in_dim3A_155 = vector.broadcast %broadcast_in_dim3A_154 : f32 to vector<16xf32>
    %swap3A_156 = arith.constant 304 : index
    %swap3A_157 = tpu.vector_load %arg6[%swap3A_156] {strides = array<i32>} : memref<640xf32, #tpu.memory_space<vmem>>, vector<16xf32>,
    %swap3A_158 = vector.shape_cast %swap3A_157 : vector<16xf32> to vector<16xf32>
    %swap3A_159 = vector.shape_cast %broadcast_in_dim3A_155 : vector<16xf32> to vector<16xf32>
    tpu.vector_store %arg6[%swap3A_156], %swap3A_159 {strides = array<i32>} : memref<640xf32, #tpu.memory_space<vmem>>, vector<16xf32>,
    %broadcast_in_dim3A_160 = arith.constant 0.000000e+00 : f32
    %broadcast_in_dim3A_161 = vector.broadcast %broadcast_in_dim3A_160 : f32 to vector<16xf32>
    %swap3A_162 = arith.constant 320 : index
    %swap3A_163 = tpu.vector_load %arg6[%swap3A_162] {strides = array<i32>} : memref<640xf32, #tpu.memory_space<vmem>>, vector<16xf32>,
    %swap3A_164 = vector.shape_cast %swap3A_163 : vector<16xf32> to vector<16xf32>
    %swap3A_165 = vector.shape_cast %broadcast_in_dim3A_161 : vector<16xf32> to vector<16xf32>
    tpu.vector_store %arg6[%swap3A_162], %swap3A_165 {strides = array<i32>} : memref<640xf32, #tpu.memory_space<vmem>>, vector<16xf32>,
    %broadcast_in_dim3A_166 = arith.constant 0.000000e+00 : f32
    %broadcast_in_dim3A_167 = vector.broadcast %broadcast_in_dim3A_166 : f32 to vector<16xf32>
    %swap3A_168 = arith.constant 336 : index
    %swap3A_169 = tpu.vector_load %arg6[%swap3A_168] {strides = array<i32>} : memref<640xf32, #tpu.memory_space<vmem>>, vector<16xf32>,
    %swap3A_170 = vector.shape_cast %swap3A_169 : vector<16xf32> to vector<16xf32>
    %swap3A_171 = vector.shape_cast %broadcast_in_dim3A_167 : vector<16xf32> to vector<16xf32>
    tpu.vector_store %arg6[%swap3A_168], %swap3A_171 {strides = array<i32>} : memref<640xf32, #tpu.memory_space<vmem>>, vector<16xf32>,
    %broadcast_in_dim3A_172 = arith.constant 0.000000e+00 : f32
    %broadcast_in_dim3A_173 = vector.broadcast %broadcast_in_dim3A_172 : f32 to vector<16xf32>
    %swap3A_174 = arith.constant 352 : index
    %swap3A_175 = tpu.vector_load %arg6[%swap3A_174] {strides = array<i32>} : memref<640xf32, #tpu.memory_space<vmem>>, vector<16xf32>,
    %swap3A_176 = vector.shape_cast %swap3A_175 : vector<16xf32> to vector<16xf32>
    %swap3A_177 = vector.shape_cast %broadcast_in_dim3A_173 : vector<16xf32> to vector<16xf32>
    tpu.vector_store %arg6[%swap3A_174], %swap3A_177 {strides = array<i32>} : memref<640xf32, #tpu.memory_space<vmem>>, vector<16xf32>,
    %broadcast_in_dim3A_178 = arith.constant 0.000000e+00 : f32
    %broadcast_in_dim3A_179 = vector.broadcast %broadcast_in_dim3A_178 : f32 to vector<16xf32>
    %swap3A_180 = arith.constant 368 : index
    %swap3A_181 = tpu.vector_load %arg6[%swap3A_180] {strides = array<i32>} : memref<640xf32, #tpu.memory_space<vmem>>, vector<16xf32>,
    %swap3A_182 = vector.shape_cast %swap3A_181 : vector<16xf32> to vector<16xf32>
    %swap3A_183 = vector.shape_cast %broadcast_in_dim3A_179 : vector<16xf32> to vector<16xf32>
    tpu.vector_store %arg6[%swap3A_180], %swap3A_183 {strides = array<i32>} : memref<640xf32, #tpu.memory_space<vmem>>, vector<16xf32>,
    %broadcast_in_dim3A_184 = arith.constant 0.000000e+00 : f32
    %broadcast_in_dim3A_185 = vector.broadcast %broadcast_in_dim3A_184 : f32 to vector<16xf32>
    %swap3A_186 = arith.constant 384 : index
    %swap3A_187 = tpu.vector_load %arg6[%swap3A_186] {strides = array<i32>} : memref<640xf32, #tpu.memory_space<vmem>>, vector<16xf32>,
    %swap3A_188 = vector.shape_cast %swap3A_187 : vector<16xf32> to vector<16xf32>
    %swap3A_189 = vector.shape_cast %broadcast_in_dim3A_185 : vector<16xf32> to vector<16xf32>
    tpu.vector_store %arg6[%swap3A_186], %swap3A_189 {strides = array<i32>} : memref<640xf32, #tpu.memory_space<vmem>>, vector<16xf32>,
    %broadcast_in_dim3A_190 = arith.constant 0.000000e+00 : f32
    %broadcast_in_dim3A_191 = vector.broadcast %broadcast_in_dim3A_190 : f32 to vector<16xf32>
    %swap3A_192 = arith.constant 400 : index
    %swap3A_193 = tpu.vector_load %arg6[%swap3A_192] {strides = array<i32>} : memref<640xf32, #tpu.memory_space<vmem>>, vector<16xf32>,
    %swap3A_194 = vector.shape_cast %swap3A_193 : vector<16xf32> to vector<16xf32>
    %swap3A_195 = vector.shape_cast %broadcast_in_dim3A_191 : vector<16xf32> to vector<16xf32>
    tpu.vector_store %arg6[%swap3A_192], %swap3A_195 {strides = array<i32>} : memref<640xf32, #tpu.memory_space<vmem>>, vector<16xf32>,
    %broadcast_in_dim3A_196 = arith.constant 0.000000e+00 : f32
    %broadcast_in_dim3A_197 = vector.broadcast %broadcast_in_dim3A_196 : f32 to vector<16xf32>
    %swap3A_198 = arith.constant 416 : index
    %swap3A_199 = tpu.vector_load %arg6[%swap3A_198] {strides = array<i32>} : memref<640xf32, #tpu.memory_space<vmem>>, vector<16xf32>,
    %swap3A_200 = vector.shape_cast %swap3A_199 : vector<16xf32> to vector<16xf32>
    %swap3A_201 = vector.shape_cast %broadcast_in_dim3A_197 : vector<16xf32> to vector<16xf32>
    tpu.vector_store %arg6[%swap3A_198], %swap3A_201 {strides = array<i32>} : memref<640xf32, #tpu.memory_space<vmem>>, vector<16xf32>,
    %broadcast_in_dim3A_202 = arith.constant 0.000000e+00 : f32
    %broadcast_in_dim3A_203 = vector.broadcast %broadcast_in_dim3A_202 : f32 to vector<16xf32>
    %swap3A_204 = arith.constant 432 : index
    %swap3A_205 = tpu.vector_load %arg6[%swap3A_204] {strides = array<i32>} : memref<640xf32, #tpu.memory_space<vmem>>, vector<16xf32>,
    %swap3A_206 = vector.shape_cast %swap3A_205 : vector<16xf32> to vector<16xf32>
    %swap3A_207 = vector.shape_cast %broadcast_in_dim3A_203 : vector<16xf32> to vector<16xf32>
    tpu.vector_store %arg6[%swap3A_204], %swap3A_207 {strides = array<i32>} : memref<640xf32, #tpu.memory_space<vmem>>, vector<16xf32>,
    %broadcast_in_dim3A_208 = arith.constant 0.000000e+00 : f32
    %broadcast_in_dim3A_209 = vector.broadcast %broadcast_in_dim3A_208 : f32 to vector<16xf32>
    %swap3A_210 = arith.constant 448 : index
    %swap3A_211 = tpu.vector_load %arg6[%swap3A_210] {strides = array<i32>} : memref<640xf32, #tpu.memory_space<vmem>>, vector<16xf32>,
    %swap3A_212 = vector.shape_cast %swap3A_211 : vector<16xf32> to vector<16xf32>
    %swap3A_213 = vector.shape_cast %broadcast_in_dim3A_209 : vector<16xf32> to vector<16xf32>
    tpu.vector_store %arg6[%swap3A_210], %swap3A_213 {strides = array<i32>} : memref<640xf32, #tpu.memory_space<vmem>>, vector<16xf32>,
    %broadcast_in_dim3A_214 = arith.constant 0.000000e+00 : f32
    %broadcast_in_dim3A_215 = vector.broadcast %broadcast_in_dim3A_214 : f32 to vector<16xf32>
    %swap3A_216 = arith.constant 464 : index
    %swap3A_217 = tpu.vector_load %arg6[%swap3A_216] {strides = array<i32>} : memref<640xf32, #tpu.memory_space<vmem>>, vector<16xf32>,
    %swap3A_218 = vector.shape_cast %swap3A_217 : vector<16xf32> to vector<16xf32>
    %swap3A_219 = vector.shape_cast %broadcast_in_dim3A_215 : vector<16xf32> to vector<16xf32>
    tpu.vector_store %arg6[%swap3A_216], %swap3A_219 {strides = array<i32>} : memref<640xf32, #tpu.memory_space<vmem>>, vector<16xf32>,
    %broadcast_in_dim3A_220 = arith.constant 0.000000e+00 : f32
    %broadcast_in_dim3A_221 = vector.broadcast %broadcast_in_dim3A_220 : f32 to vector<16xf32>
    %swap3A_222 = arith.constant 480 : index
    %swap3A_223 = tpu.vector_load %arg6[%swap3A_222] {strides = array<i32>} : memref<640xf32, #tpu.memory_space<vmem>>, vector<16xf32>,
    %swap3A_224 = vector.shape_cast %swap3A_223 : vector<16xf32> to vector<16xf32>
    %swap3A_225 = vector.shape_cast %broadcast_in_dim3A_221 : vector<16xf32> to vector<16xf32>
    tpu.vector_store %arg6[%swap3A_222], %swap3A_225 {strides = array<i32>} : memref<640xf32, #tpu.memory_space<vmem>>, vector<16xf32>,
    %broadcast_in_dim3A_226 = arith.constant 0.000000e+00 : f32
    %broadcast_in_dim3A_227 = vector.broadcast %broadcast_in_dim3A_226 : f32 to vector<16xf32>
    %swap3A_228 = arith.constant 496 : index
    %swap3A_229 = tpu.vector_load %arg6[%swap3A_228] {strides = array<i32>} : memref<640xf32, #tpu.memory_space<vmem>>, vector<16xf32>,
    %swap3A_230 = vector.shape_cast %swap3A_229 : vector<16xf32> to vector<16xf32>
    %swap3A_231 = vector.shape_cast %broadcast_in_dim3A_227 : vector<16xf32> to vector<16xf32>
    tpu.vector_store %arg6[%swap3A_228], %swap3A_231 {strides = array<i32>} : memref<640xf32, #tpu.memory_space<vmem>>, vector<16xf32>,
    %broadcast_in_dim3A_232 = arith.constant 0.000000e+00 : f32
    %broadcast_in_dim3A_233 = vector.broadcast %broadcast_in_dim3A_232 : f32 to vector<16xf32>
    %swap3A_234 = arith.constant 512 : index
    %swap3A_235 = tpu.vector_load %arg6[%swap3A_234] {strides = array<i32>} : memref<640xf32, #tpu.memory_space<vmem>>, vector<16xf32>,
    %swap3A_236 = vector.shape_cast %swap3A_235 : vector<16xf32> to vector<16xf32>
    %swap3A_237 = vector.shape_cast %broadcast_in_dim3A_233 : vector<16xf32> to vector<16xf32>
    tpu.vector_store %arg6[%swap3A_234], %swap3A_237 {strides = array<i32>} : memref<640xf32, #tpu.memory_space<vmem>>, vector<16xf32>,
    %broadcast_in_dim3A_238 = arith.constant 0.000000e+00 : f32
    %broadcast_in_dim3A_239 = vector.broadcast %broadcast_in_dim3A_238 : f32 to vector<16xf32>
    %swap3A_240 = arith.constant 528 : index
    %swap3A_241 = tpu.vector_load %arg6[%swap3A_240] {strides = array<i32>} : memref<640xf32, #tpu.memory_space<vmem>>, vector<16xf32>,
    %swap3A_242 = vector.shape_cast %swap3A_241 : vector<16xf32> to vector<16xf32>
    %swap3A_243 = vector.shape_cast %broadcast_in_dim3A_239 : vector<16xf32> to vector<16xf32>
    tpu.vector_store %arg6[%swap3A_240], %swap3A_243 {strides = array<i32>} : memref<640xf32, #tpu.memory_space<vmem>>, vector<16xf32>,
    %broadcast_in_dim3A_244 = arith.constant 0.000000e+00 : f32
    %broadcast_in_dim3A_245 = vector.broadcast %broadcast_in_dim3A_244 : f32 to vector<16xf32>
    %swap3A_246 = arith.constant 544 : index
    %swap3A_247 = tpu.vector_load %arg6[%swap3A_246] {strides = array<i32>} : memref<640xf32, #tpu.memory_space<vmem>>, vector<16xf32>,
    %swap3A_248 = vector.shape_cast %swap3A_247 : vector<16xf32> to vector<16xf32>
    %swap3A_249 = vector.shape_cast %broadcast_in_dim3A_245 : vector<16xf32> to vector<16xf32>
    tpu.vector_store %arg6[%swap3A_246], %swap3A_249 {strides = array<i32>} : memref<640xf32, #tpu.memory_space<vmem>>, vector<16xf32>,
    %broadcast_in_dim3A_250 = arith.constant 0.000000e+00 : f32
    %broadcast_in_dim3A_251 = vector.broadcast %broadcast_in_dim3A_250 : f32 to vector<16xf32>
    %swap3A_252 = arith.constant 560 : index
    %swap3A_253 = tpu.vector_load %arg6[%swap3A_252] {strides = array<i32>} : memref<640xf32, #tpu.memory_space<vmem>>, vector<16xf32>,
    %swap3A_254 = vector.shape_cast %swap3A_253 : vector<16xf32> to vector<16xf32>
    %swap3A_255 = vector.shape_cast %broadcast_in_dim3A_251 : vector<16xf32> to vector<16xf32>
    tpu.vector_store %arg6[%swap3A_252], %swap3A_255 {strides = array<i32>} : memref<640xf32, #tpu.memory_space<vmem>>, vector<16xf32>,
    %broadcast_in_dim3A_256 = arith.constant 0.000000e+00 : f32
    %broadcast_in_dim3A_257 = vector.broadcast %broadcast_in_dim3A_256 : f32 to vector<16xf32>
    %swap3A_258 = arith.constant 576 : index
    %swap3A_259 = tpu.vector_load %arg6[%swap3A_258] {strides = array<i32>} : memref<640xf32, #tpu.memory_space<vmem>>, vector<16xf32>,
    %swap3A_260 = vector.shape_cast %swap3A_259 : vector<16xf32> to vector<16xf32>
    %swap3A_261 = vector.shape_cast %broadcast_in_dim3A_257 : vector<16xf32> to vector<16xf32>
    tpu.vector_store %arg6[%swap3A_258], %swap3A_261 {strides = array<i32>} : memref<640xf32, #tpu.memory_space<vmem>>, vector<16xf32>,
    %broadcast_in_dim3A_262 = arith.constant 0.000000e+00 : f32
    %broadcast_in_dim3A_263 = vector.broadcast %broadcast_in_dim3A_262 : f32 to vector<16xf32>
    %swap3A_264 = arith.constant 592 : index
    %swap3A_265 = tpu.vector_load %arg6[%swap3A_264] {strides = array<i32>} : memref<640xf32, #tpu.memory_space<vmem>>, vector<16xf32>,
    %swap3A_266 = vector.shape_cast %swap3A_265 : vector<16xf32> to vector<16xf32>
    %swap3A_267 = vector.shape_cast %broadcast_in_dim3A_263 : vector<16xf32> to vector<16xf32>
    tpu.vector_store %arg6[%swap3A_264], %swap3A_267 {strides = array<i32>} : memref<640xf32, #tpu.memory_space<vmem>>, vector<16xf32>,
    %broadcast_in_dim3A_268 = arith.constant 0.000000e+00 : f32
    %broadcast_in_dim3A_269 = vector.broadcast %broadcast_in_dim3A_268 : f32 to vector<16xf32>
    %swap3A_270 = arith.constant 608 : index
    %swap3A_271 = tpu.vector_load %arg6[%swap3A_270] {strides = array<i32>} : memref<640xf32, #tpu.memory_space<vmem>>, vector<16xf32>,
    %swap3A_272 = vector.shape_cast %swap3A_271 : vector<16xf32> to vector<16xf32>
    %swap3A_273 = vector.shape_cast %broadcast_in_dim3A_269 : vector<16xf32> to vector<16xf32>
    tpu.vector_store %arg6[%swap3A_270], %swap3A_273 {strides = array<i32>} : memref<640xf32, #tpu.memory_space<vmem>>, vector<16xf32>,
    %broadcast_in_dim3A_274 = arith.constant 0.000000e+00 : f32
    %broadcast_in_dim3A_275 = vector.broadcast %broadcast_in_dim3A_274 : f32 to vector<16xf32>
    %swap3A_276 = arith.constant 624 : index
    %swap3A_277 = tpu.vector_load %arg6[%swap3A_276] {strides = array<i32>} : memref<640xf32, #tpu.memory_space<vmem>>, vector<16xf32>,
    %swap3A_278 = vector.shape_cast %swap3A_277 : vector<16xf32> to vector<16xf32>
    %swap3A_279 = vector.shape_cast %broadcast_in_dim3A_275 : vector<16xf32> to vector<16xf32>
    tpu.vector_store %arg6[%swap3A_276], %swap3A_279 {strides = array<i32>} : memref<640xf32, #tpu.memory_space<vmem>>, vector<16xf32>,
    %mul3A = arith.constant 640 : i32
    %mul3A_280 = arith.muli %arg1, %mul3A : i32
    "tpu.region"() ({
      %run_scoped3A_291 = tpu.sem_alloc : memref<!tpu.dma_semaphore, #tpu.memory_space<semaphore_mem>>
      %dma_start3A = tpu.memref_slice %arg7[%mul3A_280] : memref<10240xf32, #tpu.memory_space<vmem_shared>> -> memref<640xf32, #tpu.memory_space<vmem_shared>>
      %dma_start3A_292 = tpu.memref_slice %arg7[%mul3A_280] : memref<10240xf32, #tpu.memory_space<vmem_shared>> -> memref<640xf32, #tpu.memory_space<vmem_shared>>
      tpu.enqueue_dma source(%arg6 : memref<640xf32, #tpu.memory_space<vmem>>) target(%dma_start3A_292 : memref<640xf32, #tpu.memory_space<vmem_shared>>) target_semaphore(%run_scoped3A_291 : memref<!tpu.dma_semaphore, #tpu.memory_space<semaphore_mem>>)
      %dma_wait3A = tpu.memref_slice %arg7[%mul3A_280] : memref<10240xf32, #tpu.memory_space<vmem_shared>> -> memref<640xf32, #tpu.memory_space<vmem_shared>>
      %dma_wait3A_293 = tpu.memref_slice %arg7[%mul3A_280] : memref<10240xf32, #tpu.memory_space<vmem_shared>> -> memref<640xf32, #tpu.memory_space<vmem_shared>>
      tpu.wait_dma2 semaphore(%run_scoped3A_291 : memref<!tpu.dma_semaphore, #tpu.memory_space<semaphore_mem>>) src(%arg6 : memref<640xf32, #tpu.memory_space<vmem>>) dst(%dma_wait3A_293 : memref<640xf32, #tpu.memory_space<vmem_shared>>)
      tpu.yield
    }) : () -> ()
    %barrier3A = arith.constant 0 : index
    tpu.barrier barrier_id(%barrier3A)
    %scan3A = arith.constant 0 : i32
    %scan3A_281 = arith.constant 0 : i32
    %scan3A_282 = arith.constant 8 : i32
    %scan3A_283 = arith.addi %scan3A_281, %scan3A_282 : i32
    %scan3A_284 = arith.constant 1 : i32
    scf.for %scan3A_291 = %scan3A_281 to %scan3A_283 step %scan3A_284  : i32 {
      %mul3A_292 = arith.constant 25 : i32
      %mul3A_293 = arith.muli %scan3A_291, %mul3A_292 : i32
      %add3A = arith.constant 0 : i32
      %add3A_294 = arith.addi %mul3A_293, %add3A : i32
      %dma_start3A = arith.constant 0 : i32
      %dma_start3A_295 = tpu.memref_slice %arg5[%dma_start3A] : memref<112xf32, #tpu.memory_space<vmem>> -> memref<100xf32, #tpu.memory_space<vmem>>
      %dma_start3A_296 = arith.constant 0 : i32
      %dma_start3A_297 = tpu.memref_slice %arg4[%add3A_294, %dma_start3A_296] : memref<200x100xi32, #tpu.memory_space<vmem>> -> memref<1x100xi32, #tpu.memory_space<vmem>>
      %dma_start3A_298 = tpu.memref_squeeze %dma_start3A_297 : memref<1x100xi32, #tpu.memory_space<vmem>> -> memref<100xi32, #tpu.memory_space<vmem>>
      %dma_start3A_299 = arith.constant 0 : i32
      %dma_start3A_300 = tpu.memref_slice %arg7[%dma_start3A_299] : memref<10240xf32, #tpu.memory_space<vmem_shared>> -> memref<10240xf32, #tpu.memory_space<vmem_shared>>
      tpu.enqueue_indirect_dma source(%dma_start3A_295 : memref<100xf32, #tpu.memory_space<vmem>>) target(%dma_start3A_300 : memref<10240xf32, #tpu.memory_space<vmem_shared>>) offsets(%dma_start3A_298 : memref<100xi32, #tpu.memory_space<vmem>>) semaphore(%arg8 : memref<!tpu.dma_semaphore, #tpu.memory_space<semaphore_mem>>) {add = true}
      %add3A_301 = arith.constant 1 : i32
      %add3A_302 = arith.addi %mul3A_293, %add3A_301 : i32
      %dma_start3A_303 = arith.constant 0 : i32
      %dma_start3A_304 = tpu.memref_slice %arg5[%dma_start3A_303] : memref<112xf32, #tpu.memory_space<vmem>> -> memref<100xf32, #tpu.memory_space<vmem>>
      %dma_start3A_305 = arith.constant 0 : i32
      %dma_start3A_306 = tpu.memref_slice %arg4[%add3A_302, %dma_start3A_305] : memref<200x100xi32, #tpu.memory_space<vmem>> -> memref<1x100xi32, #tpu.memory_space<vmem>>
      %dma_start3A_307 = tpu.memref_squeeze %dma_start3A_306 : memref<1x100xi32, #tpu.memory_space<vmem>> -> memref<100xi32, #tpu.memory_space<vmem>>
      %dma_start3A_308 = arith.constant 0 : i32
      %dma_start3A_309 = tpu.memref_slice %arg7[%dma_start3A_308] : memref<10240xf32, #tpu.memory_space<vmem_shared>> -> memref<10240xf32, #tpu.memory_space<vmem_shared>>
      tpu.enqueue_indirect_dma source(%dma_start3A_304 : memref<100xf32, #tpu.memory_space<vmem>>) target(%dma_start3A_309 : memref<10240xf32, #tpu.memory_space<vmem_shared>>) offsets(%dma_start3A_307 : memref<100xi32, #tpu.memory_space<vmem>>) semaphore(%arg8 : memref<!tpu.dma_semaphore, #tpu.memory_space<semaphore_mem>>) {add = true}
      %add3A_310 = arith.constant 2 : i32
      %add3A_311 = arith.addi %mul3A_293, %add3A_310 : i32
      %dma_start3A_312 = arith.constant 0 : i32
      %dma_start3A_313 = tpu.memref_slice %arg5[%dma_start3A_312] : memref<112xf32, #tpu.memory_space<vmem>> -> memref<100xf32, #tpu.memory_space<vmem>>
      %dma_start3A_314 = arith.constant 0 : i32
      %dma_start3A_315 = tpu.memref_slice %arg4[%add3A_311, %dma_start3A_314] : memref<200x100xi32, #tpu.memory_space<vmem>> -> memref<1x100xi32, #tpu.memory_space<vmem>>
      %dma_start3A_316 = tpu.memref_squeeze %dma_start3A_315 : memref<1x100xi32, #tpu.memory_space<vmem>> -> memref<100xi32, #tpu.memory_space<vmem>>
      %dma_start3A_317 = arith.constant 0 : i32
      %dma_start3A_318 = tpu.memref_slice %arg7[%dma_start3A_317] : memref<10240xf32, #tpu.memory_space<vmem_shared>> -> memref<10240xf32, #tpu.memory_space<vmem_shared>>
      tpu.enqueue_indirect_dma source(%dma_start3A_313 : memref<100xf32, #tpu.memory_space<vmem>>) target(%dma_start3A_318 : memref<10240xf32, #tpu.memory_space<vmem_shared>>) offsets(%dma_start3A_316 : memref<100xi32, #tpu.memory_space<vmem>>) semaphore(%arg8 : memref<!tpu.dma_semaphore, #tpu.memory_space<semaphore_mem>>) {add = true}
      %add3A_319 = arith.constant 3 : i32
      %add3A_320 = arith.addi %mul3A_293, %add3A_319 : i32
      %dma_start3A_321 = arith.constant 0 : i32
      %dma_start3A_322 = tpu.memref_slice %arg5[%dma_start3A_321] : memref<112xf32, #tpu.memory_space<vmem>> -> memref<100xf32, #tpu.memory_space<vmem>>
      %dma_start3A_323 = arith.constant 0 : i32
      %dma_start3A_324 = tpu.memref_slice %arg4[%add3A_320, %dma_start3A_323] : memref<200x100xi32, #tpu.memory_space<vmem>> -> memref<1x100xi32, #tpu.memory_space<vmem>>
      %dma_start3A_325 = tpu.memref_squeeze %dma_start3A_324 : memref<1x100xi32, #tpu.memory_space<vmem>> -> memref<100xi32, #tpu.memory_space<vmem>>
      %dma_start3A_326 = arith.constant 0 : i32
      %dma_start3A_327 = tpu.memref_slice %arg7[%dma_start3A_326] : memref<10240xf32, #tpu.memory_space<vmem_shared>> -> memref<10240xf32, #tpu.memory_space<vmem_shared>>
      tpu.enqueue_indirect_dma source(%dma_start3A_322 : memref<100xf32, #tpu.memory_space<vmem>>) target(%dma_start3A_327 : memref<10240xf32, #tpu.memory_space<vmem_shared>>) offsets(%dma_start3A_325 : memref<100xi32, #tpu.memory_space<vmem>>) semaphore(%arg8 : memref<!tpu.dma_semaphore, #tpu.memory_space<semaphore_mem>>) {add = true}
      %add3A_328 = arith.constant 4 : i32
      %add3A_329 = arith.addi %mul3A_293, %add3A_328 : i32
      %dma_start3A_330 = arith.constant 0 : i32
      %dma_start3A_331 = tpu.memref_slice %arg5[%dma_start3A_330] : memref<112xf32, #tpu.memory_space<vmem>> -> memref<100xf32, #tpu.memory_space<vmem>>
      %dma_start3A_332 = arith.constant 0 : i32
      %dma_start3A_333 = tpu.memref_slice %arg4[%add3A_329, %dma_start3A_332] : memref<200x100xi32, #tpu.memory_space<vmem>> -> memref<1x100xi32, #tpu.memory_space<vmem>>
      %dma_start3A_334 = tpu.memref_squeeze %dma_start3A_333 : memref<1x100xi32, #tpu.memory_space<vmem>> -> memref<100xi32, #tpu.memory_space<vmem>>
      %dma_start3A_335 = arith.constant 0 : i32
      %dma_start3A_336 = tpu.memref_slice %arg7[%dma_start3A_335] : memref<10240xf32, #tpu.memory_space<vmem_shared>> -> memref<10240xf32, #tpu.memory_space<vmem_shared>>
      tpu.enqueue_indirect_dma source(%dma_start3A_331 : memref<100xf32, #tpu.memory_space<vmem>>) target(%dma_start3A_336 : memref<10240xf32, #tpu.memory_space<vmem_shared>>) offsets(%dma_start3A_334 : memref<100xi32, #tpu.memory_space<vmem>>) semaphore(%arg8 : memref<!tpu.dma_semaphore, #tpu.memory_space<semaphore_mem>>) {add = true}
      %add3A_337 = arith.constant 5 : i32
      %add3A_338 = arith.addi %mul3A_293, %add3A_337 : i32
      %dma_start3A_339 = arith.constant 0 : i32
      %dma_start3A_340 = tpu.memref_slice %arg5[%dma_start3A_339] : memref<112xf32, #tpu.memory_space<vmem>> -> memref<100xf32, #tpu.memory_space<vmem>>
      %dma_start3A_341 = arith.constant 0 : i32
      %dma_start3A_342 = tpu.memref_slice %arg4[%add3A_338, %dma_start3A_341] : memref<200x100xi32, #tpu.memory_space<vmem>> -> memref<1x100xi32, #tpu.memory_space<vmem>>
      %dma_start3A_343 = tpu.memref_squeeze %dma_start3A_342 : memref<1x100xi32, #tpu.memory_space<vmem>> -> memref<100xi32, #tpu.memory_space<vmem>>
      %dma_start3A_344 = arith.constant 0 : i32
      %dma_start3A_345 = tpu.memref_slice %arg7[%dma_start3A_344] : memref<10240xf32, #tpu.memory_space<vmem_shared>> -> memref<10240xf32, #tpu.memory_space<vmem_shared>>
      tpu.enqueue_indirect_dma source(%dma_start3A_340 : memref<100xf32, #tpu.memory_space<vmem>>) target(%dma_start3A_345 : memref<10240xf32, #tpu.memory_space<vmem_shared>>) offsets(%dma_start3A_343 : memref<100xi32, #tpu.memory_space<vmem>>) semaphore(%arg8 : memref<!tpu.dma_semaphore, #tpu.memory_space<semaphore_mem>>) {add = true}
      %add3A_346 = arith.constant 6 : i32
      %add3A_347 = arith.addi %mul3A_293, %add3A_346 : i32
      %dma_start3A_348 = arith.constant 0 : i32
      %dma_start3A_349 = tpu.memref_slice %arg5[%dma_start3A_348] : memref<112xf32, #tpu.memory_space<vmem>> -> memref<100xf32, #tpu.memory_space<vmem>>
      %dma_start3A_350 = arith.constant 0 : i32
      %dma_start3A_351 = tpu.memref_slice %arg4[%add3A_347, %dma_start3A_350] : memref<200x100xi32, #tpu.memory_space<vmem>> -> memref<1x100xi32, #tpu.memory_space<vmem>>
      %dma_start3A_352 = tpu.memref_squeeze %dma_start3A_351 : memref<1x100xi32, #tpu.memory_space<vmem>> -> memref<100xi32, #tpu.memory_space<vmem>>
      %dma_start3A_353 = arith.constant 0 : i32
      %dma_start3A_354 = tpu.memref_slice %arg7[%dma_start3A_353] : memref<10240xf32, #tpu.memory_space<vmem_shared>> -> memref<10240xf32, #tpu.memory_space<vmem_shared>>
      tpu.enqueue_indirect_dma source(%dma_start3A_349 : memref<100xf32, #tpu.memory_space<vmem>>) target(%dma_start3A_354 : memref<10240xf32, #tpu.memory_space<vmem_shared>>) offsets(%dma_start3A_352 : memref<100xi32, #tpu.memory_space<vmem>>) semaphore(%arg8 : memref<!tpu.dma_semaphore, #tpu.memory_space<semaphore_mem>>) {add = true}
      %add3A_355 = arith.constant 7 : i32
      %add3A_356 = arith.addi %mul3A_293, %add3A_355 : i32
      %dma_start3A_357 = arith.constant 0 : i32
      %dma_start3A_358 = tpu.memref_slice %arg5[%dma_start3A_357] : memref<112xf32, #tpu.memory_space<vmem>> -> memref<100xf32, #tpu.memory_space<vmem>>
      %dma_start3A_359 = arith.constant 0 : i32
      %dma_start3A_360 = tpu.memref_slice %arg4[%add3A_356, %dma_start3A_359] : memref<200x100xi32, #tpu.memory_space<vmem>> -> memref<1x100xi32, #tpu.memory_space<vmem>>
      %dma_start3A_361 = tpu.memref_squeeze %dma_start3A_360 : memref<1x100xi32, #tpu.memory_space<vmem>> -> memref<100xi32, #tpu.memory_space<vmem>>
      %dma_start3A_362 = arith.constant 0 : i32
      %dma_start3A_363 = tpu.memref_slice %arg7[%dma_start3A_362] : memref<10240xf32, #tpu.memory_space<vmem_shared>> -> memref<10240xf32, #tpu.memory_space<vmem_shared>>
      tpu.enqueue_indirect_dma source(%dma_start3A_358 : memref<100xf32, #tpu.memory_space<vmem>>) target(%dma_start3A_363 : memref<10240xf32, #tpu.memory_space<vmem_shared>>) offsets(%dma_start3A_361 : memref<100xi32, #tpu.memory_space<vmem>>) semaphore(%arg8 : memref<!tpu.dma_semaphore, #tpu.memory_space<semaphore_mem>>) {add = true}
      %add3A_364 = arith.constant 8 : i32
      %add3A_365 = arith.addi %mul3A_293, %add3A_364 : i32
      %dma_start3A_366 = arith.constant 0 : i32
      %dma_start3A_367 = tpu.memref_slice %arg5[%dma_start3A_366] : memref<112xf32, #tpu.memory_space<vmem>> -> memref<100xf32, #tpu.memory_space<vmem>>
      %dma_start3A_368 = arith.constant 0 : i32
      %dma_start3A_369 = tpu.memref_slice %arg4[%add3A_365, %dma_start3A_368] : memref<200x100xi32, #tpu.memory_space<vmem>> -> memref<1x100xi32, #tpu.memory_space<vmem>>
      %dma_start3A_370 = tpu.memref_squeeze %dma_start3A_369 : memref<1x100xi32, #tpu.memory_space<vmem>> -> memref<100xi32, #tpu.memory_space<vmem>>
      %dma_start3A_371 = arith.constant 0 : i32
      %dma_start3A_372 = tpu.memref_slice %arg7[%dma_start3A_371] : memref<10240xf32, #tpu.memory_space<vmem_shared>> -> memref<10240xf32, #tpu.memory_space<vmem_shared>>
      tpu.enqueue_indirect_dma source(%dma_start3A_367 : memref<100xf32, #tpu.memory_space<vmem>>) target(%dma_start3A_372 : memref<10240xf32, #tpu.memory_space<vmem_shared>>) offsets(%dma_start3A_370 : memref<100xi32, #tpu.memory_space<vmem>>) semaphore(%arg8 : memref<!tpu.dma_semaphore, #tpu.memory_space<semaphore_mem>>) {add = true}
      %add3A_373 = arith.constant 9 : i32
      %add3A_374 = arith.addi %mul3A_293, %add3A_373 : i32
      %dma_start3A_375 = arith.constant 0 : i32
      %dma_start3A_376 = tpu.memref_slice %arg5[%dma_start3A_375] : memref<112xf32, #tpu.memory_space<vmem>> -> memref<100xf32, #tpu.memory_space<vmem>>
      %dma_start3A_377 = arith.constant 0 : i32
      %dma_start3A_378 = tpu.memref_slice %arg4[%add3A_374, %dma_start3A_377] : memref<200x100xi32, #tpu.memory_space<vmem>> -> memref<1x100xi32, #tpu.memory_space<vmem>>
      %dma_start3A_379 = tpu.memref_squeeze %dma_start3A_378 : memref<1x100xi32, #tpu.memory_space<vmem>> -> memref<100xi32, #tpu.memory_space<vmem>>
      %dma_start3A_380 = arith.constant 0 : i32
      %dma_start3A_381 = tpu.memref_slice %arg7[%dma_start3A_380] : memref<10240xf32, #tpu.memory_space<vmem_shared>> -> memref<10240xf32, #tpu.memory_space<vmem_shared>>
      tpu.enqueue_indirect_dma source(%dma_start3A_376 : memref<100xf32, #tpu.memory_space<vmem>>) target(%dma_start3A_381 : memref<10240xf32, #tpu.memory_space<vmem_shared>>) offsets(%dma_start3A_379 : memref<100xi32, #tpu.memory_space<vmem>>) semaphore(%arg8 : memref<!tpu.dma_semaphore, #tpu.memory_space<semaphore_mem>>) {add = true}
      %add3A_382 = arith.constant 10 : i32
      %add3A_383 = arith.addi %mul3A_293, %add3A_382 : i32
      %dma_start3A_384 = arith.constant 0 : i32
      %dma_start3A_385 = tpu.memref_slice %arg5[%dma_start3A_384] : memref<112xf32, #tpu.memory_space<vmem>> -> memref<100xf32, #tpu.memory_space<vmem>>
      %dma_start3A_386 = arith.constant 0 : i32
      %dma_start3A_387 = tpu.memref_slice %arg4[%add3A_383, %dma_start3A_386] : memref<200x100xi32, #tpu.memory_space<vmem>> -> memref<1x100xi32, #tpu.memory_space<vmem>>
      %dma_start3A_388 = tpu.memref_squeeze %dma_start3A_387 : memref<1x100xi32, #tpu.memory_space<vmem>> -> memref<100xi32, #tpu.memory_space<vmem>>
      %dma_start3A_389 = arith.constant 0 : i32
      %dma_start3A_390 = tpu.memref_slice %arg7[%dma_start3A_389] : memref<10240xf32, #tpu.memory_space<vmem_shared>> -> memref<10240xf32, #tpu.memory_space<vmem_shared>>
      tpu.enqueue_indirect_dma source(%dma_start3A_385 : memref<100xf32, #tpu.memory_space<vmem>>) target(%dma_start3A_390 : memref<10240xf32, #tpu.memory_space<vmem_shared>>) offsets(%dma_start3A_388 : memref<100xi32, #tpu.memory_space<vmem>>) semaphore(%arg8 : memref<!tpu.dma_semaphore, #tpu.memory_space<semaphore_mem>>) {add = true}
      %add3A_391 = arith.constant 11 : i32
      %add3A_392 = arith.addi %mul3A_293, %add3A_391 : i32
      %dma_start3A_393 = arith.constant 0 : i32
      %dma_start3A_394 = tpu.memref_slice %arg5[%dma_start3A_393] : memref<112xf32, #tpu.memory_space<vmem>> -> memref<100xf32, #tpu.memory_space<vmem>>
      %dma_start3A_395 = arith.constant 0 : i32
      %dma_start3A_396 = tpu.memref_slice %arg4[%add3A_392, %dma_start3A_395] : memref<200x100xi32, #tpu.memory_space<vmem>> -> memref<1x100xi32, #tpu.memory_space<vmem>>
      %dma_start3A_397 = tpu.memref_squeeze %dma_start3A_396 : memref<1x100xi32, #tpu.memory_space<vmem>> -> memref<100xi32, #tpu.memory_space<vmem>>
      %dma_start3A_398 = arith.constant 0 : i32
      %dma_start3A_399 = tpu.memref_slice %arg7[%dma_start3A_398] : memref<10240xf32, #tpu.memory_space<vmem_shared>> -> memref<10240xf32, #tpu.memory_space<vmem_shared>>
      tpu.enqueue_indirect_dma source(%dma_start3A_394 : memref<100xf32, #tpu.memory_space<vmem>>) target(%dma_start3A_399 : memref<10240xf32, #tpu.memory_space<vmem_shared>>) offsets(%dma_start3A_397 : memref<100xi32, #tpu.memory_space<vmem>>) semaphore(%arg8 : memref<!tpu.dma_semaphore, #tpu.memory_space<semaphore_mem>>) {add = true}
      %add3A_400 = arith.constant 12 : i32
      %add3A_401 = arith.addi %mul3A_293, %add3A_400 : i32
      %dma_start3A_402 = arith.constant 0 : i32
      %dma_start3A_403 = tpu.memref_slice %arg5[%dma_start3A_402] : memref<112xf32, #tpu.memory_space<vmem>> -> memref<100xf32, #tpu.memory_space<vmem>>
      %dma_start3A_404 = arith.constant 0 : i32
      %dma_start3A_405 = tpu.memref_slice %arg4[%add3A_401, %dma_start3A_404] : memref<200x100xi32, #tpu.memory_space<vmem>> -> memref<1x100xi32, #tpu.memory_space<vmem>>
      %dma_start3A_406 = tpu.memref_squeeze %dma_start3A_405 : memref<1x100xi32, #tpu.memory_space<vmem>> -> memref<100xi32, #tpu.memory_space<vmem>>
      %dma_start3A_407 = arith.constant 0 : i32
      %dma_start3A_408 = tpu.memref_slice %arg7[%dma_start3A_407] : memref<10240xf32, #tpu.memory_space<vmem_shared>> -> memref<10240xf32, #tpu.memory_space<vmem_shared>>
      tpu.enqueue_indirect_dma source(%dma_start3A_403 : memref<100xf32, #tpu.memory_space<vmem>>) target(%dma_start3A_408 : memref<10240xf32, #tpu.memory_space<vmem_shared>>) offsets(%dma_start3A_406 : memref<100xi32, #tpu.memory_space<vmem>>) semaphore(%arg8 : memref<!tpu.dma_semaphore, #tpu.memory_space<semaphore_mem>>) {add = true}
      %add3A_409 = arith.constant 13 : i32
      %add3A_410 = arith.addi %mul3A_293, %add3A_409 : i32
      %dma_start3A_411 = arith.constant 0 : i32
      %dma_start3A_412 = tpu.memref_slice %arg5[%dma_start3A_411] : memref<112xf32, #tpu.memory_space<vmem>> -> memref<100xf32, #tpu.memory_space<vmem>>
      %dma_start3A_413 = arith.constant 0 : i32
      %dma_start3A_414 = tpu.memref_slice %arg4[%add3A_410, %dma_start3A_413] : memref<200x100xi32, #tpu.memory_space<vmem>> -> memref<1x100xi32, #tpu.memory_space<vmem>>
      %dma_start3A_415 = tpu.memref_squeeze %dma_start3A_414 : memref<1x100xi32, #tpu.memory_space<vmem>> -> memref<100xi32, #tpu.memory_space<vmem>>
      %dma_start3A_416 = arith.constant 0 : i32
      %dma_start3A_417 = tpu.memref_slice %arg7[%dma_start3A_416] : memref<10240xf32, #tpu.memory_space<vmem_shared>> -> memref<10240xf32, #tpu.memory_space<vmem_shared>>
      tpu.enqueue_indirect_dma source(%dma_start3A_412 : memref<100xf32, #tpu.memory_space<vmem>>) target(%dma_start3A_417 : memref<10240xf32, #tpu.memory_space<vmem_shared>>) offsets(%dma_start3A_415 : memref<100xi32, #tpu.memory_space<vmem>>) semaphore(%arg8 : memref<!tpu.dma_semaphore, #tpu.memory_space<semaphore_mem>>) {add = true}
      %add3A_418 = arith.constant 14 : i32
      %add3A_419 = arith.addi %mul3A_293, %add3A_418 : i32
      %dma_start3A_420 = arith.constant 0 : i32
      %dma_start3A_421 = tpu.memref_slice %arg5[%dma_start3A_420] : memref<112xf32, #tpu.memory_space<vmem>> -> memref<100xf32, #tpu.memory_space<vmem>>
      %dma_start3A_422 = arith.constant 0 : i32
      %dma_start3A_423 = tpu.memref_slice %arg4[%add3A_419, %dma_start3A_422] : memref<200x100xi32, #tpu.memory_space<vmem>> -> memref<1x100xi32, #tpu.memory_space<vmem>>
      %dma_start3A_424 = tpu.memref_squeeze %dma_start3A_423 : memref<1x100xi32, #tpu.memory_space<vmem>> -> memref<100xi32, #tpu.memory_space<vmem>>
      %dma_start3A_425 = arith.constant 0 : i32
      %dma_start3A_426 = tpu.memref_slice %arg7[%dma_start3A_425] : memref<10240xf32, #tpu.memory_space<vmem_shared>> -> memref<10240xf32, #tpu.memory_space<vmem_shared>>
      tpu.enqueue_indirect_dma source(%dma_start3A_421 : memref<100xf32, #tpu.memory_space<vmem>>) target(%dma_start3A_426 : memref<10240xf32, #tpu.memory_space<vmem_shared>>) offsets(%dma_start3A_424 : memref<100xi32, #tpu.memory_space<vmem>>) semaphore(%arg8 : memref<!tpu.dma_semaphore, #tpu.memory_space<semaphore_mem>>) {add = true}
      %add3A_427 = arith.constant 15 : i32
      %add3A_428 = arith.addi %mul3A_293, %add3A_427 : i32
      %dma_start3A_429 = arith.constant 0 : i32
      %dma_start3A_430 = tpu.memref_slice %arg5[%dma_start3A_429] : memref<112xf32, #tpu.memory_space<vmem>> -> memref<100xf32, #tpu.memory_space<vmem>>
      %dma_start3A_431 = arith.constant 0 : i32
      %dma_start3A_432 = tpu.memref_slice %arg4[%add3A_428, %dma_start3A_431] : memref<200x100xi32, #tpu.memory_space<vmem>> -> memref<1x100xi32, #tpu.memory_space<vmem>>
      %dma_start3A_433 = tpu.memref_squeeze %dma_start3A_432 : memref<1x100xi32, #tpu.memory_space<vmem>> -> memref<100xi32, #tpu.memory_space<vmem>>
      %dma_start3A_434 = arith.constant 0 : i32
      %dma_start3A_435 = tpu.memref_slice %arg7[%dma_start3A_434] : memref<10240xf32, #tpu.memory_space<vmem_shared>> -> memref<10240xf32, #tpu.memory_space<vmem_shared>>
      tpu.enqueue_indirect_dma source(%dma_start3A_430 : memref<100xf32, #tpu.memory_space<vmem>>) target(%dma_start3A_435 : memref<10240xf32, #tpu.memory_space<vmem_shared>>) offsets(%dma_start3A_433 : memref<100xi32, #tpu.memory_space<vmem>>) semaphore(%arg8 : memref<!tpu.dma_semaphore, #tpu.memory_space<semaphore_mem>>) {add = true}
      %add3A_436 = arith.constant 16 : i32
      %add3A_437 = arith.addi %mul3A_293, %add3A_436 : i32
      %dma_start3A_438 = arith.constant 0 : i32
      %dma_start3A_439 = tpu.memref_slice %arg5[%dma_start3A_438] : memref<112xf32, #tpu.memory_space<vmem>> -> memref<100xf32, #tpu.memory_space<vmem>>
      %dma_start3A_440 = arith.constant 0 : i32
      %dma_start3A_441 = tpu.memref_slice %arg4[%add3A_437, %dma_start3A_440] : memref<200x100xi32, #tpu.memory_space<vmem>> -> memref<1x100xi32, #tpu.memory_space<vmem>>
      %dma_start3A_442 = tpu.memref_squeeze %dma_start3A_441 : memref<1x100xi32, #tpu.memory_space<vmem>> -> memref<100xi32, #tpu.memory_space<vmem>>
      %dma_start3A_443 = arith.constant 0 : i32
      %dma_start3A_444 = tpu.memref_slice %arg7[%dma_start3A_443] : memref<10240xf32, #tpu.memory_space<vmem_shared>> -> memref<10240xf32, #tpu.memory_space<vmem_shared>>
      tpu.enqueue_indirect_dma source(%dma_start3A_439 : memref<100xf32, #tpu.memory_space<vmem>>) target(%dma_start3A_444 : memref<10240xf32, #tpu.memory_space<vmem_shared>>) offsets(%dma_start3A_442 : memref<100xi32, #tpu.memory_space<vmem>>) semaphore(%arg8 : memref<!tpu.dma_semaphore, #tpu.memory_space<semaphore_mem>>) {add = true}
      %add3A_445 = arith.constant 17 : i32
      %add3A_446 = arith.addi %mul3A_293, %add3A_445 : i32
      %dma_start3A_447 = arith.constant 0 : i32
      %dma_start3A_448 = tpu.memref_slice %arg5[%dma_start3A_447] : memref<112xf32, #tpu.memory_space<vmem>> -> memref<100xf32, #tpu.memory_space<vmem>>
      %dma_start3A_449 = arith.constant 0 : i32
      %dma_start3A_450 = tpu.memref_slice %arg4[%add3A_446, %dma_start3A_449] : memref<200x100xi32, #tpu.memory_space<vmem>> -> memref<1x100xi32, #tpu.memory_space<vmem>>
      %dma_start3A_451 = tpu.memref_squeeze %dma_start3A_450 : memref<1x100xi32, #tpu.memory_space<vmem>> -> memref<100xi32, #tpu.memory_space<vmem>>
      %dma_start3A_452 = arith.constant 0 : i32
      %dma_start3A_453 = tpu.memref_slice %arg7[%dma_start3A_452] : memref<10240xf32, #tpu.memory_space<vmem_shared>> -> memref<10240xf32, #tpu.memory_space<vmem_shared>>
      tpu.enqueue_indirect_dma source(%dma_start3A_448 : memref<100xf32, #tpu.memory_space<vmem>>) target(%dma_start3A_453 : memref<10240xf32, #tpu.memory_space<vmem_shared>>) offsets(%dma_start3A_451 : memref<100xi32, #tpu.memory_space<vmem>>) semaphore(%arg8 : memref<!tpu.dma_semaphore, #tpu.memory_space<semaphore_mem>>) {add = true}
      %add3A_454 = arith.constant 18 : i32
      %add3A_455 = arith.addi %mul3A_293, %add3A_454 : i32
      %dma_start3A_456 = arith.constant 0 : i32
      %dma_start3A_457 = tpu.memref_slice %arg5[%dma_start3A_456] : memref<112xf32, #tpu.memory_space<vmem>> -> memref<100xf32, #tpu.memory_space<vmem>>
      %dma_start3A_458 = arith.constant 0 : i32
      %dma_start3A_459 = tpu.memref_slice %arg4[%add3A_455, %dma_start3A_458] : memref<200x100xi32, #tpu.memory_space<vmem>> -> memref<1x100xi32, #tpu.memory_space<vmem>>
      %dma_start3A_460 = tpu.memref_squeeze %dma_start3A_459 : memref<1x100xi32, #tpu.memory_space<vmem>> -> memref<100xi32, #tpu.memory_space<vmem>>
      %dma_start3A_461 = arith.constant 0 : i32
      %dma_start3A_462 = tpu.memref_slice %arg7[%dma_start3A_461] : memref<10240xf32, #tpu.memory_space<vmem_shared>> -> memref<10240xf32, #tpu.memory_space<vmem_shared>>
      tpu.enqueue_indirect_dma source(%dma_start3A_457 : memref<100xf32, #tpu.memory_space<vmem>>) target(%dma_start3A_462 : memref<10240xf32, #tpu.memory_space<vmem_shared>>) offsets(%dma_start3A_460 : memref<100xi32, #tpu.memory_space<vmem>>) semaphore(%arg8 : memref<!tpu.dma_semaphore, #tpu.memory_space<semaphore_mem>>) {add = true}
      %add3A_463 = arith.constant 19 : i32
      %add3A_464 = arith.addi %mul3A_293, %add3A_463 : i32
      %dma_start3A_465 = arith.constant 0 : i32
      %dma_start3A_466 = tpu.memref_slice %arg5[%dma_start3A_465] : memref<112xf32, #tpu.memory_space<vmem>> -> memref<100xf32, #tpu.memory_space<vmem>>
      %dma_start3A_467 = arith.constant 0 : i32
      %dma_start3A_468 = tpu.memref_slice %arg4[%add3A_464, %dma_start3A_467] : memref<200x100xi32, #tpu.memory_space<vmem>> -> memref<1x100xi32, #tpu.memory_space<vmem>>
      %dma_start3A_469 = tpu.memref_squeeze %dma_start3A_468 : memref<1x100xi32, #tpu.memory_space<vmem>> -> memref<100xi32, #tpu.memory_space<vmem>>
      %dma_start3A_470 = arith.constant 0 : i32
      %dma_start3A_471 = tpu.memref_slice %arg7[%dma_start3A_470] : memref<10240xf32, #tpu.memory_space<vmem_shared>> -> memref<10240xf32, #tpu.memory_space<vmem_shared>>
      tpu.enqueue_indirect_dma source(%dma_start3A_466 : memref<100xf32, #tpu.memory_space<vmem>>) target(%dma_start3A_471 : memref<10240xf32, #tpu.memory_space<vmem_shared>>) offsets(%dma_start3A_469 : memref<100xi32, #tpu.memory_space<vmem>>) semaphore(%arg8 : memref<!tpu.dma_semaphore, #tpu.memory_space<semaphore_mem>>) {add = true}
      %add3A_472 = arith.constant 20 : i32
      %add3A_473 = arith.addi %mul3A_293, %add3A_472 : i32
      %dma_start3A_474 = arith.constant 0 : i32
      %dma_start3A_475 = tpu.memref_slice %arg5[%dma_start3A_474] : memref<112xf32, #tpu.memory_space<vmem>> -> memref<100xf32, #tpu.memory_space<vmem>>
      %dma_start3A_476 = arith.constant 0 : i32
      %dma_start3A_477 = tpu.memref_slice %arg4[%add3A_473, %dma_start3A_476] : memref<200x100xi32, #tpu.memory_space<vmem>> -> memref<1x100xi32, #tpu.memory_space<vmem>>
      %dma_start3A_478 = tpu.memref_squeeze %dma_start3A_477 : memref<1x100xi32, #tpu.memory_space<vmem>> -> memref<100xi32, #tpu.memory_space<vmem>>
      %dma_start3A_479 = arith.constant 0 : i32
      %dma_start3A_480 = tpu.memref_slice %arg7[%dma_start3A_479] : memref<10240xf32, #tpu.memory_space<vmem_shared>> -> memref<10240xf32, #tpu.memory_space<vmem_shared>>
      tpu.enqueue_indirect_dma source(%dma_start3A_475 : memref<100xf32, #tpu.memory_space<vmem>>) target(%dma_start3A_480 : memref<10240xf32, #tpu.memory_space<vmem_shared>>) offsets(%dma_start3A_478 : memref<100xi32, #tpu.memory_space<vmem>>) semaphore(%arg8 : memref<!tpu.dma_semaphore, #tpu.memory_space<semaphore_mem>>) {add = true}
      %add3A_481 = arith.constant 21 : i32
      %add3A_482 = arith.addi %mul3A_293, %add3A_481 : i32
      %dma_start3A_483 = arith.constant 0 : i32
      %dma_start3A_484 = tpu.memref_slice %arg5[%dma_start3A_483] : memref<112xf32, #tpu.memory_space<vmem>> -> memref<100xf32, #tpu.memory_space<vmem>>
      %dma_start3A_485 = arith.constant 0 : i32
      %dma_start3A_486 = tpu.memref_slice %arg4[%add3A_482, %dma_start3A_485] : memref<200x100xi32, #tpu.memory_space<vmem>> -> memref<1x100xi32, #tpu.memory_space<vmem>>
      %dma_start3A_487 = tpu.memref_squeeze %dma_start3A_486 : memref<1x100xi32, #tpu.memory_space<vmem>> -> memref<100xi32, #tpu.memory_space<vmem>>
      %dma_start3A_488 = arith.constant 0 : i32
      %dma_start3A_489 = tpu.memref_slice %arg7[%dma_start3A_488] : memref<10240xf32, #tpu.memory_space<vmem_shared>> -> memref<10240xf32, #tpu.memory_space<vmem_shared>>
      tpu.enqueue_indirect_dma source(%dma_start3A_484 : memref<100xf32, #tpu.memory_space<vmem>>) target(%dma_start3A_489 : memref<10240xf32, #tpu.memory_space<vmem_shared>>) offsets(%dma_start3A_487 : memref<100xi32, #tpu.memory_space<vmem>>) semaphore(%arg8 : memref<!tpu.dma_semaphore, #tpu.memory_space<semaphore_mem>>) {add = true}
      %add3A_490 = arith.constant 22 : i32
      %add3A_491 = arith.addi %mul3A_293, %add3A_490 : i32
      %dma_start3A_492 = arith.constant 0 : i32
      %dma_start3A_493 = tpu.memref_slice %arg5[%dma_start3A_492] : memref<112xf32, #tpu.memory_space<vmem>> -> memref<100xf32, #tpu.memory_space<vmem>>
      %dma_start3A_494 = arith.constant 0 : i32
      %dma_start3A_495 = tpu.memref_slice %arg4[%add3A_491, %dma_start3A_494] : memref<200x100xi32, #tpu.memory_space<vmem>> -> memref<1x100xi32, #tpu.memory_space<vmem>>
      %dma_start3A_496 = tpu.memref_squeeze %dma_start3A_495 : memref<1x100xi32, #tpu.memory_space<vmem>> -> memref<100xi32, #tpu.memory_space<vmem>>
      %dma_start3A_497 = arith.constant 0 : i32
      %dma_start3A_498 = tpu.memref_slice %arg7[%dma_start3A_497] : memref<10240xf32, #tpu.memory_space<vmem_shared>> -> memref<10240xf32, #tpu.memory_space<vmem_shared>>
      tpu.enqueue_indirect_dma source(%dma_start3A_493 : memref<100xf32, #tpu.memory_space<vmem>>) target(%dma_start3A_498 : memref<10240xf32, #tpu.memory_space<vmem_shared>>) offsets(%dma_start3A_496 : memref<100xi32, #tpu.memory_space<vmem>>) semaphore(%arg8 : memref<!tpu.dma_semaphore, #tpu.memory_space<semaphore_mem>>) {add = true}
      %add3A_499 = arith.constant 23 : i32
      %add3A_500 = arith.addi %mul3A_293, %add3A_499 : i32
      %dma_start3A_501 = arith.constant 0 : i32
      %dma_start3A_502 = tpu.memref_slice %arg5[%dma_start3A_501] : memref<112xf32, #tpu.memory_space<vmem>> -> memref<100xf32, #tpu.memory_space<vmem>>
      %dma_start3A_503 = arith.constant 0 : i32
      %dma_start3A_504 = tpu.memref_slice %arg4[%add3A_500, %dma_start3A_503] : memref<200x100xi32, #tpu.memory_space<vmem>> -> memref<1x100xi32, #tpu.memory_space<vmem>>
      %dma_start3A_505 = tpu.memref_squeeze %dma_start3A_504 : memref<1x100xi32, #tpu.memory_space<vmem>> -> memref<100xi32, #tpu.memory_space<vmem>>
      %dma_start3A_506 = arith.constant 0 : i32
      %dma_start3A_507 = tpu.memref_slice %arg7[%dma_start3A_506] : memref<10240xf32, #tpu.memory_space<vmem_shared>> -> memref<10240xf32, #tpu.memory_space<vmem_shared>>
      tpu.enqueue_indirect_dma source(%dma_start3A_502 : memref<100xf32, #tpu.memory_space<vmem>>) target(%dma_start3A_507 : memref<10240xf32, #tpu.memory_space<vmem_shared>>) offsets(%dma_start3A_505 : memref<100xi32, #tpu.memory_space<vmem>>) semaphore(%arg8 : memref<!tpu.dma_semaphore, #tpu.memory_space<semaphore_mem>>) {add = true}
      %add3A_508 = arith.constant 24 : i32
      %add3A_509 = arith.addi %mul3A_293, %add3A_508 : i32
      %dma_start3A_510 = arith.constant 0 : i32
      %dma_start3A_511 = tpu.memref_slice %arg5[%dma_start3A_510] : memref<112xf32, #tpu.memory_space<vmem>> -> memref<100xf32, #tpu.memory_space<vmem>>
      %dma_start3A_512 = arith.constant 0 : i32
      %dma_start3A_513 = tpu.memref_slice %arg4[%add3A_509, %dma_start3A_512] : memref<200x100xi32, #tpu.memory_space<vmem>> -> memref<1x100xi32, #tpu.memory_space<vmem>>
      %dma_start3A_514 = tpu.memref_squeeze %dma_start3A_513 : memref<1x100xi32, #tpu.memory_space<vmem>> -> memref<100xi32, #tpu.memory_space<vmem>>
      %dma_start3A_515 = arith.constant 0 : i32
      %dma_start3A_516 = tpu.memref_slice %arg7[%dma_start3A_515] : memref<10240xf32, #tpu.memory_space<vmem_shared>> -> memref<10240xf32, #tpu.memory_space<vmem_shared>>
      tpu.enqueue_indirect_dma source(%dma_start3A_511 : memref<100xf32, #tpu.memory_space<vmem>>) target(%dma_start3A_516 : memref<10240xf32, #tpu.memory_space<vmem_shared>>) offsets(%dma_start3A_514 : memref<100xi32, #tpu.memory_space<vmem>>) semaphore(%arg8 : memref<!tpu.dma_semaphore, #tpu.memory_space<semaphore_mem>>) {add = true}
      %add3A_517 = arith.constant 0 : i32
      %add3A_518 = arith.addi %mul3A_293, %add3A_517 : i32
      %dma_wait3A = arith.constant 0 : i32
      %dma_wait3A_519 = tpu.memref_slice %arg5[%dma_wait3A] : memref<112xf32, #tpu.memory_space<vmem>> -> memref<100xf32, #tpu.memory_space<vmem>>
      %dma_wait3A_520 = arith.constant 0 : i32
      %dma_wait3A_521 = tpu.memref_slice %arg4[%add3A_518, %dma_wait3A_520] : memref<200x100xi32, #tpu.memory_space<vmem>> -> memref<1x100xi32, #tpu.memory_space<vmem>>
      %dma_wait3A_522 = tpu.memref_squeeze %dma_wait3A_521 : memref<1x100xi32, #tpu.memory_space<vmem>> -> memref<100xi32, #tpu.memory_space<vmem>>
      %dma_wait3A_523 = arith.constant 0 : i32
      %dma_wait3A_524 = tpu.memref_slice %arg7[%dma_wait3A_523] : memref<10240xf32, #tpu.memory_space<vmem_shared>> -> memref<10240xf32, #tpu.memory_space<vmem_shared>>
      tpu.wait_indirect_dma semaphore(%arg8 : memref<!tpu.dma_semaphore, #tpu.memory_space<semaphore_mem>>) src(%dma_wait3A_519 : memref<100xf32, #tpu.memory_space<vmem>>) dst(%dma_wait3A_524 : memref<10240xf32, #tpu.memory_space<vmem_shared>>)
      %add3A_525 = arith.constant 1 : i32
      %add3A_526 = arith.addi %mul3A_293, %add3A_525 : i32
      %dma_wait3A_527 = arith.constant 0 : i32
      %dma_wait3A_528 = tpu.memref_slice %arg5[%dma_wait3A_527] : memref<112xf32, #tpu.memory_space<vmem>> -> memref<100xf32, #tpu.memory_space<vmem>>
      %dma_wait3A_529 = arith.constant 0 : i32
      %dma_wait3A_530 = tpu.memref_slice %arg4[%add3A_526, %dma_wait3A_529] : memref<200x100xi32, #tpu.memory_space<vmem>> -> memref<1x100xi32, #tpu.memory_space<vmem>>
      %dma_wait3A_531 = tpu.memref_squeeze %dma_wait3A_530 : memref<1x100xi32, #tpu.memory_space<vmem>> -> memref<100xi32, #tpu.memory_space<vmem>>
      %dma_wait3A_532 = arith.constant 0 : i32
      %dma_wait3A_533 = tpu.memref_slice %arg7[%dma_wait3A_532] : memref<10240xf32, #tpu.memory_space<vmem_shared>> -> memref<10240xf32, #tpu.memory_space<vmem_shared>>
      tpu.wait_indirect_dma semaphore(%arg8 : memref<!tpu.dma_semaphore, #tpu.memory_space<semaphore_mem>>) src(%dma_wait3A_528 : memref<100xf32, #tpu.memory_space<vmem>>) dst(%dma_wait3A_533 : memref<10240xf32, #tpu.memory_space<vmem_shared>>)
      %add3A_534 = arith.constant 2 : i32
      %add3A_535 = arith.addi %mul3A_293, %add3A_534 : i32
      %dma_wait3A_536 = arith.constant 0 : i32
      %dma_wait3A_537 = tpu.memref_slice %arg5[%dma_wait3A_536] : memref<112xf32, #tpu.memory_space<vmem>> -> memref<100xf32, #tpu.memory_space<vmem>>
      %dma_wait3A_538 = arith.constant 0 : i32
      %dma_wait3A_539 = tpu.memref_slice %arg4[%add3A_535, %dma_wait3A_538] : memref<200x100xi32, #tpu.memory_space<vmem>> -> memref<1x100xi32, #tpu.memory_space<vmem>>
      %dma_wait3A_540 = tpu.memref_squeeze %dma_wait3A_539 : memref<1x100xi32, #tpu.memory_space<vmem>> -> memref<100xi32, #tpu.memory_space<vmem>>
      %dma_wait3A_541 = arith.constant 0 : i32
      %dma_wait3A_542 = tpu.memref_slice %arg7[%dma_wait3A_541] : memref<10240xf32, #tpu.memory_space<vmem_shared>> -> memref<10240xf32, #tpu.memory_space<vmem_shared>>
      tpu.wait_indirect_dma semaphore(%arg8 : memref<!tpu.dma_semaphore, #tpu.memory_space<semaphore_mem>>) src(%dma_wait3A_537 : memref<100xf32, #tpu.memory_space<vmem>>) dst(%dma_wait3A_542 : memref<10240xf32, #tpu.memory_space<vmem_shared>>)
      %add3A_543 = arith.constant 3 : i32
      %add3A_544 = arith.addi %mul3A_293, %add3A_543 : i32
      %dma_wait3A_545 = arith.constant 0 : i32
      %dma_wait3A_546 = tpu.memref_slice %arg5[%dma_wait3A_545] : memref<112xf32, #tpu.memory_space<vmem>> -> memref<100xf32, #tpu.memory_space<vmem>>
      %dma_wait3A_547 = arith.constant 0 : i32
      %dma_wait3A_548 = tpu.memref_slice %arg4[%add3A_544, %dma_wait3A_547] : memref<200x100xi32, #tpu.memory_space<vmem>> -> memref<1x100xi32, #tpu.memory_space<vmem>>
      %dma_wait3A_549 = tpu.memref_squeeze %dma_wait3A_548 : memref<1x100xi32, #tpu.memory_space<vmem>> -> memref<100xi32, #tpu.memory_space<vmem>>
      %dma_wait3A_550 = arith.constant 0 : i32
      %dma_wait3A_551 = tpu.memref_slice %arg7[%dma_wait3A_550] : memref<10240xf32, #tpu.memory_space<vmem_shared>> -> memref<10240xf32, #tpu.memory_space<vmem_shared>>
      tpu.wait_indirect_dma semaphore(%arg8 : memref<!tpu.dma_semaphore, #tpu.memory_space<semaphore_mem>>) src(%dma_wait3A_546 : memref<100xf32, #tpu.memory_space<vmem>>) dst(%dma_wait3A_551 : memref<10240xf32, #tpu.memory_space<vmem_shared>>)
      %add3A_552 = arith.constant 4 : i32
      %add3A_553 = arith.addi %mul3A_293, %add3A_552 : i32
      %dma_wait3A_554 = arith.constant 0 : i32
      %dma_wait3A_555 = tpu.memref_slice %arg5[%dma_wait3A_554] : memref<112xf32, #tpu.memory_space<vmem>> -> memref<100xf32, #tpu.memory_space<vmem>>
      %dma_wait3A_556 = arith.constant 0 : i32
      %dma_wait3A_557 = tpu.memref_slice %arg4[%add3A_553, %dma_wait3A_556] : memref<200x100xi32, #tpu.memory_space<vmem>> -> memref<1x100xi32, #tpu.memory_space<vmem>>
      %dma_wait3A_558 = tpu.memref_squeeze %dma_wait3A_557 : memref<1x100xi32, #tpu.memory_space<vmem>> -> memref<100xi32, #tpu.memory_space<vmem>>
      %dma_wait3A_559 = arith.constant 0 : i32
      %dma_wait3A_560 = tpu.memref_slice %arg7[%dma_wait3A_559] : memref<10240xf32, #tpu.memory_space<vmem_shared>> -> memref<10240xf32, #tpu.memory_space<vmem_shared>>
      tpu.wait_indirect_dma semaphore(%arg8 : memref<!tpu.dma_semaphore, #tpu.memory_space<semaphore_mem>>) src(%dma_wait3A_555 : memref<100xf32, #tpu.memory_space<vmem>>) dst(%dma_wait3A_560 : memref<10240xf32, #tpu.memory_space<vmem_shared>>)
      %add3A_561 = arith.constant 5 : i32
      %add3A_562 = arith.addi %mul3A_293, %add3A_561 : i32
      %dma_wait3A_563 = arith.constant 0 : i32
      %dma_wait3A_564 = tpu.memref_slice %arg5[%dma_wait3A_563] : memref<112xf32, #tpu.memory_space<vmem>> -> memref<100xf32, #tpu.memory_space<vmem>>
      %dma_wait3A_565 = arith.constant 0 : i32
      %dma_wait3A_566 = tpu.memref_slice %arg4[%add3A_562, %dma_wait3A_565] : memref<200x100xi32, #tpu.memory_space<vmem>> -> memref<1x100xi32, #tpu.memory_space<vmem>>
      %dma_wait3A_567 = tpu.memref_squeeze %dma_wait3A_566 : memref<1x100xi32, #tpu.memory_space<vmem>> -> memref<100xi32, #tpu.memory_space<vmem>>
      %dma_wait3A_568 = arith.constant 0 : i32
      %dma_wait3A_569 = tpu.memref_slice %arg7[%dma_wait3A_568] : memref<10240xf32, #tpu.memory_space<vmem_shared>> -> memref<10240xf32, #tpu.memory_space<vmem_shared>>
      tpu.wait_indirect_dma semaphore(%arg8 : memref<!tpu.dma_semaphore, #tpu.memory_space<semaphore_mem>>) src(%dma_wait3A_564 : memref<100xf32, #tpu.memory_space<vmem>>) dst(%dma_wait3A_569 : memref<10240xf32, #tpu.memory_space<vmem_shared>>)
      %add3A_570 = arith.constant 6 : i32
      %add3A_571 = arith.addi %mul3A_293, %add3A_570 : i32
      %dma_wait3A_572 = arith.constant 0 : i32
      %dma_wait3A_573 = tpu.memref_slice %arg5[%dma_wait3A_572] : memref<112xf32, #tpu.memory_space<vmem>> -> memref<100xf32, #tpu.memory_space<vmem>>
      %dma_wait3A_574 = arith.constant 0 : i32
      %dma_wait3A_575 = tpu.memref_slice %arg4[%add3A_571, %dma_wait3A_574] : memref<200x100xi32, #tpu.memory_space<vmem>> -> memref<1x100xi32, #tpu.memory_space<vmem>>
      %dma_wait3A_576 = tpu.memref_squeeze %dma_wait3A_575 : memref<1x100xi32, #tpu.memory_space<vmem>> -> memref<100xi32, #tpu.memory_space<vmem>>
      %dma_wait3A_577 = arith.constant 0 : i32
      %dma_wait3A_578 = tpu.memref_slice %arg7[%dma_wait3A_577] : memref<10240xf32, #tpu.memory_space<vmem_shared>> -> memref<10240xf32, #tpu.memory_space<vmem_shared>>
      tpu.wait_indirect_dma semaphore(%arg8 : memref<!tpu.dma_semaphore, #tpu.memory_space<semaphore_mem>>) src(%dma_wait3A_573 : memref<100xf32, #tpu.memory_space<vmem>>) dst(%dma_wait3A_578 : memref<10240xf32, #tpu.memory_space<vmem_shared>>)
      %add3A_579 = arith.constant 7 : i32
      %add3A_580 = arith.addi %mul3A_293, %add3A_579 : i32
      %dma_wait3A_581 = arith.constant 0 : i32
      %dma_wait3A_582 = tpu.memref_slice %arg5[%dma_wait3A_581] : memref<112xf32, #tpu.memory_space<vmem>> -> memref<100xf32, #tpu.memory_space<vmem>>
      %dma_wait3A_583 = arith.constant 0 : i32
      %dma_wait3A_584 = tpu.memref_slice %arg4[%add3A_580, %dma_wait3A_583] : memref<200x100xi32, #tpu.memory_space<vmem>> -> memref<1x100xi32, #tpu.memory_space<vmem>>
      %dma_wait3A_585 = tpu.memref_squeeze %dma_wait3A_584 : memref<1x100xi32, #tpu.memory_space<vmem>> -> memref<100xi32, #tpu.memory_space<vmem>>
      %dma_wait3A_586 = arith.constant 0 : i32
      %dma_wait3A_587 = tpu.memref_slice %arg7[%dma_wait3A_586] : memref<10240xf32, #tpu.memory_space<vmem_shared>> -> memref<10240xf32, #tpu.memory_space<vmem_shared>>
      tpu.wait_indirect_dma semaphore(%arg8 : memref<!tpu.dma_semaphore, #tpu.memory_space<semaphore_mem>>) src(%dma_wait3A_582 : memref<100xf32, #tpu.memory_space<vmem>>) dst(%dma_wait3A_587 : memref<10240xf32, #tpu.memory_space<vmem_shared>>)
      %add3A_588 = arith.constant 8 : i32
      %add3A_589 = arith.addi %mul3A_293, %add3A_588 : i32
      %dma_wait3A_590 = arith.constant 0 : i32
      %dma_wait3A_591 = tpu.memref_slice %arg5[%dma_wait3A_590] : memref<112xf32, #tpu.memory_space<vmem>> -> memref<100xf32, #tpu.memory_space<vmem>>
      %dma_wait3A_592 = arith.constant 0 : i32
      %dma_wait3A_593 = tpu.memref_slice %arg4[%add3A_589, %dma_wait3A_592] : memref<200x100xi32, #tpu.memory_space<vmem>> -> memref<1x100xi32, #tpu.memory_space<vmem>>
      %dma_wait3A_594 = tpu.memref_squeeze %dma_wait3A_593 : memref<1x100xi32, #tpu.memory_space<vmem>> -> memref<100xi32, #tpu.memory_space<vmem>>
      %dma_wait3A_595 = arith.constant 0 : i32
      %dma_wait3A_596 = tpu.memref_slice %arg7[%dma_wait3A_595] : memref<10240xf32, #tpu.memory_space<vmem_shared>> -> memref<10240xf32, #tpu.memory_space<vmem_shared>>
      tpu.wait_indirect_dma semaphore(%arg8 : memref<!tpu.dma_semaphore, #tpu.memory_space<semaphore_mem>>) src(%dma_wait3A_591 : memref<100xf32, #tpu.memory_space<vmem>>) dst(%dma_wait3A_596 : memref<10240xf32, #tpu.memory_space<vmem_shared>>)
      %add3A_597 = arith.constant 9 : i32
      %add3A_598 = arith.addi %mul3A_293, %add3A_597 : i32
      %dma_wait3A_599 = arith.constant 0 : i32
      %dma_wait3A_600 = tpu.memref_slice %arg5[%dma_wait3A_599] : memref<112xf32, #tpu.memory_space<vmem>> -> memref<100xf32, #tpu.memory_space<vmem>>
      %dma_wait3A_601 = arith.constant 0 : i32
      %dma_wait3A_602 = tpu.memref_slice %arg4[%add3A_598, %dma_wait3A_601] : memref<200x100xi32, #tpu.memory_space<vmem>> -> memref<1x100xi32, #tpu.memory_space<vmem>>
      %dma_wait3A_603 = tpu.memref_squeeze %dma_wait3A_602 : memref<1x100xi32, #tpu.memory_space<vmem>> -> memref<100xi32, #tpu.memory_space<vmem>>
      %dma_wait3A_604 = arith.constant 0 : i32
      %dma_wait3A_605 = tpu.memref_slice %arg7[%dma_wait3A_604] : memref<10240xf32, #tpu.memory_space<vmem_shared>> -> memref<10240xf32, #tpu.memory_space<vmem_shared>>
      tpu.wait_indirect_dma semaphore(%arg8 : memref<!tpu.dma_semaphore, #tpu.memory_space<semaphore_mem>>) src(%dma_wait3A_600 : memref<100xf32, #tpu.memory_space<vmem>>) dst(%dma_wait3A_605 : memref<10240xf32, #tpu.memory_space<vmem_shared>>)
      %add3A_606 = arith.constant 10 : i32
      %add3A_607 = arith.addi %mul3A_293, %add3A_606 : i32
      %dma_wait3A_608 = arith.constant 0 : i32
      %dma_wait3A_609 = tpu.memref_slice %arg5[%dma_wait3A_608] : memref<112xf32, #tpu.memory_space<vmem>> -> memref<100xf32, #tpu.memory_space<vmem>>
      %dma_wait3A_610 = arith.constant 0 : i32
      %dma_wait3A_611 = tpu.memref_slice %arg4[%add3A_607, %dma_wait3A_610] : memref<200x100xi32, #tpu.memory_space<vmem>> -> memref<1x100xi32, #tpu.memory_space<vmem>>
      %dma_wait3A_612 = tpu.memref_squeeze %dma_wait3A_611 : memref<1x100xi32, #tpu.memory_space<vmem>> -> memref<100xi32, #tpu.memory_space<vmem>>
      %dma_wait3A_613 = arith.constant 0 : i32
      %dma_wait3A_614 = tpu.memref_slice %arg7[%dma_wait3A_613] : memref<10240xf32, #tpu.memory_space<vmem_shared>> -> memref<10240xf32, #tpu.memory_space<vmem_shared>>
      tpu.wait_indirect_dma semaphore(%arg8 : memref<!tpu.dma_semaphore, #tpu.memory_space<semaphore_mem>>) src(%dma_wait3A_609 : memref<100xf32, #tpu.memory_space<vmem>>) dst(%dma_wait3A_614 : memref<10240xf32, #tpu.memory_space<vmem_shared>>)
      %add3A_615 = arith.constant 11 : i32
      %add3A_616 = arith.addi %mul3A_293, %add3A_615 : i32
      %dma_wait3A_617 = arith.constant 0 : i32
      %dma_wait3A_618 = tpu.memref_slice %arg5[%dma_wait3A_617] : memref<112xf32, #tpu.memory_space<vmem>> -> memref<100xf32, #tpu.memory_space<vmem>>
      %dma_wait3A_619 = arith.constant 0 : i32
      %dma_wait3A_620 = tpu.memref_slice %arg4[%add3A_616, %dma_wait3A_619] : memref<200x100xi32, #tpu.memory_space<vmem>> -> memref<1x100xi32, #tpu.memory_space<vmem>>
      %dma_wait3A_621 = tpu.memref_squeeze %dma_wait3A_620 : memref<1x100xi32, #tpu.memory_space<vmem>> -> memref<100xi32, #tpu.memory_space<vmem>>
      %dma_wait3A_622 = arith.constant 0 : i32
      %dma_wait3A_623 = tpu.memref_slice %arg7[%dma_wait3A_622] : memref<10240xf32, #tpu.memory_space<vmem_shared>> -> memref<10240xf32, #tpu.memory_space<vmem_shared>>
      tpu.wait_indirect_dma semaphore(%arg8 : memref<!tpu.dma_semaphore, #tpu.memory_space<semaphore_mem>>) src(%dma_wait3A_618 : memref<100xf32, #tpu.memory_space<vmem>>) dst(%dma_wait3A_623 : memref<10240xf32, #tpu.memory_space<vmem_shared>>)
      %add3A_624 = arith.constant 12 : i32
      %add3A_625 = arith.addi %mul3A_293, %add3A_624 : i32
      %dma_wait3A_626 = arith.constant 0 : i32
      %dma_wait3A_627 = tpu.memref_slice %arg5[%dma_wait3A_626] : memref<112xf32, #tpu.memory_space<vmem>> -> memref<100xf32, #tpu.memory_space<vmem>>
      %dma_wait3A_628 = arith.constant 0 : i32
      %dma_wait3A_629 = tpu.memref_slice %arg4[%add3A_625, %dma_wait3A_628] : memref<200x100xi32, #tpu.memory_space<vmem>> -> memref<1x100xi32, #tpu.memory_space<vmem>>
      %dma_wait3A_630 = tpu.memref_squeeze %dma_wait3A_629 : memref<1x100xi32, #tpu.memory_space<vmem>> -> memref<100xi32, #tpu.memory_space<vmem>>
      %dma_wait3A_631 = arith.constant 0 : i32
      %dma_wait3A_632 = tpu.memref_slice %arg7[%dma_wait3A_631] : memref<10240xf32, #tpu.memory_space<vmem_shared>> -> memref<10240xf32, #tpu.memory_space<vmem_shared>>
      tpu.wait_indirect_dma semaphore(%arg8 : memref<!tpu.dma_semaphore, #tpu.memory_space<semaphore_mem>>) src(%dma_wait3A_627 : memref<100xf32, #tpu.memory_space<vmem>>) dst(%dma_wait3A_632 : memref<10240xf32, #tpu.memory_space<vmem_shared>>)
      %add3A_633 = arith.constant 13 : i32
      %add3A_634 = arith.addi %mul3A_293, %add3A_633 : i32
      %dma_wait3A_635 = arith.constant 0 : i32
      %dma_wait3A_636 = tpu.memref_slice %arg5[%dma_wait3A_635] : memref<112xf32, #tpu.memory_space<vmem>> -> memref<100xf32, #tpu.memory_space<vmem>>
      %dma_wait3A_637 = arith.constant 0 : i32
      %dma_wait3A_638 = tpu.memref_slice %arg4[%add3A_634, %dma_wait3A_637] : memref<200x100xi32, #tpu.memory_space<vmem>> -> memref<1x100xi32, #tpu.memory_space<vmem>>
      %dma_wait3A_639 = tpu.memref_squeeze %dma_wait3A_638 : memref<1x100xi32, #tpu.memory_space<vmem>> -> memref<100xi32, #tpu.memory_space<vmem>>
      %dma_wait3A_640 = arith.constant 0 : i32
      %dma_wait3A_641 = tpu.memref_slice %arg7[%dma_wait3A_640] : memref<10240xf32, #tpu.memory_space<vmem_shared>> -> memref<10240xf32, #tpu.memory_space<vmem_shared>>
      tpu.wait_indirect_dma semaphore(%arg8 : memref<!tpu.dma_semaphore, #tpu.memory_space<semaphore_mem>>) src(%dma_wait3A_636 : memref<100xf32, #tpu.memory_space<vmem>>) dst(%dma_wait3A_641 : memref<10240xf32, #tpu.memory_space<vmem_shared>>)
      %add3A_642 = arith.constant 14 : i32
      %add3A_643 = arith.addi %mul3A_293, %add3A_642 : i32
      %dma_wait3A_644 = arith.constant 0 : i32
      %dma_wait3A_645 = tpu.memref_slice %arg5[%dma_wait3A_644] : memref<112xf32, #tpu.memory_space<vmem>> -> memref<100xf32, #tpu.memory_space<vmem>>
      %dma_wait3A_646 = arith.constant 0 : i32
      %dma_wait3A_647 = tpu.memref_slice %arg4[%add3A_643, %dma_wait3A_646] : memref<200x100xi32, #tpu.memory_space<vmem>> -> memref<1x100xi32, #tpu.memory_space<vmem>>
      %dma_wait3A_648 = tpu.memref_squeeze %dma_wait3A_647 : memref<1x100xi32, #tpu.memory_space<vmem>> -> memref<100xi32, #tpu.memory_space<vmem>>
      %dma_wait3A_649 = arith.constant 0 : i32
      %dma_wait3A_650 = tpu.memref_slice %arg7[%dma_wait3A_649] : memref<10240xf32, #tpu.memory_space<vmem_shared>> -> memref<10240xf32, #tpu.memory_space<vmem_shared>>
      tpu.wait_indirect_dma semaphore(%arg8 : memref<!tpu.dma_semaphore, #tpu.memory_space<semaphore_mem>>) src(%dma_wait3A_645 : memref<100xf32, #tpu.memory_space<vmem>>) dst(%dma_wait3A_650 : memref<10240xf32, #tpu.memory_space<vmem_shared>>)
      %add3A_651 = arith.constant 15 : i32
      %add3A_652 = arith.addi %mul3A_293, %add3A_651 : i32
      %dma_wait3A_653 = arith.constant 0 : i32
      %dma_wait3A_654 = tpu.memref_slice %arg5[%dma_wait3A_653] : memref<112xf32, #tpu.memory_space<vmem>> -> memref<100xf32, #tpu.memory_space<vmem>>
      %dma_wait3A_655 = arith.constant 0 : i32
      %dma_wait3A_656 = tpu.memref_slice %arg4[%add3A_652, %dma_wait3A_655] : memref<200x100xi32, #tpu.memory_space<vmem>> -> memref<1x100xi32, #tpu.memory_space<vmem>>
      %dma_wait3A_657 = tpu.memref_squeeze %dma_wait3A_656 : memref<1x100xi32, #tpu.memory_space<vmem>> -> memref<100xi32, #tpu.memory_space<vmem>>
      %dma_wait3A_658 = arith.constant 0 : i32
      %dma_wait3A_659 = tpu.memref_slice %arg7[%dma_wait3A_658] : memref<10240xf32, #tpu.memory_space<vmem_shared>> -> memref<10240xf32, #tpu.memory_space<vmem_shared>>
      tpu.wait_indirect_dma semaphore(%arg8 : memref<!tpu.dma_semaphore, #tpu.memory_space<semaphore_mem>>) src(%dma_wait3A_654 : memref<100xf32, #tpu.memory_space<vmem>>) dst(%dma_wait3A_659 : memref<10240xf32, #tpu.memory_space<vmem_shared>>)
      %add3A_660 = arith.constant 16 : i32
      %add3A_661 = arith.addi %mul3A_293, %add3A_660 : i32
      %dma_wait3A_662 = arith.constant 0 : i32
      %dma_wait3A_663 = tpu.memref_slice %arg5[%dma_wait3A_662] : memref<112xf32, #tpu.memory_space<vmem>> -> memref<100xf32, #tpu.memory_space<vmem>>
      %dma_wait3A_664 = arith.constant 0 : i32
      %dma_wait3A_665 = tpu.memref_slice %arg4[%add3A_661, %dma_wait3A_664] : memref<200x100xi32, #tpu.memory_space<vmem>> -> memref<1x100xi32, #tpu.memory_space<vmem>>
      %dma_wait3A_666 = tpu.memref_squeeze %dma_wait3A_665 : memref<1x100xi32, #tpu.memory_space<vmem>> -> memref<100xi32, #tpu.memory_space<vmem>>
      %dma_wait3A_667 = arith.constant 0 : i32
      %dma_wait3A_668 = tpu.memref_slice %arg7[%dma_wait3A_667] : memref<10240xf32, #tpu.memory_space<vmem_shared>> -> memref<10240xf32, #tpu.memory_space<vmem_shared>>
      tpu.wait_indirect_dma semaphore(%arg8 : memref<!tpu.dma_semaphore, #tpu.memory_space<semaphore_mem>>) src(%dma_wait3A_663 : memref<100xf32, #tpu.memory_space<vmem>>) dst(%dma_wait3A_668 : memref<10240xf32, #tpu.memory_space<vmem_shared>>)
      %add3A_669 = arith.constant 17 : i32
      %add3A_670 = arith.addi %mul3A_293, %add3A_669 : i32
      %dma_wait3A_671 = arith.constant 0 : i32
      %dma_wait3A_672 = tpu.memref_slice %arg5[%dma_wait3A_671] : memref<112xf32, #tpu.memory_space<vmem>> -> memref<100xf32, #tpu.memory_space<vmem>>
      %dma_wait3A_673 = arith.constant 0 : i32
      %dma_wait3A_674 = tpu.memref_slice %arg4[%add3A_670, %dma_wait3A_673] : memref<200x100xi32, #tpu.memory_space<vmem>> -> memref<1x100xi32, #tpu.memory_space<vmem>>
      %dma_wait3A_675 = tpu.memref_squeeze %dma_wait3A_674 : memref<1x100xi32, #tpu.memory_space<vmem>> -> memref<100xi32, #tpu.memory_space<vmem>>
      %dma_wait3A_676 = arith.constant 0 : i32
      %dma_wait3A_677 = tpu.memref_slice %arg7[%dma_wait3A_676] : memref<10240xf32, #tpu.memory_space<vmem_shared>> -> memref<10240xf32, #tpu.memory_space<vmem_shared>>
      tpu.wait_indirect_dma semaphore(%arg8 : memref<!tpu.dma_semaphore, #tpu.memory_space<semaphore_mem>>) src(%dma_wait3A_672 : memref<100xf32, #tpu.memory_space<vmem>>) dst(%dma_wait3A_677 : memref<10240xf32, #tpu.memory_space<vmem_shared>>)
      %add3A_678 = arith.constant 18 : i32
      %add3A_679 = arith.addi %mul3A_293, %add3A_678 : i32
      %dma_wait3A_680 = arith.constant 0 : i32
      %dma_wait3A_681 = tpu.memref_slice %arg5[%dma_wait3A_680] : memref<112xf32, #tpu.memory_space<vmem>> -> memref<100xf32, #tpu.memory_space<vmem>>
      %dma_wait3A_682 = arith.constant 0 : i32
      %dma_wait3A_683 = tpu.memref_slice %arg4[%add3A_679, %dma_wait3A_682] : memref<200x100xi32, #tpu.memory_space<vmem>> -> memref<1x100xi32, #tpu.memory_space<vmem>>
      %dma_wait3A_684 = tpu.memref_squeeze %dma_wait3A_683 : memref<1x100xi32, #tpu.memory_space<vmem>> -> memref<100xi32, #tpu.memory_space<vmem>>
      %dma_wait3A_685 = arith.constant 0 : i32
      %dma_wait3A_686 = tpu.memref_slice %arg7[%dma_wait3A_685] : memref<10240xf32, #tpu.memory_space<vmem_shared>> -> memref<10240xf32, #tpu.memory_space<vmem_shared>>
      tpu.wait_indirect_dma semaphore(%arg8 : memref<!tpu.dma_semaphore, #tpu.memory_space<semaphore_mem>>) src(%dma_wait3A_681 : memref<100xf32, #tpu.memory_space<vmem>>) dst(%dma_wait3A_686 : memref<10240xf32, #tpu.memory_space<vmem_shared>>)
      %add3A_687 = arith.constant 19 : i32
      %add3A_688 = arith.addi %mul3A_293, %add3A_687 : i32
      %dma_wait3A_689 = arith.constant 0 : i32
      %dma_wait3A_690 = tpu.memref_slice %arg5[%dma_wait3A_689] : memref<112xf32, #tpu.memory_space<vmem>> -> memref<100xf32, #tpu.memory_space<vmem>>
      %dma_wait3A_691 = arith.constant 0 : i32
      %dma_wait3A_692 = tpu.memref_slice %arg4[%add3A_688, %dma_wait3A_691] : memref<200x100xi32, #tpu.memory_space<vmem>> -> memref<1x100xi32, #tpu.memory_space<vmem>>
      %dma_wait3A_693 = tpu.memref_squeeze %dma_wait3A_692 : memref<1x100xi32, #tpu.memory_space<vmem>> -> memref<100xi32, #tpu.memory_space<vmem>>
      %dma_wait3A_694 = arith.constant 0 : i32
      %dma_wait3A_695 = tpu.memref_slice %arg7[%dma_wait3A_694] : memref<10240xf32, #tpu.memory_space<vmem_shared>> -> memref<10240xf32, #tpu.memory_space<vmem_shared>>
      tpu.wait_indirect_dma semaphore(%arg8 : memref<!tpu.dma_semaphore, #tpu.memory_space<semaphore_mem>>) src(%dma_wait3A_690 : memref<100xf32, #tpu.memory_space<vmem>>) dst(%dma_wait3A_695 : memref<10240xf32, #tpu.memory_space<vmem_shared>>)
      %add3A_696 = arith.constant 20 : i32
      %add3A_697 = arith.addi %mul3A_293, %add3A_696 : i32
      %dma_wait3A_698 = arith.constant 0 : i32
      %dma_wait3A_699 = tpu.memref_slice %arg5[%dma_wait3A_698] : memref<112xf32, #tpu.memory_space<vmem>> -> memref<100xf32, #tpu.memory_space<vmem>>
      %dma_wait3A_700 = arith.constant 0 : i32
      %dma_wait3A_701 = tpu.memref_slice %arg4[%add3A_697, %dma_wait3A_700] : memref<200x100xi32, #tpu.memory_space<vmem>> -> memref<1x100xi32, #tpu.memory_space<vmem>>
      %dma_wait3A_702 = tpu.memref_squeeze %dma_wait3A_701 : memref<1x100xi32, #tpu.memory_space<vmem>> -> memref<100xi32, #tpu.memory_space<vmem>>
      %dma_wait3A_703 = arith.constant 0 : i32
      %dma_wait3A_704 = tpu.memref_slice %arg7[%dma_wait3A_703] : memref<10240xf32, #tpu.memory_space<vmem_shared>> -> memref<10240xf32, #tpu.memory_space<vmem_shared>>
      tpu.wait_indirect_dma semaphore(%arg8 : memref<!tpu.dma_semaphore, #tpu.memory_space<semaphore_mem>>) src(%dma_wait3A_699 : memref<100xf32, #tpu.memory_space<vmem>>) dst(%dma_wait3A_704 : memref<10240xf32, #tpu.memory_space<vmem_shared>>)
      %add3A_705 = arith.constant 21 : i32
      %add3A_706 = arith.addi %mul3A_293, %add3A_705 : i32
      %dma_wait3A_707 = arith.constant 0 : i32
      %dma_wait3A_708 = tpu.memref_slice %arg5[%dma_wait3A_707] : memref<112xf32, #tpu.memory_space<vmem>> -> memref<100xf32, #tpu.memory_space<vmem>>
      %dma_wait3A_709 = arith.constant 0 : i32
      %dma_wait3A_710 = tpu.memref_slice %arg4[%add3A_706, %dma_wait3A_709] : memref<200x100xi32, #tpu.memory_space<vmem>> -> memref<1x100xi32, #tpu.memory_space<vmem>>
      %dma_wait3A_711 = tpu.memref_squeeze %dma_wait3A_710 : memref<1x100xi32, #tpu.memory_space<vmem>> -> memref<100xi32, #tpu.memory_space<vmem>>
      %dma_wait3A_712 = arith.constant 0 : i32
      %dma_wait3A_713 = tpu.memref_slice %arg7[%dma_wait3A_712] : memref<10240xf32, #tpu.memory_space<vmem_shared>> -> memref<10240xf32, #tpu.memory_space<vmem_shared>>
      tpu.wait_indirect_dma semaphore(%arg8 : memref<!tpu.dma_semaphore, #tpu.memory_space<semaphore_mem>>) src(%dma_wait3A_708 : memref<100xf32, #tpu.memory_space<vmem>>) dst(%dma_wait3A_713 : memref<10240xf32, #tpu.memory_space<vmem_shared>>)
      %add3A_714 = arith.constant 22 : i32
      %add3A_715 = arith.addi %mul3A_293, %add3A_714 : i32
      %dma_wait3A_716 = arith.constant 0 : i32
      %dma_wait3A_717 = tpu.memref_slice %arg5[%dma_wait3A_716] : memref<112xf32, #tpu.memory_space<vmem>> -> memref<100xf32, #tpu.memory_space<vmem>>
      %dma_wait3A_718 = arith.constant 0 : i32
      %dma_wait3A_719 = tpu.memref_slice %arg4[%add3A_715, %dma_wait3A_718] : memref<200x100xi32, #tpu.memory_space<vmem>> -> memref<1x100xi32, #tpu.memory_space<vmem>>
      %dma_wait3A_720 = tpu.memref_squeeze %dma_wait3A_719 : memref<1x100xi32, #tpu.memory_space<vmem>> -> memref<100xi32, #tpu.memory_space<vmem>>
      %dma_wait3A_721 = arith.constant 0 : i32
      %dma_wait3A_722 = tpu.memref_slice %arg7[%dma_wait3A_721] : memref<10240xf32, #tpu.memory_space<vmem_shared>> -> memref<10240xf32, #tpu.memory_space<vmem_shared>>
      tpu.wait_indirect_dma semaphore(%arg8 : memref<!tpu.dma_semaphore, #tpu.memory_space<semaphore_mem>>) src(%dma_wait3A_717 : memref<100xf32, #tpu.memory_space<vmem>>) dst(%dma_wait3A_722 : memref<10240xf32, #tpu.memory_space<vmem_shared>>)
      %add3A_723 = arith.constant 23 : i32
      %add3A_724 = arith.addi %mul3A_293, %add3A_723 : i32
      %dma_wait3A_725 = arith.constant 0 : i32
      %dma_wait3A_726 = tpu.memref_slice %arg5[%dma_wait3A_725] : memref<112xf32, #tpu.memory_space<vmem>> -> memref<100xf32, #tpu.memory_space<vmem>>
      %dma_wait3A_727 = arith.constant 0 : i32
      %dma_wait3A_728 = tpu.memref_slice %arg4[%add3A_724, %dma_wait3A_727] : memref<200x100xi32, #tpu.memory_space<vmem>> -> memref<1x100xi32, #tpu.memory_space<vmem>>
      %dma_wait3A_729 = tpu.memref_squeeze %dma_wait3A_728 : memref<1x100xi32, #tpu.memory_space<vmem>> -> memref<100xi32, #tpu.memory_space<vmem>>
      %dma_wait3A_730 = arith.constant 0 : i32
      %dma_wait3A_731 = tpu.memref_slice %arg7[%dma_wait3A_730] : memref<10240xf32, #tpu.memory_space<vmem_shared>> -> memref<10240xf32, #tpu.memory_space<vmem_shared>>
      tpu.wait_indirect_dma semaphore(%arg8 : memref<!tpu.dma_semaphore, #tpu.memory_space<semaphore_mem>>) src(%dma_wait3A_726 : memref<100xf32, #tpu.memory_space<vmem>>) dst(%dma_wait3A_731 : memref<10240xf32, #tpu.memory_space<vmem_shared>>)
      %add3A_732 = arith.constant 24 : i32
      %add3A_733 = arith.addi %mul3A_293, %add3A_732 : i32
      %dma_wait3A_734 = arith.constant 0 : i32
      %dma_wait3A_735 = tpu.memref_slice %arg5[%dma_wait3A_734] : memref<112xf32, #tpu.memory_space<vmem>> -> memref<100xf32, #tpu.memory_space<vmem>>
      %dma_wait3A_736 = arith.constant 0 : i32
      %dma_wait3A_737 = tpu.memref_slice %arg4[%add3A_733, %dma_wait3A_736] : memref<200x100xi32, #tpu.memory_space<vmem>> -> memref<1x100xi32, #tpu.memory_space<vmem>>
      %dma_wait3A_738 = tpu.memref_squeeze %dma_wait3A_737 : memref<1x100xi32, #tpu.memory_space<vmem>> -> memref<100xi32, #tpu.memory_space<vmem>>
      %dma_wait3A_739 = arith.constant 0 : i32
      %dma_wait3A_740 = tpu.memref_slice %arg7[%dma_wait3A_739] : memref<10240xf32, #tpu.memory_space<vmem_shared>> -> memref<10240xf32, #tpu.memory_space<vmem_shared>>
      tpu.wait_indirect_dma semaphore(%arg8 : memref<!tpu.dma_semaphore, #tpu.memory_space<semaphore_mem>>) src(%dma_wait3A_735 : memref<100xf32, #tpu.memory_space<vmem>>) dst(%dma_wait3A_740 : memref<10240xf32, #tpu.memory_space<vmem_shared>>)
    }
    %scan3A_285 = arith.constant 8 : i32
    %barrier3A_286 = arith.constant 0 : index
    tpu.barrier barrier_id(%barrier3A_286)
    %mul3A_287 = arith.constant 640 : i32
    %mul3A_288 = arith.muli %arg1, %mul3A_287 : i32
    %mul3A_289 = arith.constant 640 : i32
    %mul3A_290 = arith.muli %arg1, %mul3A_289 : i32
    %run_scoped3A = arith.constant 0 : i32
    "tpu.region"() ({
      %run_scoped3A_291 = tpu.sem_alloc : memref<!tpu.dma_semaphore, #tpu.memory_space<semaphore_mem>>
      %dma_start3A = arith.constant 0 : i32
      %dma_start3A_292 = arith.constant 0 : i32
      %dma_start3A_293 = tpu.memref_slice %arg3[%arg0, %dma_start3A, %dma_start3A_292] : memref<2x1x10240xf32, #tpu.memory_space<hbm>> -> memref<1x1x10240xf32, #tpu.memory_space<hbm>>
      %dma_start3A_294 = tpu.memref_squeeze %dma_start3A_293 : memref<1x1x10240xf32, #tpu.memory_space<hbm>> -> memref<1x10240xf32, #tpu.memory_space<hbm>>
      %dma_start3A_295 = arith.constant 0 : i32
      %dma_start3A_296 = tpu.memref_slice %dma_start3A_294[%run_scoped3A, %dma_start3A_295] : memref<1x10240xf32, #tpu.memory_space<hbm>> -> memref<1x10240xf32, #tpu.memory_space<hbm>>
      %dma_start3A_297 = tpu.memref_squeeze %dma_start3A_296 : memref<1x10240xf32, #tpu.memory_space<hbm>> -> memref<10240xf32, #tpu.memory_space<hbm>>
      %dma_start3A_298 = tpu.memref_slice %dma_start3A_297[%mul3A_290] : memref<10240xf32, #tpu.memory_space<hbm>> -> memref<640xf32, #tpu.memory_space<hbm>>
      %dma_start3A_299 = tpu.memref_slice %arg7[%mul3A_288] : memref<10240xf32, #tpu.memory_space<vmem_shared>> -> memref<640xf32, #tpu.memory_space<vmem_shared>>
      tpu.enqueue_dma source(%dma_start3A_299 : memref<640xf32, #tpu.memory_space<vmem_shared>>) target(%dma_start3A_298 : memref<640xf32, #tpu.memory_space<hbm>>) target_semaphore(%run_scoped3A_291 : memref<!tpu.dma_semaphore, #tpu.memory_space<semaphore_mem>>)
      %dma_wait3A = arith.constant 0 : i32
      %dma_wait3A_300 = arith.constant 0 : i32
      %dma_wait3A_301 = tpu.memref_slice %arg3[%arg0, %dma_wait3A, %dma_wait3A_300] : memref<2x1x10240xf32, #tpu.memory_space<hbm>> -> memref<1x1x10240xf32, #tpu.memory_space<hbm>>
      %dma_wait3A_302 = tpu.memref_squeeze %dma_wait3A_301 : memref<1x1x10240xf32, #tpu.memory_space<hbm>> -> memref<1x10240xf32, #tpu.memory_space<hbm>>
      %dma_wait3A_303 = arith.constant 0 : i32
      %dma_wait3A_304 = tpu.memref_slice %dma_wait3A_302[%run_scoped3A, %dma_wait3A_303] : memref<1x10240xf32, #tpu.memory_space<hbm>> -> memref<1x10240xf32, #tpu.memory_space<hbm>>
      %dma_wait3A_305 = tpu.memref_squeeze %dma_wait3A_304 : memref<1x10240xf32, #tpu.memory_space<hbm>> -> memref<10240xf32, #tpu.memory_space<hbm>>
      %dma_wait3A_306 = tpu.memref_slice %dma_wait3A_305[%mul3A_290] : memref<10240xf32, #tpu.memory_space<hbm>> -> memref<640xf32, #tpu.memory_space<hbm>>
      %dma_wait3A_307 = tpu.memref_slice %arg7[%mul3A_288] : memref<10240xf32, #tpu.memory_space<vmem_shared>> -> memref<640xf32, #tpu.memory_space<vmem_shared>>
      tpu.wait_dma2 semaphore(%run_scoped3A_291 : memref<!tpu.dma_semaphore, #tpu.memory_space<semaphore_mem>>) src(%dma_wait3A_307 : memref<640xf32, #tpu.memory_space<vmem_shared>>) dst(%dma_wait3A_306 : memref<640xf32, #tpu.memory_space<hbm>>)
      tpu.yield
    }) : () -> ()
    return
  }
}

#map = affine_map<(d0, d1) -> (0, 0)>
#map1 = affine_map<(d0, d1) -> (0, 0, 0, 0, 0)>
#map2 = affine_map<(d0, d1) -> (0, 0, 0)>
#map3 = affine_map<(d0, d1) -> (0, 0, 0, 0)>
module attributes {stable_mosaic.version = 14 : i64} {
  func.func @agg_kernel(%arg0: i32, %arg1: i32, %arg2: memref<10000x128xf32, #tpu.memory_space<hbm>>, %arg3: memref<2x32x5x20x100xi32, #tpu.memory_space<hbm>>, %arg4: memref<16x625x128xf32, #tpu.memory_space<hbm>>, %arg5: memref<2x16x625x128xf32, #tpu.memory_space<hbm>>, %arg6: memref<20x100xi32, #tpu.memory_space<vmem>>, %arg7: memref<20x100xi32, #tpu.memory_space<vmem>>, %arg8: memref<100x128xf32, #tpu.memory_space<vmem>>, %arg9: memref<100x128xf32, #tpu.memory_space<vmem>>, %arg10: memref<100x128xf32, #tpu.memory_space<vmem>>, %arg11: memref<10000x128xf32, #tpu.memory_space<vmem_shared>>, %arg12: memref<!tpu.dma_semaphore, #tpu.memory_space<semaphore_mem>>, %arg13: memref<!tpu.dma_semaphore, #tpu.memory_space<semaphore_mem>>, %arg14: memref<!tpu.dma_semaphore, #tpu.memory_space<semaphore_mem>>, %arg15: memref<!tpu.dma_semaphore, #tpu.memory_space<semaphore_mem>>, %arg16: memref<!tpu.dma_semaphore, #tpu.memory_space<semaphore_mem>>, %arg17: memref<!tpu.dma_semaphore, #tpu.memory_space<semaphore_mem>>, %arg18: memref<!tpu.dma_semaphore, #tpu.memory_space<semaphore_mem>>) attributes {dimension_semantics = [#tpu.dimension_semantics<core_parallel>, #tpu.dimension_semantics<subcore_parallel>], iteration_bounds = array<i64: 2, 16>, scalar_prefetch = 0 : i64, scratch_operands = 13 : i64, tpu.core_type = #tpu.core_type<sc_vector_subcore>, window_params = [{transform_indices = #map}, {transform_indices = #map1}, {transform_indices = #map2}, {transform_indices = #map3}]} {
    %mul3A = arith.constant 16 : i32
    %mul3A_0 = arith.muli %arg0, %mul3A : i32
    %add3A = arith.addi %mul3A_0, %arg1 : i32
    %mul3A_1 = arith.constant 625 : i32
    %mul3A_2 = arith.muli %arg1, %mul3A_1 : i32
    %dma_start3A = arith.constant 0 : i32
    %dma_start3A_3 = tpu.memref_slice %arg11[%mul3A_2, %dma_start3A] : memref<10000x128xf32, #tpu.memory_space<vmem_shared>> -> memref<625x128xf32, #tpu.memory_space<vmem_shared>>
    %dma_start3A_4 = arith.constant 0 : i32
    %dma_start3A_5 = arith.constant 0 : i32
    %dma_start3A_6 = tpu.memref_slice %arg4[%arg1, %dma_start3A_4, %dma_start3A_5] : memref<16x625x128xf32, #tpu.memory_space<hbm>> -> memref<1x625x128xf32, #tpu.memory_space<hbm>>
    %dma_start3A_7 = tpu.memref_squeeze %dma_start3A_6 : memref<1x625x128xf32, #tpu.memory_space<hbm>> -> memref<625x128xf32, #tpu.memory_space<hbm>>
    tpu.enqueue_dma source(%dma_start3A_7 : memref<625x128xf32, #tpu.memory_space<hbm>>) target(%dma_start3A_3 : memref<625x128xf32, #tpu.memory_space<vmem_shared>>) target_semaphore(%arg18 : memref<!tpu.dma_semaphore, #tpu.memory_space<semaphore_mem>>)
    %run_scoped3A = arith.constant 0 : i32
    %run_scoped3A_8 = arith.constant 0 : i32
    "tpu.region"() ({
      %run_scoped3A_40 = tpu.sem_alloc : memref<!tpu.dma_semaphore, #tpu.memory_space<semaphore_mem>>
      %dma_start3A_41 = arith.constant 0 : i32
      %dma_start3A_42 = arith.constant 0 : i32
      %dma_start3A_43 = arith.constant 0 : i32
      %dma_start3A_44 = arith.constant 0 : i32
      %dma_start3A_45 = tpu.memref_slice %arg3[%run_scoped3A, %dma_start3A_41, %dma_start3A_42, %dma_start3A_43, %dma_start3A_44] : memref<2x32x5x20x100xi32, #tpu.memory_space<hbm>> -> memref<1x32x5x20x100xi32, #tpu.memory_space<hbm>>
      %dma_start3A_46 = tpu.memref_squeeze %dma_start3A_45 : memref<1x32x5x20x100xi32, #tpu.memory_space<hbm>> -> memref<32x5x20x100xi32, #tpu.memory_space<hbm>>
      %dma_start3A_47 = arith.constant 0 : i32
      %dma_start3A_48 = arith.constant 0 : i32
      %dma_start3A_49 = arith.constant 0 : i32
      %dma_start3A_50 = tpu.memref_slice %dma_start3A_46[%add3A, %dma_start3A_47, %dma_start3A_48, %dma_start3A_49] : memref<32x5x20x100xi32, #tpu.memory_space<hbm>> -> memref<1x5x20x100xi32, #tpu.memory_space<hbm>>
      %dma_start3A_51 = tpu.memref_squeeze %dma_start3A_50 : memref<1x5x20x100xi32, #tpu.memory_space<hbm>> -> memref<5x20x100xi32, #tpu.memory_space<hbm>>
      %dma_start3A_52 = arith.constant 0 : i32
      %dma_start3A_53 = arith.constant 0 : i32
      %dma_start3A_54 = tpu.memref_slice %dma_start3A_51[%run_scoped3A_8, %dma_start3A_52, %dma_start3A_53] : memref<5x20x100xi32, #tpu.memory_space<hbm>> -> memref<1x20x100xi32, #tpu.memory_space<hbm>>
      %dma_start3A_55 = tpu.memref_squeeze %dma_start3A_54 : memref<1x20x100xi32, #tpu.memory_space<hbm>> -> memref<20x100xi32, #tpu.memory_space<hbm>>
      %dma_start3A_56 = arith.constant 0 : i32
      %dma_start3A_57 = arith.constant 0 : i32
      %dma_start3A_58 = arith.constant 0 : i32
      %dma_start3A_59 = arith.constant 0 : i32
      %dma_start3A_60 = tpu.memref_slice %arg3[%run_scoped3A, %dma_start3A_56, %dma_start3A_57, %dma_start3A_58, %dma_start3A_59] : memref<2x32x5x20x100xi32, #tpu.memory_space<hbm>> -> memref<1x32x5x20x100xi32, #tpu.memory_space<hbm>>
      %dma_start3A_61 = tpu.memref_squeeze %dma_start3A_60 : memref<1x32x5x20x100xi32, #tpu.memory_space<hbm>> -> memref<32x5x20x100xi32, #tpu.memory_space<hbm>>
      %dma_start3A_62 = arith.constant 0 : i32
      %dma_start3A_63 = arith.constant 0 : i32
      %dma_start3A_64 = arith.constant 0 : i32
      %dma_start3A_65 = tpu.memref_slice %dma_start3A_61[%add3A, %dma_start3A_62, %dma_start3A_63, %dma_start3A_64] : memref<32x5x20x100xi32, #tpu.memory_space<hbm>> -> memref<1x5x20x100xi32, #tpu.memory_space<hbm>>
      %dma_start3A_66 = tpu.memref_squeeze %dma_start3A_65 : memref<1x5x20x100xi32, #tpu.memory_space<hbm>> -> memref<5x20x100xi32, #tpu.memory_space<hbm>>
      %dma_start3A_67 = arith.constant 0 : i32
      %dma_start3A_68 = arith.constant 0 : i32
      %dma_start3A_69 = tpu.memref_slice %dma_start3A_66[%run_scoped3A_8, %dma_start3A_67, %dma_start3A_68] : memref<5x20x100xi32, #tpu.memory_space<hbm>> -> memref<1x20x100xi32, #tpu.memory_space<hbm>>
      %dma_start3A_70 = tpu.memref_squeeze %dma_start3A_69 : memref<1x20x100xi32, #tpu.memory_space<hbm>> -> memref<20x100xi32, #tpu.memory_space<hbm>>
      tpu.enqueue_dma source(%dma_start3A_70 : memref<20x100xi32, #tpu.memory_space<hbm>>) target(%arg6 : memref<20x100xi32, #tpu.memory_space<vmem>>) target_semaphore(%run_scoped3A_40 : memref<!tpu.dma_semaphore, #tpu.memory_space<semaphore_mem>>)
      %dma_wait3A_71 = arith.constant 0 : i32
      %dma_wait3A_72 = arith.constant 0 : i32
      %dma_wait3A_73 = arith.constant 0 : i32
      %dma_wait3A_74 = arith.constant 0 : i32
      %dma_wait3A_75 = tpu.memref_slice %arg3[%run_scoped3A, %dma_wait3A_71, %dma_wait3A_72, %dma_wait3A_73, %dma_wait3A_74] : memref<2x32x5x20x100xi32, #tpu.memory_space<hbm>> -> memref<1x32x5x20x100xi32, #tpu.memory_space<hbm>>
      %dma_wait3A_76 = tpu.memref_squeeze %dma_wait3A_75 : memref<1x32x5x20x100xi32, #tpu.memory_space<hbm>> -> memref<32x5x20x100xi32, #tpu.memory_space<hbm>>
      %dma_wait3A_77 = arith.constant 0 : i32
      %dma_wait3A_78 = arith.constant 0 : i32
      %dma_wait3A_79 = arith.constant 0 : i32
      %dma_wait3A_80 = tpu.memref_slice %dma_wait3A_76[%add3A, %dma_wait3A_77, %dma_wait3A_78, %dma_wait3A_79] : memref<32x5x20x100xi32, #tpu.memory_space<hbm>> -> memref<1x5x20x100xi32, #tpu.memory_space<hbm>>
      %dma_wait3A_81 = tpu.memref_squeeze %dma_wait3A_80 : memref<1x5x20x100xi32, #tpu.memory_space<hbm>> -> memref<5x20x100xi32, #tpu.memory_space<hbm>>
      %dma_wait3A_82 = arith.constant 0 : i32
      %dma_wait3A_83 = arith.constant 0 : i32
      %dma_wait3A_84 = tpu.memref_slice %dma_wait3A_81[%run_scoped3A_8, %dma_wait3A_82, %dma_wait3A_83] : memref<5x20x100xi32, #tpu.memory_space<hbm>> -> memref<1x20x100xi32, #tpu.memory_space<hbm>>
      %dma_wait3A_85 = tpu.memref_squeeze %dma_wait3A_84 : memref<1x20x100xi32, #tpu.memory_space<hbm>> -> memref<20x100xi32, #tpu.memory_space<hbm>>
      %dma_wait3A_86 = arith.constant 0 : i32
      %dma_wait3A_87 = arith.constant 0 : i32
      %dma_wait3A_88 = arith.constant 0 : i32
      %dma_wait3A_89 = arith.constant 0 : i32
      %dma_wait3A_90 = tpu.memref_slice %arg3[%run_scoped3A, %dma_wait3A_86, %dma_wait3A_87, %dma_wait3A_88, %dma_wait3A_89] : memref<2x32x5x20x100xi32, #tpu.memory_space<hbm>> -> memref<1x32x5x20x100xi32, #tpu.memory_space<hbm>>
      %dma_wait3A_91 = tpu.memref_squeeze %dma_wait3A_90 : memref<1x32x5x20x100xi32, #tpu.memory_space<hbm>> -> memref<32x5x20x100xi32, #tpu.memory_space<hbm>>
      %dma_wait3A_92 = arith.constant 0 : i32
      %dma_wait3A_93 = arith.constant 0 : i32
      %dma_wait3A_94 = arith.constant 0 : i32
      %dma_wait3A_95 = tpu.memref_slice %dma_wait3A_91[%add3A, %dma_wait3A_92, %dma_wait3A_93, %dma_wait3A_94] : memref<32x5x20x100xi32, #tpu.memory_space<hbm>> -> memref<1x5x20x100xi32, #tpu.memory_space<hbm>>
      %dma_wait3A_96 = tpu.memref_squeeze %dma_wait3A_95 : memref<1x5x20x100xi32, #tpu.memory_space<hbm>> -> memref<5x20x100xi32, #tpu.memory_space<hbm>>
      %dma_wait3A_97 = arith.constant 0 : i32
      %dma_wait3A_98 = arith.constant 0 : i32
      %dma_wait3A_99 = tpu.memref_slice %dma_wait3A_96[%run_scoped3A_8, %dma_wait3A_97, %dma_wait3A_98] : memref<5x20x100xi32, #tpu.memory_space<hbm>> -> memref<1x20x100xi32, #tpu.memory_space<hbm>>
      %dma_wait3A_100 = tpu.memref_squeeze %dma_wait3A_99 : memref<1x20x100xi32, #tpu.memory_space<hbm>> -> memref<20x100xi32, #tpu.memory_space<hbm>>
      tpu.wait_dma2 semaphore(%run_scoped3A_40 : memref<!tpu.dma_semaphore, #tpu.memory_space<semaphore_mem>>) src(%dma_wait3A_100 : memref<20x100xi32, #tpu.memory_space<hbm>>) dst(%arg6 : memref<20x100xi32, #tpu.memory_space<vmem>>)
      tpu.yield
    }) : () -> ()
    %run_scoped3A_9 = arith.constant 1 : i32
    %run_scoped3A_10 = arith.constant 0 : i32
    "tpu.region"() ({
      %run_scoped3A_40 = tpu.sem_alloc : memref<!tpu.dma_semaphore, #tpu.memory_space<semaphore_mem>>
      %dma_start3A_41 = arith.constant 0 : i32
      %dma_start3A_42 = arith.constant 0 : i32
      %dma_start3A_43 = arith.constant 0 : i32
      %dma_start3A_44 = arith.constant 0 : i32
      %dma_start3A_45 = tpu.memref_slice %arg3[%run_scoped3A_9, %dma_start3A_41, %dma_start3A_42, %dma_start3A_43, %dma_start3A_44] : memref<2x32x5x20x100xi32, #tpu.memory_space<hbm>> -> memref<1x32x5x20x100xi32, #tpu.memory_space<hbm>>
      %dma_start3A_46 = tpu.memref_squeeze %dma_start3A_45 : memref<1x32x5x20x100xi32, #tpu.memory_space<hbm>> -> memref<32x5x20x100xi32, #tpu.memory_space<hbm>>
      %dma_start3A_47 = arith.constant 0 : i32
      %dma_start3A_48 = arith.constant 0 : i32
      %dma_start3A_49 = arith.constant 0 : i32
      %dma_start3A_50 = tpu.memref_slice %dma_start3A_46[%add3A, %dma_start3A_47, %dma_start3A_48, %dma_start3A_49] : memref<32x5x20x100xi32, #tpu.memory_space<hbm>> -> memref<1x5x20x100xi32, #tpu.memory_space<hbm>>
      %dma_start3A_51 = tpu.memref_squeeze %dma_start3A_50 : memref<1x5x20x100xi32, #tpu.memory_space<hbm>> -> memref<5x20x100xi32, #tpu.memory_space<hbm>>
      %dma_start3A_52 = arith.constant 0 : i32
      %dma_start3A_53 = arith.constant 0 : i32
      %dma_start3A_54 = tpu.memref_slice %dma_start3A_51[%run_scoped3A_10, %dma_start3A_52, %dma_start3A_53] : memref<5x20x100xi32, #tpu.memory_space<hbm>> -> memref<1x20x100xi32, #tpu.memory_space<hbm>>
      %dma_start3A_55 = tpu.memref_squeeze %dma_start3A_54 : memref<1x20x100xi32, #tpu.memory_space<hbm>> -> memref<20x100xi32, #tpu.memory_space<hbm>>
      %dma_start3A_56 = arith.constant 0 : i32
      %dma_start3A_57 = arith.constant 0 : i32
      %dma_start3A_58 = arith.constant 0 : i32
      %dma_start3A_59 = arith.constant 0 : i32
      %dma_start3A_60 = tpu.memref_slice %arg3[%run_scoped3A_9, %dma_start3A_56, %dma_start3A_57, %dma_start3A_58, %dma_start3A_59] : memref<2x32x5x20x100xi32, #tpu.memory_space<hbm>> -> memref<1x32x5x20x100xi32, #tpu.memory_space<hbm>>
      %dma_start3A_61 = tpu.memref_squeeze %dma_start3A_60 : memref<1x32x5x20x100xi32, #tpu.memory_space<hbm>> -> memref<32x5x20x100xi32, #tpu.memory_space<hbm>>
      %dma_start3A_62 = arith.constant 0 : i32
      %dma_start3A_63 = arith.constant 0 : i32
      %dma_start3A_64 = arith.constant 0 : i32
      %dma_start3A_65 = tpu.memref_slice %dma_start3A_61[%add3A, %dma_start3A_62, %dma_start3A_63, %dma_start3A_64] : memref<32x5x20x100xi32, #tpu.memory_space<hbm>> -> memref<1x5x20x100xi32, #tpu.memory_space<hbm>>
      %dma_start3A_66 = tpu.memref_squeeze %dma_start3A_65 : memref<1x5x20x100xi32, #tpu.memory_space<hbm>> -> memref<5x20x100xi32, #tpu.memory_space<hbm>>
      %dma_start3A_67 = arith.constant 0 : i32
      %dma_start3A_68 = arith.constant 0 : i32
      %dma_start3A_69 = tpu.memref_slice %dma_start3A_66[%run_scoped3A_10, %dma_start3A_67, %dma_start3A_68] : memref<5x20x100xi32, #tpu.memory_space<hbm>> -> memref<1x20x100xi32, #tpu.memory_space<hbm>>
      %dma_start3A_70 = tpu.memref_squeeze %dma_start3A_69 : memref<1x20x100xi32, #tpu.memory_space<hbm>> -> memref<20x100xi32, #tpu.memory_space<hbm>>
      tpu.enqueue_dma source(%dma_start3A_70 : memref<20x100xi32, #tpu.memory_space<hbm>>) target(%arg7 : memref<20x100xi32, #tpu.memory_space<vmem>>) target_semaphore(%run_scoped3A_40 : memref<!tpu.dma_semaphore, #tpu.memory_space<semaphore_mem>>)
      %dma_wait3A_71 = arith.constant 0 : i32
      %dma_wait3A_72 = arith.constant 0 : i32
      %dma_wait3A_73 = arith.constant 0 : i32
      %dma_wait3A_74 = arith.constant 0 : i32
      %dma_wait3A_75 = tpu.memref_slice %arg3[%run_scoped3A_9, %dma_wait3A_71, %dma_wait3A_72, %dma_wait3A_73, %dma_wait3A_74] : memref<2x32x5x20x100xi32, #tpu.memory_space<hbm>> -> memref<1x32x5x20x100xi32, #tpu.memory_space<hbm>>
      %dma_wait3A_76 = tpu.memref_squeeze %dma_wait3A_75 : memref<1x32x5x20x100xi32, #tpu.memory_space<hbm>> -> memref<32x5x20x100xi32, #tpu.memory_space<hbm>>
      %dma_wait3A_77 = arith.constant 0 : i32
      %dma_wait3A_78 = arith.constant 0 : i32
      %dma_wait3A_79 = arith.constant 0 : i32
      %dma_wait3A_80 = tpu.memref_slice %dma_wait3A_76[%add3A, %dma_wait3A_77, %dma_wait3A_78, %dma_wait3A_79] : memref<32x5x20x100xi32, #tpu.memory_space<hbm>> -> memref<1x5x20x100xi32, #tpu.memory_space<hbm>>
      %dma_wait3A_81 = tpu.memref_squeeze %dma_wait3A_80 : memref<1x5x20x100xi32, #tpu.memory_space<hbm>> -> memref<5x20x100xi32, #tpu.memory_space<hbm>>
      %dma_wait3A_82 = arith.constant 0 : i32
      %dma_wait3A_83 = arith.constant 0 : i32
      %dma_wait3A_84 = tpu.memref_slice %dma_wait3A_81[%run_scoped3A_10, %dma_wait3A_82, %dma_wait3A_83] : memref<5x20x100xi32, #tpu.memory_space<hbm>> -> memref<1x20x100xi32, #tpu.memory_space<hbm>>
      %dma_wait3A_85 = tpu.memref_squeeze %dma_wait3A_84 : memref<1x20x100xi32, #tpu.memory_space<hbm>> -> memref<20x100xi32, #tpu.memory_space<hbm>>
      %dma_wait3A_86 = arith.constant 0 : i32
      %dma_wait3A_87 = arith.constant 0 : i32
      %dma_wait3A_88 = arith.constant 0 : i32
      %dma_wait3A_89 = arith.constant 0 : i32
      %dma_wait3A_90 = tpu.memref_slice %arg3[%run_scoped3A_9, %dma_wait3A_86, %dma_wait3A_87, %dma_wait3A_88, %dma_wait3A_89] : memref<2x32x5x20x100xi32, #tpu.memory_space<hbm>> -> memref<1x32x5x20x100xi32, #tpu.memory_space<hbm>>
      %dma_wait3A_91 = tpu.memref_squeeze %dma_wait3A_90 : memref<1x32x5x20x100xi32, #tpu.memory_space<hbm>> -> memref<32x5x20x100xi32, #tpu.memory_space<hbm>>
      %dma_wait3A_92 = arith.constant 0 : i32
      %dma_wait3A_93 = arith.constant 0 : i32
      %dma_wait3A_94 = arith.constant 0 : i32
      %dma_wait3A_95 = tpu.memref_slice %dma_wait3A_91[%add3A, %dma_wait3A_92, %dma_wait3A_93, %dma_wait3A_94] : memref<32x5x20x100xi32, #tpu.memory_space<hbm>> -> memref<1x5x20x100xi32, #tpu.memory_space<hbm>>
      %dma_wait3A_96 = tpu.memref_squeeze %dma_wait3A_95 : memref<1x5x20x100xi32, #tpu.memory_space<hbm>> -> memref<5x20x100xi32, #tpu.memory_space<hbm>>
      %dma_wait3A_97 = arith.constant 0 : i32
      %dma_wait3A_98 = arith.constant 0 : i32
      %dma_wait3A_99 = tpu.memref_slice %dma_wait3A_96[%run_scoped3A_10, %dma_wait3A_97, %dma_wait3A_98] : memref<5x20x100xi32, #tpu.memory_space<hbm>> -> memref<1x20x100xi32, #tpu.memory_space<hbm>>
      %dma_wait3A_100 = tpu.memref_squeeze %dma_wait3A_99 : memref<1x20x100xi32, #tpu.memory_space<hbm>> -> memref<20x100xi32, #tpu.memory_space<hbm>>
      tpu.wait_dma2 semaphore(%run_scoped3A_40 : memref<!tpu.dma_semaphore, #tpu.memory_space<semaphore_mem>>) src(%dma_wait3A_100 : memref<20x100xi32, #tpu.memory_space<hbm>>) dst(%arg7 : memref<20x100xi32, #tpu.memory_space<vmem>>)
      tpu.yield
    }) : () -> ()
    %dma_start3A_11 = arith.constant 0 : i32
    %dma_start3A_12 = arith.constant 0 : i32
    %dma_start3A_13 = tpu.memref_slice %arg6[%dma_start3A_11, %dma_start3A_12] : memref<20x100xi32, #tpu.memory_space<vmem>> -> memref<1x100xi32, #tpu.memory_space<vmem>>
    %dma_start3A_14 = tpu.memref_squeeze %dma_start3A_13 : memref<1x100xi32, #tpu.memory_space<vmem>> -> memref<100xi32, #tpu.memory_space<vmem>>
    %dma_start3A_15 = arith.constant 0 : i32
    %dma_start3A_16 = arith.constant 0 : i32
    %dma_start3A_17 = tpu.memref_slice %arg2[%dma_start3A_15, %dma_start3A_16] : memref<10000x128xf32, #tpu.memory_space<hbm>> -> memref<10000x128xf32, #tpu.memory_space<hbm>>
    tpu.enqueue_indirect_dma source(%dma_start3A_17 : memref<10000x128xf32, #tpu.memory_space<hbm>>) target(%arg8 : memref<100x128xf32, #tpu.memory_space<vmem>>) offsets(%dma_start3A_14 : memref<100xi32, #tpu.memory_space<vmem>>) semaphore(%arg12 : memref<!tpu.dma_semaphore, #tpu.memory_space<semaphore_mem>>)
    %dma_start3A_18 = arith.constant 1 : i32
    %dma_start3A_19 = arith.constant 0 : i32
    %dma_start3A_20 = tpu.memref_slice %arg6[%dma_start3A_18, %dma_start3A_19] : memref<20x100xi32, #tpu.memory_space<vmem>> -> memref<1x100xi32, #tpu.memory_space<vmem>>
    %dma_start3A_21 = tpu.memref_squeeze %dma_start3A_20 : memref<1x100xi32, #tpu.memory_space<vmem>> -> memref<100xi32, #tpu.memory_space<vmem>>
    %dma_start3A_22 = arith.constant 0 : i32
    %dma_start3A_23 = arith.constant 0 : i32
    %dma_start3A_24 = tpu.memref_slice %arg2[%dma_start3A_22, %dma_start3A_23] : memref<10000x128xf32, #tpu.memory_space<hbm>> -> memref<10000x128xf32, #tpu.memory_space<hbm>>
    tpu.enqueue_indirect_dma source(%dma_start3A_24 : memref<10000x128xf32, #tpu.memory_space<hbm>>) target(%arg9 : memref<100x128xf32, #tpu.memory_space<vmem>>) offsets(%dma_start3A_21 : memref<100xi32, #tpu.memory_space<vmem>>) semaphore(%arg13 : memref<!tpu.dma_semaphore, #tpu.memory_space<semaphore_mem>>)
    %mul3A_25 = arith.constant 625 : i32
    %mul3A_26 = arith.muli %arg1, %mul3A_25 : i32
    %dma_wait3A = arith.constant 0 : i32
    %dma_wait3A_27 = tpu.memref_slice %arg11[%mul3A_26, %dma_wait3A] : memref<10000x128xf32, #tpu.memory_space<vmem_shared>> -> memref<625x128xf32, #tpu.memory_space<vmem_shared>>
    %dma_wait3A_28 = arith.constant 0 : i32
    %dma_wait3A_29 = arith.constant 0 : i32
    %dma_wait3A_30 = tpu.memref_slice %arg4[%arg1, %dma_wait3A_28, %dma_wait3A_29] : memref<16x625x128xf32, #tpu.memory_space<hbm>> -> memref<1x625x128xf32, #tpu.memory_space<hbm>>
    %dma_wait3A_31 = tpu.memref_squeeze %dma_wait3A_30 : memref<1x625x128xf32, #tpu.memory_space<hbm>> -> memref<625x128xf32, #tpu.memory_space<hbm>>
    tpu.wait_dma2 semaphore(%arg18 : memref<!tpu.dma_semaphore, #tpu.memory_space<semaphore_mem>>) src(%dma_wait3A_31 : memref<625x128xf32, #tpu.memory_space<hbm>>) dst(%dma_wait3A_27 : memref<625x128xf32, #tpu.memory_space<vmem_shared>>)
    %barrier3A = arith.constant 0 : index
    tpu.barrier barrier_id(%barrier3A)
    %scan3A = arith.constant 0 : i32
    %scan3A_32 = arith.constant 0 : i32
    %scan3A_33 = arith.constant 5 : i32
    %scan3A_34 = arith.addi %scan3A_32, %scan3A_33 : i32
    %scan3A_35 = arith.constant 1 : i32
    scf.for %scan3A_40 = %scan3A_32 to %scan3A_34 step %scan3A_35  : i32 {
      %gt3A = arith.constant 0 : i32
      %gt3A_41 = arith.cmpi sgt, %scan3A_40, %gt3A : i32
      %convert_element_type3A = arith.extui %gt3A_41 : i1 to i32
      %cond3A = arith.constant 0 : i32
      %cond3A_42 = arith.cmpi ne, %convert_element_type3A, %cond3A : i32
      scf.if %cond3A_42 {
        %run_scoped3A_98 = arith.constant 0 : i32
        "tpu.region"() ({
          %run_scoped3A_114 = tpu.sem_alloc : memref<!tpu.dma_semaphore, #tpu.memory_space<semaphore_mem>>
          %dma_start3A_115 = arith.constant 0 : i32
          %dma_start3A_116 = arith.constant 0 : i32
          %dma_start3A_117 = arith.constant 0 : i32
          %dma_start3A_118 = arith.constant 0 : i32
          %dma_start3A_119 = tpu.memref_slice %arg3[%run_scoped3A_98, %dma_start3A_115, %dma_start3A_116, %dma_start3A_117, %dma_start3A_118] : memref<2x32x5x20x100xi32, #tpu.memory_space<hbm>> -> memref<1x32x5x20x100xi32, #tpu.memory_space<hbm>>
          %dma_start3A_120 = tpu.memref_squeeze %dma_start3A_119 : memref<1x32x5x20x100xi32, #tpu.memory_space<hbm>> -> memref<32x5x20x100xi32, #tpu.memory_space<hbm>>
          %dma_start3A_121 = arith.constant 0 : i32
          %dma_start3A_122 = arith.constant 0 : i32
          %dma_start3A_123 = arith.constant 0 : i32
          %dma_start3A_124 = tpu.memref_slice %dma_start3A_120[%add3A, %dma_start3A_121, %dma_start3A_122, %dma_start3A_123] : memref<32x5x20x100xi32, #tpu.memory_space<hbm>> -> memref<1x5x20x100xi32, #tpu.memory_space<hbm>>
          %dma_start3A_125 = tpu.memref_squeeze %dma_start3A_124 : memref<1x5x20x100xi32, #tpu.memory_space<hbm>> -> memref<5x20x100xi32, #tpu.memory_space<hbm>>
          %dma_start3A_126 = arith.constant 0 : i32
          %dma_start3A_127 = arith.constant 0 : i32
          %dma_start3A_128 = tpu.memref_slice %dma_start3A_125[%scan3A_40, %dma_start3A_126, %dma_start3A_127] : memref<5x20x100xi32, #tpu.memory_space<hbm>> -> memref<1x20x100xi32, #tpu.memory_space<hbm>>
          %dma_start3A_129 = tpu.memref_squeeze %dma_start3A_128 : memref<1x20x100xi32, #tpu.memory_space<hbm>> -> memref<20x100xi32, #tpu.memory_space<hbm>>
          %dma_start3A_130 = arith.constant 0 : i32
          %dma_start3A_131 = arith.constant 0 : i32
          %dma_start3A_132 = arith.constant 0 : i32
          %dma_start3A_133 = arith.constant 0 : i32
          %dma_start3A_134 = tpu.memref_slice %arg3[%run_scoped3A_98, %dma_start3A_130, %dma_start3A_131, %dma_start3A_132, %dma_start3A_133] : memref<2x32x5x20x100xi32, #tpu.memory_space<hbm>> -> memref<1x32x5x20x100xi32, #tpu.memory_space<hbm>>
          %dma_start3A_135 = tpu.memref_squeeze %dma_start3A_134 : memref<1x32x5x20x100xi32, #tpu.memory_space<hbm>> -> memref<32x5x20x100xi32, #tpu.memory_space<hbm>>
          %dma_start3A_136 = arith.constant 0 : i32
          %dma_start3A_137 = arith.constant 0 : i32
          %dma_start3A_138 = arith.constant 0 : i32
          %dma_start3A_139 = tpu.memref_slice %dma_start3A_135[%add3A, %dma_start3A_136, %dma_start3A_137, %dma_start3A_138] : memref<32x5x20x100xi32, #tpu.memory_space<hbm>> -> memref<1x5x20x100xi32, #tpu.memory_space<hbm>>
          %dma_start3A_140 = tpu.memref_squeeze %dma_start3A_139 : memref<1x5x20x100xi32, #tpu.memory_space<hbm>> -> memref<5x20x100xi32, #tpu.memory_space<hbm>>
          %dma_start3A_141 = arith.constant 0 : i32
          %dma_start3A_142 = arith.constant 0 : i32
          %dma_start3A_143 = tpu.memref_slice %dma_start3A_140[%scan3A_40, %dma_start3A_141, %dma_start3A_142] : memref<5x20x100xi32, #tpu.memory_space<hbm>> -> memref<1x20x100xi32, #tpu.memory_space<hbm>>
          %dma_start3A_144 = tpu.memref_squeeze %dma_start3A_143 : memref<1x20x100xi32, #tpu.memory_space<hbm>> -> memref<20x100xi32, #tpu.memory_space<hbm>>
          tpu.enqueue_dma source(%dma_start3A_144 : memref<20x100xi32, #tpu.memory_space<hbm>>) target(%arg6 : memref<20x100xi32, #tpu.memory_space<vmem>>) target_semaphore(%run_scoped3A_114 : memref<!tpu.dma_semaphore, #tpu.memory_space<semaphore_mem>>)
          %dma_wait3A_145 = arith.constant 0 : i32
          %dma_wait3A_146 = arith.constant 0 : i32
          %dma_wait3A_147 = arith.constant 0 : i32
          %dma_wait3A_148 = arith.constant 0 : i32
          %dma_wait3A_149 = tpu.memref_slice %arg3[%run_scoped3A_98, %dma_wait3A_145, %dma_wait3A_146, %dma_wait3A_147, %dma_wait3A_148] : memref<2x32x5x20x100xi32, #tpu.memory_space<hbm>> -> memref<1x32x5x20x100xi32, #tpu.memory_space<hbm>>
          %dma_wait3A_150 = tpu.memref_squeeze %dma_wait3A_149 : memref<1x32x5x20x100xi32, #tpu.memory_space<hbm>> -> memref<32x5x20x100xi32, #tpu.memory_space<hbm>>
          %dma_wait3A_151 = arith.constant 0 : i32
          %dma_wait3A_152 = arith.constant 0 : i32
          %dma_wait3A_153 = arith.constant 0 : i32
          %dma_wait3A_154 = tpu.memref_slice %dma_wait3A_150[%add3A, %dma_wait3A_151, %dma_wait3A_152, %dma_wait3A_153] : memref<32x5x20x100xi32, #tpu.memory_space<hbm>> -> memref<1x5x20x100xi32, #tpu.memory_space<hbm>>
          %dma_wait3A_155 = tpu.memref_squeeze %dma_wait3A_154 : memref<1x5x20x100xi32, #tpu.memory_space<hbm>> -> memref<5x20x100xi32, #tpu.memory_space<hbm>>
          %dma_wait3A_156 = arith.constant 0 : i32
          %dma_wait3A_157 = arith.constant 0 : i32
          %dma_wait3A_158 = tpu.memref_slice %dma_wait3A_155[%scan3A_40, %dma_wait3A_156, %dma_wait3A_157] : memref<5x20x100xi32, #tpu.memory_space<hbm>> -> memref<1x20x100xi32, #tpu.memory_space<hbm>>
          %dma_wait3A_159 = tpu.memref_squeeze %dma_wait3A_158 : memref<1x20x100xi32, #tpu.memory_space<hbm>> -> memref<20x100xi32, #tpu.memory_space<hbm>>
          %dma_wait3A_160 = arith.constant 0 : i32
          %dma_wait3A_161 = arith.constant 0 : i32
          %dma_wait3A_162 = arith.constant 0 : i32
          %dma_wait3A_163 = arith.constant 0 : i32
          %dma_wait3A_164 = tpu.memref_slice %arg3[%run_scoped3A_98, %dma_wait3A_160, %dma_wait3A_161, %dma_wait3A_162, %dma_wait3A_163] : memref<2x32x5x20x100xi32, #tpu.memory_space<hbm>> -> memref<1x32x5x20x100xi32, #tpu.memory_space<hbm>>
          %dma_wait3A_165 = tpu.memref_squeeze %dma_wait3A_164 : memref<1x32x5x20x100xi32, #tpu.memory_space<hbm>> -> memref<32x5x20x100xi32, #tpu.memory_space<hbm>>
          %dma_wait3A_166 = arith.constant 0 : i32
          %dma_wait3A_167 = arith.constant 0 : i32
          %dma_wait3A_168 = arith.constant 0 : i32
          %dma_wait3A_169 = tpu.memref_slice %dma_wait3A_165[%add3A, %dma_wait3A_166, %dma_wait3A_167, %dma_wait3A_168] : memref<32x5x20x100xi32, #tpu.memory_space<hbm>> -> memref<1x5x20x100xi32, #tpu.memory_space<hbm>>
          %dma_wait3A_170 = tpu.memref_squeeze %dma_wait3A_169 : memref<1x5x20x100xi32, #tpu.memory_space<hbm>> -> memref<5x20x100xi32, #tpu.memory_space<hbm>>
          %dma_wait3A_171 = arith.constant 0 : i32
          %dma_wait3A_172 = arith.constant 0 : i32
          %dma_wait3A_173 = tpu.memref_slice %dma_wait3A_170[%scan3A_40, %dma_wait3A_171, %dma_wait3A_172] : memref<5x20x100xi32, #tpu.memory_space<hbm>> -> memref<1x20x100xi32, #tpu.memory_space<hbm>>
          %dma_wait3A_174 = tpu.memref_squeeze %dma_wait3A_173 : memref<1x20x100xi32, #tpu.memory_space<hbm>> -> memref<20x100xi32, #tpu.memory_space<hbm>>
          tpu.wait_dma2 semaphore(%run_scoped3A_114 : memref<!tpu.dma_semaphore, #tpu.memory_space<semaphore_mem>>) src(%dma_wait3A_174 : memref<20x100xi32, #tpu.memory_space<hbm>>) dst(%arg6 : memref<20x100xi32, #tpu.memory_space<vmem>>)
          tpu.yield
        }) : () -> ()
        %run_scoped3A_99 = arith.constant 1 : i32
        "tpu.region"() ({
          %run_scoped3A_114 = tpu.sem_alloc : memref<!tpu.dma_semaphore, #tpu.memory_space<semaphore_mem>>
          %dma_start3A_115 = arith.constant 0 : i32
          %dma_start3A_116 = arith.constant 0 : i32
          %dma_start3A_117 = arith.constant 0 : i32
          %dma_start3A_118 = arith.constant 0 : i32
          %dma_start3A_119 = tpu.memref_slice %arg3[%run_scoped3A_99, %dma_start3A_115, %dma_start3A_116, %dma_start3A_117, %dma_start3A_118] : memref<2x32x5x20x100xi32, #tpu.memory_space<hbm>> -> memref<1x32x5x20x100xi32, #tpu.memory_space<hbm>>
          %dma_start3A_120 = tpu.memref_squeeze %dma_start3A_119 : memref<1x32x5x20x100xi32, #tpu.memory_space<hbm>> -> memref<32x5x20x100xi32, #tpu.memory_space<hbm>>
          %dma_start3A_121 = arith.constant 0 : i32
          %dma_start3A_122 = arith.constant 0 : i32
          %dma_start3A_123 = arith.constant 0 : i32
          %dma_start3A_124 = tpu.memref_slice %dma_start3A_120[%add3A, %dma_start3A_121, %dma_start3A_122, %dma_start3A_123] : memref<32x5x20x100xi32, #tpu.memory_space<hbm>> -> memref<1x5x20x100xi32, #tpu.memory_space<hbm>>
          %dma_start3A_125 = tpu.memref_squeeze %dma_start3A_124 : memref<1x5x20x100xi32, #tpu.memory_space<hbm>> -> memref<5x20x100xi32, #tpu.memory_space<hbm>>
          %dma_start3A_126 = arith.constant 0 : i32
          %dma_start3A_127 = arith.constant 0 : i32
          %dma_start3A_128 = tpu.memref_slice %dma_start3A_125[%scan3A_40, %dma_start3A_126, %dma_start3A_127] : memref<5x20x100xi32, #tpu.memory_space<hbm>> -> memref<1x20x100xi32, #tpu.memory_space<hbm>>
          %dma_start3A_129 = tpu.memref_squeeze %dma_start3A_128 : memref<1x20x100xi32, #tpu.memory_space<hbm>> -> memref<20x100xi32, #tpu.memory_space<hbm>>
          %dma_start3A_130 = arith.constant 0 : i32
          %dma_start3A_131 = arith.constant 0 : i32
          %dma_start3A_132 = arith.constant 0 : i32
          %dma_start3A_133 = arith.constant 0 : i32
          %dma_start3A_134 = tpu.memref_slice %arg3[%run_scoped3A_99, %dma_start3A_130, %dma_start3A_131, %dma_start3A_132, %dma_start3A_133] : memref<2x32x5x20x100xi32, #tpu.memory_space<hbm>> -> memref<1x32x5x20x100xi32, #tpu.memory_space<hbm>>
          %dma_start3A_135 = tpu.memref_squeeze %dma_start3A_134 : memref<1x32x5x20x100xi32, #tpu.memory_space<hbm>> -> memref<32x5x20x100xi32, #tpu.memory_space<hbm>>
          %dma_start3A_136 = arith.constant 0 : i32
          %dma_start3A_137 = arith.constant 0 : i32
          %dma_start3A_138 = arith.constant 0 : i32
          %dma_start3A_139 = tpu.memref_slice %dma_start3A_135[%add3A, %dma_start3A_136, %dma_start3A_137, %dma_start3A_138] : memref<32x5x20x100xi32, #tpu.memory_space<hbm>> -> memref<1x5x20x100xi32, #tpu.memory_space<hbm>>
          %dma_start3A_140 = tpu.memref_squeeze %dma_start3A_139 : memref<1x5x20x100xi32, #tpu.memory_space<hbm>> -> memref<5x20x100xi32, #tpu.memory_space<hbm>>
          %dma_start3A_141 = arith.constant 0 : i32
          %dma_start3A_142 = arith.constant 0 : i32
          %dma_start3A_143 = tpu.memref_slice %dma_start3A_140[%scan3A_40, %dma_start3A_141, %dma_start3A_142] : memref<5x20x100xi32, #tpu.memory_space<hbm>> -> memref<1x20x100xi32, #tpu.memory_space<hbm>>
          %dma_start3A_144 = tpu.memref_squeeze %dma_start3A_143 : memref<1x20x100xi32, #tpu.memory_space<hbm>> -> memref<20x100xi32, #tpu.memory_space<hbm>>
          tpu.enqueue_dma source(%dma_start3A_144 : memref<20x100xi32, #tpu.memory_space<hbm>>) target(%arg7 : memref<20x100xi32, #tpu.memory_space<vmem>>) target_semaphore(%run_scoped3A_114 : memref<!tpu.dma_semaphore, #tpu.memory_space<semaphore_mem>>)
          %dma_wait3A_145 = arith.constant 0 : i32
          %dma_wait3A_146 = arith.constant 0 : i32
          %dma_wait3A_147 = arith.constant 0 : i32
          %dma_wait3A_148 = arith.constant 0 : i32
          %dma_wait3A_149 = tpu.memref_slice %arg3[%run_scoped3A_99, %dma_wait3A_145, %dma_wait3A_146, %dma_wait3A_147, %dma_wait3A_148] : memref<2x32x5x20x100xi32, #tpu.memory_space<hbm>> -> memref<1x32x5x20x100xi32, #tpu.memory_space<hbm>>
          %dma_wait3A_150 = tpu.memref_squeeze %dma_wait3A_149 : memref<1x32x5x20x100xi32, #tpu.memory_space<hbm>> -> memref<32x5x20x100xi32, #tpu.memory_space<hbm>>
          %dma_wait3A_151 = arith.constant 0 : i32
          %dma_wait3A_152 = arith.constant 0 : i32
          %dma_wait3A_153 = arith.constant 0 : i32
          %dma_wait3A_154 = tpu.memref_slice %dma_wait3A_150[%add3A, %dma_wait3A_151, %dma_wait3A_152, %dma_wait3A_153] : memref<32x5x20x100xi32, #tpu.memory_space<hbm>> -> memref<1x5x20x100xi32, #tpu.memory_space<hbm>>
          %dma_wait3A_155 = tpu.memref_squeeze %dma_wait3A_154 : memref<1x5x20x100xi32, #tpu.memory_space<hbm>> -> memref<5x20x100xi32, #tpu.memory_space<hbm>>
          %dma_wait3A_156 = arith.constant 0 : i32
          %dma_wait3A_157 = arith.constant 0 : i32
          %dma_wait3A_158 = tpu.memref_slice %dma_wait3A_155[%scan3A_40, %dma_wait3A_156, %dma_wait3A_157] : memref<5x20x100xi32, #tpu.memory_space<hbm>> -> memref<1x20x100xi32, #tpu.memory_space<hbm>>
          %dma_wait3A_159 = tpu.memref_squeeze %dma_wait3A_158 : memref<1x20x100xi32, #tpu.memory_space<hbm>> -> memref<20x100xi32, #tpu.memory_space<hbm>>
          %dma_wait3A_160 = arith.constant 0 : i32
          %dma_wait3A_161 = arith.constant 0 : i32
          %dma_wait3A_162 = arith.constant 0 : i32
          %dma_wait3A_163 = arith.constant 0 : i32
          %dma_wait3A_164 = tpu.memref_slice %arg3[%run_scoped3A_99, %dma_wait3A_160, %dma_wait3A_161, %dma_wait3A_162, %dma_wait3A_163] : memref<2x32x5x20x100xi32, #tpu.memory_space<hbm>> -> memref<1x32x5x20x100xi32, #tpu.memory_space<hbm>>
          %dma_wait3A_165 = tpu.memref_squeeze %dma_wait3A_164 : memref<1x32x5x20x100xi32, #tpu.memory_space<hbm>> -> memref<32x5x20x100xi32, #tpu.memory_space<hbm>>
          %dma_wait3A_166 = arith.constant 0 : i32
          %dma_wait3A_167 = arith.constant 0 : i32
          %dma_wait3A_168 = arith.constant 0 : i32
          %dma_wait3A_169 = tpu.memref_slice %dma_wait3A_165[%add3A, %dma_wait3A_166, %dma_wait3A_167, %dma_wait3A_168] : memref<32x5x20x100xi32, #tpu.memory_space<hbm>> -> memref<1x5x20x100xi32, #tpu.memory_space<hbm>>
          %dma_wait3A_170 = tpu.memref_squeeze %dma_wait3A_169 : memref<1x5x20x100xi32, #tpu.memory_space<hbm>> -> memref<5x20x100xi32, #tpu.memory_space<hbm>>
          %dma_wait3A_171 = arith.constant 0 : i32
          %dma_wait3A_172 = arith.constant 0 : i32
          %dma_wait3A_173 = tpu.memref_slice %dma_wait3A_170[%scan3A_40, %dma_wait3A_171, %dma_wait3A_172] : memref<5x20x100xi32, #tpu.memory_space<hbm>> -> memref<1x20x100xi32, #tpu.memory_space<hbm>>
          %dma_wait3A_174 = tpu.memref_squeeze %dma_wait3A_173 : memref<1x20x100xi32, #tpu.memory_space<hbm>> -> memref<20x100xi32, #tpu.memory_space<hbm>>
          tpu.wait_dma2 semaphore(%run_scoped3A_114 : memref<!tpu.dma_semaphore, #tpu.memory_space<semaphore_mem>>) src(%dma_wait3A_174 : memref<20x100xi32, #tpu.memory_space<hbm>>) dst(%arg7 : memref<20x100xi32, #tpu.memory_space<vmem>>)
          tpu.yield
        }) : () -> ()
        %dma_start3A_100 = arith.constant 0 : i32
        %dma_start3A_101 = arith.constant 0 : i32
        %dma_start3A_102 = tpu.memref_slice %arg6[%dma_start3A_100, %dma_start3A_101] : memref<20x100xi32, #tpu.memory_space<vmem>> -> memref<1x100xi32, #tpu.memory_space<vmem>>
        %dma_start3A_103 = tpu.memref_squeeze %dma_start3A_102 : memref<1x100xi32, #tpu.memory_space<vmem>> -> memref<100xi32, #tpu.memory_space<vmem>>
        %dma_start3A_104 = arith.constant 0 : i32
        %dma_start3A_105 = arith.constant 0 : i32
        %dma_start3A_106 = tpu.memref_slice %arg2[%dma_start3A_104, %dma_start3A_105] : memref<10000x128xf32, #tpu.memory_space<hbm>> -> memref<10000x128xf32, #tpu.memory_space<hbm>>
        tpu.enqueue_indirect_dma source(%dma_start3A_106 : memref<10000x128xf32, #tpu.memory_space<hbm>>) target(%arg8 : memref<100x128xf32, #tpu.memory_space<vmem>>) offsets(%dma_start3A_103 : memref<100xi32, #tpu.memory_space<vmem>>) semaphore(%arg12 : memref<!tpu.dma_semaphore, #tpu.memory_space<semaphore_mem>>)
        %dma_start3A_107 = arith.constant 1 : i32
        %dma_start3A_108 = arith.constant 0 : i32
        %dma_start3A_109 = tpu.memref_slice %arg6[%dma_start3A_107, %dma_start3A_108] : memref<20x100xi32, #tpu.memory_space<vmem>> -> memref<1x100xi32, #tpu.memory_space<vmem>>
        %dma_start3A_110 = tpu.memref_squeeze %dma_start3A_109 : memref<1x100xi32, #tpu.memory_space<vmem>> -> memref<100xi32, #tpu.memory_space<vmem>>
        %dma_start3A_111 = arith.constant 0 : i32
        %dma_start3A_112 = arith.constant 0 : i32
        %dma_start3A_113 = tpu.memref_slice %arg2[%dma_start3A_111, %dma_start3A_112] : memref<10000x128xf32, #tpu.memory_space<hbm>> -> memref<10000x128xf32, #tpu.memory_space<hbm>>
        tpu.enqueue_indirect_dma source(%dma_start3A_113 : memref<10000x128xf32, #tpu.memory_space<hbm>>) target(%arg9 : memref<100x128xf32, #tpu.memory_space<vmem>>) offsets(%dma_start3A_110 : memref<100xi32, #tpu.memory_space<vmem>>) semaphore(%arg13 : memref<!tpu.dma_semaphore, #tpu.memory_space<semaphore_mem>>)
      } else {
      }
      %scan3A_43 = arith.constant 0 : i32
      %scan3A_44 = arith.constant 0 : i32
      %scan3A_45 = arith.constant 6 : i32
      %scan3A_46 = arith.addi %scan3A_44, %scan3A_45 : i32
      %scan3A_47 = arith.constant 1 : i32
      scf.for %scan3A_98 = %scan3A_44 to %scan3A_46 step %scan3A_47  : i32 {
        %mul3A_99 = arith.constant 3 : i32
        %mul3A_100 = arith.muli %mul3A_99, %scan3A_98 : i32
        %add3A_101 = arith.constant 0 : i32
        %add3A_102 = arith.addi %mul3A_100, %add3A_101 : i32
        %dma_wait3A_103 = arith.constant 0 : i32
        %dma_wait3A_104 = tpu.memref_slice %arg6[%add3A_102, %dma_wait3A_103] : memref<20x100xi32, #tpu.memory_space<vmem>> -> memref<1x100xi32, #tpu.memory_space<vmem>>
        %dma_wait3A_105 = tpu.memref_squeeze %dma_wait3A_104 : memref<1x100xi32, #tpu.memory_space<vmem>> -> memref<100xi32, #tpu.memory_space<vmem>>
        %dma_wait3A_106 = arith.constant 0 : i32
        %dma_wait3A_107 = arith.constant 0 : i32
        %dma_wait3A_108 = tpu.memref_slice %arg2[%dma_wait3A_106, %dma_wait3A_107] : memref<10000x128xf32, #tpu.memory_space<hbm>> -> memref<10000x128xf32, #tpu.memory_space<hbm>>
        tpu.wait_indirect_dma semaphore(%arg12 : memref<!tpu.dma_semaphore, #tpu.memory_space<semaphore_mem>>) src(%dma_wait3A_108 : memref<10000x128xf32, #tpu.memory_space<hbm>>) dst(%arg8 : memref<100x128xf32, #tpu.memory_space<vmem>>)
        %dma_start3A_109 = arith.constant 0 : i32
        %dma_start3A_110 = tpu.memref_slice %arg7[%add3A_102, %dma_start3A_109] : memref<20x100xi32, #tpu.memory_space<vmem>> -> memref<1x100xi32, #tpu.memory_space<vmem>>
        %dma_start3A_111 = tpu.memref_squeeze %dma_start3A_110 : memref<1x100xi32, #tpu.memory_space<vmem>> -> memref<100xi32, #tpu.memory_space<vmem>>
        %dma_start3A_112 = arith.constant 0 : i32
        %dma_start3A_113 = arith.constant 0 : i32
        %dma_start3A_114 = tpu.memref_slice %arg11[%dma_start3A_112, %dma_start3A_113] : memref<10000x128xf32, #tpu.memory_space<vmem_shared>> -> memref<10000x128xf32, #tpu.memory_space<vmem_shared>>
        tpu.enqueue_indirect_dma source(%arg8 : memref<100x128xf32, #tpu.memory_space<vmem>>) target(%dma_start3A_114 : memref<10000x128xf32, #tpu.memory_space<vmem_shared>>) offsets(%dma_start3A_111 : memref<100xi32, #tpu.memory_space<vmem>>) semaphore(%arg15 : memref<!tpu.dma_semaphore, #tpu.memory_space<semaphore_mem>>) {add = true}
        %gt3A_115 = arith.constant 0 : i32
        %gt3A_116 = arith.cmpi sgt, %scan3A_98, %gt3A_115 : i32
        %convert_element_type3A_117 = arith.extui %gt3A_116 : i1 to i32
        %cond3A_118 = arith.constant 0 : i32
        %cond3A_119 = arith.cmpi ne, %convert_element_type3A_117, %cond3A_118 : i32
        scf.if %cond3A_119 {
          %mul3A_193 = arith.constant 3 : i32
          %mul3A_194 = arith.muli %mul3A_193, %scan3A_98 : i32
          %sub3A_195 = arith.constant 1 : i32
          %sub3A_196 = arith.subi %mul3A_194, %sub3A_195 : i32
          %dma_wait3A_197 = arith.constant 0 : i32
          %dma_wait3A_198 = tpu.memref_slice %arg7[%sub3A_196, %dma_wait3A_197] : memref<20x100xi32, #tpu.memory_space<vmem>> -> memref<1x100xi32, #tpu.memory_space<vmem>>
          %dma_wait3A_199 = tpu.memref_squeeze %dma_wait3A_198 : memref<1x100xi32, #tpu.memory_space<vmem>> -> memref<100xi32, #tpu.memory_space<vmem>>
          %dma_wait3A_200 = arith.constant 0 : i32
          %dma_wait3A_201 = arith.constant 0 : i32
          %dma_wait3A_202 = tpu.memref_slice %arg11[%dma_wait3A_200, %dma_wait3A_201] : memref<10000x128xf32, #tpu.memory_space<vmem_shared>> -> memref<10000x128xf32, #tpu.memory_space<vmem_shared>>
          tpu.wait_indirect_dma semaphore(%arg17 : memref<!tpu.dma_semaphore, #tpu.memory_space<semaphore_mem>>) src(%arg10 : memref<100x128xf32, #tpu.memory_space<vmem>>) dst(%dma_wait3A_202 : memref<10000x128xf32, #tpu.memory_space<vmem_shared>>)
        } else {
        }
        %add3A_120 = arith.constant 3 : i32
        %add3A_121 = arith.addi %add3A_102, %add3A_120 : i32
        %sub3A = arith.constant 1 : i32
        %sub3A_122 = arith.subi %add3A_121, %sub3A : i32
        %lt3A = arith.constant 20 : i32
        %lt3A_123 = arith.cmpi slt, %sub3A_122, %lt3A : i32
        %convert_element_type3A_124 = arith.extui %lt3A_123 : i1 to i32
        %cond3A_125 = arith.constant 0 : i32
        %cond3A_126 = arith.cmpi ne, %convert_element_type3A_124, %cond3A_125 : i32
        scf.if %cond3A_126 {
          %add3A_193 = arith.constant 3 : i32
          %add3A_194 = arith.addi %add3A_102, %add3A_193 : i32
          %sub3A_195 = arith.constant 1 : i32
          %sub3A_196 = arith.subi %add3A_194, %sub3A_195 : i32
          %dma_start3A_197 = arith.constant 0 : i32
          %dma_start3A_198 = tpu.memref_slice %arg6[%sub3A_196, %dma_start3A_197] : memref<20x100xi32, #tpu.memory_space<vmem>> -> memref<1x100xi32, #tpu.memory_space<vmem>>
          %dma_start3A_199 = tpu.memref_squeeze %dma_start3A_198 : memref<1x100xi32, #tpu.memory_space<vmem>> -> memref<100xi32, #tpu.memory_space<vmem>>
          %dma_start3A_200 = arith.constant 0 : i32
          %dma_start3A_201 = arith.constant 0 : i32
          %dma_start3A_202 = tpu.memref_slice %arg2[%dma_start3A_200, %dma_start3A_201] : memref<10000x128xf32, #tpu.memory_space<hbm>> -> memref<10000x128xf32, #tpu.memory_space<hbm>>
          tpu.enqueue_indirect_dma source(%dma_start3A_202 : memref<10000x128xf32, #tpu.memory_space<hbm>>) target(%arg10 : memref<100x128xf32, #tpu.memory_space<vmem>>) offsets(%dma_start3A_199 : memref<100xi32, #tpu.memory_space<vmem>>) semaphore(%arg14 : memref<!tpu.dma_semaphore, #tpu.memory_space<semaphore_mem>>)
        } else {
        }
        %mul3A_127 = arith.constant 3 : i32
        %mul3A_128 = arith.muli %mul3A_127, %scan3A_98 : i32
        %add3A_129 = arith.constant 1 : i32
        %add3A_130 = arith.addi %mul3A_128, %add3A_129 : i32
        %dma_wait3A_131 = arith.constant 0 : i32
        %dma_wait3A_132 = tpu.memref_slice %arg6[%add3A_130, %dma_wait3A_131] : memref<20x100xi32, #tpu.memory_space<vmem>> -> memref<1x100xi32, #tpu.memory_space<vmem>>
        %dma_wait3A_133 = tpu.memref_squeeze %dma_wait3A_132 : memref<1x100xi32, #tpu.memory_space<vmem>> -> memref<100xi32, #tpu.memory_space<vmem>>
        %dma_wait3A_134 = arith.constant 0 : i32
        %dma_wait3A_135 = arith.constant 0 : i32
        %dma_wait3A_136 = tpu.memref_slice %arg2[%dma_wait3A_134, %dma_wait3A_135] : memref<10000x128xf32, #tpu.memory_space<hbm>> -> memref<10000x128xf32, #tpu.memory_space<hbm>>
        tpu.wait_indirect_dma semaphore(%arg13 : memref<!tpu.dma_semaphore, #tpu.memory_space<semaphore_mem>>) src(%dma_wait3A_136 : memref<10000x128xf32, #tpu.memory_space<hbm>>) dst(%arg9 : memref<100x128xf32, #tpu.memory_space<vmem>>)
        %dma_start3A_137 = arith.constant 0 : i32
        %dma_start3A_138 = tpu.memref_slice %arg7[%add3A_130, %dma_start3A_137] : memref<20x100xi32, #tpu.memory_space<vmem>> -> memref<1x100xi32, #tpu.memory_space<vmem>>
        %dma_start3A_139 = tpu.memref_squeeze %dma_start3A_138 : memref<1x100xi32, #tpu.memory_space<vmem>> -> memref<100xi32, #tpu.memory_space<vmem>>
        %dma_start3A_140 = arith.constant 0 : i32
        %dma_start3A_141 = arith.constant 0 : i32
        %dma_start3A_142 = tpu.memref_slice %arg11[%dma_start3A_140, %dma_start3A_141] : memref<10000x128xf32, #tpu.memory_space<vmem_shared>> -> memref<10000x128xf32, #tpu.memory_space<vmem_shared>>
        tpu.enqueue_indirect_dma source(%arg9 : memref<100x128xf32, #tpu.memory_space<vmem>>) target(%dma_start3A_142 : memref<10000x128xf32, #tpu.memory_space<vmem_shared>>) offsets(%dma_start3A_139 : memref<100xi32, #tpu.memory_space<vmem>>) semaphore(%arg16 : memref<!tpu.dma_semaphore, #tpu.memory_space<semaphore_mem>>) {add = true}
        %sub3A_143 = arith.constant 1 : i32
        %sub3A_144 = arith.subi %add3A_130, %sub3A_143 : i32
        %dma_wait3A_145 = arith.constant 0 : i32
        %dma_wait3A_146 = tpu.memref_slice %arg7[%sub3A_144, %dma_wait3A_145] : memref<20x100xi32, #tpu.memory_space<vmem>> -> memref<1x100xi32, #tpu.memory_space<vmem>>
        %dma_wait3A_147 = tpu.memref_squeeze %dma_wait3A_146 : memref<1x100xi32, #tpu.memory_space<vmem>> -> memref<100xi32, #tpu.memory_space<vmem>>
        %dma_wait3A_148 = arith.constant 0 : i32
        %dma_wait3A_149 = arith.constant 0 : i32
        %dma_wait3A_150 = tpu.memref_slice %arg11[%dma_wait3A_148, %dma_wait3A_149] : memref<10000x128xf32, #tpu.memory_space<vmem_shared>> -> memref<10000x128xf32, #tpu.memory_space<vmem_shared>>
        tpu.wait_indirect_dma semaphore(%arg15 : memref<!tpu.dma_semaphore, #tpu.memory_space<semaphore_mem>>) src(%arg8 : memref<100x128xf32, #tpu.memory_space<vmem>>) dst(%dma_wait3A_150 : memref<10000x128xf32, #tpu.memory_space<vmem_shared>>)
        %add3A_151 = arith.constant 3 : i32
        %add3A_152 = arith.addi %add3A_130, %add3A_151 : i32
        %sub3A_153 = arith.constant 1 : i32
        %sub3A_154 = arith.subi %add3A_152, %sub3A_153 : i32
        %lt3A_155 = arith.constant 20 : i32
        %lt3A_156 = arith.cmpi slt, %sub3A_154, %lt3A_155 : i32
        %convert_element_type3A_157 = arith.extui %lt3A_156 : i1 to i32
        %cond3A_158 = arith.constant 0 : i32
        %cond3A_159 = arith.cmpi ne, %convert_element_type3A_157, %cond3A_158 : i32
        scf.if %cond3A_159 {
          %add3A_193 = arith.constant 3 : i32
          %add3A_194 = arith.addi %add3A_130, %add3A_193 : i32
          %sub3A_195 = arith.constant 1 : i32
          %sub3A_196 = arith.subi %add3A_194, %sub3A_195 : i32
          %dma_start3A_197 = arith.constant 0 : i32
          %dma_start3A_198 = tpu.memref_slice %arg6[%sub3A_196, %dma_start3A_197] : memref<20x100xi32, #tpu.memory_space<vmem>> -> memref<1x100xi32, #tpu.memory_space<vmem>>
          %dma_start3A_199 = tpu.memref_squeeze %dma_start3A_198 : memref<1x100xi32, #tpu.memory_space<vmem>> -> memref<100xi32, #tpu.memory_space<vmem>>
          %dma_start3A_200 = arith.constant 0 : i32
          %dma_start3A_201 = arith.constant 0 : i32
          %dma_start3A_202 = tpu.memref_slice %arg2[%dma_start3A_200, %dma_start3A_201] : memref<10000x128xf32, #tpu.memory_space<hbm>> -> memref<10000x128xf32, #tpu.memory_space<hbm>>
          tpu.enqueue_indirect_dma source(%dma_start3A_202 : memref<10000x128xf32, #tpu.memory_space<hbm>>) target(%arg8 : memref<100x128xf32, #tpu.memory_space<vmem>>) offsets(%dma_start3A_199 : memref<100xi32, #tpu.memory_space<vmem>>) semaphore(%arg12 : memref<!tpu.dma_semaphore, #tpu.memory_space<semaphore_mem>>)
        } else {
        }
        %mul3A_160 = arith.constant 3 : i32
        %mul3A_161 = arith.muli %mul3A_160, %scan3A_98 : i32
        %add3A_162 = arith.constant 2 : i32
        %add3A_163 = arith.addi %mul3A_161, %add3A_162 : i32
        %dma_wait3A_164 = arith.constant 0 : i32
        %dma_wait3A_165 = tpu.memref_slice %arg6[%add3A_163, %dma_wait3A_164] : memref<20x100xi32, #tpu.memory_space<vmem>> -> memref<1x100xi32, #tpu.memory_space<vmem>>
        %dma_wait3A_166 = tpu.memref_squeeze %dma_wait3A_165 : memref<1x100xi32, #tpu.memory_space<vmem>> -> memref<100xi32, #tpu.memory_space<vmem>>
        %dma_wait3A_167 = arith.constant 0 : i32
        %dma_wait3A_168 = arith.constant 0 : i32
        %dma_wait3A_169 = tpu.memref_slice %arg2[%dma_wait3A_167, %dma_wait3A_168] : memref<10000x128xf32, #tpu.memory_space<hbm>> -> memref<10000x128xf32, #tpu.memory_space<hbm>>
        tpu.wait_indirect_dma semaphore(%arg14 : memref<!tpu.dma_semaphore, #tpu.memory_space<semaphore_mem>>) src(%dma_wait3A_169 : memref<10000x128xf32, #tpu.memory_space<hbm>>) dst(%arg10 : memref<100x128xf32, #tpu.memory_space<vmem>>)
        %dma_start3A_170 = arith.constant 0 : i32
        %dma_start3A_171 = tpu.memref_slice %arg7[%add3A_163, %dma_start3A_170] : memref<20x100xi32, #tpu.memory_space<vmem>> -> memref<1x100xi32, #tpu.memory_space<vmem>>
        %dma_start3A_172 = tpu.memref_squeeze %dma_start3A_171 : memref<1x100xi32, #tpu.memory_space<vmem>> -> memref<100xi32, #tpu.memory_space<vmem>>
        %dma_start3A_173 = arith.constant 0 : i32
        %dma_start3A_174 = arith.constant 0 : i32
        %dma_start3A_175 = tpu.memref_slice %arg11[%dma_start3A_173, %dma_start3A_174] : memref<10000x128xf32, #tpu.memory_space<vmem_shared>> -> memref<10000x128xf32, #tpu.memory_space<vmem_shared>>
        tpu.enqueue_indirect_dma source(%arg10 : memref<100x128xf32, #tpu.memory_space<vmem>>) target(%dma_start3A_175 : memref<10000x128xf32, #tpu.memory_space<vmem_shared>>) offsets(%dma_start3A_172 : memref<100xi32, #tpu.memory_space<vmem>>) semaphore(%arg17 : memref<!tpu.dma_semaphore, #tpu.memory_space<semaphore_mem>>) {add = true}
        %sub3A_176 = arith.constant 1 : i32
        %sub3A_177 = arith.subi %add3A_163, %sub3A_176 : i32
        %dma_wait3A_178 = arith.constant 0 : i32
        %dma_wait3A_179 = tpu.memref_slice %arg7[%sub3A_177, %dma_wait3A_178] : memref<20x100xi32, #tpu.memory_space<vmem>> -> memref<1x100xi32, #tpu.memory_space<vmem>>
        %dma_wait3A_180 = tpu.memref_squeeze %dma_wait3A_179 : memref<1x100xi32, #tpu.memory_space<vmem>> -> memref<100xi32, #tpu.memory_space<vmem>>
        %dma_wait3A_181 = arith.constant 0 : i32
        %dma_wait3A_182 = arith.constant 0 : i32
        %dma_wait3A_183 = tpu.memref_slice %arg11[%dma_wait3A_181, %dma_wait3A_182] : memref<10000x128xf32, #tpu.memory_space<vmem_shared>> -> memref<10000x128xf32, #tpu.memory_space<vmem_shared>>
        tpu.wait_indirect_dma semaphore(%arg16 : memref<!tpu.dma_semaphore, #tpu.memory_space<semaphore_mem>>) src(%arg9 : memref<100x128xf32, #tpu.memory_space<vmem>>) dst(%dma_wait3A_183 : memref<10000x128xf32, #tpu.memory_space<vmem_shared>>)
        %add3A_184 = arith.constant 3 : i32
        %add3A_185 = arith.addi %add3A_163, %add3A_184 : i32
        %sub3A_186 = arith.constant 1 : i32
        %sub3A_187 = arith.subi %add3A_185, %sub3A_186 : i32
        %lt3A_188 = arith.constant 20 : i32
        %lt3A_189 = arith.cmpi slt, %sub3A_187, %lt3A_188 : i32
        %convert_element_type3A_190 = arith.extui %lt3A_189 : i1 to i32
        %cond3A_191 = arith.constant 0 : i32
        %cond3A_192 = arith.cmpi ne, %convert_element_type3A_190, %cond3A_191 : i32
        scf.if %cond3A_192 {
          %add3A_193 = arith.constant 3 : i32
          %add3A_194 = arith.addi %add3A_163, %add3A_193 : i32
          %sub3A_195 = arith.constant 1 : i32
          %sub3A_196 = arith.subi %add3A_194, %sub3A_195 : i32
          %dma_start3A_197 = arith.constant 0 : i32
          %dma_start3A_198 = tpu.memref_slice %arg6[%sub3A_196, %dma_start3A_197] : memref<20x100xi32, #tpu.memory_space<vmem>> -> memref<1x100xi32, #tpu.memory_space<vmem>>
          %dma_start3A_199 = tpu.memref_squeeze %dma_start3A_198 : memref<1x100xi32, #tpu.memory_space<vmem>> -> memref<100xi32, #tpu.memory_space<vmem>>
          %dma_start3A_200 = arith.constant 0 : i32
          %dma_start3A_201 = arith.constant 0 : i32
          %dma_start3A_202 = tpu.memref_slice %arg2[%dma_start3A_200, %dma_start3A_201] : memref<10000x128xf32, #tpu.memory_space<hbm>> -> memref<10000x128xf32, #tpu.memory_space<hbm>>
          tpu.enqueue_indirect_dma source(%dma_start3A_202 : memref<10000x128xf32, #tpu.memory_space<hbm>>) target(%arg9 : memref<100x128xf32, #tpu.memory_space<vmem>>) offsets(%dma_start3A_199 : memref<100xi32, #tpu.memory_space<vmem>>) semaphore(%arg13 : memref<!tpu.dma_semaphore, #tpu.memory_space<semaphore_mem>>)
        } else {
        }
      }
      %scan3A_48 = arith.constant 6 : i32
      %dma_wait3A_49 = arith.constant 18 : i32
      %dma_wait3A_50 = arith.constant 0 : i32
      %dma_wait3A_51 = tpu.memref_slice %arg6[%dma_wait3A_49, %dma_wait3A_50] : memref<20x100xi32, #tpu.memory_space<vmem>> -> memref<1x100xi32, #tpu.memory_space<vmem>>
      %dma_wait3A_52 = tpu.memref_squeeze %dma_wait3A_51 : memref<1x100xi32, #tpu.memory_space<vmem>> -> memref<100xi32, #tpu.memory_space<vmem>>
      %dma_wait3A_53 = arith.constant 0 : i32
      %dma_wait3A_54 = arith.constant 0 : i32
      %dma_wait3A_55 = tpu.memref_slice %arg2[%dma_wait3A_53, %dma_wait3A_54] : memref<10000x128xf32, #tpu.memory_space<hbm>> -> memref<10000x128xf32, #tpu.memory_space<hbm>>
      tpu.wait_indirect_dma semaphore(%arg12 : memref<!tpu.dma_semaphore, #tpu.memory_space<semaphore_mem>>) src(%dma_wait3A_55 : memref<10000x128xf32, #tpu.memory_space<hbm>>) dst(%arg8 : memref<100x128xf32, #tpu.memory_space<vmem>>)
      %dma_start3A_56 = arith.constant 18 : i32
      %dma_start3A_57 = arith.constant 0 : i32
      %dma_start3A_58 = tpu.memref_slice %arg7[%dma_start3A_56, %dma_start3A_57] : memref<20x100xi32, #tpu.memory_space<vmem>> -> memref<1x100xi32, #tpu.memory_space<vmem>>
      %dma_start3A_59 = tpu.memref_squeeze %dma_start3A_58 : memref<1x100xi32, #tpu.memory_space<vmem>> -> memref<100xi32, #tpu.memory_space<vmem>>
      %dma_start3A_60 = arith.constant 0 : i32
      %dma_start3A_61 = arith.constant 0 : i32
      %dma_start3A_62 = tpu.memref_slice %arg11[%dma_start3A_60, %dma_start3A_61] : memref<10000x128xf32, #tpu.memory_space<vmem_shared>> -> memref<10000x128xf32, #tpu.memory_space<vmem_shared>>
      tpu.enqueue_indirect_dma source(%arg8 : memref<100x128xf32, #tpu.memory_space<vmem>>) target(%dma_start3A_62 : memref<10000x128xf32, #tpu.memory_space<vmem_shared>>) offsets(%dma_start3A_59 : memref<100xi32, #tpu.memory_space<vmem>>) semaphore(%arg15 : memref<!tpu.dma_semaphore, #tpu.memory_space<semaphore_mem>>) {add = true}
      %dma_wait3A_63 = arith.constant 17 : i32
      %dma_wait3A_64 = arith.constant 0 : i32
      %dma_wait3A_65 = tpu.memref_slice %arg7[%dma_wait3A_63, %dma_wait3A_64] : memref<20x100xi32, #tpu.memory_space<vmem>> -> memref<1x100xi32, #tpu.memory_space<vmem>>
      %dma_wait3A_66 = tpu.memref_squeeze %dma_wait3A_65 : memref<1x100xi32, #tpu.memory_space<vmem>> -> memref<100xi32, #tpu.memory_space<vmem>>
      %dma_wait3A_67 = arith.constant 0 : i32
      %dma_wait3A_68 = arith.constant 0 : i32
      %dma_wait3A_69 = tpu.memref_slice %arg11[%dma_wait3A_67, %dma_wait3A_68] : memref<10000x128xf32, #tpu.memory_space<vmem_shared>> -> memref<10000x128xf32, #tpu.memory_space<vmem_shared>>
      tpu.wait_indirect_dma semaphore(%arg17 : memref<!tpu.dma_semaphore, #tpu.memory_space<semaphore_mem>>) src(%arg10 : memref<100x128xf32, #tpu.memory_space<vmem>>) dst(%dma_wait3A_69 : memref<10000x128xf32, #tpu.memory_space<vmem_shared>>)
      %dma_wait3A_70 = arith.constant 19 : i32
      %dma_wait3A_71 = arith.constant 0 : i32
      %dma_wait3A_72 = tpu.memref_slice %arg6[%dma_wait3A_70, %dma_wait3A_71] : memref<20x100xi32, #tpu.memory_space<vmem>> -> memref<1x100xi32, #tpu.memory_space<vmem>>
      %dma_wait3A_73 = tpu.memref_squeeze %dma_wait3A_72 : memref<1x100xi32, #tpu.memory_space<vmem>> -> memref<100xi32, #tpu.memory_space<vmem>>
      %dma_wait3A_74 = arith.constant 0 : i32
      %dma_wait3A_75 = arith.constant 0 : i32
      %dma_wait3A_76 = tpu.memref_slice %arg2[%dma_wait3A_74, %dma_wait3A_75] : memref<10000x128xf32, #tpu.memory_space<hbm>> -> memref<10000x128xf32, #tpu.memory_space<hbm>>
      tpu.wait_indirect_dma semaphore(%arg13 : memref<!tpu.dma_semaphore, #tpu.memory_space<semaphore_mem>>) src(%dma_wait3A_76 : memref<10000x128xf32, #tpu.memory_space<hbm>>) dst(%arg9 : memref<100x128xf32, #tpu.memory_space<vmem>>)
      %dma_start3A_77 = arith.constant 19 : i32
      %dma_start3A_78 = arith.constant 0 : i32
      %dma_start3A_79 = tpu.memref_slice %arg7[%dma_start3A_77, %dma_start3A_78] : memref<20x100xi32, #tpu.memory_space<vmem>> -> memref<1x100xi32, #tpu.memory_space<vmem>>
      %dma_start3A_80 = tpu.memref_squeeze %dma_start3A_79 : memref<1x100xi32, #tpu.memory_space<vmem>> -> memref<100xi32, #tpu.memory_space<vmem>>
      %dma_start3A_81 = arith.constant 0 : i32
      %dma_start3A_82 = arith.constant 0 : i32
      %dma_start3A_83 = tpu.memref_slice %arg11[%dma_start3A_81, %dma_start3A_82] : memref<10000x128xf32, #tpu.memory_space<vmem_shared>> -> memref<10000x128xf32, #tpu.memory_space<vmem_shared>>
      tpu.enqueue_indirect_dma source(%arg9 : memref<100x128xf32, #tpu.memory_space<vmem>>) target(%dma_start3A_83 : memref<10000x128xf32, #tpu.memory_space<vmem_shared>>) offsets(%dma_start3A_80 : memref<100xi32, #tpu.memory_space<vmem>>) semaphore(%arg16 : memref<!tpu.dma_semaphore, #tpu.memory_space<semaphore_mem>>) {add = true}
      %dma_wait3A_84 = arith.constant 18 : i32
      %dma_wait3A_85 = arith.constant 0 : i32
      %dma_wait3A_86 = tpu.memref_slice %arg7[%dma_wait3A_84, %dma_wait3A_85] : memref<20x100xi32, #tpu.memory_space<vmem>> -> memref<1x100xi32, #tpu.memory_space<vmem>>
      %dma_wait3A_87 = tpu.memref_squeeze %dma_wait3A_86 : memref<1x100xi32, #tpu.memory_space<vmem>> -> memref<100xi32, #tpu.memory_space<vmem>>
      %dma_wait3A_88 = arith.constant 0 : i32
      %dma_wait3A_89 = arith.constant 0 : i32
      %dma_wait3A_90 = tpu.memref_slice %arg11[%dma_wait3A_88, %dma_wait3A_89] : memref<10000x128xf32, #tpu.memory_space<vmem_shared>> -> memref<10000x128xf32, #tpu.memory_space<vmem_shared>>
      tpu.wait_indirect_dma semaphore(%arg15 : memref<!tpu.dma_semaphore, #tpu.memory_space<semaphore_mem>>) src(%arg8 : memref<100x128xf32, #tpu.memory_space<vmem>>) dst(%dma_wait3A_90 : memref<10000x128xf32, #tpu.memory_space<vmem_shared>>)
      %dma_wait3A_91 = arith.constant 19 : i32
      %dma_wait3A_92 = arith.constant 0 : i32
      %dma_wait3A_93 = tpu.memref_slice %arg7[%dma_wait3A_91, %dma_wait3A_92] : memref<20x100xi32, #tpu.memory_space<vmem>> -> memref<1x100xi32, #tpu.memory_space<vmem>>
      %dma_wait3A_94 = tpu.memref_squeeze %dma_wait3A_93 : memref<1x100xi32, #tpu.memory_space<vmem>> -> memref<100xi32, #tpu.memory_space<vmem>>
      %dma_wait3A_95 = arith.constant 0 : i32
      %dma_wait3A_96 = arith.constant 0 : i32
      %dma_wait3A_97 = tpu.memref_slice %arg11[%dma_wait3A_95, %dma_wait3A_96] : memref<10000x128xf32, #tpu.memory_space<vmem_shared>> -> memref<10000x128xf32, #tpu.memory_space<vmem_shared>>
      tpu.wait_indirect_dma semaphore(%arg16 : memref<!tpu.dma_semaphore, #tpu.memory_space<semaphore_mem>>) src(%arg9 : memref<100x128xf32, #tpu.memory_space<vmem>>) dst(%dma_wait3A_97 : memref<10000x128xf32, #tpu.memory_space<vmem_shared>>)
    }
    %scan3A_36 = arith.constant 5 : i32
    %barrier3A_37 = arith.constant 0 : index
    tpu.barrier barrier_id(%barrier3A_37)
    %mul3A_38 = arith.constant 625 : i32
    %mul3A_39 = arith.muli %arg1, %mul3A_38 : i32
    "tpu.region"() ({
      %run_scoped3A_40 = tpu.sem_alloc : memref<!tpu.dma_semaphore, #tpu.memory_space<semaphore_mem>>
      %dma_start3A_41 = arith.constant 0 : i32
      %dma_start3A_42 = arith.constant 0 : i32
      %dma_start3A_43 = arith.constant 0 : i32
      %dma_start3A_44 = tpu.memref_slice %arg5[%arg0, %dma_start3A_41, %dma_start3A_42, %dma_start3A_43] : memref<2x16x625x128xf32, #tpu.memory_space<hbm>> -> memref<1x16x625x128xf32, #tpu.memory_space<hbm>>
      %dma_start3A_45 = tpu.memref_squeeze %dma_start3A_44 : memref<1x16x625x128xf32, #tpu.memory_space<hbm>> -> memref<16x625x128xf32, #tpu.memory_space<hbm>>
      %dma_start3A_46 = arith.constant 0 : i32
      %dma_start3A_47 = arith.constant 0 : i32
      %dma_start3A_48 = tpu.memref_slice %dma_start3A_45[%arg1, %dma_start3A_46, %dma_start3A_47] : memref<16x625x128xf32, #tpu.memory_space<hbm>> -> memref<1x625x128xf32, #tpu.memory_space<hbm>>
      %dma_start3A_49 = tpu.memref_squeeze %dma_start3A_48 : memref<1x625x128xf32, #tpu.memory_space<hbm>> -> memref<625x128xf32, #tpu.memory_space<hbm>>
      %dma_start3A_50 = arith.constant 0 : i32
      %dma_start3A_51 = tpu.memref_slice %arg11[%mul3A_39, %dma_start3A_50] : memref<10000x128xf32, #tpu.memory_space<vmem_shared>> -> memref<625x128xf32, #tpu.memory_space<vmem_shared>>
      tpu.enqueue_dma source(%dma_start3A_51 : memref<625x128xf32, #tpu.memory_space<vmem_shared>>) target(%dma_start3A_49 : memref<625x128xf32, #tpu.memory_space<hbm>>) target_semaphore(%run_scoped3A_40 : memref<!tpu.dma_semaphore, #tpu.memory_space<semaphore_mem>>)
      %dma_wait3A_52 = arith.constant 0 : i32
      %dma_wait3A_53 = arith.constant 0 : i32
      %dma_wait3A_54 = arith.constant 0 : i32
      %dma_wait3A_55 = tpu.memref_slice %arg5[%arg0, %dma_wait3A_52, %dma_wait3A_53, %dma_wait3A_54] : memref<2x16x625x128xf32, #tpu.memory_space<hbm>> -> memref<1x16x625x128xf32, #tpu.memory_space<hbm>>
      %dma_wait3A_56 = tpu.memref_squeeze %dma_wait3A_55 : memref<1x16x625x128xf32, #tpu.memory_space<hbm>> -> memref<16x625x128xf32, #tpu.memory_space<hbm>>
      %dma_wait3A_57 = arith.constant 0 : i32
      %dma_wait3A_58 = arith.constant 0 : i32
      %dma_wait3A_59 = tpu.memref_slice %dma_wait3A_56[%arg1, %dma_wait3A_57, %dma_wait3A_58] : memref<16x625x128xf32, #tpu.memory_space<hbm>> -> memref<1x625x128xf32, #tpu.memory_space<hbm>>
      %dma_wait3A_60 = tpu.memref_squeeze %dma_wait3A_59 : memref<1x625x128xf32, #tpu.memory_space<hbm>> -> memref<625x128xf32, #tpu.memory_space<hbm>>
      %dma_wait3A_61 = arith.constant 0 : i32
      %dma_wait3A_62 = tpu.memref_slice %arg11[%mul3A_39, %dma_wait3A_61] : memref<10000x128xf32, #tpu.memory_space<vmem_shared>> -> memref<625x128xf32, #tpu.memory_space<vmem_shared>>
      tpu.wait_dma2 semaphore(%run_scoped3A_40 : memref<!tpu.dma_semaphore, #tpu.memory_space<semaphore_mem>>) src(%dma_wait3A_62 : memref<625x128xf32, #tpu.memory_space<vmem_shared>>) dst(%dma_wait3A_60 : memref<625x128xf32, #tpu.memory_space<hbm>>)
      tpu.yield
    }) : () -> ()
    return
  }
}

module attributes {stable_mosaic.version = 14 : i64} {
  func.func @body(%arg0: i32, %arg1: memref<1000x128xf32, #tpu.memory_space<vmem>>, %arg2: memref<128x128xf32, #tpu.memory_space<vmem>>, %arg3: memref<2x1000x1xf32, #tpu.memory_space<vmem>>, %arg4: memref<1000x128xf32, #tpu.memory_space<vmem>>) attributes {dimension_semantics = [#tpu.dimension_semantics<arbitrary>], iteration_bounds = array<i64: 10>, scalar_prefetch = 0 : i64, scratch_operands = 0 : i64, tpu.core_type = #tpu.core_type<tc>, window_params = [{transform_indices = @transform_0, window_bounds = array<i64: 1000, 128>}, {pipeline_mode = #tpu.pipeline_mode<synchronous>, transform_indices = @transform_1, window_bounds = array<i64: 128, 128>}, {transform_indices = @transform_2, window_bounds = array<i64: 2, 1000, 1>}, {transform_indices = @transform_3, window_bounds = array<i64: 1000, 128>}]} {
    %get3A = arith.constant 0 : index
    %get3A_0 = arith.constant 0 : index
    %get3A_1 = arith.constant 0 : index
    %get3A_2 = vector.load %arg3[%get3A, %get3A_0, %get3A_1] : memref<2x1000x1xf32, #tpu.memory_space<vmem>>, vector<1x1000x1xf32>
    %get3A_3 = vector.shape_cast %get3A_2 : vector<1x1000x1xf32> to vector<1000x1xf32>
    %max3A = arith.constant 1.000000e+00 : f32
    %max3A_4 = vector.broadcast %max3A : f32 to vector<1000x1xf32>
    %max3A_5 = arith.maximumf %get3A_3, %max3A_4 : vector<1000x1xf32>
    %rsqrt3A = math.rsqrt %max3A_5 : vector<1000x1xf32>
    %get3A_6 = arith.constant 0 : index
    %get3A_7 = arith.constant 0 : index
    %get3A_8 = vector.load %arg1[%get3A_6, %get3A_7] : memref<1000x128xf32, #tpu.memory_space<vmem>>, vector<1000x128xf32>
    %get3A_9 = arith.constant 0 : index
    %get3A_10 = arith.constant 0 : index
    %get3A_11 = vector.load %arg2[%get3A_9, %get3A_10] : memref<128x128xf32, #tpu.memory_space<vmem>>, vector<128x128xf32>
    %dot_general3A = arith.constant dense<0.000000e+00> : vector<1000x128xf32>
    %dot_general3A_12 = tpu.matmul %get3A_8, %get3A_11, %dot_general3A {dimension_numbers = #tpu.dot_dimension_numbers<[1], [0], [0], [1], [0, 0, 1, 1], [], []>, transpose_lhs_hint = false} : vector<1000x128xf32>, vector<128x128xf32>, vector<1000x128xf32> -> vector<1000x128xf32>
    %mul3A = vector.broadcast %rsqrt3A : vector<1000x1xf32> to vector<1000x128xf32>
    %mul3A_13 = arith.mulf %dot_general3A_12, %mul3A : vector<1000x128xf32>
    %swap3A = arith.constant 0 : index
    %swap3A_14 = arith.constant 0 : index
    %swap3A_15 = vector.load %arg4[%swap3A, %swap3A_14] : memref<1000x128xf32, #tpu.memory_space<vmem>>, vector<1000x128xf32>
    tpu.vector_store %arg4[%swap3A, %swap3A_14], %mul3A_13 {strides = array<i32>} : memref<1000x128xf32, #tpu.memory_space<vmem>>, vector<1000x128xf32>,
    return
  }
  func.func @transform_0(%arg0: i32) -> (i32, i32) {
    %c0_i32 = arith.constant 0 : i32
    %c0_i32_0 = arith.constant 0 : i32
    return %arg0, %c0_i32 : i32, i32
  }
  func.func @transform_1(%arg0: i32) -> (i32, i32) {
    %c0_i32 = arith.constant 0 : i32
    %c0_i32_0 = arith.constant 0 : i32
    %c0_i32_1 = arith.constant 0 : i32
    return %c0_i32, %c0_i32_0 : i32, i32
  }
  func.func @transform_2(%arg0: i32) -> (i32, i32, i32) {
    %c0_i32 = arith.constant 0 : i32
    %c0_i32_0 = arith.constant 0 : i32
    %c0_i32_1 = arith.constant 0 : i32
    return %c0_i32, %arg0, %c0_i32_0 : i32, i32, i32
  }
  func.func @transform_3(%arg0: i32) -> (i32, i32) {
    %c0_i32 = arith.constant 0 : i32
    %c0_i32_0 = arith.constant 0 : i32
    return %arg0, %c0_i32 : i32, i32
  }
}

module attributes {stable_mosaic.version = 14 : i64} {
  func.func @body(%arg0: i32, %arg1: memref<2x1000x128xf32, #tpu.memory_space<vmem>>, %arg2: memref<2x1000x1xf32, #tpu.memory_space<vmem>>, %arg3: memref<1x128xf32, #tpu.memory_space<vmem>>, %arg4: memref<128x128xf32, #tpu.memory_space<vmem>>, %arg5: memref<1000x128xf32, #tpu.memory_space<vmem>>) attributes {dimension_semantics = [#tpu.dimension_semantics<arbitrary>], iteration_bounds = array<i64: 10>, scalar_prefetch = 0 : i64, scratch_operands = 0 : i64, tpu.core_type = #tpu.core_type<tc>, window_params = [{transform_indices = @transform_0, window_bounds = array<i64: 2, 1000, 128>}, {transform_indices = @transform_1, window_bounds = array<i64: 2, 1000, 1>}, {pipeline_mode = #tpu.pipeline_mode<synchronous>, transform_indices = @transform_2, window_bounds = array<i64: 1, 128>}, {pipeline_mode = #tpu.pipeline_mode<synchronous>, transform_indices = @transform_3, window_bounds = array<i64: 128, 128>}, {transform_indices = @transform_4, window_bounds = array<i64: 1000, 128>}]} {
    %get3A = arith.constant 0 : index
    %get3A_0 = arith.constant 0 : index
    %get3A_1 = arith.constant 0 : index
    %get3A_2 = vector.load %arg1[%get3A, %get3A_0, %get3A_1] : memref<2x1000x128xf32, #tpu.memory_space<vmem>>, vector<1x1000x128xf32>
    %get3A_3 = vector.shape_cast %get3A_2 : vector<1x1000x128xf32> to vector<1000x128xf32>
    %get3A_4 = arith.constant 1 : index
    %get3A_5 = arith.constant 0 : index
    %get3A_6 = arith.constant 0 : index
    %get3A_7 = vector.load %arg1[%get3A_4, %get3A_5, %get3A_6] : memref<2x1000x128xf32, #tpu.memory_space<vmem>>, vector<1x1000x128xf32>
    %get3A_8 = vector.shape_cast %get3A_7 : vector<1x1000x128xf32> to vector<1000x128xf32>
    %add3A = arith.addf %get3A_3, %get3A_8 : vector<1000x128xf32>
    %get3A_9 = arith.constant 1 : index
    %get3A_10 = arith.constant 0 : index
    %get3A_11 = arith.constant 0 : index
    %get3A_12 = vector.load %arg2[%get3A_9, %get3A_10, %get3A_11] : memref<2x1000x1xf32, #tpu.memory_space<vmem>>, vector<1x1000x1xf32>
    %get3A_13 = vector.shape_cast %get3A_12 : vector<1x1000x1xf32> to vector<1000x1xf32>
    %max3A = arith.constant 1.000000e+00 : f32
    %max3A_14 = vector.broadcast %max3A : f32 to vector<1000x1xf32>
    %max3A_15 = arith.maximumf %get3A_13, %max3A_14 : vector<1000x1xf32>
    %rsqrt3A = math.rsqrt %max3A_15 : vector<1000x1xf32>
    %get3A_16 = arith.constant 0 : index
    %get3A_17 = arith.constant 0 : index
    %get3A_18 = arith.constant 0 : index
    %get3A_19 = vector.load %arg2[%get3A_16, %get3A_17, %get3A_18] : memref<2x1000x1xf32, #tpu.memory_space<vmem>>, vector<1x1000x1xf32>
    %get3A_20 = vector.shape_cast %get3A_19 : vector<1x1000x1xf32> to vector<1000x1xf32>
    %max3A_21 = arith.constant 1.000000e+00 : f32
    %max3A_22 = vector.broadcast %max3A_21 : f32 to vector<1000x1xf32>
    %max3A_23 = arith.maximumf %get3A_20, %max3A_22 : vector<1000x1xf32>
    %rsqrt3A_24 = math.rsqrt %max3A_23 : vector<1000x1xf32>
    %mul3A = vector.broadcast %rsqrt3A : vector<1000x1xf32> to vector<1000x128xf32>
    %mul3A_25 = arith.mulf %add3A, %mul3A : vector<1000x128xf32>
    %get3A_26 = arith.constant 0 : index
    %get3A_27 = arith.constant 0 : index
    %get3A_28 = vector.load %arg3[%get3A_26, %get3A_27] : memref<1x128xf32, #tpu.memory_space<vmem>>, vector<1x128xf32>
    %add3A_29 = vector.broadcast %get3A_28 : vector<1x128xf32> to vector<1000x128xf32>
    %add3A_30 = arith.addf %mul3A_25, %add3A_29 : vector<1000x128xf32>
    %max3A_31 = arith.constant 0.000000e+00 : f32
    %max3A_32 = vector.broadcast %max3A_31 : f32 to vector<1000x128xf32>
    %max3A_33 = arith.maximumf %add3A_30, %max3A_32 : vector<1000x128xf32>
    %get3A_34 = arith.constant 0 : index
    %get3A_35 = arith.constant 0 : index
    %get3A_36 = vector.load %arg4[%get3A_34, %get3A_35] : memref<128x128xf32, #tpu.memory_space<vmem>>, vector<128x128xf32>
    %dot_general3A = arith.constant dense<0.000000e+00> : vector<1000x128xf32>
    %dot_general3A_37 = tpu.matmul %max3A_33, %get3A_36, %dot_general3A {dimension_numbers = #tpu.dot_dimension_numbers<[1], [0], [0], [1], [0, 0, 1, 1], [], []>, transpose_lhs_hint = false} : vector<1000x128xf32>, vector<128x128xf32>, vector<1000x128xf32> -> vector<1000x128xf32>
    %mul3A_38 = vector.broadcast %rsqrt3A_24 : vector<1000x1xf32> to vector<1000x128xf32>
    %mul3A_39 = arith.mulf %dot_general3A_37, %mul3A_38 : vector<1000x128xf32>
    %swap3A = arith.constant 0 : index
    %swap3A_40 = arith.constant 0 : index
    %swap3A_41 = vector.load %arg5[%swap3A, %swap3A_40] : memref<1000x128xf32, #tpu.memory_space<vmem>>, vector<1000x128xf32>
    tpu.vector_store %arg5[%swap3A, %swap3A_40], %mul3A_39 {strides = array<i32>} : memref<1000x128xf32, #tpu.memory_space<vmem>>, vector<1000x128xf32>,
    return
  }
  func.func @transform_0(%arg0: i32) -> (i32, i32, i32) {
    %c0_i32 = arith.constant 0 : i32
    %c0_i32_0 = arith.constant 0 : i32
    %c0_i32_1 = arith.constant 0 : i32
    return %c0_i32, %arg0, %c0_i32_0 : i32, i32, i32
  }
  func.func @transform_1(%arg0: i32) -> (i32, i32, i32) {
    %c0_i32 = arith.constant 0 : i32
    %c0_i32_0 = arith.constant 0 : i32
    %c0_i32_1 = arith.constant 0 : i32
    return %c0_i32, %arg0, %c0_i32_0 : i32, i32, i32
  }
  func.func @transform_2(%arg0: i32) -> (i32, i32) {
    %c0_i32 = arith.constant 0 : i32
    %c0_i32_0 = arith.constant 0 : i32
    %c0_i32_1 = arith.constant 0 : i32
    return %c0_i32, %c0_i32_0 : i32, i32
  }
  func.func @transform_3(%arg0: i32) -> (i32, i32) {
    %c0_i32 = arith.constant 0 : i32
    %c0_i32_0 = arith.constant 0 : i32
    %c0_i32_1 = arith.constant 0 : i32
    return %c0_i32, %c0_i32_0 : i32, i32
  }
  func.func @transform_4(%arg0: i32) -> (i32, i32) {
    %c0_i32 = arith.constant 0 : i32
    %c0_i32_0 = arith.constant 0 : i32
    return %arg0, %c0_i32 : i32, i32
  }
}

module attributes {stable_mosaic.version = 14 : i64} {
  func.func @body(%arg0: i32, %arg1: memref<2x1000x128xf32, #tpu.memory_space<vmem>>, %arg2: memref<2x1000x1xf32, #tpu.memory_space<vmem>>, %arg3: memref<1x128xf32, #tpu.memory_space<vmem>>, %arg4: memref<1000x128xf32, #tpu.memory_space<vmem>>) attributes {dimension_semantics = [#tpu.dimension_semantics<arbitrary>], iteration_bounds = array<i64: 10>, scalar_prefetch = 0 : i64, scratch_operands = 0 : i64, tpu.core_type = #tpu.core_type<tc>, window_params = [{transform_indices = @transform_0, window_bounds = array<i64: 2, 1000, 128>}, {transform_indices = @transform_1, window_bounds = array<i64: 2, 1000, 1>}, {pipeline_mode = #tpu.pipeline_mode<synchronous>, transform_indices = @transform_2, window_bounds = array<i64: 1, 128>}, {transform_indices = @transform_3, window_bounds = array<i64: 1000, 128>}]} {
    %get3A = arith.constant 0 : index
    %get3A_0 = arith.constant 0 : index
    %get3A_1 = arith.constant 0 : index
    %get3A_2 = vector.load %arg1[%get3A, %get3A_0, %get3A_1] : memref<2x1000x128xf32, #tpu.memory_space<vmem>>, vector<1x1000x128xf32>
    %get3A_3 = vector.shape_cast %get3A_2 : vector<1x1000x128xf32> to vector<1000x128xf32>
    %get3A_4 = arith.constant 1 : index
    %get3A_5 = arith.constant 0 : index
    %get3A_6 = arith.constant 0 : index
    %get3A_7 = vector.load %arg1[%get3A_4, %get3A_5, %get3A_6] : memref<2x1000x128xf32, #tpu.memory_space<vmem>>, vector<1x1000x128xf32>
    %get3A_8 = vector.shape_cast %get3A_7 : vector<1x1000x128xf32> to vector<1000x128xf32>
    %add3A = arith.addf %get3A_3, %get3A_8 : vector<1000x128xf32>
    %get3A_9 = arith.constant 1 : index
    %get3A_10 = arith.constant 0 : index
    %get3A_11 = arith.constant 0 : index
    %get3A_12 = vector.load %arg2[%get3A_9, %get3A_10, %get3A_11] : memref<2x1000x1xf32, #tpu.memory_space<vmem>>, vector<1x1000x1xf32>
    %get3A_13 = vector.shape_cast %get3A_12 : vector<1x1000x1xf32> to vector<1000x1xf32>
    %max3A = arith.constant 1.000000e+00 : f32
    %max3A_14 = vector.broadcast %max3A : f32 to vector<1000x1xf32>
    %max3A_15 = arith.maximumf %get3A_13, %max3A_14 : vector<1000x1xf32>
    %rsqrt3A = math.rsqrt %max3A_15 : vector<1000x1xf32>
    %mul3A = vector.broadcast %rsqrt3A : vector<1000x1xf32> to vector<1000x128xf32>
    %mul3A_16 = arith.mulf %add3A, %mul3A : vector<1000x128xf32>
    %get3A_17 = arith.constant 0 : index
    %get3A_18 = arith.constant 0 : index
    %get3A_19 = vector.load %arg3[%get3A_17, %get3A_18] : memref<1x128xf32, #tpu.memory_space<vmem>>, vector<1x128xf32>
    %add3A_20 = vector.broadcast %get3A_19 : vector<1x128xf32> to vector<1000x128xf32>
    %add3A_21 = arith.addf %mul3A_16, %add3A_20 : vector<1000x128xf32>
    %max3A_22 = arith.constant 0.000000e+00 : f32
    %max3A_23 = vector.broadcast %max3A_22 : f32 to vector<1000x128xf32>
    %max3A_24 = arith.maximumf %add3A_21, %max3A_23 : vector<1000x128xf32>
    %swap3A = arith.constant 0 : index
    %swap3A_25 = arith.constant 0 : index
    %swap3A_26 = vector.load %arg4[%swap3A, %swap3A_25] : memref<1000x128xf32, #tpu.memory_space<vmem>>, vector<1000x128xf32>
    tpu.vector_store %arg4[%swap3A, %swap3A_25], %max3A_24 {strides = array<i32>} : memref<1000x128xf32, #tpu.memory_space<vmem>>, vector<1000x128xf32>,
    return
  }
  func.func @transform_0(%arg0: i32) -> (i32, i32, i32) {
    %c0_i32 = arith.constant 0 : i32
    %c0_i32_0 = arith.constant 0 : i32
    %c0_i32_1 = arith.constant 0 : i32
    return %c0_i32, %arg0, %c0_i32_0 : i32, i32, i32
  }
  func.func @transform_1(%arg0: i32) -> (i32, i32, i32) {
    %c0_i32 = arith.constant 0 : i32
    %c0_i32_0 = arith.constant 0 : i32
    %c0_i32_1 = arith.constant 0 : i32
    return %c0_i32, %arg0, %c0_i32_0 : i32, i32, i32
  }
  func.func @transform_2(%arg0: i32) -> (i32, i32) {
    %c0_i32 = arith.constant 0 : i32
    %c0_i32_0 = arith.constant 0 : i32
    %c0_i32_1 = arith.constant 0 : i32
    return %c0_i32, %c0_i32_0 : i32, i32
  }
  func.func @transform_3(%arg0: i32) -> (i32, i32) {
    %c0_i32 = arith.constant 0 : i32
    %c0_i32_0 = arith.constant 0 : i32
    return %arg0, %c0_i32 : i32, i32
  }
}

</mosaic_0001>

<sc_bundles>
// kernel: kernel.11.cloned.1.call-start
scs
__scs_entry_jumppad:
0x0: {  	(pc) =	sbr.rel $0x88, $3  }
0x1: {  	(tag) =	ssettag $0x0;
	lr =	simm.s32 $0x1  }
0x2: {  	[smem:$0x3F9B] =	sst lr;
	_ =	strace $0xD0000000  }
0x3: {  	_ = 	snop  }
0x4: {  	_ = 	snop  }
0x5: {  	_ = 	snop  }
0x6: {  	_ = 	snop  }
0x7: {  	_ = 	snop  }
__scs_overlays_trampoline_lowered:
0x8: {  	[smem:$0x3FAA] =	sst s0  }
0x9: {  	[smem:$0x3FAB] =	sst s1  }
0xa: {  	[smem:$0x3FAC] =	sst s2  }
0xb: {  	[smem:$0x3FAD] =	sst s3  }
0xc: {  	[smem:$0x3FAE] =	sst s4  }
0xd: {  	[smem:$0x3FAF] =	sst s5  }
0xe: {  	[smem:$0x3FB0] =	sst s6  }
0xf: {  	[smem:$0x3FB1] =	sst s7  }
0x10: {  	[smem:$0x3FB2] =	sst s8  }
0x11: {  	[smem:$0x3FB3] =	sst s9;
	s0 =	simm.s32 @!p0 $0x0  }
0x12: {  	s1 =	sld [smem:$0x3F99];
	s0 =	simm.s32 @p0 $0x1  }
0x13: {  	[smem:$0x3FB4] =	sst s0;
	s0 =	simm.s32 @!p1 $0x0  }
0x14: {  	s2 =	sld [smem:$0x3F98];
	s0 =	simm.s32 @p1 $0x1  }
0x15: {  	[smem:$0x3FB5] =	sst s0;
	s0 =	simm.s32 @!p2 $0x0  }
0x16: {  	s3 =	sld [smem:$0x3FDB];
	s0 =	simm.s32 @p2 $0x1  }
0x17: {  	s4 =	simm.s32 $0x1BF5;
	[smem:$0x3FB7] =	sst s0  }
0x18: {  	s0 =	sld [smem:$0x3F9A];
	_ =	swait.ge [sflag:s4], $0x0  }
0x19: {  	s7 =	sld [smem:$0x3F9B]  }
0x1a: {  	s8 =	sadd.s32 $0xFFFFE003, lr  }
0x1b: {  	s9 =	sadd.s32 $0xFFFFFEF7, lr;
	s5 =	simm.s32 $0xFFFFFFFF;
	p2 =	slt.u32 s8, $0xFFFFF086  }
0x1c: {  	p1 =	slt.u32 s9, $0xF7A;
	s5 =	simm.s32 @!p2 $0x0  }
0x1d: {  	s5 =	simm.s32 @p1 $0x1;
	p0 =	seq.s32 s7, s2  }
0x1e: {  	s7 =	smul.u32 @!p0 $0xF7A, s2;
	p2 =	seq.s32 @!p0 s5, $0x0  }
0x1f: {  	s9 =	smul.u32 $0xF7A, s1;
	s8 =	simm.s32 @!p0 $0x1BF5;
	p2 =	por !p2, p0  }
0x20: {  	[sflag:s8] =	ssyncset.s32 @!p0 $0xFFFFF086;
	s6 =	sadd.s32 @!p0 s3, s7;
	s7 =	simm.s32 @!p0 $0x108  }
0x21: {  	s3 =	sadd.s32 s3, s9;
	s6 =	sadd.s32 @!p0 $0x88, s6;
	s7 =	simm.s32 @p2 $0x1082  }
0x22: {  	[simem:s7], [sflag:s8] =	dma.local @!p0 [hbm:s6], $0xF7A  }
0x23: {  	s9 =	sor.u32 $0xD0000000, s2;
	s6 =	simm.s32 $0x108;
	_ =	swait.ge @!p0 [sflag:s8], $0x0  }
0x24: {  	s3 =	sadd.s32 $0x88, s3;
	s6 =	simm.s32 @!p1 $0x1082;
	[sflag:s4] =	ssyncset.s32 $0xFFFFF086  }
0x25: {  	[simem:s6], [sflag:s4] =	dma.local [hbm:s3], $0xF7A  }
0x26: {  	[smem:$0x3F9B] =	sst s1;
	(tag) =	ssettag s2;
	_ =	strace s9  }
0x27: {  	s1 =	sld [smem:$0x3FAB]  }
0x28: {  	s2 =	sld [smem:$0x3FAC]  }
0x29: {  	s4 =	sld [smem:$0x3FAE]  }
0x2a: {  	p0 =	seq.s32 s5, $0x0;
	s5 =	sld [smem:$0x3FAF]  }
0x2b: {  	s6 =	sld [smem:$0x3FB0]  }
0x2c: {  	s7 =	sld [smem:$0x3FB1]  }
0x2d: {  	s3 =	simm.s32 $0x108;
	s8 =	sld [smem:$0x3FB2]  }
0x2e: {  	s3 =	simm.s32 @!p0 $0x1082;
	s9 =	sld [smem:$0x3FB3]  }
0x2f: {  	lr =	sadd.s32 s0, s3;
	s0 =	sld [smem:$0x3FAA]  }
0x30: {  	s3 =	sld [smem:$0x3FAD]  }
0x31: {  	[smem:$0x3FB6] =	sst s10  }
0x32: {  	s10 =	sld [smem:$0x3FB4];
	_ =	sdelay $0x3  }
0x33: {  	p0 =	seq.s32 s10, $0x1;
	s10 =	sld [smem:$0x3FB6];
	_ =	sdelay $0x3  }
0x34: {  	[smem:$0x3FB6] =	sst s10  }
0x35: {  	s10 =	sld [smem:$0x3FB5];
	_ =	sdelay $0x3  }
0x36: {  	p1 =	seq.s32 s10, $0x1;
	s10 =	sld [smem:$0x3FB6];
	_ =	sdelay $0x3  }
0x37: {  	[smem:$0x3FB6] =	sst s10  }
0x38: {  	s10 =	sld [smem:$0x3FB7]  }
0x39: {  	_ = 	snop;
	(pc) =	sbr.ind lr, $3  }
0x3a: {  	_ = 	snop  }
0x3b: {  	_ = 	snop  }
0x3c: {  	p2 =	seq.s32 s10, $0x1;
	s10 =	sld [smem:$0x3FB6]  }
0x3d: {  	_ =	shalt  }
0x3e: {  	_ =	shalt  }
0x3f: {  	_ =	shalt  }
0x40: {  	_ =	shalt  }
0x41: {  	_ =	shalt  }
0x42: {  	_ =	shalt  }
0x43: {  	_ =	shalt  }
0x44: {  	_ =	shalt  }
0x45: {  	_ =	shalt  }
0x46: {  	_ =	shalt  }
0x47: {  	_ =	shalt  }
0x48: {  	_ =	shalt  }
0x49: {  	_ =	shalt  }
0x4a: {  	_ =	shalt  }
0x4b: {  	_ =	shalt  }
0x4c: {  	_ =	shalt  }
0x4d: {  	_ =	shalt  }
0x4e: {  	_ =	shalt  }
0x4f: {  	_ =	shalt  }
0x50: {  	_ =	shalt  }
0x51: {  	_ =	shalt  }
0x52: {  	_ =	shalt  }
0x53: {  	_ =	shalt  }
0x54: {  	_ =	shalt  }
0x55: {  	_ =	shalt  }
0x56: {  	_ =	shalt  }
0x57: {  	_ =	shalt  }
0x58: {  	_ =	shalt  }
0x59: {  	_ =	shalt  }
0x5a: {  	_ =	shalt  }
0x5b: {  	_ =	shalt  }
0x5c: {  	_ =	shalt  }
0x5d: {  	_ =	shalt  }
0x5e: {  	_ =	shalt  }
0x5f: {  	_ =	shalt  }
0x60: {  	_ =	shalt  }
0x61: {  	_ =	shalt  }
0x62: {  	_ =	shalt  }
0x63: {  	_ =	shalt  }
0x64: {  	_ =	shalt  }
0x65: {  	_ =	shalt  }
0x66: {  	_ =	shalt  }
0x67: {  	_ =	shalt  }
0x68: {  	_ =	shalt  }
0x69: {  	_ =	shalt  }
0x6a: {  	_ =	shalt  }
0x6b: {  	_ =	shalt  }
0x6c: {  	_ =	shalt  }
0x6d: {  	_ =	shalt  }
0x6e: {  	_ =	shalt  }
0x6f: {  	_ =	shalt  }
0x70: {  	_ =	shalt  }
0x71: {  	_ =	shalt  }
0x72: {  	_ =	shalt  }
0x73: {  	_ =	shalt  }
0x74: {  	_ =	shalt  }
0x75: {  	_ =	shalt  }
0x76: {  	_ =	shalt  }
0x77: {  	_ =	shalt  }
0x78: {  	_ =	shalt  }
0x79: {  	_ =	shalt  }
0x7a: {  	_ =	shalt  }
0x7b: {  	_ =	shalt  }
0x7c: {  	_ =	shalt  }
0x7d: {  	_ =	shalt  }
0x7e: {  	_ =	shalt  }
0x7f: {  	_ =	shalt  }
0x80: {  	_ =	shalt  }
0x81: {  	_ =	shalt  }
0x82: {  	_ =	shalt  }
0x83: {  	_ =	shalt  }
0x84: {  	_ =	shalt  }
0x85: {  	_ =	shalt  }
0x86: {  	_ =	shalt  }
0x87: {  	_ =	shalt  }
.Lfunc_end0:
.L_simem_size_0:
called_computation.1_lowered:
.L_overlay_start_0:
0x88: {  	s2 =	sld [smem:$0x3FD9]  }
0x89: {  	s3 =	sld [smem:$0x3FFE];
	_ =	sdelay $0x1  }
0x8a: {  	s1 =	srdreg.scid  }
0x8b: {  	s0 =	sand.u32 $0x1, s1  }
0x8c: {  	s17 =	sshll.u32 s0, $0xA;
	s2 =	sadd.s32 s3, s2  }
0x8d: {  	s2 =	sadd.s32 s2, s17  }
0x8e: {  	[smem:$0x3FC2] =	sst s2  }
0x8f: {  	_ = 	snop  }
0x90: {  	s2 =	sld [smem:$0x3FD0];
	(tm) =	ssettm $0x1  }
0x91: {  	s18 =	sld [smem:$0x3FFB];
	_ =	sdelay $0x3  }
0x92: {  	_ =	strace s18  }
0x93: {  	s3 =	sld [smem:$0x3FFC];
	_ =	sdelay $0x3  }
0x94: {  	_ =	strace s3  }
0x95: {  	s3 =	sld [smem:$0x3FFD];
	_ =	sdelay $0x3  }
0x96: {  	_ =	strace s3  }
0x97: {  	_ =	strace $0x8FFFFFFF  }
0x98: {  	s19 =	sld [smem:$0x3FDB];
	_ =	sdelay $0x1  }
0x99: {  	s4 =	simm.s32 $_scs_section_size  }
0x9a: {  	s5 =	simm.s32 $_size__tile_overlayer_lowered;
	s6 =	simm.s32 $_tile_overlayer_lowered  }
0x9b: {  	s22 =	simm.s32 $0x1BFF;
	s21 =	sshll.u32 s6, $0x1;
	s3 =	sadd.s32 s4, s19  }
0x9c: {  	s7 =	simm.s32 $0x0;
	s20 =	sshll.u32 s5, $0x1;
	s5 =	sadd.s32 s21, s3  }
0x9d: {  	[timem:s7], [sflag:s22] =	dma.local [hbm:s5], s20  }
0x9e: {  	_ =	swait.ge [sflag:s22], s20  }
0x9f: {  	s4 =	ssub.s32 $0x0, s20;
	[sflag:s22] =	ssyncset.done $0x0  }
0xa0: {  	[sflag:s22] =	ssyncadd.s32 s4;
	_ =	sdelay $0x1  }
0xa1: {  	s23 =	simm.s32 $0x1B8B  }
0xa2: {  	_ =	swait.ge [sflag:s23], $0x1  }
0xa3: {  	[sflag:s23] =	ssyncset.done $0x0  }
0xa4: {  	s25 =	simm.s32 $0x1B8E;
	s24 =	sld [smem:$0x3FFE];
	[sflag:s23] =	ssyncadd.s32 $0xFFFFFFFF  }
0xa5: {  	s26 =	simm.s32 $execute0_lowered;
	[smem:$0x3FD2] =	sst s25  }
0xa6: {  	s5 =	sshll.u32 s26, $0x1;
	_ =	strace $0x80000049;
	[dreg:$0x1] =	wrdreg $0xFFFFFFFF  }
0xa7: {  	s28 =	simm.s32 $_size_execute0_lowered;
	s3 =	sadd.s32 s3, s5;
	[dreg:$0x0] =	wrdreg $0x0  }
0xa8: {  	s5 =	sshll.u32 s28, $0x1;
	[dreg:$0x2] =	wrdreg s3  }
0xa9: {  	[dreg:$0x3] =	wrdreg s5  }
0xaa: {  	[dreg:$0x4] =	wrdreg $0xC0  }
0xab: {  	_ =	task [dreg:s7], $0x5FFFF  }
0xac: {  	[dreg:$0x1] =	wrdreg $0xFFFFFFFF  }
0xad: {  	[dreg:$0x0] =	wrdreg $0x60  }
0xae: {  	[dreg:$0x2] =	wrdreg s2  }
0xaf: {  	[dreg:$0x3] =	wrdreg s24  }
0xb0: {  	[dreg:$0x4] =	wrdreg $0xB4000  }
0xb1: {  	[dreg:$0x5] =	wrdreg $0x9  }
0xb2: {  	_ =	task.clear_ibuf [dreg:s7], $0x6FFFF;
	_ =	strace $0x90000049  }
0xb3: {  	s29 =	simm.s32 $0x9;
	_ =	strace $0x8000004B  }
0xb4: {  	_ =	swait.ge [sflag:s29], $0x1  }
0xb5: {  	[sflag:s29] =	ssyncadd.s32 $0xFFFFFFFF  }
0xb6: {  	_ =	strace $0x9000004B  }
0xb7: {  	_ =	sfence  }
0xb8: {  	s30 =	sld [smem:$0x0];
	_ =	sdelay $0x2  }
0xb9: {  	s31 =	sshll.u32 s1, $0xD;
	s1 =	sshrl.u32 s1, $0x2  }
0xba: {  	s3 =	sand.u32 $0x4000, s31;
	s1 =	sadd.s32 s1, s30  }
0xbb: {  	s0 =	sor.u32 s3, s0;
	s1 =	sshll.u32 s1, $0x11  }
0xbc: {  	s0 =	sor.u32 s1, s0  }
0xbd: {  	s0 =	sadd.s32 $0x8F2B, s0  }
0xbe: {  	[sflag:s0] =	ssyncadd.remote.s32 $0x1  }
0xbf: {  	_ =	sfence.sel $0xFFFF  }
0xc0: {  	[dreg:$0x0] =	wrdreg $0xFFFFFFFF;
	(pc) =	sbr.abs _section_cstart, $3  }
0xc1: {  	[dreg:$0x1] =	wrdreg $0xFFFFFFFF  }
0xc2: {  	_ =	task.clear_ibuf [dreg:s7], $0x2FFFF;
	_ =	strace $0x9FFFFFFF  }
0xc3: {  	(tm) =	ssettm $0x7FFFFFFF  }
tec
execute0_lowered:
.L_overlay_start_1:
0x0: {  	(tag) =	ssettag $0x1  }
0x1: {  	s1 =	rddreg [dreg:$0x0]  }
0x2: {  	s5 =	rddreg [dreg:$0x1]  }
0x3: {  	s3 =	rddreg [dreg:$0x2];
	s6 =	simm.s32 $0x0  }
0x4: {  	s12 =	simm.s32 $0x100;
	[smem:$0x7FF] =	sst s6  }
0x5: {  	s13 =	simm.s32 $0xC80;
	_ =	strace $0x8000004A;
	[dreg:$0x4] =	wrdreg s12  }
0x6: {  	s14 =	simm.s32 $0x180;
	[dreg:$0x5] =	wrdreg s13  }
0x7: {  	s15 =	simm.s32 $0xD00;
	[dreg:$0x6] =	wrdreg s14  }
0x8: {  	s16 =	simm.s32 $0x200;
	[dreg:$0x7] =	wrdreg s15  }
0x9: {  	s17 =	simm.s32 $0xD80;
	[dreg:$0x8] =	wrdreg s16  }
0xa: {  	s18 =	simm.s32 $0x280;
	[dreg:$0x9] =	wrdreg s17  }
0xb: {  	s19 =	simm.s32 $0xE00;
	[dreg:$0xa] =	wrdreg s18  }
0xc: {  	s0 =	srdreg.scid;
	s20 =	simm.s32 $0x300;
	[dreg:$0xb] =	wrdreg s19  }
0xd: {  	s4 =	stileid.u32;
	s22 =	simm.s32 $0xE80;
	[dreg:$0xc] =	wrdreg s20  }
0xe: {  	s23 =	simm.s32 $0x380;
	s24 =	simm.s32 $0xF00;
	[dreg:$0xd] =	wrdreg s22  }
0xf: {  	s25 =	simm.s32 $0x400;
	s26 =	simm.s32 $0xF80;
	[dreg:$0xe] =	wrdreg s23  }
0x10: {  	s28 =	simm.s32 $0x1400;
	s29 =	simm.s32 $0x900;
	[dreg:$0xf] =	wrdreg s24  }
0x11: {  	s30 =	simm.s32 $0x1480;
	s31 =	simm.s32 $0x980;
	[dreg:$0x10] =	wrdreg s25  }
0x12: {  	s2 =	sand.u32 $0x1, s0;
	s6 =	simm.s32 $0x1000;
	[dreg:$0x11] =	wrdreg s26  }
0x13: {  	s0 =	sshll.u32 s2, $0x4;
	[dreg:$0x13] =	wrdreg s6;
	s13 =	simm.s32 $0x580  }
0x14: {  	s9 =	smul.u32 $0x27800, s2;
	s14 =	simm.s32 $0x1100;
	[dreg:$0x16] =	wrdreg s13  }
0x15: {  	s2 =	ssub.s32 $0x2, s2;
	s15 =	simm.s32 $0x600;
	[dreg:$0x17] =	wrdreg s14  }
0x16: {  	s12 =	smul.u32 $0x4E200, s4;
	s17 =	simm.s32 $0x1180;
	[dreg:$0x18] =	wrdreg s15  }
0x17: {  	s18 =	simm.s32 $0x680;
	s19 =	simm.s32 $0x1200;
	[dreg:$0x19] =	wrdreg s17  }
0x18: {  	s20 =	simm.s32 $0x700;
	s22 =	simm.s32 $0x780;
	[dreg:$0x1a] =	wrdreg s18  }
0x19: {  	s23 =	simm.s32 $0x1300;
	s24 =	simm.s32 $0x800;
	[dreg:$0x1b] =	wrdreg s19  }
0x1a: {  	s25 =	simm.s32 $0x1380;
	s26 =	simm.s32 $0x880;
	[dreg:$0x1c] =	wrdreg s20  }
0x1b: {  	s0 =	sor.u32 s4, s0;
	s11 =	sshrl.u32 s2, $0x1;
	[dreg:$0x1e] =	wrdreg s22  }
0x1c: {  	s13 =	simm.s32 $0xC00;
	s14 =	simm.s32 $0x64;
	[dreg:$0x1f] =	wrdreg s23  }
0x1d: {  	s15 =	simm.s32 $0x1800;
	s17 =	simm.s32 $0x4C00;
	[smem:$0x7FA] =	sst s24  }
0x1e: {  	s18 =	simm.s32 $0x7;
	s19 =	simm.s32 $0x1;
	[smem:$0x7FB] =	sst s25  }
0x1f: {  	s20 =	simm.s32 $0x8000;
	s22 =	simm.s32 $0x4;
	[smem:$0x7FC] =	sst s26  }
0x20: {  	s23 =	simm.s32 $0x3;
	s25 =	simm.s32 $0x5;
	s7 =	smul.u32 $0x780, s0  }
0x21: {  	s26 =	simm.s32 $0x6;
	s0 =	smul.u32 $0x2780, s4;
	s9 =	sadd.s32 s9, s5  }
0x22: {  	s2 =	ssub.s32 s2, s11;
	s21 =	sshrl.u32 s12, $0x2;
	s4 =	sshll.u32 s4, $0x6  }
0x23: {  	s12 =	simm.s32 $0x1080;
	s11 =	sadd.s32 s21, s3;
	[smem:$0x7F7] =	sst s4  }
0x24: {  	s4 =	sor.u32 $0x1C07, s4;
	s16 =	sadd.s32 $0x97400, s9;
	[dreg:$0x15] =	wrdreg s12  }
0x25: {  	s9 =	simm.s32 $0x500;
	s2 =	smax.u32 s2, $0x1;
	[smem:$0x7F8] =	sst s4  }
0x26: {  	s21 =	simm.s32 $0x1280;
	s8 =	sadd.s32 s7, s5;
	[smem:$0x7F9] =	sst s2  }
0x27: {  	s10 =	sadd.s32 s0, s5;
	s4 =	simm.s32 $0x480;
	[dreg:$0x14] =	wrdreg s9  }
0x28: {  	s5 =	sadd.s32 $0x12A00, s5;
	[dreg:$0x1d] =	wrdreg s21;
	s21 =	simm.s32 $0x2  }
0x29: {  	s0 =	sadd.s32 s0, s16;
	s2 =	simm.s32 $0x1500;
	s16 =	simm.s32 $0x0  }
0x2a: {  	s10 =	sadd.s32 $0x6FC00, s10;
	s8 =	sadd.s32 $0x3A00, s8;
	[dreg:$0x12] =	wrdreg s4  }
0x2b: {  	s12 =	sadd.s32 s7, s5;
	[smem:$0x7FD] =	sst s0;
	s0 =	simm.s32 $0x1580  }
0x2c: {  	[smem:$0x7F6] =	sst s10;
	s10 =	sshrl.u32 s11, $0x3;
	s11 =	simm.s32 $0x8  }
.LBB2_1:
0x2d: {  	s4 =	sld [smem:$0x7F6]  }
0x2e: {  	s5 =	sld [smem:$0x7F8];
	_ =	sdelay $0x1  }
0x2f: {  	s7 =	simm.s32 $0x0  }
0x30: {  	[spmem:s10], [sflag:s5] =	dma.local [hbm:s4], $0x2710  }
0x31: {  	[tilespmem:s7], [sflag:$0x8] =	stream.linear.gather [hbm4b:s8+s7], $0xA00, $0x38;
	[tilespmem:$0x1EC80] =	vst v63  }
0x32: {  	_ =	swait.ge [sflag:s11], $0xA00  }
0x33: {  	[sflag:s11] =	ssyncset.done $0x0  }
0x34: {  	[sflag:s11] =	ssyncadd.s32 $0xFFFFF600  }
0x35: {  	[tilespmem:s13], [sflag:$0x8] =	stream.linear.gather [hbm4b:s12+s7], $0xA00, $0x38;
	[tilespmem:$0x1EC80] =	vst v63  }
0x36: {  	_ =	swait.ge [sflag:s11], $0xA00  }
0x37: {  	[sflag:s11] =	ssyncset.done $0x0  }
0x38: {  	[sflag:s11] =	ssyncadd.s32 $0xFFFFF600  }
0x39: {  	[tilespmem:s15], [sflag:$0x1] =	stream.indirect.gather [hbm4b:s1+s14], $0x80, s7, s14, $0xb8;
	[tilespmem:$0x1EC80] =	vst v63  }
0x3a: {  	s9 =	simm.s32 $0x80  }
0x3b: {  	[tilespmem:s17], [sflag:$0x2] =	stream.indirect.gather [hbm4b:s1+s14], $0x80, s9, s14, $0xb8;
	[tilespmem:$0x1EC80] =	vst v63  }
0x3c: {  	_ =	swait.ge [sflag:s18], $0x2710  }
0x3d: {  	p0 =	por $0x1, $0x1;
	[sflag:s18] =	ssyncset.done $0x0  }
0x3e: {  	s5 =	sadd.s32 @!p0 $0x0, s8;
	[sflag:s18] =	ssyncadd.s32 $0xFFFFD8F0  }
0x3f: {  	s7 =	simm.s32 @!p0 $0x0;
	s9 =	simm.s32 @!p0 $0x8;
	[bflag:$0x0] =	sbarrier.arrive $0xFFFF  }
0x40: {  	[tilespmem:s7], [sflag:$0x8] =	stream.linear.gather @!p0 [hbm4b:s5+s7], $0xA00, $0x38;
	[tilespmem:$0x1EC80] =	vst v63  }
0x41: {  	_ =	swait.ge @!p0 [sflag:s9], $0xA00  }
0x42: {  	[sflag:s9] =	ssyncset.done @!p0 $0x0  }
0x43: {  	s6 =	simm.s32 @!p0 $0xC00;
	s5 =	sadd.s32 @!p0 $0x0, s12;
	[sflag:s9] =	ssyncadd.s32 @!p0 $0xFFFFF600  }
0x44: {  	[tilespmem:s6], [sflag:$0x8] =	stream.linear.gather @!p0 [hbm4b:s5+s7], $0xA00, $0x38;
	[tilespmem:$0x1EC80] =	vst v63  }
0x45: {  	_ =	swait.ge @!p0 [sflag:s9], $0xA00  }
0x46: {  	[sflag:s9] =	ssyncset.done @!p0 $0x0  }
0x47: {  	s5 =	simm.s32 @!p0 $0x64;
	s6 =	simm.s32 @!p0 $0x1800;
	[sflag:s9] =	ssyncadd.s32 @!p0 $0xFFFFF600  }
0x48: {  	[tilespmem:s6], [sflag:$0x1] =	stream.indirect.gather @!p0 [hbm4b:s1+s5], $0x80, s7, s5, $0xb8;
	[tilespmem:$0x1EC80] =	vst v63  }
0x49: {  	s6 =	simm.s32 @!p0 $0x80;
	s7 =	simm.s32 @!p0 $0x4C00  }
0x4a: {  	[tilespmem:s7], [sflag:$0x2] =	stream.indirect.gather @!p0 [hbm4b:s1+s5], $0x80, s6, s5, $0xb8;
	[tilespmem:$0x1EC80] =	vst v63  }
0x4b: {  	_ =	swait.ge [sflag:s19], $0x3200  }
0x4c: {  	[sflag:s19] =	ssyncset.done $0x0  }
0x4d: {  	[sflag:s19] =	ssyncadd.s32 $0xFFFFCE00  }
0x4e: {  	[spmem:s3] =	stream.indirect.scatter.add.f32 [tilespmem:s15], [sflag:$0x4], $0x80, s13, s14, $0xb8;
	[tilespmem:$0x1EC80] =	vst v63  }
0x4f: {  	s24 =	rddreg [dreg:$0x4]  }
0x50: {  	[tilespmem:s20], [sflag:$0x3] =	stream.indirect.gather [hbm4b:s1+s14], $0x80, s24, s14, $0xb8;
	[tilespmem:$0x1EC80] =	vst v63  }
0x51: {  	_ =	swait.ge [sflag:s21], $0x3200  }
0x52: {  	[sflag:s21] =	ssyncset.done $0x0  }
0x53: {  	s4 =	rddreg [dreg:$0x5];
	[sflag:s21] =	ssyncadd.s32 $0xFFFFCE00  }
0x54: {  	[spmem:s3] =	stream.indirect.scatter.add.f32 [tilespmem:s17], [sflag:$0x5], $0x80, s4, s14, $0xb8;
	[tilespmem:$0x1EC80] =	vst v63  }
0x55: {  	_ =	swait.ge [sflag:s22], $0x3200  }
0x56: {  	[sflag:s22] =	ssyncset.done $0x0  }
0x57: {  	s6 =	rddreg [dreg:$0x6];
	[sflag:s22] =	ssyncadd.s32 $0xFFFFCE00  }
0x58: {  	[tilespmem:s15], [sflag:$0x1] =	stream.indirect.gather [hbm4b:s1+s14], $0x80, s6, s14, $0xb8;
	[tilespmem:$0x1EC80] =	vst v63  }
0x59: {  	_ =	swait.ge [sflag:s23], $0x3200  }
0x5a: {  	[sflag:s23] =	ssyncset.done $0x0  }
0x5b: {  	s7 =	rddreg [dreg:$0x7];
	[sflag:s23] =	ssyncadd.s32 $0xFFFFCE00  }
0x5c: {  	[spmem:s3] =	stream.indirect.scatter.add.f32 [tilespmem:s20], [sflag:$0x6], $0x80, s7, s14, $0xb8;
	[tilespmem:$0x1EC80] =	vst v63  }
0x5d: {  	_ =	swait.ge [sflag:s25], $0x3200  }
0x5e: {  	[sflag:s25] =	ssyncset.done $0x0  }
0x5f: {  	s9 =	rddreg [dreg:$0x8];
	[sflag:s25] =	ssyncadd.s32 $0xFFFFCE00  }
0x60: {  	[tilespmem:s17], [sflag:$0x2] =	stream.indirect.gather [hbm4b:s1+s14], $0x80, s9, s14, $0xb8;
	[tilespmem:$0x1EC80] =	vst v63  }
0x61: {  	_ =	swait.ge [sflag:s19], $0x3200  }
0x62: {  	[sflag:s19] =	ssyncset.done $0x0  }
0x63: {  	s24 =	rddreg [dreg:$0x9];
	[sflag:s19] =	ssyncadd.s32 $0xFFFFCE00  }
0x64: {  	[spmem:s3] =	stream.indirect.scatter.add.f32 [tilespmem:s15], [sflag:$0x4], $0x80, s24, s14, $0xb8;
	[tilespmem:$0x1EC80] =	vst v63  }
0x65: {  	_ =	swait.ge [sflag:s26], $0x3200  }
0x66: {  	[sflag:s26] =	ssyncset.done $0x0  }
0x67: {  	s4 =	rddreg [dreg:$0xa];
	[sflag:s26] =	ssyncadd.s32 $0xFFFFCE00  }
0x68: {  	[tilespmem:s20], [sflag:$0x3] =	stream.indirect.gather [hbm4b:s1+s14], $0x80, s4, s14, $0xb8;
	[tilespmem:$0x1EC80] =	vst v63  }
0x69: {  	_ =	swait.ge [sflag:s21], $0x3200  }
0x6a: {  	[sflag:s21] =	ssyncset.done $0x0  }
0x6b: {  	s6 =	rddreg [dreg:$0xb];
	[sflag:s21] =	ssyncadd.s32 $0xFFFFCE00  }
0x6c: {  	[spmem:s3] =	stream.indirect.scatter.add.f32 [tilespmem:s17], [sflag:$0x5], $0x80, s6, s14, $0xb8;
	[tilespmem:$0x1EC80] =	vst v63  }
0x6d: {  	_ =	swait.ge [sflag:s22], $0x3200  }
0x6e: {  	[sflag:s22] =	ssyncset.done $0x0  }
0x6f: {  	s7 =	rddreg [dreg:$0xc];
	[sflag:s22] =	ssyncadd.s32 $0xFFFFCE00  }
0x70: {  	[tilespmem:s15], [sflag:$0x1] =	stream.indirect.gather [hbm4b:s1+s14], $0x80, s7, s14, $0xb8;
	[tilespmem:$0x1EC80] =	vst v63  }
0x71: {  	_ =	swait.ge [sflag:s23], $0x3200  }
0x72: {  	[sflag:s23] =	ssyncset.done $0x0  }
0x73: {  	s9 =	rddreg [dreg:$0xd];
	[sflag:s23] =	ssyncadd.s32 $0xFFFFCE00  }
0x74: {  	[spmem:s3] =	stream.indirect.scatter.add.f32 [tilespmem:s20], [sflag:$0x6], $0x80, s9, s14, $0xb8;
	[tilespmem:$0x1EC80] =	vst v63  }
0x75: {  	_ =	swait.ge [sflag:s25], $0x3200  }
0x76: {  	[sflag:s25] =	ssyncset.done $0x0  }
0x77: {  	s24 =	rddreg [dreg:$0xe];
	[sflag:s25] =	ssyncadd.s32 $0xFFFFCE00  }
0x78: {  	[tilespmem:s17], [sflag:$0x2] =	stream.indirect.gather [hbm4b:s1+s14], $0x80, s24, s14, $0xb8;
	[tilespmem:$0x1EC80] =	vst v63  }
0x79: {  	_ =	swait.ge [sflag:s19], $0x3200  }
0x7a: {  	[sflag:s19] =	ssyncset.done $0x0  }
0x7b: {  	s4 =	rddreg [dreg:$0xf];
	[sflag:s19] =	ssyncadd.s32 $0xFFFFCE00  }
0x7c: {  	[spmem:s3] =	stream.indirect.scatter.add.f32 [tilespmem:s15], [sflag:$0x4], $0x80, s4, s14, $0xb8;
	[tilespmem:$0x1EC80] =	vst v63  }
0x7d: {  	_ =	swait.ge [sflag:s26], $0x3200  }
0x7e: {  	[sflag:s26] =	ssyncset.done $0x0  }
0x7f: {  	s6 =	rddreg [dreg:$0x10];
	[sflag:s26] =	ssyncadd.s32 $0xFFFFCE00  }
0x80: {  	[tilespmem:s20], [sflag:$0x3] =	stream.indirect.gather [hbm4b:s1+s14], $0x80, s6, s14, $0xb8;
	[tilespmem:$0x1EC80] =	vst v63  }
0x81: {  	_ =	swait.ge [sflag:s21], $0x3200  }
0x82: {  	[sflag:s21] =	ssyncset.done $0x0  }
0x83: {  	s7 =	rddreg [dreg:$0x11];
	[sflag:s21] =	ssyncadd.s32 $0xFFFFCE00  }
0x84: {  	[spmem:s3] =	stream.indirect.scatter.add.f32 [tilespmem:s17], [sflag:$0x5], $0x80, s7, s14, $0xb8;
	[tilespmem:$0x1EC80] =	vst v63  }
0x85: {  	_ =	swait.ge [sflag:s22], $0x3200  }
0x86: {  	[sflag:s22] =	ssyncset.done $0x0  }
0x87: {  	s9 =	rddreg [dreg:$0x12];
	[sflag:s22] =	ssyncadd.s32 $0xFFFFCE00  }
0x88: {  	[tilespmem:s15], [sflag:$0x1] =	stream.indirect.gather [hbm4b:s1+s14], $0x80, s9, s14, $0xb8;
	[tilespmem:$0x1EC80] =	vst v63  }
0x89: {  	_ =	swait.ge [sflag:s23], $0x3200  }
0x8a: {  	[sflag:s23] =	ssyncset.done $0x0  }
0x8b: {  	s24 =	rddreg [dreg:$0x13];
	[sflag:s23] =	ssyncadd.s32 $0xFFFFCE00  }
0x8c: {  	[spmem:s3] =	stream.indirect.scatter.add.f32 [tilespmem:s20], [sflag:$0x6], $0x80, s24, s14, $0xb8;
	[tilespmem:$0x1EC80] =	vst v63  }
0x8d: {  	_ =	swait.ge [sflag:s25], $0x3200  }
0x8e: {  	[sflag:s25] =	ssyncset.done $0x0  }
0x8f: {  	s4 =	rddreg [dreg:$0x14];
	[sflag:s25] =	ssyncadd.s32 $0xFFFFCE00  }
0x90: {  	[tilespmem:s17], [sflag:$0x2] =	stream.indirect.gather [hbm4b:s1+s14], $0x80, s4, s14, $0xb8;
	[tilespmem:$0x1EC80] =	vst v63  }
0x91: {  	_ =	swait.ge [sflag:s19], $0x3200  }
0x92: {  	[sflag:s19] =	ssyncset.done $0x0  }
0x93: {  	s6 =	rddreg [dreg:$0x15];
	[sflag:s19] =	ssyncadd.s32 $0xFFFFCE00  }
0x94: {  	[spmem:s3] =	stream.indirect.scatter.add.f32 [tilespmem:s15], [sflag:$0x4], $0x80, s6, s14, $0xb8;
	[tilespmem:$0x1EC80] =	vst v63  }
0x95: {  	_ =	swait.ge [sflag:s26], $0x3200  }
0x96: {  	[sflag:s26] =	ssyncset.done $0x0  }
0x97: {  	s7 =	rddreg [dreg:$0x16];
	[sflag:s26] =	ssyncadd.s32 $0xFFFFCE00  }
0x98: {  	[tilespmem:s20], [sflag:$0x3] =	stream.indirect.gather [hbm4b:s1+s14], $0x80, s7, s14, $0xb8;
	[tilespmem:$0x1EC80] =	vst v63  }
0x99: {  	_ =	swait.ge [sflag:s21], $0x3200  }
0x9a: {  	[sflag:s21] =	ssyncset.done $0x0  }
0x9b: {  	s9 =	rddreg [dreg:$0x17];
	[sflag:s21] =	ssyncadd.s32 $0xFFFFCE00  }
0x9c: {  	[spmem:s3] =	stream.indirect.scatter.add.f32 [tilespmem:s17], [sflag:$0x5], $0x80, s9, s14, $0xb8;
	[tilespmem:$0x1EC80] =	vst v63  }
0x9d: {  	_ =	swait.ge [sflag:s22], $0x3200  }
0x9e: {  	[sflag:s22] =	ssyncset.done $0x0  }
0x9f: {  	s24 =	rddreg [dreg:$0x18];
	[sflag:s22] =	ssyncadd.s32 $0xFFFFCE00  }
0xa0: {  	[tilespmem:s15], [sflag:$0x1] =	stream.indirect.gather [hbm4b:s1+s14], $0x80, s24, s14, $0xb8;
	[tilespmem:$0x1EC80] =	vst v63  }
0xa1: {  	_ =	swait.ge [sflag:s23], $0x3200  }
0xa2: {  	[sflag:s23] =	ssyncset.done $0x0  }
0xa3: {  	s4 =	rddreg [dreg:$0x19];
	[sflag:s23] =	ssyncadd.s32 $0xFFFFCE00  }
0xa4: {  	[spmem:s3] =	stream.indirect.scatter.add.f32 [tilespmem:s20], [sflag:$0x6], $0x80, s4, s14, $0xb8;
	[tilespmem:$0x1EC80] =	vst v63  }
0xa5: {  	_ =	swait.ge [sflag:s25], $0x3200  }
0xa6: {  	[sflag:s25] =	ssyncset.done $0x0  }
0xa7: {  	s6 =	rddreg [dreg:$0x1a];
	[sflag:s25] =	ssyncadd.s32 $0xFFFFCE00  }
0xa8: {  	[tilespmem:s17], [sflag:$0x2] =	stream.indirect.gather [hbm4b:s1+s14], $0x80, s6, s14, $0xb8;
	[tilespmem:$0x1EC80] =	vst v63  }
0xa9: {  	_ =	swait.ge [sflag:s19], $0x3200  }
0xaa: {  	[sflag:s19] =	ssyncset.done $0x0  }
0xab: {  	s7 =	rddreg [dreg:$0x1b];
	[sflag:s19] =	ssyncadd.s32 $0xFFFFCE00  }
0xac: {  	[spmem:s3] =	stream.indirect.scatter.add.f32 [tilespmem:s15], [sflag:$0x4], $0x80, s7, s14, $0xb8;
	[tilespmem:$0x1EC80] =	vst v63  }
0xad: {  	_ =	swait.ge [sflag:s26], $0x3200  }
0xae: {  	[sflag:s26] =	ssyncset.done $0x0  }
0xaf: {  	s9 =	rddreg [dreg:$0x1c];
	[sflag:s26] =	ssyncadd.s32 $0xFFFFCE00  }
0xb0: {  	[tilespmem:s20], [sflag:$0x3] =	stream.indirect.gather [hbm4b:s1+s14], $0x80, s9, s14, $0xb8;
	[tilespmem:$0x1EC80] =	vst v63  }
0xb1: {  	_ =	swait.ge [sflag:s21], $0x3200  }
0xb2: {  	[sflag:s21] =	ssyncset.done $0x0  }
0xb3: {  	s24 =	rddreg [dreg:$0x1d];
	[sflag:s21] =	ssyncadd.s32 $0xFFFFCE00  }
0xb4: {  	[spmem:s3] =	stream.indirect.scatter.add.f32 [tilespmem:s17], [sflag:$0x5], $0x80, s24, s14, $0xb8;
	[tilespmem:$0x1EC80] =	vst v63  }
0xb5: {  	_ =	swait.ge [sflag:s22], $0x3200  }
0xb6: {  	[sflag:s22] =	ssyncset.done $0x0  }
0xb7: {  	s4 =	rddreg [dreg:$0x1e];
	[sflag:s22] =	ssyncadd.s32 $0xFFFFCE00  }
0xb8: {  	[tilespmem:s15], [sflag:$0x1] =	stream.indirect.gather [hbm4b:s1+s14], $0x80, s4, s14, $0xb8;
	[tilespmem:$0x1EC80] =	vst v63  }
0xb9: {  	_ =	swait.ge [sflag:s23], $0x3200  }
0xba: {  	[sflag:s23] =	ssyncset.done $0x0  }
0xbb: {  	s6 =	rddreg [dreg:$0x1f];
	[sflag:s23] =	ssyncadd.s32 $0xFFFFCE00  }
0xbc: {  	[spmem:s3] =	stream.indirect.scatter.add.f32 [tilespmem:s20], [sflag:$0x6], $0x80, s6, s14, $0xb8;
	[tilespmem:$0x1EC80] =	vst v63  }
0xbd: {  	_ =	swait.ge [sflag:s25], $0x3200  }
0xbe: {  	s7 =	sld [smem:$0x7FA]  }
0xbf: {  	[sflag:s25] =	ssyncset.done $0x0  }
0xc0: {  	[sflag:s25] =	ssyncadd.s32 $0xFFFFCE00  }
0xc1: {  	[tilespmem:s17], [sflag:$0x2] =	stream.indirect.gather [hbm4b:s1+s14], $0x80, s7, s14, $0xb8;
	[tilespmem:$0x1EC80] =	vst v63  }
0xc2: {  	_ =	swait.ge [sflag:s19], $0x3200  }
0xc3: {  	s9 =	sld [smem:$0x7FB]  }
0xc4: {  	[sflag:s19] =	ssyncset.done $0x0  }
0xc5: {  	[sflag:s19] =	ssyncadd.s32 $0xFFFFCE00  }
0xc6: {  	[spmem:s3] =	stream.indirect.scatter.add.f32 [tilespmem:s15], [sflag:$0x4], $0x80, s9, s14, $0xb8;
	[tilespmem:$0x1EC80] =	vst v63  }
0xc7: {  	_ =	swait.ge [sflag:s26], $0x3200  }
0xc8: {  	s24 =	sld [smem:$0x7FC]  }
0xc9: {  	[sflag:s26] =	ssyncset.done $0x0  }
0xca: {  	[sflag:s26] =	ssyncadd.s32 $0xFFFFCE00  }
0xcb: {  	[tilespmem:s20], [sflag:$0x3] =	stream.indirect.gather [hbm4b:s1+s14], $0x80, s24, s14, $0xb8;
	[tilespmem:$0x1EC80] =	vst v63  }
0xcc: {  	_ =	swait.ge [sflag:s21], $0x3200  }
0xcd: {  	[sflag:s21] =	ssyncset.done $0x0  }
0xce: {  	[sflag:s21] =	ssyncadd.s32 $0xFFFFCE00  }
0xcf: {  	[spmem:s3] =	stream.indirect.scatter.add.f32 [tilespmem:s17], [sflag:$0x5], $0x80, s28, s14, $0xb8;
	[tilespmem:$0x1EC80] =	vst v63  }
0xd0: {  	_ =	swait.ge [sflag:s22], $0x3200  }
0xd1: {  	[sflag:s22] =	ssyncset.done $0x0  }
0xd2: {  	[sflag:s22] =	ssyncadd.s32 $0xFFFFCE00  }
0xd3: {  	[tilespmem:s15], [sflag:$0x1] =	stream.indirect.gather [hbm4b:s1+s14], $0x80, s29, s14, $0xb8;
	[tilespmem:$0x1EC80] =	vst v63  }
0xd4: {  	_ =	swait.ge [sflag:s23], $0x3200  }
0xd5: {  	[sflag:s23] =	ssyncset.done $0x0  }
0xd6: {  	[sflag:s23] =	ssyncadd.s32 $0xFFFFCE00  }
0xd7: {  	[spmem:s3] =	stream.indirect.scatter.add.f32 [tilespmem:s20], [sflag:$0x6], $0x80, s30, s14, $0xb8;
	[tilespmem:$0x1EC80] =	vst v63  }
0xd8: {  	_ =	swait.ge [sflag:s25], $0x3200  }
0xd9: {  	[sflag:s25] =	ssyncset.done $0x0  }
0xda: {  	[sflag:s25] =	ssyncadd.s32 $0xFFFFCE00  }
0xdb: {  	[tilespmem:s17], [sflag:$0x2] =	stream.indirect.gather [hbm4b:s1+s14], $0x80, s31, s14, $0xb8;
	[tilespmem:$0x1EC80] =	vst v63  }
0xdc: {  	_ =	swait.ge [sflag:s19], $0x3200  }
0xdd: {  	[sflag:s19] =	ssyncset.done $0x0  }
0xde: {  	[sflag:s19] =	ssyncadd.s32 $0xFFFFCE00  }
0xdf: {  	[spmem:s3] =	stream.indirect.scatter.add.f32 [tilespmem:s15], [sflag:$0x4], $0x80, s2, s14, $0xb8;
	[tilespmem:$0x1EC80] =	vst v63  }
0xe0: {  	_ =	swait.ge [sflag:s26], $0x3200  }
0xe1: {  	[sflag:s26] =	ssyncset.done $0x0  }
0xe2: {  	[sflag:s26] =	ssyncadd.s32 $0xFFFFCE00  }
0xe3: {  	_ =	swait.ge [sflag:s21], $0x3200  }
0xe4: {  	[sflag:s21] =	ssyncset.done $0x0  }
0xe5: {  	[sflag:s21] =	ssyncadd.s32 $0xFFFFCE00  }
0xe6: {  	[spmem:s3] =	stream.indirect.scatter.add.f32 [tilespmem:s17], [sflag:$0x5], $0x80, s0, s14, $0xb8;
	[tilespmem:$0x1EC80] =	vst v63  }
0xe7: {  	_ =	swait.ge [sflag:s22], $0x3200  }
0xe8: {  	[sflag:s22] =	ssyncset.done $0x0  }
0xe9: {  	[sflag:s22] =	ssyncadd.s32 $0xFFFFCE00  }
0xea: {  	_ =	swait.ge [sflag:s25], $0x3200  }
0xeb: {  	s5 =	simm.s32 $0x180;
	s7 =	simm.s32 $0x300;
	[sflag:s25] =	ssyncset.done $0x0  }
.LBB2_2:
0xec: {  	p1 =	seq.s32 s5, $0x0;
	[sflag:s25] =	ssyncadd.s32 $0xFFFFCE00  }
0xed: {  	s9 =	sadd.s32 @!p1 s5, s8;
	s24 =	simm.s32 @!p1 $0x0;
	s4 =	simm.s32 @!p1 $0x8  }
0xee: {  	[tilespmem:s24], [sflag:$0x8] =	stream.linear.gather @!p1 [hbm4b:s9+s24], $0xA00, $0x38;
	[tilespmem:$0x1EC80] =	vst v63  }
0xef: {  	_ =	swait.ge @!p1 [sflag:s4], $0xA00  }
0xf0: {  	[sflag:s4] =	ssyncset.done @!p1 $0x0  }
0xf1: {  	s5 =	sadd.s32 @!p1 s5, s12;
	s9 =	simm.s32 @!p1 $0xC00;
	[sflag:s4] =	ssyncadd.s32 @!p1 $0xFFFFF600  }
0xf2: {  	[tilespmem:s9], [sflag:$0x8] =	stream.linear.gather @!p1 [hbm4b:s5+s24], $0xA00, $0x38;
	[tilespmem:$0x1EC80] =	vst v63  }
0xf3: {  	s6 =	smov.u32 s7;
	_ =	swait.ge @!p1 [sflag:s4], $0xA00  }
0xf4: {  	s5 =	smov.u32 s6;
	[sflag:s4] =	ssyncset.done @!p1 $0x0  }
0xf5: {  	s6 =	simm.s32 @!p1 $0x1800;
	[sflag:s4] =	ssyncadd.s32 @!p1 $0xFFFFF600;
	s4 =	simm.s32 @!p1 $0x64  }
0xf6: {  	[tilespmem:s6], [sflag:$0x1] =	stream.indirect.gather @!p1 [hbm4b:s1+s4], $0x80, s24, s4, $0xb8;
	[tilespmem:$0x1EC80] =	vst v63  }
0xf7: {  	s9 =	simm.s32 @!p1 $0x4C00;
	s6 =	simm.s32 @!p1 $0x80  }
0xf8: {  	[tilespmem:s9], [sflag:$0x2] =	stream.indirect.gather @!p1 [hbm4b:s1+s4], $0x80, s6, s4, $0xb8;
	[tilespmem:$0x1EC80] =	vst v63  }
0xf9: {  	_ =	swait.ge [sflag:s19], $0x3200  }
0xfa: {  	[sflag:s19] =	ssyncset.done $0x0  }
0xfb: {  	[sflag:s19] =	ssyncadd.s32 $0xFFFFCE00  }
0xfc: {  	[spmem:s3] =	stream.indirect.scatter.add.f32 [tilespmem:s15], [sflag:$0x4], $0x80, s13, s14, $0xb8;
	[tilespmem:$0x1EC80] =	vst v63  }
0xfd: {  	s24 =	rddreg [dreg:$0x4]  }
0xfe: {  	[tilespmem:s20], [sflag:$0x3] =	stream.indirect.gather [hbm4b:s1+s14], $0x80, s24, s14, $0xb8;
	[tilespmem:$0x1EC80] =	vst v63  }
0xff: {  	_ =	swait.ge [sflag:s21], $0x3200  }
0x100: {  	[sflag:s21] =	ssyncset.done $0x0  }
0x101: {  	s6 =	rddreg [dreg:$0x5];
	[sflag:s21] =	ssyncadd.s32 $0xFFFFCE00  }
0x102: {  	[spmem:s3] =	stream.indirect.scatter.add.f32 [tilespmem:s17], [sflag:$0x5], $0x80, s6, s14, $0xb8;
	[tilespmem:$0x1EC80] =	vst v63  }
0x103: {  	_ =	swait.ge [sflag:s22], $0x3200  }
0x104: {  	[sflag:s22] =	ssyncset.done $0x0  }
0x105: {  	s9 =	rddreg [dreg:$0x6];
	[sflag:s22] =	ssyncadd.s32 $0xFFFFCE00  }
0x106: {  	[tilespmem:s15], [sflag:$0x1] =	stream.indirect.gather [hbm4b:s1+s14], $0x80, s9, s14, $0xb8;
	[tilespmem:$0x1EC80] =	vst v63  }
0x107: {  	_ =	swait.ge [sflag:s23], $0x3200  }
0x108: {  	[sflag:s23] =	ssyncset.done $0x0  }
0x109: {  	s24 =	rddreg [dreg:$0x7];
	[sflag:s23] =	ssyncadd.s32 $0xFFFFCE00  }
0x10a: {  	[spmem:s3] =	stream.indirect.scatter.add.f32 [tilespmem:s20], [sflag:$0x6], $0x80, s24, s14, $0xb8;
	[tilespmem:$0x1EC80] =	vst v63  }
0x10b: {  	_ =	swait.ge [sflag:s25], $0x3200  }
0x10c: {  	[sflag:s25] =	ssyncset.done $0x0  }
0x10d: {  	s6 =	rddreg [dreg:$0x8];
	[sflag:s25] =	ssyncadd.s32 $0xFFFFCE00  }
0x10e: {  	[tilespmem:s17], [sflag:$0x2] =	stream.indirect.gather [hbm4b:s1+s14], $0x80, s6, s14, $0xb8;
	[tilespmem:$0x1EC80] =	vst v63  }
0x10f: {  	_ =	swait.ge [sflag:s19], $0x3200  }
0x110: {  	[sflag:s19] =	ssyncset.done $0x0  }
0x111: {  	s9 =	rddreg [dreg:$0x9];
	[sflag:s19] =	ssyncadd.s32 $0xFFFFCE00  }
0x112: {  	[spmem:s3] =	stream.indirect.scatter.add.f32 [tilespmem:s15], [sflag:$0x4], $0x80, s9, s14, $0xb8;
	[tilespmem:$0x1EC80] =	vst v63  }
0x113: {  	_ =	swait.ge [sflag:s26], $0x3200  }
0x114: {  	[sflag:s26] =	ssyncset.done $0x0  }
0x115: {  	s24 =	rddreg [dreg:$0xa];
	[sflag:s26] =	ssyncadd.s32 $0xFFFFCE00  }
0x116: {  	[tilespmem:s20], [sflag:$0x3] =	stream.indirect.gather [hbm4b:s1+s14], $0x80, s24, s14, $0xb8;
	[tilespmem:$0x1EC80] =	vst v63  }
0x117: {  	_ =	swait.ge [sflag:s21], $0x3200  }
0x118: {  	[sflag:s21] =	ssyncset.done $0x0  }
0x119: {  	s6 =	rddreg [dreg:$0xb];
	[sflag:s21] =	ssyncadd.s32 $0xFFFFCE00  }
0x11a: {  	[spmem:s3] =	stream.indirect.scatter.add.f32 [tilespmem:s17], [sflag:$0x5], $0x80, s6, s14, $0xb8;
	[tilespmem:$0x1EC80] =	vst v63  }
0x11b: {  	_ =	swait.ge [sflag:s22], $0x3200  }
0x11c: {  	[sflag:s22] =	ssyncset.done $0x0  }
0x11d: {  	s9 =	rddreg [dreg:$0xc];
	[sflag:s22] =	ssyncadd.s32 $0xFFFFCE00  }
0x11e: {  	[tilespmem:s15], [sflag:$0x1] =	stream.indirect.gather [hbm4b:s1+s14], $0x80, s9, s14, $0xb8;
	[tilespmem:$0x1EC80] =	vst v63  }
0x11f: {  	_ =	swait.ge [sflag:s23], $0x3200  }
0x120: {  	[sflag:s23] =	ssyncset.done $0x0  }
0x121: {  	s24 =	rddreg [dreg:$0xd];
	[sflag:s23] =	ssyncadd.s32 $0xFFFFCE00  }
0x122: {  	[spmem:s3] =	stream.indirect.scatter.add.f32 [tilespmem:s20], [sflag:$0x6], $0x80, s24, s14, $0xb8;
	[tilespmem:$0x1EC80] =	vst v63  }
0x123: {  	_ =	swait.ge [sflag:s25], $0x3200  }
0x124: {  	[sflag:s25] =	ssyncset.done $0x0  }
0x125: {  	s6 =	rddreg [dreg:$0xe];
	[sflag:s25] =	ssyncadd.s32 $0xFFFFCE00  }
0x126: {  	[tilespmem:s17], [sflag:$0x2] =	stream.indirect.gather [hbm4b:s1+s14], $0x80, s6, s14, $0xb8;
	[tilespmem:$0x1EC80] =	vst v63  }
0x127: {  	_ =	swait.ge [sflag:s19], $0x3200  }
0x128: {  	[sflag:s19] =	ssyncset.done $0x0  }
0x129: {  	s9 =	rddreg [dreg:$0xf];
	[sflag:s19] =	ssyncadd.s32 $0xFFFFCE00  }
0x12a: {  	[spmem:s3] =	stream.indirect.scatter.add.f32 [tilespmem:s15], [sflag:$0x4], $0x80, s9, s14, $0xb8;
	[tilespmem:$0x1EC80] =	vst v63  }
0x12b: {  	_ =	swait.ge [sflag:s26], $0x3200  }
0x12c: {  	[sflag:s26] =	ssyncset.done $0x0  }
0x12d: {  	s24 =	rddreg [dreg:$0x10];
	[sflag:s26] =	ssyncadd.s32 $0xFFFFCE00  }
0x12e: {  	[tilespmem:s20], [sflag:$0x3] =	stream.indirect.gather [hbm4b:s1+s14], $0x80, s24, s14, $0xb8;
	[tilespmem:$0x1EC80] =	vst v63  }
0x12f: {  	_ =	swait.ge [sflag:s21], $0x3200  }
0x130: {  	[sflag:s21] =	ssyncset.done $0x0  }
0x131: {  	s6 =	rddreg [dreg:$0x11];
	[sflag:s21] =	ssyncadd.s32 $0xFFFFCE00  }
0x132: {  	[spmem:s3] =	stream.indirect.scatter.add.f32 [tilespmem:s17], [sflag:$0x5], $0x80, s6, s14, $0xb8;
	[tilespmem:$0x1EC80] =	vst v63  }
0x133: {  	_ =	swait.ge [sflag:s22], $0x3200  }
0x134: {  	[sflag:s22] =	ssyncset.done $0x0  }
0x135: {  	s9 =	rddreg [dreg:$0x12];
	[sflag:s22] =	ssyncadd.s32 $0xFFFFCE00  }
0x136: {  	[tilespmem:s15], [sflag:$0x1] =	stream.indirect.gather [hbm4b:s1+s14], $0x80, s9, s14, $0xb8;
	[tilespmem:$0x1EC80] =	vst v63  }
0x137: {  	_ =	swait.ge [sflag:s23], $0x3200  }
0x138: {  	[sflag:s23] =	ssyncset.done $0x0  }
0x139: {  	s24 =	rddreg [dreg:$0x13];
	[sflag:s23] =	ssyncadd.s32 $0xFFFFCE00  }
0x13a: {  	[spmem:s3] =	stream.indirect.scatter.add.f32 [tilespmem:s20], [sflag:$0x6], $0x80, s24, s14, $0xb8;
	[tilespmem:$0x1EC80] =	vst v63  }
0x13b: {  	_ =	swait.ge [sflag:s25], $0x3200  }
0x13c: {  	[sflag:s25] =	ssyncset.done $0x0  }
0x13d: {  	s6 =	rddreg [dreg:$0x14];
	[sflag:s25] =	ssyncadd.s32 $0xFFFFCE00  }
0x13e: {  	[tilespmem:s17], [sflag:$0x2] =	stream.indirect.gather [hbm4b:s1+s14], $0x80, s6, s14, $0xb8;
	[tilespmem:$0x1EC80] =	vst v63  }
0x13f: {  	_ =	swait.ge [sflag:s19], $0x3200  }
0x140: {  	[sflag:s19] =	ssyncset.done $0x0  }
0x141: {  	s9 =	rddreg [dreg:$0x15];
	[sflag:s19] =	ssyncadd.s32 $0xFFFFCE00  }
0x142: {  	[spmem:s3] =	stream.indirect.scatter.add.f32 [tilespmem:s15], [sflag:$0x4], $0x80, s9, s14, $0xb8;
	[tilespmem:$0x1EC80] =	vst v63  }
0x143: {  	_ =	swait.ge [sflag:s26], $0x3200  }
0x144: {  	[sflag:s26] =	ssyncset.done $0x0  }
0x145: {  	s24 =	rddreg [dreg:$0x16];
	[sflag:s26] =	ssyncadd.s32 $0xFFFFCE00  }
0x146: {  	[tilespmem:s20], [sflag:$0x3] =	stream.indirect.gather [hbm4b:s1+s14], $0x80, s24, s14, $0xb8;
	[tilespmem:$0x1EC80] =	vst v63  }
0x147: {  	_ =	swait.ge [sflag:s21], $0x3200  }
0x148: {  	[sflag:s21] =	ssyncset.done $0x0  }
0x149: {  	s6 =	rddreg [dreg:$0x17];
	[sflag:s21] =	ssyncadd.s32 $0xFFFFCE00  }
0x14a: {  	[spmem:s3] =	stream.indirect.scatter.add.f32 [tilespmem:s17], [sflag:$0x5], $0x80, s6, s14, $0xb8;
	[tilespmem:$0x1EC80] =	vst v63  }
0x14b: {  	_ =	swait.ge [sflag:s22], $0x3200  }
0x14c: {  	[sflag:s22] =	ssyncset.done $0x0  }
0x14d: {  	s9 =	rddreg [dreg:$0x18];
	[sflag:s22] =	ssyncadd.s32 $0xFFFFCE00  }
0x14e: {  	[tilespmem:s15], [sflag:$0x1] =	stream.indirect.gather [hbm4b:s1+s14], $0x80, s9, s14, $0xb8;
	[tilespmem:$0x1EC80] =	vst v63  }
0x14f: {  	_ =	swait.ge [sflag:s23], $0x3200  }
0x150: {  	[sflag:s23] =	ssyncset.done $0x0  }
0x151: {  	s24 =	rddreg [dreg:$0x19];
	[sflag:s23] =	ssyncadd.s32 $0xFFFFCE00  }
0x152: {  	[spmem:s3] =	stream.indirect.scatter.add.f32 [tilespmem:s20], [sflag:$0x6], $0x80, s24, s14, $0xb8;
	[tilespmem:$0x1EC80] =	vst v63  }
0x153: {  	_ =	swait.ge [sflag:s25], $0x3200  }
0x154: {  	[sflag:s25] =	ssyncset.done $0x0  }
0x155: {  	s6 =	rddreg [dreg:$0x1a];
	[sflag:s25] =	ssyncadd.s32 $0xFFFFCE00  }
0x156: {  	[tilespmem:s17], [sflag:$0x2] =	stream.indirect.gather [hbm4b:s1+s14], $0x80, s6, s14, $0xb8;
	[tilespmem:$0x1EC80] =	vst v63  }
0x157: {  	_ =	swait.ge [sflag:s19], $0x3200  }
0x158: {  	[sflag:s19] =	ssyncset.done $0x0  }
0x159: {  	s9 =	rddreg [dreg:$0x1b];
	[sflag:s19] =	ssyncadd.s32 $0xFFFFCE00  }
0x15a: {  	[spmem:s3] =	stream.indirect.scatter.add.f32 [tilespmem:s15], [sflag:$0x4], $0x80, s9, s14, $0xb8;
	[tilespmem:$0x1EC80] =	vst v63  }
0x15b: {  	_ =	swait.ge [sflag:s26], $0x3200  }
0x15c: {  	[sflag:s26] =	ssyncset.done $0x0  }
0x15d: {  	s24 =	rddreg [dreg:$0x1c];
	[sflag:s26] =	ssyncadd.s32 $0xFFFFCE00  }
0x15e: {  	[tilespmem:s20], [sflag:$0x3] =	stream.indirect.gather [hbm4b:s1+s14], $0x80, s24, s14, $0xb8;
	[tilespmem:$0x1EC80] =	vst v63  }
0x15f: {  	_ =	swait.ge [sflag:s21], $0x3200  }
0x160: {  	[sflag:s21] =	ssyncset.done $0x0  }
0x161: {  	s6 =	rddreg [dreg:$0x1d];
	[sflag:s21] =	ssyncadd.s32 $0xFFFFCE00  }
0x162: {  	[spmem:s3] =	stream.indirect.scatter.add.f32 [tilespmem:s17], [sflag:$0x5], $0x80, s6, s14, $0xb8;
	[tilespmem:$0x1EC80] =	vst v63  }
0x163: {  	_ =	swait.ge [sflag:s22], $0x3200  }
0x164: {  	[sflag:s22] =	ssyncset.done $0x0  }
0x165: {  	s9 =	rddreg [dreg:$0x1e];
	[sflag:s22] =	ssyncadd.s32 $0xFFFFCE00  }
0x166: {  	[tilespmem:s15], [sflag:$0x1] =	stream.indirect.gather [hbm4b:s1+s14], $0x80, s9, s14, $0xb8;
	[tilespmem:$0x1EC80] =	vst v63  }
0x167: {  	_ =	swait.ge [sflag:s23], $0x3200  }
0x168: {  	[sflag:s23] =	ssyncset.done $0x0  }
0x169: {  	s24 =	rddreg [dreg:$0x1f];
	[sflag:s23] =	ssyncadd.s32 $0xFFFFCE00  }
0x16a: {  	[spmem:s3] =	stream.indirect.scatter.add.f32 [tilespmem:s20], [sflag:$0x6], $0x80, s24, s14, $0xb8;
	[tilespmem:$0x1EC80] =	vst v63  }
0x16b: {  	_ =	swait.ge [sflag:s25], $0x3200  }
0x16c: {  	s6 =	sld [smem:$0x7FA]  }
0x16d: {  	[sflag:s25] =	ssyncset.done $0x0  }
0x16e: {  	[sflag:s25] =	ssyncadd.s32 $0xFFFFCE00  }
0x16f: {  	[tilespmem:s17], [sflag:$0x2] =	stream.indirect.gather [hbm4b:s1+s14], $0x80, s6, s14, $0xb8;
	[tilespmem:$0x1EC80] =	vst v63  }
0x170: {  	_ =	swait.ge [sflag:s19], $0x3200  }
0x171: {  	s9 =	sld [smem:$0x7FB]  }
0x172: {  	[sflag:s19] =	ssyncset.done $0x0  }
0x173: {  	[sflag:s19] =	ssyncadd.s32 $0xFFFFCE00  }
0x174: {  	[spmem:s3] =	stream.indirect.scatter.add.f32 [tilespmem:s15], [sflag:$0x4], $0x80, s9, s14, $0xb8;
	[tilespmem:$0x1EC80] =	vst v63  }
0x175: {  	_ =	swait.ge [sflag:s26], $0x3200  }
0x176: {  	s24 =	sld [smem:$0x7FC]  }
0x177: {  	[sflag:s26] =	ssyncset.done $0x0  }
0x178: {  	[sflag:s26] =	ssyncadd.s32 $0xFFFFCE00  }
0x179: {  	[tilespmem:s20], [sflag:$0x3] =	stream.indirect.gather [hbm4b:s1+s14], $0x80, s24, s14, $0xb8;
	[tilespmem:$0x1EC80] =	vst v63  }
0x17a: {  	_ =	swait.ge [sflag:s21], $0x3200  }
0x17b: {  	[sflag:s21] =	ssyncset.done $0x0  }
0x17c: {  	[sflag:s21] =	ssyncadd.s32 $0xFFFFCE00  }
0x17d: {  	[spmem:s3] =	stream.indirect.scatter.add.f32 [tilespmem:s17], [sflag:$0x5], $0x80, s28, s14, $0xb8;
	[tilespmem:$0x1EC80] =	vst v63  }
0x17e: {  	_ =	swait.ge [sflag:s22], $0x3200  }
0x17f: {  	[sflag:s22] =	ssyncset.done $0x0  }
0x180: {  	[sflag:s22] =	ssyncadd.s32 $0xFFFFCE00  }
0x181: {  	[tilespmem:s15], [sflag:$0x1] =	stream.indirect.gather [hbm4b:s1+s14], $0x80, s29, s14, $0xb8;
	[tilespmem:$0x1EC80] =	vst v63  }
0x182: {  	_ =	swait.ge [sflag:s23], $0x3200  }
0x183: {  	[sflag:s23] =	ssyncset.done $0x0  }
0x184: {  	[sflag:s23] =	ssyncadd.s32 $0xFFFFCE00  }
0x185: {  	[spmem:s3] =	stream.indirect.scatter.add.f32 [tilespmem:s20], [sflag:$0x6], $0x80, s30, s14, $0xb8;
	[tilespmem:$0x1EC80] =	vst v63  }
0x186: {  	_ =	swait.ge [sflag:s25], $0x3200  }
0x187: {  	[sflag:s25] =	ssyncset.done $0x0  }
0x188: {  	[sflag:s25] =	ssyncadd.s32 $0xFFFFCE00  }
0x189: {  	[tilespmem:s17], [sflag:$0x2] =	stream.indirect.gather [hbm4b:s1+s14], $0x80, s31, s14, $0xb8;
	[tilespmem:$0x1EC80] =	vst v63  }
0x18a: {  	_ =	swait.ge [sflag:s19], $0x3200  }
0x18b: {  	[sflag:s19] =	ssyncset.done $0x0  }
0x18c: {  	[sflag:s19] =	ssyncadd.s32 $0xFFFFCE00  }
0x18d: {  	[spmem:s3] =	stream.indirect.scatter.add.f32 [tilespmem:s15], [sflag:$0x4], $0x80, s2, s14, $0xb8;
	[tilespmem:$0x1EC80] =	vst v63  }
0x18e: {  	_ =	swait.ge [sflag:s26], $0x3200  }
0x18f: {  	[sflag:s26] =	ssyncset.done $0x0  }
0x190: {  	[sflag:s26] =	ssyncadd.s32 $0xFFFFCE00  }
0x191: {  	_ =	swait.ge [sflag:s21], $0x3200  }
0x192: {  	s7 =	sadd.s32 $0x180, s7;
	[sflag:s21] =	ssyncset.done $0x0  }
0x193: {  	p0 =	sne.s32 s7, $0x780;
	[sflag:s21] =	ssyncadd.s32 $0xFFFFCE00  }
0x194: {  	[spmem:s3] =	stream.indirect.scatter.add.f32 [tilespmem:s17], [sflag:$0x5], $0x80, s0, s14, $0xb8;
	[tilespmem:$0x1EC80] =	vst v63  }
.Ltmp0:
0x195: {  	_ =	swait.ge [sflag:s22], $0x3200;
	(pc) =	sbr.rel @p0 .LBB2_2-.Ltmp0, $4  }
0x196: {  	[sflag:s22] =	ssyncset.done $0x0  }
0x197: {  	[sflag:s22] =	ssyncadd.s32 $0xFFFFCE00  }
0x198: {  	_ =	swait.ge [sflag:s25], $0x3200  }
0x199: {  	[sflag:s25] =	ssyncset.done $0x0  }
0x19a: {  	p0 =	seq.s32 s5, $0x0;
	[sflag:s25] =	ssyncadd.s32 $0xFFFFCE00  }
0x19b: {  	s4 =	sadd.s32 @!p0 s5, s8;
	s6 =	simm.s32 @!p0 $0x0;
	s7 =	simm.s32 @!p0 $0x8  }
0x19c: {  	[tilespmem:s6], [sflag:$0x8] =	stream.linear.gather @!p0 [hbm4b:s4+s6], $0xA00, $0x38;
	[tilespmem:$0x1EC80] =	vst v63  }
0x19d: {  	_ =	swait.ge @!p0 [sflag:s7], $0xA00  }
0x19e: {  	[sflag:s7] =	ssyncset.done @!p0 $0x0  }
0x19f: {  	s4 =	sadd.s32 @!p0 s5, s12;
	s5 =	simm.s32 @!p0 $0xC00;
	[sflag:s7] =	ssyncadd.s32 @!p0 $0xFFFFF600  }
0x1a0: {  	[tilespmem:s5], [sflag:$0x8] =	stream.linear.gather @!p0 [hbm4b:s4+s6], $0xA00, $0x38;
	[tilespmem:$0x1EC80] =	vst v63  }
0x1a1: {  	_ =	swait.ge @!p0 [sflag:s7], $0xA00  }
0x1a2: {  	[sflag:s7] =	ssyncset.done @!p0 $0x0  }
0x1a3: {  	s4 =	simm.s32 @!p0 $0x64;
	s5 =	simm.s32 @!p0 $0x1800;
	[sflag:s7] =	ssyncadd.s32 @!p0 $0xFFFFF600  }
0x1a4: {  	[tilespmem:s5], [sflag:$0x1] =	stream.indirect.gather @!p0 [hbm4b:s1+s4], $0x80, s6, s4, $0xb8;
	[tilespmem:$0x1EC80] =	vst v63  }
0x1a5: {  	s5 =	simm.s32 @!p0 $0x80;
	s6 =	simm.s32 @!p0 $0x4C00  }
0x1a6: {  	[tilespmem:s6], [sflag:$0x2] =	stream.indirect.gather @!p0 [hbm4b:s1+s4], $0x80, s5, s4, $0xb8;
	[tilespmem:$0x1EC80] =	vst v63  }
0x1a7: {  	_ =	swait.ge [sflag:s19], $0x3200  }
0x1a8: {  	[sflag:s19] =	ssyncset.done $0x0  }
0x1a9: {  	[sflag:s19] =	ssyncadd.s32 $0xFFFFCE00  }
0x1aa: {  	[spmem:s3] =	stream.indirect.scatter.add.f32 [tilespmem:s15], [sflag:$0x4], $0x80, s13, s14, $0xb8;
	[tilespmem:$0x1EC80] =	vst v63  }
0x1ab: {  	s6 =	rddreg [dreg:$0x4]  }
0x1ac: {  	[tilespmem:s20], [sflag:$0x3] =	stream.indirect.gather [hbm4b:s1+s14], $0x80, s6, s14, $0xb8;
	[tilespmem:$0x1EC80] =	vst v63  }
0x1ad: {  	_ =	swait.ge [sflag:s21], $0x3200  }
0x1ae: {  	[sflag:s21] =	ssyncset.done $0x0  }
0x1af: {  	s7 =	rddreg [dreg:$0x5];
	[sflag:s21] =	ssyncadd.s32 $0xFFFFCE00  }
0x1b0: {  	[spmem:s3] =	stream.indirect.scatter.add.f32 [tilespmem:s17], [sflag:$0x5], $0x80, s7, s14, $0xb8;
	[tilespmem:$0x1EC80] =	vst v63  }
0x1b1: {  	_ =	swait.ge [sflag:s22], $0x3200  }
0x1b2: {  	[sflag:s22] =	ssyncset.done $0x0  }
0x1b3: {  	s9 =	rddreg [dreg:$0x6];
	[sflag:s22] =	ssyncadd.s32 $0xFFFFCE00  }
0x1b4: {  	[tilespmem:s15], [sflag:$0x1] =	stream.indirect.gather [hbm4b:s1+s14], $0x80, s9, s14, $0xb8;
	[tilespmem:$0x1EC80] =	vst v63  }
0x1b5: {  	_ =	swait.ge [sflag:s23], $0x3200  }
0x1b6: {  	[sflag:s23] =	ssyncset.done $0x0  }
0x1b7: {  	s24 =	rddreg [dreg:$0x7];
	[sflag:s23] =	ssyncadd.s32 $0xFFFFCE00  }
0x1b8: {  	[spmem:s3] =	stream.indirect.scatter.add.f32 [tilespmem:s20], [sflag:$0x6], $0x80, s24, s14, $0xb8;
	[tilespmem:$0x1EC80] =	vst v63  }
0x1b9: {  	_ =	swait.ge [sflag:s25], $0x3200  }
0x1ba: {  	[sflag:s25] =	ssyncset.done $0x0  }
0x1bb: {  	s5 =	rddreg [dreg:$0x8];
	[sflag:s25] =	ssyncadd.s32 $0xFFFFCE00  }
0x1bc: {  	[tilespmem:s17], [sflag:$0x2] =	stream.indirect.gather [hbm4b:s1+s14], $0x80, s5, s14, $0xb8;
	[tilespmem:$0x1EC80] =	vst v63  }
0x1bd: {  	_ =	swait.ge [sflag:s19], $0x3200  }
0x1be: {  	[sflag:s19] =	ssyncset.done $0x0  }
0x1bf: {  	s6 =	rddreg [dreg:$0x9];
	[sflag:s19] =	ssyncadd.s32 $0xFFFFCE00  }
0x1c0: {  	[spmem:s3] =	stream.indirect.scatter.add.f32 [tilespmem:s15], [sflag:$0x4], $0x80, s6, s14, $0xb8;
	[tilespmem:$0x1EC80] =	vst v63  }
0x1c1: {  	_ =	swait.ge [sflag:s26], $0x3200  }
0x1c2: {  	[sflag:s26] =	ssyncset.done $0x0  }
0x1c3: {  	s7 =	rddreg [dreg:$0xa];
	[sflag:s26] =	ssyncadd.s32 $0xFFFFCE00  }
0x1c4: {  	[tilespmem:s20], [sflag:$0x3] =	stream.indirect.gather [hbm4b:s1+s14], $0x80, s7, s14, $0xb8;
	[tilespmem:$0x1EC80] =	vst v63  }
0x1c5: {  	_ =	swait.ge [sflag:s21], $0x3200  }
0x1c6: {  	[sflag:s21] =	ssyncset.done $0x0  }
0x1c7: {  	s9 =	rddreg [dreg:$0xb];
	[sflag:s21] =	ssyncadd.s32 $0xFFFFCE00  }
0x1c8: {  	[spmem:s3] =	stream.indirect.scatter.add.f32 [tilespmem:s17], [sflag:$0x5], $0x80, s9, s14, $0xb8;
	[tilespmem:$0x1EC80] =	vst v63  }
0x1c9: {  	_ =	swait.ge [sflag:s22], $0x3200  }
0x1ca: {  	[sflag:s22] =	ssyncset.done $0x0  }
0x1cb: {  	s24 =	rddreg [dreg:$0xc];
	[sflag:s22] =	ssyncadd.s32 $0xFFFFCE00  }
0x1cc: {  	[tilespmem:s15], [sflag:$0x1] =	stream.indirect.gather [hbm4b:s1+s14], $0x80, s24, s14, $0xb8;
	[tilespmem:$0x1EC80] =	vst v63  }
0x1cd: {  	_ =	swait.ge [sflag:s23], $0x3200  }
0x1ce: {  	[sflag:s23] =	ssyncset.done $0x0  }
0x1cf: {  	s5 =	rddreg [dreg:$0xd];
	[sflag:s23] =	ssyncadd.s32 $0xFFFFCE00  }
0x1d0: {  	[spmem:s3] =	stream.indirect.scatter.add.f32 [tilespmem:s20], [sflag:$0x6], $0x80, s5, s14, $0xb8;
	[tilespmem:$0x1EC80] =	vst v63  }
0x1d1: {  	_ =	swait.ge [sflag:s25], $0x3200  }
0x1d2: {  	[sflag:s25] =	ssyncset.done $0x0  }
0x1d3: {  	s6 =	rddreg [dreg:$0xe];
	[sflag:s25] =	ssyncadd.s32 $0xFFFFCE00  }
0x1d4: {  	[tilespmem:s17], [sflag:$0x2] =	stream.indirect.gather [hbm4b:s1+s14], $0x80, s6, s14, $0xb8;
	[tilespmem:$0x1EC80] =	vst v63  }
0x1d5: {  	_ =	swait.ge [sflag:s19], $0x3200  }
0x1d6: {  	[sflag:s19] =	ssyncset.done $0x0  }
0x1d7: {  	s7 =	rddreg [dreg:$0xf];
	[sflag:s19] =	ssyncadd.s32 $0xFFFFCE00  }
0x1d8: {  	[spmem:s3] =	stream.indirect.scatter.add.f32 [tilespmem:s15], [sflag:$0x4], $0x80, s7, s14, $0xb8;
	[tilespmem:$0x1EC80] =	vst v63  }
0x1d9: {  	_ =	swait.ge [sflag:s26], $0x3200  }
0x1da: {  	[sflag:s26] =	ssyncset.done $0x0  }
0x1db: {  	s9 =	rddreg [dreg:$0x10];
	[sflag:s26] =	ssyncadd.s32 $0xFFFFCE00  }
0x1dc: {  	[tilespmem:s20], [sflag:$0x3] =	stream.indirect.gather [hbm4b:s1+s14], $0x80, s9, s14, $0xb8;
	[tilespmem:$0x1EC80] =	vst v63  }
0x1dd: {  	_ =	swait.ge [sflag:s21], $0x3200  }
0x1de: {  	[sflag:s21] =	ssyncset.done $0x0  }
0x1df: {  	s24 =	rddreg [dreg:$0x11];
	[sflag:s21] =	ssyncadd.s32 $0xFFFFCE00  }
0x1e0: {  	[spmem:s3] =	stream.indirect.scatter.add.f32 [tilespmem:s17], [sflag:$0x5], $0x80, s24, s14, $0xb8;
	[tilespmem:$0x1EC80] =	vst v63  }
0x1e1: {  	_ =	swait.ge [sflag:s22], $0x3200  }
0x1e2: {  	[sflag:s22] =	ssyncset.done $0x0  }
0x1e3: {  	s5 =	rddreg [dreg:$0x12];
	[sflag:s22] =	ssyncadd.s32 $0xFFFFCE00  }
0x1e4: {  	[tilespmem:s15], [sflag:$0x1] =	stream.indirect.gather [hbm4b:s1+s14], $0x80, s5, s14, $0xb8;
	[tilespmem:$0x1EC80] =	vst v63  }
0x1e5: {  	_ =	swait.ge [sflag:s23], $0x3200  }
0x1e6: {  	[sflag:s23] =	ssyncset.done $0x0  }
0x1e7: {  	s6 =	rddreg [dreg:$0x13];
	[sflag:s23] =	ssyncadd.s32 $0xFFFFCE00  }
0x1e8: {  	[spmem:s3] =	stream.indirect.scatter.add.f32 [tilespmem:s20], [sflag:$0x6], $0x80, s6, s14, $0xb8;
	[tilespmem:$0x1EC80] =	vst v63  }
0x1e9: {  	_ =	swait.ge [sflag:s25], $0x3200  }
0x1ea: {  	[sflag:s25] =	ssyncset.done $0x0  }
0x1eb: {  	s7 =	rddreg [dreg:$0x14];
	[sflag:s25] =	ssyncadd.s32 $0xFFFFCE00  }
0x1ec: {  	[tilespmem:s17], [sflag:$0x2] =	stream.indirect.gather [hbm4b:s1+s14], $0x80, s7, s14, $0xb8;
	[tilespmem:$0x1EC80] =	vst v63  }
0x1ed: {  	_ =	swait.ge [sflag:s19], $0x3200  }
0x1ee: {  	[sflag:s19] =	ssyncset.done $0x0  }
0x1ef: {  	s9 =	rddreg [dreg:$0x15];
	[sflag:s19] =	ssyncadd.s32 $0xFFFFCE00  }
0x1f0: {  	[spmem:s3] =	stream.indirect.scatter.add.f32 [tilespmem:s15], [sflag:$0x4], $0x80, s9, s14, $0xb8;
	[tilespmem:$0x1EC80] =	vst v63  }
0x1f1: {  	_ =	swait.ge [sflag:s26], $0x3200  }
0x1f2: {  	[sflag:s26] =	ssyncset.done $0x0  }
0x1f3: {  	s24 =	rddreg [dreg:$0x16];
	[sflag:s26] =	ssyncadd.s32 $0xFFFFCE00  }
0x1f4: {  	[tilespmem:s20], [sflag:$0x3] =	stream.indirect.gather [hbm4b:s1+s14], $0x80, s24, s14, $0xb8;
	[tilespmem:$0x1EC80] =	vst v63  }
0x1f5: {  	_ =	swait.ge [sflag:s21], $0x3200  }
0x1f6: {  	[sflag:s21] =	ssyncset.done $0x0  }
0x1f7: {  	s5 =	rddreg [dreg:$0x17];
	[sflag:s21] =	ssyncadd.s32 $0xFFFFCE00  }
0x1f8: {  	[spmem:s3] =	stream.indirect.scatter.add.f32 [tilespmem:s17], [sflag:$0x5], $0x80, s5, s14, $0xb8;
	[tilespmem:$0x1EC80] =	vst v63  }
0x1f9: {  	_ =	swait.ge [sflag:s22], $0x3200  }
0x1fa: {  	[sflag:s22] =	ssyncset.done $0x0  }
0x1fb: {  	s6 =	rddreg [dreg:$0x18];
	[sflag:s22] =	ssyncadd.s32 $0xFFFFCE00  }
0x1fc: {  	[tilespmem:s15], [sflag:$0x1] =	stream.indirect.gather [hbm4b:s1+s14], $0x80, s6, s14, $0xb8;
	[tilespmem:$0x1EC80] =	vst v63  }
0x1fd: {  	_ =	swait.ge [sflag:s23], $0x3200  }
0x1fe: {  	[sflag:s23] =	ssyncset.done $0x0  }
0x1ff: {  	s7 =	rddreg [dreg:$0x19];
	[sflag:s23] =	ssyncadd.s32 $0xFFFFCE00  }
0x200: {  	[spmem:s3] =	stream.indirect.scatter.add.f32 [tilespmem:s20], [sflag:$0x6], $0x80, s7, s14, $0xb8;
	[tilespmem:$0x1EC80] =	vst v63  }
0x201: {  	_ =	swait.ge [sflag:s25], $0x3200  }
0x202: {  	[sflag:s25] =	ssyncset.done $0x0  }
0x203: {  	s9 =	rddreg [dreg:$0x1a];
	[sflag:s25] =	ssyncadd.s32 $0xFFFFCE00  }
0x204: {  	[tilespmem:s17], [sflag:$0x2] =	stream.indirect.gather [hbm4b:s1+s14], $0x80, s9, s14, $0xb8;
	[tilespmem:$0x1EC80] =	vst v63  }
0x205: {  	_ =	swait.ge [sflag:s19], $0x3200  }
0x206: {  	[sflag:s19] =	ssyncset.done $0x0  }
0x207: {  	s24 =	rddreg [dreg:$0x1b];
	[sflag:s19] =	ssyncadd.s32 $0xFFFFCE00  }
0x208: {  	[spmem:s3] =	stream.indirect.scatter.add.f32 [tilespmem:s15], [sflag:$0x4], $0x80, s24, s14, $0xb8;
	[tilespmem:$0x1EC80] =	vst v63  }
0x209: {  	_ =	swait.ge [sflag:s26], $0x3200  }
0x20a: {  	[sflag:s26] =	ssyncset.done $0x0  }
0x20b: {  	s5 =	rddreg [dreg:$0x1c];
	[sflag:s26] =	ssyncadd.s32 $0xFFFFCE00  }
0x20c: {  	[tilespmem:s20], [sflag:$0x3] =	stream.indirect.gather [hbm4b:s1+s14], $0x80, s5, s14, $0xb8;
	[tilespmem:$0x1EC80] =	vst v63  }
0x20d: {  	_ =	swait.ge [sflag:s21], $0x3200  }
0x20e: {  	[sflag:s21] =	ssyncset.done $0x0  }
0x20f: {  	s6 =	rddreg [dreg:$0x1d];
	[sflag:s21] =	ssyncadd.s32 $0xFFFFCE00  }
0x210: {  	[spmem:s3] =	stream.indirect.scatter.add.f32 [tilespmem:s17], [sflag:$0x5], $0x80, s6, s14, $0xb8;
	[tilespmem:$0x1EC80] =	vst v63  }
0x211: {  	_ =	swait.ge [sflag:s22], $0x3200  }
0x212: {  	[sflag:s22] =	ssyncset.done $0x0  }
0x213: {  	s7 =	rddreg [dreg:$0x1e];
	[sflag:s22] =	ssyncadd.s32 $0xFFFFCE00  }
0x214: {  	[tilespmem:s15], [sflag:$0x1] =	stream.indirect.gather [hbm4b:s1+s14], $0x80, s7, s14, $0xb8;
	[tilespmem:$0x1EC80] =	vst v63  }
0x215: {  	_ =	swait.ge [sflag:s23], $0x3200  }
0x216: {  	[sflag:s23] =	ssyncset.done $0x0  }
0x217: {  	s9 =	rddreg [dreg:$0x1f];
	[sflag:s23] =	ssyncadd.s32 $0xFFFFCE00  }
0x218: {  	[spmem:s3] =	stream.indirect.scatter.add.f32 [tilespmem:s20], [sflag:$0x6], $0x80, s9, s14, $0xb8;
	[tilespmem:$0x1EC80] =	vst v63  }
0x219: {  	_ =	swait.ge [sflag:s25], $0x3200  }
0x21a: {  	s24 =	sld [smem:$0x7FA]  }
0x21b: {  	[sflag:s25] =	ssyncset.done $0x0  }
0x21c: {  	[sflag:s25] =	ssyncadd.s32 $0xFFFFCE00  }
0x21d: {  	[tilespmem:s17], [sflag:$0x2] =	stream.indirect.gather [hbm4b:s1+s14], $0x80, s24, s14, $0xb8;
	[tilespmem:$0x1EC80] =	vst v63  }
0x21e: {  	_ =	swait.ge [sflag:s19], $0x3200  }
0x21f: {  	s5 =	sld [smem:$0x7FB]  }
0x220: {  	[sflag:s19] =	ssyncset.done $0x0  }
0x221: {  	[sflag:s19] =	ssyncadd.s32 $0xFFFFCE00  }
0x222: {  	[spmem:s3] =	stream.indirect.scatter.add.f32 [tilespmem:s15], [sflag:$0x4], $0x80, s5, s14, $0xb8;
	[tilespmem:$0x1EC80] =	vst v63  }
0x223: {  	_ =	swait.ge [sflag:s26], $0x3200  }
0x224: {  	s6 =	sld [smem:$0x7FC]  }
0x225: {  	[sflag:s26] =	ssyncset.done $0x0  }
0x226: {  	[sflag:s26] =	ssyncadd.s32 $0xFFFFCE00  }
0x227: {  	[tilespmem:s20], [sflag:$0x3] =	stream.indirect.gather [hbm4b:s1+s14], $0x80, s6, s14, $0xb8;
	[tilespmem:$0x1EC80] =	vst v63  }
0x228: {  	_ =	swait.ge [sflag:s21], $0x3200  }
0x229: {  	[sflag:s21] =	ssyncset.done $0x0  }
0x22a: {  	[sflag:s21] =	ssyncadd.s32 $0xFFFFCE00  }
0x22b: {  	[spmem:s3] =	stream.indirect.scatter.add.f32 [tilespmem:s17], [sflag:$0x5], $0x80, s28, s14, $0xb8;
	[tilespmem:$0x1EC80] =	vst v63  }
0x22c: {  	_ =	swait.ge [sflag:s22], $0x3200  }
0x22d: {  	[sflag:s22] =	ssyncset.done $0x0  }
0x22e: {  	[sflag:s22] =	ssyncadd.s32 $0xFFFFCE00  }
0x22f: {  	[tilespmem:s15], [sflag:$0x1] =	stream.indirect.gather [hbm4b:s1+s14], $0x80, s29, s14, $0xb8;
	[tilespmem:$0x1EC80] =	vst v63  }
0x230: {  	_ =	swait.ge [sflag:s23], $0x3200  }
0x231: {  	[sflag:s23] =	ssyncset.done $0x0  }
0x232: {  	[sflag:s23] =	ssyncadd.s32 $0xFFFFCE00  }
0x233: {  	[spmem:s3] =	stream.indirect.scatter.add.f32 [tilespmem:s20], [sflag:$0x6], $0x80, s30, s14, $0xb8;
	[tilespmem:$0x1EC80] =	vst v63  }
0x234: {  	_ =	swait.ge [sflag:s25], $0x3200  }
0x235: {  	[sflag:s25] =	ssyncset.done $0x0  }
0x236: {  	[sflag:s25] =	ssyncadd.s32 $0xFFFFCE00  }
0x237: {  	[tilespmem:s17], [sflag:$0x2] =	stream.indirect.gather [hbm4b:s1+s14], $0x80, s31, s14, $0xb8;
	[tilespmem:$0x1EC80] =	vst v63  }
0x238: {  	_ =	swait.ge [sflag:s19], $0x3200  }
0x239: {  	[sflag:s19] =	ssyncset.done $0x0  }
0x23a: {  	[sflag:s19] =	ssyncadd.s32 $0xFFFFCE00  }
0x23b: {  	[spmem:s3] =	stream.indirect.scatter.add.f32 [tilespmem:s15], [sflag:$0x4], $0x80, s2, s14, $0xb8;
	[tilespmem:$0x1EC80] =	vst v63  }
0x23c: {  	_ =	swait.ge [sflag:s26], $0x3200  }
0x23d: {  	[sflag:s26] =	ssyncset.done $0x0  }
0x23e: {  	[sflag:s26] =	ssyncadd.s32 $0xFFFFCE00  }
0x23f: {  	_ =	swait.ge [sflag:s21], $0x3200  }
0x240: {  	[sflag:s21] =	ssyncset.done $0x0  }
0x241: {  	[sflag:s21] =	ssyncadd.s32 $0xFFFFCE00  }
0x242: {  	[spmem:s3] =	stream.indirect.scatter.add.f32 [tilespmem:s17], [sflag:$0x5], $0x80, s0, s14, $0xb8;
	[tilespmem:$0x1EC80] =	vst v63  }
0x243: {  	_ =	swait.ge [sflag:s22], $0x3200  }
0x244: {  	[sflag:s22] =	ssyncset.done $0x0  }
0x245: {  	[sflag:s22] =	ssyncadd.s32 $0xFFFFCE00  }
0x246: {  	_ =	swait.ge [sflag:s25], $0x3200  }
0x247: {  	[sflag:s25] =	ssyncset.done $0x0  }
0x248: {  	[sflag:s25] =	ssyncadd.s32 $0xFFFFCE00  }
0x249: {  	[bflag:$0x0] =	sbarrier.arrive $0xFFFF  }
0x24a: {  	s7 =	sld [smem:$0x7F7]  }
0x24b: {  	s9 =	sld [smem:$0x7FD];
	_ =	sdelay $0x1  }
0x24c: {  	s4 =	sor.u32 $0x1C08, s7  }
0x24d: {  	[hbm:s9], [sflag:s4] =	dma.local [spmem:s10], $0x2710  }
0x24e: {  	_ =	swait.ge [sflag:s11], $0x2710  }
0x24f: {  	s24 =	sld [smem:$0x7F9];
	_ =	sdelay $0x1  }
0x250: {  	s16 =	sadd.s32 $0x1, s16  }
0x251: {  	p0 =	sne.s32 s16, s24  }
.Ltmp1:
0x252: {  	_ = 	snop;
	(pc) =	sbr.rel @p0 .LBB2_1-.Ltmp1, $3  }
0x253: {  	_ =	sdelay $0x1  }
0x254: {  	[sflag:s11] =	ssyncset.done $0x0  }
0x255: {  	[sflag:s11] =	ssyncadd.s32 $0xFFFFD8F0  }
0x256: {  	_ =	sfence.sel $0x180000  }
0x257: {  	[bflag:$0x0] =	sbarrier.arrive $0xFFFF  }
0x258: {  	_ =	strace $0x9000004A  }
0x259: {  	s0 =	stileid.u32;
	[bflag:$0x2] =	sbarrier.arrive $0xFFFF  }
0x25a: {  	p0 =	sne.s32 s0, $0x0;
	s0 =	rddreg [dreg:$0x3]  }
0x25b: {  	s0 =	sadd.s32 @!p0 $0x100000, s0  }
0x25c: {  	[sflag:s0] =	ssyncadd.tile.s32 @!p0 $0x1;
	_ =	shalt  }
.Lfunc_end2:
_tile_overlayer_lowered:
.L_overlay_start_2:
0x25d: {  	(tag) =	ssettag $0x2  }
0x25e: {  	s0 =	rddreg [dreg:$0x0];
	s2 =	stileid.u32  }
0x25f: {  	s1 =	rddreg [dreg:$0x1];
	p0 =	sne.s32 s2, $0x0  }
0x260: {  	s3 =	rddreg [dreg:$0x2];
	[bflag:$0x3] =	sbarrier.arrive $0xFFFF;
	s2 =	simm.s32 @!p0 $0x1C08  }
0x261: {  	[timem:s3], [sflag:s2] =	dma.local @!p0 [hbm:s0], s1  }
0x262: {  	s0 =	simm.s32 @!p0 $0x8  }
0x263: {  	_ =	swait.ge @!p0 [sflag:s0], s1  }
0x264: {  	s1 =	ssub.s32 @!p0 $0x0, s1;
	[sflag:s0] =	ssyncset.done @!p0 $0x0  }
0x265: {  	[sflag:s0] =	ssyncadd.s32 @!p0 s1  }
0x266: {  	[bflag:$0x3] =	sbarrier.arrive $0xFFFF  }
0x267: {  	_ =	shalt  }

// kernel: kernel.14.cloned.1.call-start
scs
__scs_entry_jumppad:
0x0: {  	(pc) =	sbr.rel $0x88, $3  }
0x1: {  	(tag) =	ssettag $0x0;
	lr =	simm.s32 $0x1  }
0x2: {  	[smem:$0x3F9B] =	sst lr;
	_ =	strace $0xD0000000  }
0x3: {  	_ = 	snop  }
0x4: {  	_ = 	snop  }
0x5: {  	_ = 	snop  }
0x6: {  	_ = 	snop  }
0x7: {  	_ = 	snop  }
__scs_overlays_trampoline_lowered:
0x8: {  	[smem:$0x3FAA] =	sst s0  }
0x9: {  	[smem:$0x3FAB] =	sst s1  }
0xa: {  	[smem:$0x3FAC] =	sst s2  }
0xb: {  	[smem:$0x3FAD] =	sst s3  }
0xc: {  	[smem:$0x3FAE] =	sst s4  }
0xd: {  	[smem:$0x3FAF] =	sst s5  }
0xe: {  	[smem:$0x3FB0] =	sst s6  }
0xf: {  	[smem:$0x3FB1] =	sst s7  }
0x10: {  	[smem:$0x3FB2] =	sst s8  }
0x11: {  	[smem:$0x3FB3] =	sst s9;
	s0 =	simm.s32 @!p0 $0x0  }
0x12: {  	s1 =	sld [smem:$0x3F99];
	s0 =	simm.s32 @p0 $0x1  }
0x13: {  	[smem:$0x3FB4] =	sst s0;
	s0 =	simm.s32 @!p1 $0x0  }
0x14: {  	s2 =	sld [smem:$0x3F98];
	s0 =	simm.s32 @p1 $0x1  }
0x15: {  	[smem:$0x3FB5] =	sst s0;
	s0 =	simm.s32 @!p2 $0x0  }
0x16: {  	s3 =	sld [smem:$0x3FDB];
	s0 =	simm.s32 @p2 $0x1  }
0x17: {  	s4 =	simm.s32 $0x1BF5;
	[smem:$0x3FB7] =	sst s0  }
0x18: {  	s0 =	sld [smem:$0x3F9A];
	_ =	swait.ge [sflag:s4], $0x0  }
0x19: {  	s7 =	sld [smem:$0x3F9B]  }
0x1a: {  	s8 =	sadd.s32 $0xFFFFE003, lr  }
0x1b: {  	s9 =	sadd.s32 $0xFFFFFEF7, lr;
	s5 =	simm.s32 $0xFFFFFFFF;
	p2 =	slt.u32 s8, $0xFFFFF086  }
0x1c: {  	p1 =	slt.u32 s9, $0xF7A;
	s5 =	simm.s32 @!p2 $0x0  }
0x1d: {  	s5 =	simm.s32 @p1 $0x1;
	p0 =	seq.s32 s7, s2  }
0x1e: {  	s7 =	smul.u32 @!p0 $0xF7A, s2;
	p2 =	seq.s32 @!p0 s5, $0x0  }
0x1f: {  	s9 =	smul.u32 $0xF7A, s1;
	s8 =	simm.s32 @!p0 $0x1BF5;
	p2 =	por !p2, p0  }
0x20: {  	[sflag:s8] =	ssyncset.s32 @!p0 $0xFFFFF086;
	s6 =	sadd.s32 @!p0 s3, s7;
	s7 =	simm.s32 @!p0 $0x108  }
0x21: {  	s3 =	sadd.s32 s3, s9;
	s6 =	sadd.s32 @!p0 $0x88, s6;
	s7 =	simm.s32 @p2 $0x1082  }
0x22: {  	[simem:s7], [sflag:s8] =	dma.local @!p0 [hbm:s6], $0xF7A  }
0x23: {  	s9 =	sor.u32 $0xD0000000, s2;
	s6 =	simm.s32 $0x108;
	_ =	swait.ge @!p0 [sflag:s8], $0x0  }
0x24: {  	s3 =	sadd.s32 $0x88, s3;
	s6 =	simm.s32 @!p1 $0x1082;
	[sflag:s4] =	ssyncset.s32 $0xFFFFF086  }
0x25: {  	[simem:s6], [sflag:s4] =	dma.local [hbm:s3], $0xF7A  }
0x26: {  	[smem:$0x3F9B] =	sst s1;
	(tag) =	ssettag s2;
	_ =	strace s9  }
0x27: {  	s1 =	sld [smem:$0x3FAB]  }
0x28: {  	s2 =	sld [smem:$0x3FAC]  }
0x29: {  	s4 =	sld [smem:$0x3FAE]  }
0x2a: {  	p0 =	seq.s32 s5, $0x0;
	s5 =	sld [smem:$0x3FAF]  }
0x2b: {  	s6 =	sld [smem:$0x3FB0]  }
0x2c: {  	s7 =	sld [smem:$0x3FB1]  }
0x2d: {  	s3 =	simm.s32 $0x108;
	s8 =	sld [smem:$0x3FB2]  }
0x2e: {  	s3 =	simm.s32 @!p0 $0x1082;
	s9 =	sld [smem:$0x3FB3]  }
0x2f: {  	lr =	sadd.s32 s0, s3;
	s0 =	sld [smem:$0x3FAA]  }
0x30: {  	s3 =	sld [smem:$0x3FAD]  }
0x31: {  	[smem:$0x3FB6] =	sst s10  }
0x32: {  	s10 =	sld [smem:$0x3FB4];
	_ =	sdelay $0x3  }
0x33: {  	p0 =	seq.s32 s10, $0x1;
	s10 =	sld [smem:$0x3FB6];
	_ =	sdelay $0x3  }
0x34: {  	[smem:$0x3FB6] =	sst s10  }
0x35: {  	s10 =	sld [smem:$0x3FB5];
	_ =	sdelay $0x3  }
0x36: {  	p1 =	seq.s32 s10, $0x1;
	s10 =	sld [smem:$0x3FB6];
	_ =	sdelay $0x3  }
0x37: {  	[smem:$0x3FB6] =	sst s10  }
0x38: {  	s10 =	sld [smem:$0x3FB7]  }
0x39: {  	_ = 	snop;
	(pc) =	sbr.ind lr, $3  }
0x3a: {  	_ = 	snop  }
0x3b: {  	_ = 	snop  }
0x3c: {  	p2 =	seq.s32 s10, $0x1;
	s10 =	sld [smem:$0x3FB6]  }
0x3d: {  	_ =	shalt  }
0x3e: {  	_ =	shalt  }
0x3f: {  	_ =	shalt  }
0x40: {  	_ =	shalt  }
0x41: {  	_ =	shalt  }
0x42: {  	_ =	shalt  }
0x43: {  	_ =	shalt  }
0x44: {  	_ =	shalt  }
0x45: {  	_ =	shalt  }
0x46: {  	_ =	shalt  }
0x47: {  	_ =	shalt  }
0x48: {  	_ =	shalt  }
0x49: {  	_ =	shalt  }
0x4a: {  	_ =	shalt  }
0x4b: {  	_ =	shalt  }
0x4c: {  	_ =	shalt  }
0x4d: {  	_ =	shalt  }
0x4e: {  	_ =	shalt  }
0x4f: {  	_ =	shalt  }
0x50: {  	_ =	shalt  }
0x51: {  	_ =	shalt  }
0x52: {  	_ =	shalt  }
0x53: {  	_ =	shalt  }
0x54: {  	_ =	shalt  }
0x55: {  	_ =	shalt  }
0x56: {  	_ =	shalt  }
0x57: {  	_ =	shalt  }
0x58: {  	_ =	shalt  }
0x59: {  	_ =	shalt  }
0x5a: {  	_ =	shalt  }
0x5b: {  	_ =	shalt  }
0x5c: {  	_ =	shalt  }
0x5d: {  	_ =	shalt  }
0x5e: {  	_ =	shalt  }
0x5f: {  	_ =	shalt  }
0x60: {  	_ =	shalt  }
0x61: {  	_ =	shalt  }
0x62: {  	_ =	shalt  }
0x63: {  	_ =	shalt  }
0x64: {  	_ =	shalt  }
0x65: {  	_ =	shalt  }
0x66: {  	_ =	shalt  }
0x67: {  	_ =	shalt  }
0x68: {  	_ =	shalt  }
0x69: {  	_ =	shalt  }
0x6a: {  	_ =	shalt  }
0x6b: {  	_ =	shalt  }
0x6c: {  	_ =	shalt  }
0x6d: {  	_ =	shalt  }
0x6e: {  	_ =	shalt  }
0x6f: {  	_ =	shalt  }
0x70: {  	_ =	shalt  }
0x71: {  	_ =	shalt  }
0x72: {  	_ =	shalt  }
0x73: {  	_ =	shalt  }
0x74: {  	_ =	shalt  }
0x75: {  	_ =	shalt  }
0x76: {  	_ =	shalt  }
0x77: {  	_ =	shalt  }
0x78: {  	_ =	shalt  }
0x79: {  	_ =	shalt  }
0x7a: {  	_ =	shalt  }
0x7b: {  	_ =	shalt  }
0x7c: {  	_ =	shalt  }
0x7d: {  	_ =	shalt  }
0x7e: {  	_ =	shalt  }
0x7f: {  	_ =	shalt  }
0x80: {  	_ =	shalt  }
0x81: {  	_ =	shalt  }
0x82: {  	_ =	shalt  }
0x83: {  	_ =	shalt  }
0x84: {  	_ =	shalt  }
0x85: {  	_ =	shalt  }
0x86: {  	_ =	shalt  }
0x87: {  	_ =	shalt  }
.Lfunc_end0:
.L_simem_size_0:
called_computation.2_lowered:
.L_overlay_start_0:
0x88: {  	s2 =	sld [smem:$0x3FD9]  }
0x89: {  	s3 =	sld [smem:$0x3FFE];
	_ =	sdelay $0x1  }
0x8a: {  	s1 =	srdreg.scid  }
0x8b: {  	s0 =	sand.u32 $0x1, s1  }
0x8c: {  	s17 =	sshll.u32 s0, $0xA;
	s2 =	sadd.s32 s3, s2  }
0x8d: {  	s2 =	sadd.s32 s2, s17  }
0x8e: {  	[smem:$0x3FC2] =	sst s2  }
0x8f: {  	_ = 	snop  }
0x90: {  	s2 =	sld [smem:$0x3FD0];
	(tm) =	ssettm $0x1  }
0x91: {  	s18 =	sld [smem:$0x3FFB];
	_ =	sdelay $0x3  }
0x92: {  	_ =	strace s18  }
0x93: {  	s3 =	sld [smem:$0x3FFC];
	_ =	sdelay $0x3  }
0x94: {  	_ =	strace s3  }
0x95: {  	s3 =	sld [smem:$0x3FFD];
	_ =	sdelay $0x3  }
0x96: {  	_ =	strace s3  }
0x97: {  	_ =	strace $0x8FFFFFFF  }
0x98: {  	s19 =	sld [smem:$0x3FDB];
	_ =	sdelay $0x1  }
0x99: {  	s4 =	simm.s32 $_scs_section_size  }
0x9a: {  	s5 =	simm.s32 $_size__tile_overlayer_lowered;
	s6 =	simm.s32 $_tile_overlayer_lowered  }
0x9b: {  	s22 =	simm.s32 $0x1BFF;
	s21 =	sshll.u32 s6, $0x1;
	s3 =	sadd.s32 s4, s19  }
0x9c: {  	s7 =	simm.s32 $0x0;
	s20 =	sshll.u32 s5, $0x1;
	s5 =	sadd.s32 s21, s3  }
0x9d: {  	[timem:s7], [sflag:s22] =	dma.local [hbm:s5], s20  }
0x9e: {  	_ =	swait.ge [sflag:s22], s20  }
0x9f: {  	s4 =	ssub.s32 $0x0, s20;
	[sflag:s22] =	ssyncset.done $0x0  }
0xa0: {  	[sflag:s22] =	ssyncadd.s32 s4;
	_ =	sdelay $0x1  }
0xa1: {  	s23 =	simm.s32 $0x1B8B  }
0xa2: {  	_ =	swait.ge [sflag:s23], $0x1  }
0xa3: {  	[sflag:s23] =	ssyncset.done $0x0  }
0xa4: {  	s25 =	simm.s32 $0x1B8E;
	s24 =	sld [smem:$0x3FFE];
	[sflag:s23] =	ssyncadd.s32 $0xFFFFFFFF  }
0xa5: {  	s26 =	simm.s32 $execute0_lowered;
	[smem:$0x3FD2] =	sst s25  }
0xa6: {  	s5 =	sshll.u32 s26, $0x1;
	_ =	strace $0x8000004C;
	[dreg:$0x1] =	wrdreg $0xFFFFFFFF  }
0xa7: {  	s28 =	simm.s32 $_size_execute0_lowered;
	s3 =	sadd.s32 s3, s5;
	[dreg:$0x0] =	wrdreg $0x0  }
0xa8: {  	s5 =	sshll.u32 s28, $0x1;
	[dreg:$0x2] =	wrdreg s3  }
0xa9: {  	[dreg:$0x3] =	wrdreg s5  }
0xaa: {  	[dreg:$0x4] =	wrdreg $0xC0  }
0xab: {  	_ =	task [dreg:s7], $0x5FFFF  }
0xac: {  	[dreg:$0x1] =	wrdreg $0xFFFFFFFF  }
0xad: {  	[dreg:$0x0] =	wrdreg $0x60  }
0xae: {  	[dreg:$0x2] =	wrdreg s2  }
0xaf: {  	[dreg:$0x3] =	wrdreg s24  }
0xb0: {  	[dreg:$0x4] =	wrdreg $0xB4000  }
0xb1: {  	[dreg:$0x5] =	wrdreg $0x9  }
0xb2: {  	_ =	task.clear_ibuf [dreg:s7], $0x6FFFF;
	_ =	strace $0x9000004C  }
0xb3: {  	s29 =	simm.s32 $0x9;
	_ =	strace $0x8000004E  }
0xb4: {  	_ =	swait.ge [sflag:s29], $0x1  }
0xb5: {  	[sflag:s29] =	ssyncadd.s32 $0xFFFFFFFF  }
0xb6: {  	_ =	strace $0x9000004E  }
0xb7: {  	_ =	sfence  }
0xb8: {  	s30 =	sld [smem:$0x0];
	_ =	sdelay $0x2  }
0xb9: {  	s31 =	sshll.u32 s1, $0xD;
	s1 =	sshrl.u32 s1, $0x2  }
0xba: {  	s3 =	sand.u32 $0x4000, s31;
	s1 =	sadd.s32 s1, s30  }
0xbb: {  	s0 =	sor.u32 s3, s0;
	s1 =	sshll.u32 s1, $0x11  }
0xbc: {  	s0 =	sor.u32 s1, s0  }
0xbd: {  	s0 =	sadd.s32 $0x8F2B, s0  }
0xbe: {  	[sflag:s0] =	ssyncadd.remote.s32 $0x1  }
0xbf: {  	_ =	sfence.sel $0xFFFF  }
0xc0: {  	[dreg:$0x0] =	wrdreg $0xFFFFFFFF;
	(pc) =	sbr.abs _section_cstart, $3  }
0xc1: {  	[dreg:$0x1] =	wrdreg $0xFFFFFFFF  }
0xc2: {  	_ =	task.clear_ibuf [dreg:s7], $0x2FFFF;
	_ =	strace $0x9FFFFFFF  }
0xc3: {  	(tm) =	ssettm $0x7FFFFFFF  }
tec
execute0_lowered:
.L_overlay_start_1:
0x0: {  	(tag) =	ssettag $0x1  }
0x1: {  	s1 =	rddreg [dreg:$0x0]  }
0x2: {  	s5 =	rddreg [dreg:$0x1]  }
0x3: {  	s3 =	rddreg [dreg:$0x2];
	s6 =	simm.s32 $0x0  }
0x4: {  	s12 =	simm.s32 $0x100;
	[smem:$0x7FF] =	sst s6  }
0x5: {  	s13 =	simm.s32 $0xC80;
	_ =	strace $0x8000004D;
	[dreg:$0x4] =	wrdreg s12  }
0x6: {  	s14 =	simm.s32 $0x180;
	[dreg:$0x5] =	wrdreg s13  }
0x7: {  	s15 =	simm.s32 $0xD00;
	[dreg:$0x6] =	wrdreg s14  }
0x8: {  	s16 =	simm.s32 $0x200;
	[dreg:$0x7] =	wrdreg s15  }
0x9: {  	s17 =	simm.s32 $0xD80;
	[dreg:$0x8] =	wrdreg s16  }
0xa: {  	s18 =	simm.s32 $0x280;
	[dreg:$0x9] =	wrdreg s17  }
0xb: {  	s19 =	simm.s32 $0xE00;
	[dreg:$0xa] =	wrdreg s18  }
0xc: {  	s0 =	srdreg.scid;
	s20 =	simm.s32 $0x300;
	[dreg:$0xb] =	wrdreg s19  }
0xd: {  	s4 =	stileid.u32;
	s22 =	simm.s32 $0xE80;
	[dreg:$0xc] =	wrdreg s20  }
0xe: {  	s23 =	simm.s32 $0x380;
	s24 =	simm.s32 $0xF00;
	[dreg:$0xd] =	wrdreg s22  }
0xf: {  	s25 =	simm.s32 $0x400;
	s26 =	simm.s32 $0xF80;
	[dreg:$0xe] =	wrdreg s23  }
0x10: {  	s28 =	simm.s32 $0x1400;
	s29 =	simm.s32 $0x900;
	[dreg:$0xf] =	wrdreg s24  }
0x11: {  	s30 =	simm.s32 $0x1480;
	s31 =	simm.s32 $0x980;
	[dreg:$0x10] =	wrdreg s25  }
0x12: {  	s2 =	sand.u32 $0x1, s0;
	s6 =	simm.s32 $0x1000;
	[dreg:$0x11] =	wrdreg s26  }
0x13: {  	s0 =	sshll.u32 s2, $0x4;
	[dreg:$0x13] =	wrdreg s6;
	s13 =	simm.s32 $0x580  }
0x14: {  	s9 =	smul.u32 $0x27800, s2;
	s14 =	simm.s32 $0x1100;
	[dreg:$0x16] =	wrdreg s13  }
0x15: {  	s2 =	ssub.s32 $0x2, s2;
	s15 =	simm.s32 $0x600;
	[dreg:$0x17] =	wrdreg s14  }
0x16: {  	s12 =	smul.u32 $0x4E200, s4;
	s17 =	simm.s32 $0x1180;
	[dreg:$0x18] =	wrdreg s15  }
0x17: {  	s18 =	simm.s32 $0x680;
	s19 =	simm.s32 $0x1200;
	[dreg:$0x19] =	wrdreg s17  }
0x18: {  	s20 =	simm.s32 $0x700;
	s22 =	simm.s32 $0x780;
	[dreg:$0x1a] =	wrdreg s18  }
0x19: {  	s23 =	simm.s32 $0x1300;
	s24 =	simm.s32 $0x800;
	[dreg:$0x1b] =	wrdreg s19  }
0x1a: {  	s25 =	simm.s32 $0x1380;
	s26 =	simm.s32 $0x880;
	[dreg:$0x1c] =	wrdreg s20  }
0x1b: {  	s0 =	sor.u32 s4, s0;
	s11 =	sshrl.u32 s2, $0x1;
	[dreg:$0x1e] =	wrdreg s22  }
0x1c: {  	s13 =	simm.s32 $0xC00;
	s14 =	simm.s32 $0x64;
	[dreg:$0x1f] =	wrdreg s23  }
0x1d: {  	s15 =	simm.s32 $0x1800;
	s17 =	simm.s32 $0x4C00;
	[smem:$0x7FA] =	sst s24  }
0x1e: {  	s18 =	simm.s32 $0x7;
	s19 =	simm.s32 $0x1;
	[smem:$0x7FB] =	sst s25  }
0x1f: {  	s20 =	simm.s32 $0x8000;
	s22 =	simm.s32 $0x4;
	[smem:$0x7FC] =	sst s26  }
0x20: {  	s23 =	simm.s32 $0x3;
	s25 =	simm.s32 $0x5;
	s7 =	smul.u32 $0x780, s0  }
0x21: {  	s26 =	simm.s32 $0x6;
	s0 =	smul.u32 $0x2780, s4;
	s9 =	sadd.s32 s9, s5  }
0x22: {  	s2 =	ssub.s32 s2, s11;
	s21 =	sshrl.u32 s12, $0x2;
	s4 =	sshll.u32 s4, $0x6  }
0x23: {  	s12 =	simm.s32 $0x1080;
	s11 =	sadd.s32 s21, s3;
	[smem:$0x7F7] =	sst s4  }
0x24: {  	s4 =	sor.u32 $0x1C07, s4;
	s16 =	sadd.s32 $0x97400, s9;
	[dreg:$0x15] =	wrdreg s12  }
0x25: {  	s9 =	simm.s32 $0x500;
	s2 =	smax.u32 s2, $0x1;
	[smem:$0x7F8] =	sst s4  }
0x26: {  	s21 =	simm.s32 $0x1280;
	s8 =	sadd.s32 s7, s5;
	[smem:$0x7F9] =	sst s2  }
0x27: {  	s10 =	sadd.s32 s0, s5;
	s4 =	simm.s32 $0x480;
	[dreg:$0x14] =	wrdreg s9  }
0x28: {  	s5 =	sadd.s32 $0x12A00, s5;
	[dreg:$0x1d] =	wrdreg s21;
	s21 =	simm.s32 $0x2  }
0x29: {  	s0 =	sadd.s32 s0, s16;
	s2 =	simm.s32 $0x1500;
	s16 =	simm.s32 $0x0  }
0x2a: {  	s10 =	sadd.s32 $0x6FC00, s10;
	s8 =	sadd.s32 $0x3A00, s8;
	[dreg:$0x12] =	wrdreg s4  }
0x2b: {  	s12 =	sadd.s32 s7, s5;
	[smem:$0x7FD] =	sst s0;
	s0 =	simm.s32 $0x1580  }
0x2c: {  	[smem:$0x7F6] =	sst s10;
	s10 =	sshrl.u32 s11, $0x3;
	s11 =	simm.s32 $0x8  }
.LBB2_1:
0x2d: {  	s4 =	sld [smem:$0x7F6]  }
0x2e: {  	s5 =	sld [smem:$0x7F8];
	_ =	sdelay $0x1  }
0x2f: {  	s7 =	simm.s32 $0x0  }
0x30: {  	[spmem:s10], [sflag:s5] =	dma.local [hbm:s4], $0x2710  }
0x31: {  	[tilespmem:s7], [sflag:$0x8] =	stream.linear.gather [hbm4b:s8+s7], $0xA00, $0x38;
	[tilespmem:$0x1EC80] =	vst v63  }
0x32: {  	_ =	swait.ge [sflag:s11], $0xA00  }
0x33: {  	[sflag:s11] =	ssyncset.done $0x0  }
0x34: {  	[sflag:s11] =	ssyncadd.s32 $0xFFFFF600  }
0x35: {  	[tilespmem:s13], [sflag:$0x8] =	stream.linear.gather [hbm4b:s12+s7], $0xA00, $0x38;
	[tilespmem:$0x1EC80] =	vst v63  }
0x36: {  	_ =	swait.ge [sflag:s11], $0xA00  }
0x37: {  	[sflag:s11] =	ssyncset.done $0x0  }
0x38: {  	[sflag:s11] =	ssyncadd.s32 $0xFFFFF600  }
0x39: {  	[tilespmem:s15], [sflag:$0x1] =	stream.indirect.gather [hbm4b:s1+s14], $0x80, s7, s14, $0xb8;
	[tilespmem:$0x1EC80] =	vst v63  }
0x3a: {  	s9 =	simm.s32 $0x80  }
0x3b: {  	[tilespmem:s17], [sflag:$0x2] =	stream.indirect.gather [hbm4b:s1+s14], $0x80, s9, s14, $0xb8;
	[tilespmem:$0x1EC80] =	vst v63  }
0x3c: {  	_ =	swait.ge [sflag:s18], $0x2710  }
0x3d: {  	p0 =	por $0x1, $0x1;
	[sflag:s18] =	ssyncset.done $0x0  }
0x3e: {  	s5 =	sadd.s32 @!p0 $0x0, s8;
	[sflag:s18] =	ssyncadd.s32 $0xFFFFD8F0  }
0x3f: {  	s7 =	simm.s32 @!p0 $0x0;
	s9 =	simm.s32 @!p0 $0x8;
	[bflag:$0x0] =	sbarrier.arrive $0xFFFF  }
0x40: {  	[tilespmem:s7], [sflag:$0x8] =	stream.linear.gather @!p0 [hbm4b:s5+s7], $0xA00, $0x38;
	[tilespmem:$0x1EC80] =	vst v63  }
0x41: {  	_ =	swait.ge @!p0 [sflag:s9], $0xA00  }
0x42: {  	[sflag:s9] =	ssyncset.done @!p0 $0x0  }
0x43: {  	s6 =	simm.s32 @!p0 $0xC00;
	s5 =	sadd.s32 @!p0 $0x0, s12;
	[sflag:s9] =	ssyncadd.s32 @!p0 $0xFFFFF600  }
0x44: {  	[tilespmem:s6], [sflag:$0x8] =	stream.linear.gather @!p0 [hbm4b:s5+s7], $0xA00, $0x38;
	[tilespmem:$0x1EC80] =	vst v63  }
0x45: {  	_ =	swait.ge @!p0 [sflag:s9], $0xA00  }
0x46: {  	[sflag:s9] =	ssyncset.done @!p0 $0x0  }
0x47: {  	s5 =	simm.s32 @!p0 $0x64;
	s6 =	simm.s32 @!p0 $0x1800;
	[sflag:s9] =	ssyncadd.s32 @!p0 $0xFFFFF600  }
0x48: {  	[tilespmem:s6], [sflag:$0x1] =	stream.indirect.gather @!p0 [hbm4b:s1+s5], $0x80, s7, s5, $0xb8;
	[tilespmem:$0x1EC80] =	vst v63  }
0x49: {  	s6 =	simm.s32 @!p0 $0x80;
	s7 =	simm.s32 @!p0 $0x4C00  }
0x4a: {  	[tilespmem:s7], [sflag:$0x2] =	stream.indirect.gather @!p0 [hbm4b:s1+s5], $0x80, s6, s5, $0xb8;
	[tilespmem:$0x1EC80] =	vst v63  }
0x4b: {  	_ =	swait.ge [sflag:s19], $0x3200  }
0x4c: {  	[sflag:s19] =	ssyncset.done $0x0  }
0x4d: {  	[sflag:s19] =	ssyncadd.s32 $0xFFFFCE00  }
0x4e: {  	[spmem:s3] =	stream.indirect.scatter.add.f32 [tilespmem:s15], [sflag:$0x4], $0x80, s13, s14, $0xb8;
	[tilespmem:$0x1EC80] =	vst v63  }
0x4f: {  	s24 =	rddreg [dreg:$0x4]  }
0x50: {  	[tilespmem:s20], [sflag:$0x3] =	stream.indirect.gather [hbm4b:s1+s14], $0x80, s24, s14, $0xb8;
	[tilespmem:$0x1EC80] =	vst v63  }
0x51: {  	_ =	swait.ge [sflag:s21], $0x3200  }
0x52: {  	[sflag:s21] =	ssyncset.done $0x0  }
0x53: {  	s4 =	rddreg [dreg:$0x5];
	[sflag:s21] =	ssyncadd.s32 $0xFFFFCE00  }
0x54: {  	[spmem:s3] =	stream.indirect.scatter.add.f32 [tilespmem:s17], [sflag:$0x5], $0x80, s4, s14, $0xb8;
	[tilespmem:$0x1EC80] =	vst v63  }
0x55: {  	_ =	swait.ge [sflag:s22], $0x3200  }
0x56: {  	[sflag:s22] =	ssyncset.done $0x0  }
0x57: {  	s6 =	rddreg [dreg:$0x6];
	[sflag:s22] =	ssyncadd.s32 $0xFFFFCE00  }
0x58: {  	[tilespmem:s15], [sflag:$0x1] =	stream.indirect.gather [hbm4b:s1+s14], $0x80, s6, s14, $0xb8;
	[tilespmem:$0x1EC80] =	vst v63  }
0x59: {  	_ =	swait.ge [sflag:s23], $0x3200  }
0x5a: {  	[sflag:s23] =	ssyncset.done $0x0  }
0x5b: {  	s7 =	rddreg [dreg:$0x7];
	[sflag:s23] =	ssyncadd.s32 $0xFFFFCE00  }
0x5c: {  	[spmem:s3] =	stream.indirect.scatter.add.f32 [tilespmem:s20], [sflag:$0x6], $0x80, s7, s14, $0xb8;
	[tilespmem:$0x1EC80] =	vst v63  }
0x5d: {  	_ =	swait.ge [sflag:s25], $0x3200  }
0x5e: {  	[sflag:s25] =	ssyncset.done $0x0  }
0x5f: {  	s9 =	rddreg [dreg:$0x8];
	[sflag:s25] =	ssyncadd.s32 $0xFFFFCE00  }
0x60: {  	[tilespmem:s17], [sflag:$0x2] =	stream.indirect.gather [hbm4b:s1+s14], $0x80, s9, s14, $0xb8;
	[tilespmem:$0x1EC80] =	vst v63  }
0x61: {  	_ =	swait.ge [sflag:s19], $0x3200  }
0x62: {  	[sflag:s19] =	ssyncset.done $0x0  }
0x63: {  	s24 =	rddreg [dreg:$0x9];
	[sflag:s19] =	ssyncadd.s32 $0xFFFFCE00  }
0x64: {  	[spmem:s3] =	stream.indirect.scatter.add.f32 [tilespmem:s15], [sflag:$0x4], $0x80, s24, s14, $0xb8;
	[tilespmem:$0x1EC80] =	vst v63  }
0x65: {  	_ =	swait.ge [sflag:s26], $0x3200  }
0x66: {  	[sflag:s26] =	ssyncset.done $0x0  }
0x67: {  	s4 =	rddreg [dreg:$0xa];
	[sflag:s26] =	ssyncadd.s32 $0xFFFFCE00  }
0x68: {  	[tilespmem:s20], [sflag:$0x3] =	stream.indirect.gather [hbm4b:s1+s14], $0x80, s4, s14, $0xb8;
	[tilespmem:$0x1EC80] =	vst v63  }
0x69: {  	_ =	swait.ge [sflag:s21], $0x3200  }
0x6a: {  	[sflag:s21] =	ssyncset.done $0x0  }
0x6b: {  	s6 =	rddreg [dreg:$0xb];
	[sflag:s21] =	ssyncadd.s32 $0xFFFFCE00  }
0x6c: {  	[spmem:s3] =	stream.indirect.scatter.add.f32 [tilespmem:s17], [sflag:$0x5], $0x80, s6, s14, $0xb8;
	[tilespmem:$0x1EC80] =	vst v63  }
0x6d: {  	_ =	swait.ge [sflag:s22], $0x3200  }
0x6e: {  	[sflag:s22] =	ssyncset.done $0x0  }
0x6f: {  	s7 =	rddreg [dreg:$0xc];
	[sflag:s22] =	ssyncadd.s32 $0xFFFFCE00  }
0x70: {  	[tilespmem:s15], [sflag:$0x1] =	stream.indirect.gather [hbm4b:s1+s14], $0x80, s7, s14, $0xb8;
	[tilespmem:$0x1EC80] =	vst v63  }
0x71: {  	_ =	swait.ge [sflag:s23], $0x3200  }
0x72: {  	[sflag:s23] =	ssyncset.done $0x0  }
0x73: {  	s9 =	rddreg [dreg:$0xd];
	[sflag:s23] =	ssyncadd.s32 $0xFFFFCE00  }
0x74: {  	[spmem:s3] =	stream.indirect.scatter.add.f32 [tilespmem:s20], [sflag:$0x6], $0x80, s9, s14, $0xb8;
	[tilespmem:$0x1EC80] =	vst v63  }
0x75: {  	_ =	swait.ge [sflag:s25], $0x3200  }
0x76: {  	[sflag:s25] =	ssyncset.done $0x0  }
0x77: {  	s24 =	rddreg [dreg:$0xe];
	[sflag:s25] =	ssyncadd.s32 $0xFFFFCE00  }
0x78: {  	[tilespmem:s17], [sflag:$0x2] =	stream.indirect.gather [hbm4b:s1+s14], $0x80, s24, s14, $0xb8;
	[tilespmem:$0x1EC80] =	vst v63  }
0x79: {  	_ =	swait.ge [sflag:s19], $0x3200  }
0x7a: {  	[sflag:s19] =	ssyncset.done $0x0  }
0x7b: {  	s4 =	rddreg [dreg:$0xf];
	[sflag:s19] =	ssyncadd.s32 $0xFFFFCE00  }
0x7c: {  	[spmem:s3] =	stream.indirect.scatter.add.f32 [tilespmem:s15], [sflag:$0x4], $0x80, s4, s14, $0xb8;
	[tilespmem:$0x1EC80] =	vst v63  }
0x7d: {  	_ =	swait.ge [sflag:s26], $0x3200  }
0x7e: {  	[sflag:s26] =	ssyncset.done $0x0  }
0x7f: {  	s6 =	rddreg [dreg:$0x10];
	[sflag:s26] =	ssyncadd.s32 $0xFFFFCE00  }
0x80: {  	[tilespmem:s20], [sflag:$0x3] =	stream.indirect.gather [hbm4b:s1+s14], $0x80, s6, s14, $0xb8;
	[tilespmem:$0x1EC80] =	vst v63  }
0x81: {  	_ =	swait.ge [sflag:s21], $0x3200  }
0x82: {  	[sflag:s21] =	ssyncset.done $0x0  }
0x83: {  	s7 =	rddreg [dreg:$0x11];
	[sflag:s21] =	ssyncadd.s32 $0xFFFFCE00  }
0x84: {  	[spmem:s3] =	stream.indirect.scatter.add.f32 [tilespmem:s17], [sflag:$0x5], $0x80, s7, s14, $0xb8;
	[tilespmem:$0x1EC80] =	vst v63  }
0x85: {  	_ =	swait.ge [sflag:s22], $0x3200  }
0x86: {  	[sflag:s22] =	ssyncset.done $0x0  }
0x87: {  	s9 =	rddreg [dreg:$0x12];
	[sflag:s22] =	ssyncadd.s32 $0xFFFFCE00  }
0x88: {  	[tilespmem:s15], [sflag:$0x1] =	stream.indirect.gather [hbm4b:s1+s14], $0x80, s9, s14, $0xb8;
	[tilespmem:$0x1EC80] =	vst v63  }
0x89: {  	_ =	swait.ge [sflag:s23], $0x3200  }
0x8a: {  	[sflag:s23] =	ssyncset.done $0x0  }
0x8b: {  	s24 =	rddreg [dreg:$0x13];
	[sflag:s23] =	ssyncadd.s32 $0xFFFFCE00  }
0x8c: {  	[spmem:s3] =	stream.indirect.scatter.add.f32 [tilespmem:s20], [sflag:$0x6], $0x80, s24, s14, $0xb8;
	[tilespmem:$0x1EC80] =	vst v63  }
0x8d: {  	_ =	swait.ge [sflag:s25], $0x3200  }
0x8e: {  	[sflag:s25] =	ssyncset.done $0x0  }
0x8f: {  	s4 =	rddreg [dreg:$0x14];
	[sflag:s25] =	ssyncadd.s32 $0xFFFFCE00  }
0x90: {  	[tilespmem:s17], [sflag:$0x2] =	stream.indirect.gather [hbm4b:s1+s14], $0x80, s4, s14, $0xb8;
	[tilespmem:$0x1EC80] =	vst v63  }
0x91: {  	_ =	swait.ge [sflag:s19], $0x3200  }
0x92: {  	[sflag:s19] =	ssyncset.done $0x0  }
0x93: {  	s6 =	rddreg [dreg:$0x15];
	[sflag:s19] =	ssyncadd.s32 $0xFFFFCE00  }
0x94: {  	[spmem:s3] =	stream.indirect.scatter.add.f32 [tilespmem:s15], [sflag:$0x4], $0x80, s6, s14, $0xb8;
	[tilespmem:$0x1EC80] =	vst v63  }
0x95: {  	_ =	swait.ge [sflag:s26], $0x3200  }
0x96: {  	[sflag:s26] =	ssyncset.done $0x0  }
0x97: {  	s7 =	rddreg [dreg:$0x16];
	[sflag:s26] =	ssyncadd.s32 $0xFFFFCE00  }
0x98: {  	[tilespmem:s20], [sflag:$0x3] =	stream.indirect.gather [hbm4b:s1+s14], $0x80, s7, s14, $0xb8;
	[tilespmem:$0x1EC80] =	vst v63  }
0x99: {  	_ =	swait.ge [sflag:s21], $0x3200  }
0x9a: {  	[sflag:s21] =	ssyncset.done $0x0  }
0x9b: {  	s9 =	rddreg [dreg:$0x17];
	[sflag:s21] =	ssyncadd.s32 $0xFFFFCE00  }
0x9c: {  	[spmem:s3] =	stream.indirect.scatter.add.f32 [tilespmem:s17], [sflag:$0x5], $0x80, s9, s14, $0xb8;
	[tilespmem:$0x1EC80] =	vst v63  }
0x9d: {  	_ =	swait.ge [sflag:s22], $0x3200  }
0x9e: {  	[sflag:s22] =	ssyncset.done $0x0  }
0x9f: {  	s24 =	rddreg [dreg:$0x18];
	[sflag:s22] =	ssyncadd.s32 $0xFFFFCE00  }
0xa0: {  	[tilespmem:s15], [sflag:$0x1] =	stream.indirect.gather [hbm4b:s1+s14], $0x80, s24, s14, $0xb8;
	[tilespmem:$0x1EC80] =	vst v63  }
0xa1: {  	_ =	swait.ge [sflag:s23], $0x3200  }
0xa2: {  	[sflag:s23] =	ssyncset.done $0x0  }
0xa3: {  	s4 =	rddreg [dreg:$0x19];
	[sflag:s23] =	ssyncadd.s32 $0xFFFFCE00  }
0xa4: {  	[spmem:s3] =	stream.indirect.scatter.add.f32 [tilespmem:s20], [sflag:$0x6], $0x80, s4, s14, $0xb8;
	[tilespmem:$0x1EC80] =	vst v63  }
0xa5: {  	_ =	swait.ge [sflag:s25], $0x3200  }
0xa6: {  	[sflag:s25] =	ssyncset.done $0x0  }
0xa7: {  	s6 =	rddreg [dreg:$0x1a];
	[sflag:s25] =	ssyncadd.s32 $0xFFFFCE00  }
0xa8: {  	[tilespmem:s17], [sflag:$0x2] =	stream.indirect.gather [hbm4b:s1+s14], $0x80, s6, s14, $0xb8;
	[tilespmem:$0x1EC80] =	vst v63  }
0xa9: {  	_ =	swait.ge [sflag:s19], $0x3200  }
0xaa: {  	[sflag:s19] =	ssyncset.done $0x0  }
0xab: {  	s7 =	rddreg [dreg:$0x1b];
	[sflag:s19] =	ssyncadd.s32 $0xFFFFCE00  }
0xac: {  	[spmem:s3] =	stream.indirect.scatter.add.f32 [tilespmem:s15], [sflag:$0x4], $0x80, s7, s14, $0xb8;
	[tilespmem:$0x1EC80] =	vst v63  }
0xad: {  	_ =	swait.ge [sflag:s26], $0x3200  }
0xae: {  	[sflag:s26] =	ssyncset.done $0x0  }
0xaf: {  	s9 =	rddreg [dreg:$0x1c];
	[sflag:s26] =	ssyncadd.s32 $0xFFFFCE00  }
0xb0: {  	[tilespmem:s20], [sflag:$0x3] =	stream.indirect.gather [hbm4b:s1+s14], $0x80, s9, s14, $0xb8;
	[tilespmem:$0x1EC80] =	vst v63  }
0xb1: {  	_ =	swait.ge [sflag:s21], $0x3200  }
0xb2: {  	[sflag:s21] =	ssyncset.done $0x0  }
0xb3: {  	s24 =	rddreg [dreg:$0x1d];
	[sflag:s21] =	ssyncadd.s32 $0xFFFFCE00  }
0xb4: {  	[spmem:s3] =	stream.indirect.scatter.add.f32 [tilespmem:s17], [sflag:$0x5], $0x80, s24, s14, $0xb8;
	[tilespmem:$0x1EC80] =	vst v63  }
0xb5: {  	_ =	swait.ge [sflag:s22], $0x3200  }
0xb6: {  	[sflag:s22] =	ssyncset.done $0x0  }
0xb7: {  	s4 =	rddreg [dreg:$0x1e];
	[sflag:s22] =	ssyncadd.s32 $0xFFFFCE00  }
0xb8: {  	[tilespmem:s15], [sflag:$0x1] =	stream.indirect.gather [hbm4b:s1+s14], $0x80, s4, s14, $0xb8;
	[tilespmem:$0x1EC80] =	vst v63  }
0xb9: {  	_ =	swait.ge [sflag:s23], $0x3200  }
0xba: {  	[sflag:s23] =	ssyncset.done $0x0  }
0xbb: {  	s6 =	rddreg [dreg:$0x1f];
	[sflag:s23] =	ssyncadd.s32 $0xFFFFCE00  }
0xbc: {  	[spmem:s3] =	stream.indirect.scatter.add.f32 [tilespmem:s20], [sflag:$0x6], $0x80, s6, s14, $0xb8;
	[tilespmem:$0x1EC80] =	vst v63  }
0xbd: {  	_ =	swait.ge [sflag:s25], $0x3200  }
0xbe: {  	s7 =	sld [smem:$0x7FA]  }
0xbf: {  	[sflag:s25] =	ssyncset.done $0x0  }
0xc0: {  	[sflag:s25] =	ssyncadd.s32 $0xFFFFCE00  }
0xc1: {  	[tilespmem:s17], [sflag:$0x2] =	stream.indirect.gather [hbm4b:s1+s14], $0x80, s7, s14, $0xb8;
	[tilespmem:$0x1EC80] =	vst v63  }
0xc2: {  	_ =	swait.ge [sflag:s19], $0x3200  }
0xc3: {  	s9 =	sld [smem:$0x7FB]  }
0xc4: {  	[sflag:s19] =	ssyncset.done $0x0  }
0xc5: {  	[sflag:s19] =	ssyncadd.s32 $0xFFFFCE00  }
0xc6: {  	[spmem:s3] =	stream.indirect.scatter.add.f32 [tilespmem:s15], [sflag:$0x4], $0x80, s9, s14, $0xb8;
	[tilespmem:$0x1EC80] =	vst v63  }
0xc7: {  	_ =	swait.ge [sflag:s26], $0x3200  }
0xc8: {  	s24 =	sld [smem:$0x7FC]  }
0xc9: {  	[sflag:s26] =	ssyncset.done $0x0  }
0xca: {  	[sflag:s26] =	ssyncadd.s32 $0xFFFFCE00  }
0xcb: {  	[tilespmem:s20], [sflag:$0x3] =	stream.indirect.gather [hbm4b:s1+s14], $0x80, s24, s14, $0xb8;
	[tilespmem:$0x1EC80] =	vst v63  }
0xcc: {  	_ =	swait.ge [sflag:s21], $0x3200  }
0xcd: {  	[sflag:s21] =	ssyncset.done $0x0  }
0xce: {  	[sflag:s21] =	ssyncadd.s32 $0xFFFFCE00  }
0xcf: {  	[spmem:s3] =	stream.indirect.scatter.add.f32 [tilespmem:s17], [sflag:$0x5], $0x80, s28, s14, $0xb8;
	[tilespmem:$0x1EC80] =	vst v63  }
0xd0: {  	_ =	swait.ge [sflag:s22], $0x3200  }
0xd1: {  	[sflag:s22] =	ssyncset.done $0x0  }
0xd2: {  	[sflag:s22] =	ssyncadd.s32 $0xFFFFCE00  }
0xd3: {  	[tilespmem:s15], [sflag:$0x1] =	stream.indirect.gather [hbm4b:s1+s14], $0x80, s29, s14, $0xb8;
	[tilespmem:$0x1EC80] =	vst v63  }
0xd4: {  	_ =	swait.ge [sflag:s23], $0x3200  }
0xd5: {  	[sflag:s23] =	ssyncset.done $0x0  }
0xd6: {  	[sflag:s23] =	ssyncadd.s32 $0xFFFFCE00  }
0xd7: {  	[spmem:s3] =	stream.indirect.scatter.add.f32 [tilespmem:s20], [sflag:$0x6], $0x80, s30, s14, $0xb8;
	[tilespmem:$0x1EC80] =	vst v63  }
0xd8: {  	_ =	swait.ge [sflag:s25], $0x3200  }
0xd9: {  	[sflag:s25] =	ssyncset.done $0x0  }
0xda: {  	[sflag:s25] =	ssyncadd.s32 $0xFFFFCE00  }
0xdb: {  	[tilespmem:s17], [sflag:$0x2] =	stream.indirect.gather [hbm4b:s1+s14], $0x80, s31, s14, $0xb8;
	[tilespmem:$0x1EC80] =	vst v63  }
0xdc: {  	_ =	swait.ge [sflag:s19], $0x3200  }
0xdd: {  	[sflag:s19] =	ssyncset.done $0x0  }
0xde: {  	[sflag:s19] =	ssyncadd.s32 $0xFFFFCE00  }
0xdf: {  	[spmem:s3] =	stream.indirect.scatter.add.f32 [tilespmem:s15], [sflag:$0x4], $0x80, s2, s14, $0xb8;
	[tilespmem:$0x1EC80] =	vst v63  }
0xe0: {  	_ =	swait.ge [sflag:s26], $0x3200  }
0xe1: {  	[sflag:s26] =	ssyncset.done $0x0  }
0xe2: {  	[sflag:s26] =	ssyncadd.s32 $0xFFFFCE00  }
0xe3: {  	_ =	swait.ge [sflag:s21], $0x3200  }
0xe4: {  	[sflag:s21] =	ssyncset.done $0x0  }
0xe5: {  	[sflag:s21] =	ssyncadd.s32 $0xFFFFCE00  }
0xe6: {  	[spmem:s3] =	stream.indirect.scatter.add.f32 [tilespmem:s17], [sflag:$0x5], $0x80, s0, s14, $0xb8;
	[tilespmem:$0x1EC80] =	vst v63  }
0xe7: {  	_ =	swait.ge [sflag:s22], $0x3200  }
0xe8: {  	[sflag:s22] =	ssyncset.done $0x0  }
0xe9: {  	[sflag:s22] =	ssyncadd.s32 $0xFFFFCE00  }
0xea: {  	_ =	swait.ge [sflag:s25], $0x3200  }
0xeb: {  	s5 =	simm.s32 $0x180;
	s7 =	simm.s32 $0x300;
	[sflag:s25] =	ssyncset.done $0x0  }
.LBB2_2:
0xec: {  	p1 =	seq.s32 s5, $0x0;
	[sflag:s25] =	ssyncadd.s32 $0xFFFFCE00  }
0xed: {  	s9 =	sadd.s32 @!p1 s5, s8;
	s24 =	simm.s32 @!p1 $0x0;
	s4 =	simm.s32 @!p1 $0x8  }
0xee: {  	[tilespmem:s24], [sflag:$0x8] =	stream.linear.gather @!p1 [hbm4b:s9+s24], $0xA00, $0x38;
	[tilespmem:$0x1EC80] =	vst v63  }
0xef: {  	_ =	swait.ge @!p1 [sflag:s4], $0xA00  }
0xf0: {  	[sflag:s4] =	ssyncset.done @!p1 $0x0  }
0xf1: {  	s5 =	sadd.s32 @!p1 s5, s12;
	s9 =	simm.s32 @!p1 $0xC00;
	[sflag:s4] =	ssyncadd.s32 @!p1 $0xFFFFF600  }
0xf2: {  	[tilespmem:s9], [sflag:$0x8] =	stream.linear.gather @!p1 [hbm4b:s5+s24], $0xA00, $0x38;
	[tilespmem:$0x1EC80] =	vst v63  }
0xf3: {  	s6 =	smov.u32 s7;
	_ =	swait.ge @!p1 [sflag:s4], $0xA00  }
0xf4: {  	s5 =	smov.u32 s6;
	[sflag:s4] =	ssyncset.done @!p1 $0x0  }
0xf5: {  	s6 =	simm.s32 @!p1 $0x1800;
	[sflag:s4] =	ssyncadd.s32 @!p1 $0xFFFFF600;
	s4 =	simm.s32 @!p1 $0x64  }
0xf6: {  	[tilespmem:s6], [sflag:$0x1] =	stream.indirect.gather @!p1 [hbm4b:s1+s4], $0x80, s24, s4, $0xb8;
	[tilespmem:$0x1EC80] =	vst v63  }
0xf7: {  	s9 =	simm.s32 @!p1 $0x4C00;
	s6 =	simm.s32 @!p1 $0x80  }
0xf8: {  	[tilespmem:s9], [sflag:$0x2] =	stream.indirect.gather @!p1 [hbm4b:s1+s4], $0x80, s6, s4, $0xb8;
	[tilespmem:$0x1EC80] =	vst v63  }
0xf9: {  	_ =	swait.ge [sflag:s19], $0x3200  }
0xfa: {  	[sflag:s19] =	ssyncset.done $0x0  }
0xfb: {  	[sflag:s19] =	ssyncadd.s32 $0xFFFFCE00  }
0xfc: {  	[spmem:s3] =	stream.indirect.scatter.add.f32 [tilespmem:s15], [sflag:$0x4], $0x80, s13, s14, $0xb8;
	[tilespmem:$0x1EC80] =	vst v63  }
0xfd: {  	s24 =	rddreg [dreg:$0x4]  }
0xfe: {  	[tilespmem:s20], [sflag:$0x3] =	stream.indirect.gather [hbm4b:s1+s14], $0x80, s24, s14, $0xb8;
	[tilespmem:$0x1EC80] =	vst v63  }
0xff: {  	_ =	swait.ge [sflag:s21], $0x3200  }
0x100: {  	[sflag:s21] =	ssyncset.done $0x0  }
0x101: {  	s6 =	rddreg [dreg:$0x5];
	[sflag:s21] =	ssyncadd.s32 $0xFFFFCE00  }
0x102: {  	[spmem:s3] =	stream.indirect.scatter.add.f32 [tilespmem:s17], [sflag:$0x5], $0x80, s6, s14, $0xb8;
	[tilespmem:$0x1EC80] =	vst v63  }
0x103: {  	_ =	swait.ge [sflag:s22], $0x3200  }
0x104: {  	[sflag:s22] =	ssyncset.done $0x0  }
0x105: {  	s9 =	rddreg [dreg:$0x6];
	[sflag:s22] =	ssyncadd.s32 $0xFFFFCE00  }
0x106: {  	[tilespmem:s15], [sflag:$0x1] =	stream.indirect.gather [hbm4b:s1+s14], $0x80, s9, s14, $0xb8;
	[tilespmem:$0x1EC80] =	vst v63  }
0x107: {  	_ =	swait.ge [sflag:s23], $0x3200  }
0x108: {  	[sflag:s23] =	ssyncset.done $0x0  }
0x109: {  	s24 =	rddreg [dreg:$0x7];
	[sflag:s23] =	ssyncadd.s32 $0xFFFFCE00  }
0x10a: {  	[spmem:s3] =	stream.indirect.scatter.add.f32 [tilespmem:s20], [sflag:$0x6], $0x80, s24, s14, $0xb8;
	[tilespmem:$0x1EC80] =	vst v63  }
0x10b: {  	_ =	swait.ge [sflag:s25], $0x3200  }
0x10c: {  	[sflag:s25] =	ssyncset.done $0x0  }
0x10d: {  	s6 =	rddreg [dreg:$0x8];
	[sflag:s25] =	ssyncadd.s32 $0xFFFFCE00  }
0x10e: {  	[tilespmem:s17], [sflag:$0x2] =	stream.indirect.gather [hbm4b:s1+s14], $0x80, s6, s14, $0xb8;
	[tilespmem:$0x1EC80] =	vst v63  }
0x10f: {  	_ =	swait.ge [sflag:s19], $0x3200  }
0x110: {  	[sflag:s19] =	ssyncset.done $0x0  }
0x111: {  	s9 =	rddreg [dreg:$0x9];
	[sflag:s19] =	ssyncadd.s32 $0xFFFFCE00  }
0x112: {  	[spmem:s3] =	stream.indirect.scatter.add.f32 [tilespmem:s15], [sflag:$0x4], $0x80, s9, s14, $0xb8;
	[tilespmem:$0x1EC80] =	vst v63  }
0x113: {  	_ =	swait.ge [sflag:s26], $0x3200  }
0x114: {  	[sflag:s26] =	ssyncset.done $0x0  }
0x115: {  	s24 =	rddreg [dreg:$0xa];
	[sflag:s26] =	ssyncadd.s32 $0xFFFFCE00  }
0x116: {  	[tilespmem:s20], [sflag:$0x3] =	stream.indirect.gather [hbm4b:s1+s14], $0x80, s24, s14, $0xb8;
	[tilespmem:$0x1EC80] =	vst v63  }
0x117: {  	_ =	swait.ge [sflag:s21], $0x3200  }
0x118: {  	[sflag:s21] =	ssyncset.done $0x0  }
0x119: {  	s6 =	rddreg [dreg:$0xb];
	[sflag:s21] =	ssyncadd.s32 $0xFFFFCE00  }
0x11a: {  	[spmem:s3] =	stream.indirect.scatter.add.f32 [tilespmem:s17], [sflag:$0x5], $0x80, s6, s14, $0xb8;
	[tilespmem:$0x1EC80] =	vst v63  }
0x11b: {  	_ =	swait.ge [sflag:s22], $0x3200  }
0x11c: {  	[sflag:s22] =	ssyncset.done $0x0  }
0x11d: {  	s9 =	rddreg [dreg:$0xc];
	[sflag:s22] =	ssyncadd.s32 $0xFFFFCE00  }
0x11e: {  	[tilespmem:s15], [sflag:$0x1] =	stream.indirect.gather [hbm4b:s1+s14], $0x80, s9, s14, $0xb8;
	[tilespmem:$0x1EC80] =	vst v63  }
0x11f: {  	_ =	swait.ge [sflag:s23], $0x3200  }
0x120: {  	[sflag:s23] =	ssyncset.done $0x0  }
0x121: {  	s24 =	rddreg [dreg:$0xd];
	[sflag:s23] =	ssyncadd.s32 $0xFFFFCE00  }
0x122: {  	[spmem:s3] =	stream.indirect.scatter.add.f32 [tilespmem:s20], [sflag:$0x6], $0x80, s24, s14, $0xb8;
	[tilespmem:$0x1EC80] =	vst v63  }
0x123: {  	_ =	swait.ge [sflag:s25], $0x3200  }
0x124: {  	[sflag:s25] =	ssyncset.done $0x0  }
0x125: {  	s6 =	rddreg [dreg:$0xe];
	[sflag:s25] =	ssyncadd.s32 $0xFFFFCE00  }
0x126: {  	[tilespmem:s17], [sflag:$0x2] =	stream.indirect.gather [hbm4b:s1+s14], $0x80, s6, s14, $0xb8;
	[tilespmem:$0x1EC80] =	vst v63  }
0x127: {  	_ =	swait.ge [sflag:s19], $0x3200  }
0x128: {  	[sflag:s19] =	ssyncset.done $0x0  }
0x129: {  	s9 =	rddreg [dreg:$0xf];
	[sflag:s19] =	ssyncadd.s32 $0xFFFFCE00  }
0x12a: {  	[spmem:s3] =	stream.indirect.scatter.add.f32 [tilespmem:s15], [sflag:$0x4], $0x80, s9, s14, $0xb8;
	[tilespmem:$0x1EC80] =	vst v63  }
0x12b: {  	_ =	swait.ge [sflag:s26], $0x3200  }
0x12c: {  	[sflag:s26] =	ssyncset.done $0x0  }
0x12d: {  	s24 =	rddreg [dreg:$0x10];
	[sflag:s26] =	ssyncadd.s32 $0xFFFFCE00  }
0x12e: {  	[tilespmem:s20], [sflag:$0x3] =	stream.indirect.gather [hbm4b:s1+s14], $0x80, s24, s14, $0xb8;
	[tilespmem:$0x1EC80] =	vst v63  }
0x12f: {  	_ =	swait.ge [sflag:s21], $0x3200  }
0x130: {  	[sflag:s21] =	ssyncset.done $0x0  }
0x131: {  	s6 =	rddreg [dreg:$0x11];
	[sflag:s21] =	ssyncadd.s32 $0xFFFFCE00  }
0x132: {  	[spmem:s3] =	stream.indirect.scatter.add.f32 [tilespmem:s17], [sflag:$0x5], $0x80, s6, s14, $0xb8;
	[tilespmem:$0x1EC80] =	vst v63  }
0x133: {  	_ =	swait.ge [sflag:s22], $0x3200  }
0x134: {  	[sflag:s22] =	ssyncset.done $0x0  }
0x135: {  	s9 =	rddreg [dreg:$0x12];
	[sflag:s22] =	ssyncadd.s32 $0xFFFFCE00  }
0x136: {  	[tilespmem:s15], [sflag:$0x1] =	stream.indirect.gather [hbm4b:s1+s14], $0x80, s9, s14, $0xb8;
	[tilespmem:$0x1EC80] =	vst v63  }
0x137: {  	_ =	swait.ge [sflag:s23], $0x3200  }
0x138: {  	[sflag:s23] =	ssyncset.done $0x0  }
0x139: {  	s24 =	rddreg [dreg:$0x13];
	[sflag:s23] =	ssyncadd.s32 $0xFFFFCE00  }
0x13a: {  	[spmem:s3] =	stream.indirect.scatter.add.f32 [tilespmem:s20], [sflag:$0x6], $0x80, s24, s14, $0xb8;
	[tilespmem:$0x1EC80] =	vst v63  }
0x13b: {  	_ =	swait.ge [sflag:s25], $0x3200  }
0x13c: {  	[sflag:s25] =	ssyncset.done $0x0  }
0x13d: {  	s6 =	rddreg [dreg:$0x14];
	[sflag:s25] =	ssyncadd.s32 $0xFFFFCE00  }
0x13e: {  	[tilespmem:s17], [sflag:$0x2] =	stream.indirect.gather [hbm4b:s1+s14], $0x80, s6, s14, $0xb8;
	[tilespmem:$0x1EC80] =	vst v63  }
0x13f: {  	_ =	swait.ge [sflag:s19], $0x3200  }
0x140: {  	[sflag:s19] =	ssyncset.done $0x0  }
0x141: {  	s9 =	rddreg [dreg:$0x15];
	[sflag:s19] =	ssyncadd.s32 $0xFFFFCE00  }
0x142: {  	[spmem:s3] =	stream.indirect.scatter.add.f32 [tilespmem:s15], [sflag:$0x4], $0x80, s9, s14, $0xb8;
	[tilespmem:$0x1EC80] =	vst v63  }
0x143: {  	_ =	swait.ge [sflag:s26], $0x3200  }
0x144: {  	[sflag:s26] =	ssyncset.done $0x0  }
0x145: {  	s24 =	rddreg [dreg:$0x16];
	[sflag:s26] =	ssyncadd.s32 $0xFFFFCE00  }
0x146: {  	[tilespmem:s20], [sflag:$0x3] =	stream.indirect.gather [hbm4b:s1+s14], $0x80, s24, s14, $0xb8;
	[tilespmem:$0x1EC80] =	vst v63  }
0x147: {  	_ =	swait.ge [sflag:s21], $0x3200  }
0x148: {  	[sflag:s21] =	ssyncset.done $0x0  }
0x149: {  	s6 =	rddreg [dreg:$0x17];
	[sflag:s21] =	ssyncadd.s32 $0xFFFFCE00  }
0x14a: {  	[spmem:s3] =	stream.indirect.scatter.add.f32 [tilespmem:s17], [sflag:$0x5], $0x80, s6, s14, $0xb8;
	[tilespmem:$0x1EC80] =	vst v63  }
0x14b: {  	_ =	swait.ge [sflag:s22], $0x3200  }
0x14c: {  	[sflag:s22] =	ssyncset.done $0x0  }
0x14d: {  	s9 =	rddreg [dreg:$0x18];
	[sflag:s22] =	ssyncadd.s32 $0xFFFFCE00  }
0x14e: {  	[tilespmem:s15], [sflag:$0x1] =	stream.indirect.gather [hbm4b:s1+s14], $0x80, s9, s14, $0xb8;
	[tilespmem:$0x1EC80] =	vst v63  }
0x14f: {  	_ =	swait.ge [sflag:s23], $0x3200  }
0x150: {  	[sflag:s23] =	ssyncset.done $0x0  }
0x151: {  	s24 =	rddreg [dreg:$0x19];
	[sflag:s23] =	ssyncadd.s32 $0xFFFFCE00  }
0x152: {  	[spmem:s3] =	stream.indirect.scatter.add.f32 [tilespmem:s20], [sflag:$0x6], $0x80, s24, s14, $0xb8;
	[tilespmem:$0x1EC80] =	vst v63  }
0x153: {  	_ =	swait.ge [sflag:s25], $0x3200  }
0x154: {  	[sflag:s25] =	ssyncset.done $0x0  }
0x155: {  	s6 =	rddreg [dreg:$0x1a];
	[sflag:s25] =	ssyncadd.s32 $0xFFFFCE00  }
0x156: {  	[tilespmem:s17], [sflag:$0x2] =	stream.indirect.gather [hbm4b:s1+s14], $0x80, s6, s14, $0xb8;
	[tilespmem:$0x1EC80] =	vst v63  }
0x157: {  	_ =	swait.ge [sflag:s19], $0x3200  }
0x158: {  	[sflag:s19] =	ssyncset.done $0x0  }
0x159: {  	s9 =	rddreg [dreg:$0x1b];
	[sflag:s19] =	ssyncadd.s32 $0xFFFFCE00  }
0x15a: {  	[spmem:s3] =	stream.indirect.scatter.add.f32 [tilespmem:s15], [sflag:$0x4], $0x80, s9, s14, $0xb8;
	[tilespmem:$0x1EC80] =	vst v63  }
0x15b: {  	_ =	swait.ge [sflag:s26], $0x3200  }
0x15c: {  	[sflag:s26] =	ssyncset.done $0x0  }
0x15d: {  	s24 =	rddreg [dreg:$0x1c];
	[sflag:s26] =	ssyncadd.s32 $0xFFFFCE00  }
0x15e: {  	[tilespmem:s20], [sflag:$0x3] =	stream.indirect.gather [hbm4b:s1+s14], $0x80, s24, s14, $0xb8;
	[tilespmem:$0x1EC80] =	vst v63  }
0x15f: {  	_ =	swait.ge [sflag:s21], $0x3200  }
0x160: {  	[sflag:s21] =	ssyncset.done $0x0  }
0x161: {  	s6 =	rddreg [dreg:$0x1d];
	[sflag:s21] =	ssyncadd.s32 $0xFFFFCE00  }
0x162: {  	[spmem:s3] =	stream.indirect.scatter.add.f32 [tilespmem:s17], [sflag:$0x5], $0x80, s6, s14, $0xb8;
	[tilespmem:$0x1EC80] =	vst v63  }
0x163: {  	_ =	swait.ge [sflag:s22], $0x3200  }
0x164: {  	[sflag:s22] =	ssyncset.done $0x0  }
0x165: {  	s9 =	rddreg [dreg:$0x1e];
	[sflag:s22] =	ssyncadd.s32 $0xFFFFCE00  }
0x166: {  	[tilespmem:s15], [sflag:$0x1] =	stream.indirect.gather [hbm4b:s1+s14], $0x80, s9, s14, $0xb8;
	[tilespmem:$0x1EC80] =	vst v63  }
0x167: {  	_ =	swait.ge [sflag:s23], $0x3200  }
0x168: {  	[sflag:s23] =	ssyncset.done $0x0  }
0x169: {  	s24 =	rddreg [dreg:$0x1f];
	[sflag:s23] =	ssyncadd.s32 $0xFFFFCE00  }
0x16a: {  	[spmem:s3] =	stream.indirect.scatter.add.f32 [tilespmem:s20], [sflag:$0x6], $0x80, s24, s14, $0xb8;
	[tilespmem:$0x1EC80] =	vst v63  }
0x16b: {  	_ =	swait.ge [sflag:s25], $0x3200  }
0x16c: {  	s6 =	sld [smem:$0x7FA]  }
0x16d: {  	[sflag:s25] =	ssyncset.done $0x0  }
0x16e: {  	[sflag:s25] =	ssyncadd.s32 $0xFFFFCE00  }
0x16f: {  	[tilespmem:s17], [sflag:$0x2] =	stream.indirect.gather [hbm4b:s1+s14], $0x80, s6, s14, $0xb8;
	[tilespmem:$0x1EC80] =	vst v63  }
0x170: {  	_ =	swait.ge [sflag:s19], $0x3200  }
0x171: {  	s9 =	sld [smem:$0x7FB]  }
0x172: {  	[sflag:s19] =	ssyncset.done $0x0  }
0x173: {  	[sflag:s19] =	ssyncadd.s32 $0xFFFFCE00  }
0x174: {  	[spmem:s3] =	stream.indirect.scatter.add.f32 [tilespmem:s15], [sflag:$0x4], $0x80, s9, s14, $0xb8;
	[tilespmem:$0x1EC80] =	vst v63  }
0x175: {  	_ =	swait.ge [sflag:s26], $0x3200  }
0x176: {  	s24 =	sld [smem:$0x7FC]  }
0x177: {  	[sflag:s26] =	ssyncset.done $0x0  }
0x178: {  	[sflag:s26] =	ssyncadd.s32 $0xFFFFCE00  }
0x179: {  	[tilespmem:s20], [sflag:$0x3] =	stream.indirect.gather [hbm4b:s1+s14], $0x80, s24, s14, $0xb8;
	[tilespmem:$0x1EC80] =	vst v63  }
0x17a: {  	_ =	swait.ge [sflag:s21], $0x3200  }
0x17b: {  	[sflag:s21] =	ssyncset.done $0x0  }
0x17c: {  	[sflag:s21] =	ssyncadd.s32 $0xFFFFCE00  }
0x17d: {  	[spmem:s3] =	stream.indirect.scatter.add.f32 [tilespmem:s17], [sflag:$0x5], $0x80, s28, s14, $0xb8;
	[tilespmem:$0x1EC80] =	vst v63  }
0x17e: {  	_ =	swait.ge [sflag:s22], $0x3200  }
0x17f: {  	[sflag:s22] =	ssyncset.done $0x0  }
0x180: {  	[sflag:s22] =	ssyncadd.s32 $0xFFFFCE00  }
0x181: {  	[tilespmem:s15], [sflag:$0x1] =	stream.indirect.gather [hbm4b:s1+s14], $0x80, s29, s14, $0xb8;
	[tilespmem:$0x1EC80] =	vst v63  }
0x182: {  	_ =	swait.ge [sflag:s23], $0x3200  }
0x183: {  	[sflag:s23] =	ssyncset.done $0x0  }
0x184: {  	[sflag:s23] =	ssyncadd.s32 $0xFFFFCE00  }
0x185: {  	[spmem:s3] =	stream.indirect.scatter.add.f32 [tilespmem:s20], [sflag:$0x6], $0x80, s30, s14, $0xb8;
	[tilespmem:$0x1EC80] =	vst v63  }
0x186: {  	_ =	swait.ge [sflag:s25], $0x3200  }
0x187: {  	[sflag:s25] =	ssyncset.done $0x0  }
0x188: {  	[sflag:s25] =	ssyncadd.s32 $0xFFFFCE00  }
0x189: {  	[tilespmem:s17], [sflag:$0x2] =	stream.indirect.gather [hbm4b:s1+s14], $0x80, s31, s14, $0xb8;
	[tilespmem:$0x1EC80] =	vst v63  }
0x18a: {  	_ =	swait.ge [sflag:s19], $0x3200  }
0x18b: {  	[sflag:s19] =	ssyncset.done $0x0  }
0x18c: {  	[sflag:s19] =	ssyncadd.s32 $0xFFFFCE00  }
0x18d: {  	[spmem:s3] =	stream.indirect.scatter.add.f32 [tilespmem:s15], [sflag:$0x4], $0x80, s2, s14, $0xb8;
	[tilespmem:$0x1EC80] =	vst v63  }
0x18e: {  	_ =	swait.ge [sflag:s26], $0x3200  }
0x18f: {  	[sflag:s26] =	ssyncset.done $0x0  }
0x190: {  	[sflag:s26] =	ssyncadd.s32 $0xFFFFCE00  }
0x191: {  	_ =	swait.ge [sflag:s21], $0x3200  }
0x192: {  	s7 =	sadd.s32 $0x180, s7;
	[sflag:s21] =	ssyncset.done $0x0  }
0x193: {  	p0 =	sne.s32 s7, $0x780;
	[sflag:s21] =	ssyncadd.s32 $0xFFFFCE00  }
0x194: {  	[spmem:s3] =	stream.indirect.scatter.add.f32 [tilespmem:s17], [sflag:$0x5], $0x80, s0, s14, $0xb8;
	[tilespmem:$0x1EC80] =	vst v63  }
.Ltmp0:
0x195: {  	_ =	swait.ge [sflag:s22], $0x3200;
	(pc) =	sbr.rel @p0 .LBB2_2-.Ltmp0, $4  }
0x196: {  	[sflag:s22] =	ssyncset.done $0x0  }
0x197: {  	[sflag:s22] =	ssyncadd.s32 $0xFFFFCE00  }
0x198: {  	_ =	swait.ge [sflag:s25], $0x3200  }
0x199: {  	[sflag:s25] =	ssyncset.done $0x0  }
0x19a: {  	p0 =	seq.s32 s5, $0x0;
	[sflag:s25] =	ssyncadd.s32 $0xFFFFCE00  }
0x19b: {  	s4 =	sadd.s32 @!p0 s5, s8;
	s6 =	simm.s32 @!p0 $0x0;
	s7 =	simm.s32 @!p0 $0x8  }
0x19c: {  	[tilespmem:s6], [sflag:$0x8] =	stream.linear.gather @!p0 [hbm4b:s4+s6], $0xA00, $0x38;
	[tilespmem:$0x1EC80] =	vst v63  }
0x19d: {  	_ =	swait.ge @!p0 [sflag:s7], $0xA00  }
0x19e: {  	[sflag:s7] =	ssyncset.done @!p0 $0x0  }
0x19f: {  	s4 =	sadd.s32 @!p0 s5, s12;
	s5 =	simm.s32 @!p0 $0xC00;
	[sflag:s7] =	ssyncadd.s32 @!p0 $0xFFFFF600  }
0x1a0: {  	[tilespmem:s5], [sflag:$0x8] =	stream.linear.gather @!p0 [hbm4b:s4+s6], $0xA00, $0x38;
	[tilespmem:$0x1EC80] =	vst v63  }
0x1a1: {  	_ =	swait.ge @!p0 [sflag:s7], $0xA00  }
0x1a2: {  	[sflag:s7] =	ssyncset.done @!p0 $0x0  }
0x1a3: {  	s4 =	simm.s32 @!p0 $0x64;
	s5 =	simm.s32 @!p0 $0x1800;
	[sflag:s7] =	ssyncadd.s32 @!p0 $0xFFFFF600  }
0x1a4: {  	[tilespmem:s5], [sflag:$0x1] =	stream.indirect.gather @!p0 [hbm4b:s1+s4], $0x80, s6, s4, $0xb8;
	[tilespmem:$0x1EC80] =	vst v63  }
0x1a5: {  	s5 =	simm.s32 @!p0 $0x80;
	s6 =	simm.s32 @!p0 $0x4C00  }
0x1a6: {  	[tilespmem:s6], [sflag:$0x2] =	stream.indirect.gather @!p0 [hbm4b:s1+s4], $0x80, s5, s4, $0xb8;
	[tilespmem:$0x1EC80] =	vst v63  }
0x1a7: {  	_ =	swait.ge [sflag:s19], $0x3200  }
0x1a8: {  	[sflag:s19] =	ssyncset.done $0x0  }
0x1a9: {  	[sflag:s19] =	ssyncadd.s32 $0xFFFFCE00  }
0x1aa: {  	[spmem:s3] =	stream.indirect.scatter.add.f32 [tilespmem:s15], [sflag:$0x4], $0x80, s13, s14, $0xb8;
	[tilespmem:$0x1EC80] =	vst v63  }
0x1ab: {  	s6 =	rddreg [dreg:$0x4]  }
0x1ac: {  	[tilespmem:s20], [sflag:$0x3] =	stream.indirect.gather [hbm4b:s1+s14], $0x80, s6, s14, $0xb8;
	[tilespmem:$0x1EC80] =	vst v63  }
0x1ad: {  	_ =	swait.ge [sflag:s21], $0x3200  }
0x1ae: {  	[sflag:s21] =	ssyncset.done $0x0  }
0x1af: {  	s7 =	rddreg [dreg:$0x5];
	[sflag:s21] =	ssyncadd.s32 $0xFFFFCE00  }
0x1b0: {  	[spmem:s3] =	stream.indirect.scatter.add.f32 [tilespmem:s17], [sflag:$0x5], $0x80, s7, s14, $0xb8;
	[tilespmem:$0x1EC80] =	vst v63  }
0x1b1: {  	_ =	swait.ge [sflag:s22], $0x3200  }
0x1b2: {  	[sflag:s22] =	ssyncset.done $0x0  }
0x1b3: {  	s9 =	rddreg [dreg:$0x6];
	[sflag:s22] =	ssyncadd.s32 $0xFFFFCE00  }
0x1b4: {  	[tilespmem:s15], [sflag:$0x1] =	stream.indirect.gather [hbm4b:s1+s14], $0x80, s9, s14, $0xb8;
	[tilespmem:$0x1EC80] =	vst v63  }
0x1b5: {  	_ =	swait.ge [sflag:s23], $0x3200  }
0x1b6: {  	[sflag:s23] =	ssyncset.done $0x0  }
0x1b7: {  	s24 =	rddreg [dreg:$0x7];
	[sflag:s23] =	ssyncadd.s32 $0xFFFFCE00  }
0x1b8: {  	[spmem:s3] =	stream.indirect.scatter.add.f32 [tilespmem:s20], [sflag:$0x6], $0x80, s24, s14, $0xb8;
	[tilespmem:$0x1EC80] =	vst v63  }
0x1b9: {  	_ =	swait.ge [sflag:s25], $0x3200  }
0x1ba: {  	[sflag:s25] =	ssyncset.done $0x0  }
0x1bb: {  	s5 =	rddreg [dreg:$0x8];
	[sflag:s25] =	ssyncadd.s32 $0xFFFFCE00  }
0x1bc: {  	[tilespmem:s17], [sflag:$0x2] =	stream.indirect.gather [hbm4b:s1+s14], $0x80, s5, s14, $0xb8;
	[tilespmem:$0x1EC80] =	vst v63  }
0x1bd: {  	_ =	swait.ge [sflag:s19], $0x3200  }
0x1be: {  	[sflag:s19] =	ssyncset.done $0x0  }
0x1bf: {  	s6 =	rddreg [dreg:$0x9];
	[sflag:s19] =	ssyncadd.s32 $0xFFFFCE00  }
0x1c0: {  	[spmem:s3] =	stream.indirect.scatter.add.f32 [tilespmem:s15], [sflag:$0x4], $0x80, s6, s14, $0xb8;
	[tilespmem:$0x1EC80] =	vst v63  }
0x1c1: {  	_ =	swait.ge [sflag:s26], $0x3200  }
0x1c2: {  	[sflag:s26] =	ssyncset.done $0x0  }
0x1c3: {  	s7 =	rddreg [dreg:$0xa];
	[sflag:s26] =	ssyncadd.s32 $0xFFFFCE00  }
0x1c4: {  	[tilespmem:s20], [sflag:$0x3] =	stream.indirect.gather [hbm4b:s1+s14], $0x80, s7, s14, $0xb8;
	[tilespmem:$0x1EC80] =	vst v63  }
0x1c5: {  	_ =	swait.ge [sflag:s21], $0x3200  }
0x1c6: {  	[sflag:s21] =	ssyncset.done $0x0  }
0x1c7: {  	s9 =	rddreg [dreg:$0xb];
	[sflag:s21] =	ssyncadd.s32 $0xFFFFCE00  }
0x1c8: {  	[spmem:s3] =	stream.indirect.scatter.add.f32 [tilespmem:s17], [sflag:$0x5], $0x80, s9, s14, $0xb8;
	[tilespmem:$0x1EC80] =	vst v63  }
0x1c9: {  	_ =	swait.ge [sflag:s22], $0x3200  }
0x1ca: {  	[sflag:s22] =	ssyncset.done $0x0  }
0x1cb: {  	s24 =	rddreg [dreg:$0xc];
	[sflag:s22] =	ssyncadd.s32 $0xFFFFCE00  }
0x1cc: {  	[tilespmem:s15], [sflag:$0x1] =	stream.indirect.gather [hbm4b:s1+s14], $0x80, s24, s14, $0xb8;
	[tilespmem:$0x1EC80] =	vst v63  }
0x1cd: {  	_ =	swait.ge [sflag:s23], $0x3200  }
0x1ce: {  	[sflag:s23] =	ssyncset.done $0x0  }
0x1cf: {  	s5 =	rddreg [dreg:$0xd];
	[sflag:s23] =	ssyncadd.s32 $0xFFFFCE00  }
0x1d0: {  	[spmem:s3] =	stream.indirect.scatter.add.f32 [tilespmem:s20], [sflag:$0x6], $0x80, s5, s14, $0xb8;
	[tilespmem:$0x1EC80] =	vst v63  }
0x1d1: {  	_ =	swait.ge [sflag:s25], $0x3200  }
0x1d2: {  	[sflag:s25] =	ssyncset.done $0x0  }
0x1d3: {  	s6 =	rddreg [dreg:$0xe];
	[sflag:s25] =	ssyncadd.s32 $0xFFFFCE00  }
0x1d4: {  	[tilespmem:s17], [sflag:$0x2] =	stream.indirect.gather [hbm4b:s1+s14], $0x80, s6, s14, $0xb8;
	[tilespmem:$0x1EC80] =	vst v63  }
0x1d5: {  	_ =	swait.ge [sflag:s19], $0x3200  }
0x1d6: {  	[sflag:s19] =	ssyncset.done $0x0  }
0x1d7: {  	s7 =	rddreg [dreg:$0xf];
	[sflag:s19] =	ssyncadd.s32 $0xFFFFCE00  }
0x1d8: {  	[spmem:s3] =	stream.indirect.scatter.add.f32 [tilespmem:s15], [sflag:$0x4], $0x80, s7, s14, $0xb8;
	[tilespmem:$0x1EC80] =	vst v63  }
0x1d9: {  	_ =	swait.ge [sflag:s26], $0x3200  }
0x1da: {  	[sflag:s26] =	ssyncset.done $0x0  }
0x1db: {  	s9 =	rddreg [dreg:$0x10];
	[sflag:s26] =	ssyncadd.s32 $0xFFFFCE00  }
0x1dc: {  	[tilespmem:s20], [sflag:$0x3] =	stream.indirect.gather [hbm4b:s1+s14], $0x80, s9, s14, $0xb8;
	[tilespmem:$0x1EC80] =	vst v63  }
0x1dd: {  	_ =	swait.ge [sflag:s21], $0x3200  }
0x1de: {  	[sflag:s21] =	ssyncset.done $0x0  }
0x1df: {  	s24 =	rddreg [dreg:$0x11];
	[sflag:s21] =	ssyncadd.s32 $0xFFFFCE00  }
0x1e0: {  	[spmem:s3] =	stream.indirect.scatter.add.f32 [tilespmem:s17], [sflag:$0x5], $0x80, s24, s14, $0xb8;
	[tilespmem:$0x1EC80] =	vst v63  }
0x1e1: {  	_ =	swait.ge [sflag:s22], $0x3200  }
0x1e2: {  	[sflag:s22] =	ssyncset.done $0x0  }
0x1e3: {  	s5 =	rddreg [dreg:$0x12];
	[sflag:s22] =	ssyncadd.s32 $0xFFFFCE00  }
0x1e4: {  	[tilespmem:s15], [sflag:$0x1] =	stream.indirect.gather [hbm4b:s1+s14], $0x80, s5, s14, $0xb8;
	[tilespmem:$0x1EC80] =	vst v63  }
0x1e5: {  	_ =	swait.ge [sflag:s23], $0x3200  }
0x1e6: {  	[sflag:s23] =	ssyncset.done $0x0  }
0x1e7: {  	s6 =	rddreg [dreg:$0x13];
	[sflag:s23] =	ssyncadd.s32 $0xFFFFCE00  }
0x1e8: {  	[spmem:s3] =	stream.indirect.scatter.add.f32 [tilespmem:s20], [sflag:$0x6], $0x80, s6, s14, $0xb8;
	[tilespmem:$0x1EC80] =	vst v63  }
0x1e9: {  	_ =	swait.ge [sflag:s25], $0x3200  }
0x1ea: {  	[sflag:s25] =	ssyncset.done $0x0  }
0x1eb: {  	s7 =	rddreg [dreg:$0x14];
	[sflag:s25] =	ssyncadd.s32 $0xFFFFCE00  }
0x1ec: {  	[tilespmem:s17], [sflag:$0x2] =	stream.indirect.gather [hbm4b:s1+s14], $0x80, s7, s14, $0xb8;
	[tilespmem:$0x1EC80] =	vst v63  }
0x1ed: {  	_ =	swait.ge [sflag:s19], $0x3200  }
0x1ee: {  	[sflag:s19] =	ssyncset.done $0x0  }
0x1ef: {  	s9 =	rddreg [dreg:$0x15];
	[sflag:s19] =	ssyncadd.s32 $0xFFFFCE00  }
0x1f0: {  	[spmem:s3] =	stream.indirect.scatter.add.f32 [tilespmem:s15], [sflag:$0x4], $0x80, s9, s14, $0xb8;
	[tilespmem:$0x1EC80] =	vst v63  }
0x1f1: {  	_ =	swait.ge [sflag:s26], $0x3200  }
0x1f2: {  	[sflag:s26] =	ssyncset.done $0x0  }
0x1f3: {  	s24 =	rddreg [dreg:$0x16];
	[sflag:s26] =	ssyncadd.s32 $0xFFFFCE00  }
0x1f4: {  	[tilespmem:s20], [sflag:$0x3] =	stream.indirect.gather [hbm4b:s1+s14], $0x80, s24, s14, $0xb8;
	[tilespmem:$0x1EC80] =	vst v63  }
0x1f5: {  	_ =	swait.ge [sflag:s21], $0x3200  }
0x1f6: {  	[sflag:s21] =	ssyncset.done $0x0  }
0x1f7: {  	s5 =	rddreg [dreg:$0x17];
	[sflag:s21] =	ssyncadd.s32 $0xFFFFCE00  }
0x1f8: {  	[spmem:s3] =	stream.indirect.scatter.add.f32 [tilespmem:s17], [sflag:$0x5], $0x80, s5, s14, $0xb8;
	[tilespmem:$0x1EC80] =	vst v63  }
0x1f9: {  	_ =	swait.ge [sflag:s22], $0x3200  }
0x1fa: {  	[sflag:s22] =	ssyncset.done $0x0  }
0x1fb: {  	s6 =	rddreg [dreg:$0x18];
	[sflag:s22] =	ssyncadd.s32 $0xFFFFCE00  }
0x1fc: {  	[tilespmem:s15], [sflag:$0x1] =	stream.indirect.gather [hbm4b:s1+s14], $0x80, s6, s14, $0xb8;
	[tilespmem:$0x1EC80] =	vst v63  }
0x1fd: {  	_ =	swait.ge [sflag:s23], $0x3200  }
0x1fe: {  	[sflag:s23] =	ssyncset.done $0x0  }
0x1ff: {  	s7 =	rddreg [dreg:$0x19];
	[sflag:s23] =	ssyncadd.s32 $0xFFFFCE00  }
0x200: {  	[spmem:s3] =	stream.indirect.scatter.add.f32 [tilespmem:s20], [sflag:$0x6], $0x80, s7, s14, $0xb8;
	[tilespmem:$0x1EC80] =	vst v63  }
0x201: {  	_ =	swait.ge [sflag:s25], $0x3200  }
0x202: {  	[sflag:s25] =	ssyncset.done $0x0  }
0x203: {  	s9 =	rddreg [dreg:$0x1a];
	[sflag:s25] =	ssyncadd.s32 $0xFFFFCE00  }
0x204: {  	[tilespmem:s17], [sflag:$0x2] =	stream.indirect.gather [hbm4b:s1+s14], $0x80, s9, s14, $0xb8;
	[tilespmem:$0x1EC80] =	vst v63  }
0x205: {  	_ =	swait.ge [sflag:s19], $0x3200  }
0x206: {  	[sflag:s19] =	ssyncset.done $0x0  }
0x207: {  	s24 =	rddreg [dreg:$0x1b];
	[sflag:s19] =	ssyncadd.s32 $0xFFFFCE00  }
0x208: {  	[spmem:s3] =	stream.indirect.scatter.add.f32 [tilespmem:s15], [sflag:$0x4], $0x80, s24, s14, $0xb8;
	[tilespmem:$0x1EC80] =	vst v63  }
0x209: {  	_ =	swait.ge [sflag:s26], $0x3200  }
0x20a: {  	[sflag:s26] =	ssyncset.done $0x0  }
0x20b: {  	s5 =	rddreg [dreg:$0x1c];
	[sflag:s26] =	ssyncadd.s32 $0xFFFFCE00  }
0x20c: {  	[tilespmem:s20], [sflag:$0x3] =	stream.indirect.gather [hbm4b:s1+s14], $0x80, s5, s14, $0xb8;
	[tilespmem:$0x1EC80] =	vst v63  }
0x20d: {  	_ =	swait.ge [sflag:s21], $0x3200  }
0x20e: {  	[sflag:s21] =	ssyncset.done $0x0  }
0x20f: {  	s6 =	rddreg [dreg:$0x1d];
	[sflag:s21] =	ssyncadd.s32 $0xFFFFCE00  }
0x210: {  	[spmem:s3] =	stream.indirect.scatter.add.f32 [tilespmem:s17], [sflag:$0x5], $0x80, s6, s14, $0xb8;
	[tilespmem:$0x1EC80] =	vst v63  }
0x211: {  	_ =	swait.ge [sflag:s22], $0x3200  }
0x212: {  	[sflag:s22] =	ssyncset.done $0x0  }
0x213: {  	s7 =	rddreg [dreg:$0x1e];
	[sflag:s22] =	ssyncadd.s32 $0xFFFFCE00  }
0x214: {  	[tilespmem:s15], [sflag:$0x1] =	stream.indirect.gather [hbm4b:s1+s14], $0x80, s7, s14, $0xb8;
	[tilespmem:$0x1EC80] =	vst v63  }
0x215: {  	_ =	swait.ge [sflag:s23], $0x3200  }
0x216: {  	[sflag:s23] =	ssyncset.done $0x0  }
0x217: {  	s9 =	rddreg [dreg:$0x1f];
	[sflag:s23] =	ssyncadd.s32 $0xFFFFCE00  }
0x218: {  	[spmem:s3] =	stream.indirect.scatter.add.f32 [tilespmem:s20], [sflag:$0x6], $0x80, s9, s14, $0xb8;
	[tilespmem:$0x1EC80] =	vst v63  }
0x219: {  	_ =	swait.ge [sflag:s25], $0x3200  }
0x21a: {  	s24 =	sld [smem:$0x7FA]  }
0x21b: {  	[sflag:s25] =	ssyncset.done $0x0  }
0x21c: {  	[sflag:s25] =	ssyncadd.s32 $0xFFFFCE00  }
0x21d: {  	[tilespmem:s17], [sflag:$0x2] =	stream.indirect.gather [hbm4b:s1+s14], $0x80, s24, s14, $0xb8;
	[tilespmem:$0x1EC80] =	vst v63  }
0x21e: {  	_ =	swait.ge [sflag:s19], $0x3200  }
0x21f: {  	s5 =	sld [smem:$0x7FB]  }
0x220: {  	[sflag:s19] =	ssyncset.done $0x0  }
0x221: {  	[sflag:s19] =	ssyncadd.s32 $0xFFFFCE00  }
0x222: {  	[spmem:s3] =	stream.indirect.scatter.add.f32 [tilespmem:s15], [sflag:$0x4], $0x80, s5, s14, $0xb8;
	[tilespmem:$0x1EC80] =	vst v63  }
0x223: {  	_ =	swait.ge [sflag:s26], $0x3200  }
0x224: {  	s6 =	sld [smem:$0x7FC]  }
0x225: {  	[sflag:s26] =	ssyncset.done $0x0  }
0x226: {  	[sflag:s26] =	ssyncadd.s32 $0xFFFFCE00  }
0x227: {  	[tilespmem:s20], [sflag:$0x3] =	stream.indirect.gather [hbm4b:s1+s14], $0x80, s6, s14, $0xb8;
	[tilespmem:$0x1EC80] =	vst v63  }
0x228: {  	_ =	swait.ge [sflag:s21], $0x3200  }
0x229: {  	[sflag:s21] =	ssyncset.done $0x0  }
0x22a: {  	[sflag:s21] =	ssyncadd.s32 $0xFFFFCE00  }
0x22b: {  	[spmem:s3] =	stream.indirect.scatter.add.f32 [tilespmem:s17], [sflag:$0x5], $0x80, s28, s14, $0xb8;
	[tilespmem:$0x1EC80] =	vst v63  }
0x22c: {  	_ =	swait.ge [sflag:s22], $0x3200  }
0x22d: {  	[sflag:s22] =	ssyncset.done $0x0  }
0x22e: {  	[sflag:s22] =	ssyncadd.s32 $0xFFFFCE00  }
0x22f: {  	[tilespmem:s15], [sflag:$0x1] =	stream.indirect.gather [hbm4b:s1+s14], $0x80, s29, s14, $0xb8;
	[tilespmem:$0x1EC80] =	vst v63  }
0x230: {  	_ =	swait.ge [sflag:s23], $0x3200  }
0x231: {  	[sflag:s23] =	ssyncset.done $0x0  }
0x232: {  	[sflag:s23] =	ssyncadd.s32 $0xFFFFCE00  }
0x233: {  	[spmem:s3] =	stream.indirect.scatter.add.f32 [tilespmem:s20], [sflag:$0x6], $0x80, s30, s14, $0xb8;
	[tilespmem:$0x1EC80] =	vst v63  }
0x234: {  	_ =	swait.ge [sflag:s25], $0x3200  }
0x235: {  	[sflag:s25] =	ssyncset.done $0x0  }
0x236: {  	[sflag:s25] =	ssyncadd.s32 $0xFFFFCE00  }
0x237: {  	[tilespmem:s17], [sflag:$0x2] =	stream.indirect.gather [hbm4b:s1+s14], $0x80, s31, s14, $0xb8;
	[tilespmem:$0x1EC80] =	vst v63  }
0x238: {  	_ =	swait.ge [sflag:s19], $0x3200  }
0x239: {  	[sflag:s19] =	ssyncset.done $0x0  }
0x23a: {  	[sflag:s19] =	ssyncadd.s32 $0xFFFFCE00  }
0x23b: {  	[spmem:s3] =	stream.indirect.scatter.add.f32 [tilespmem:s15], [sflag:$0x4], $0x80, s2, s14, $0xb8;
	[tilespmem:$0x1EC80] =	vst v63  }
0x23c: {  	_ =	swait.ge [sflag:s26], $0x3200  }
0x23d: {  	[sflag:s26] =	ssyncset.done $0x0  }
0x23e: {  	[sflag:s26] =	ssyncadd.s32 $0xFFFFCE00  }
0x23f: {  	_ =	swait.ge [sflag:s21], $0x3200  }
0x240: {  	[sflag:s21] =	ssyncset.done $0x0  }
0x241: {  	[sflag:s21] =	ssyncadd.s32 $0xFFFFCE00  }
0x242: {  	[spmem:s3] =	stream.indirect.scatter.add.f32 [tilespmem:s17], [sflag:$0x5], $0x80, s0, s14, $0xb8;
	[tilespmem:$0x1EC80] =	vst v63  }
0x243: {  	_ =	swait.ge [sflag:s22], $0x3200  }
0x244: {  	[sflag:s22] =	ssyncset.done $0x0  }
0x245: {  	[sflag:s22] =	ssyncadd.s32 $0xFFFFCE00  }
0x246: {  	_ =	swait.ge [sflag:s25], $0x3200  }
0x247: {  	[sflag:s25] =	ssyncset.done $0x0  }
0x248: {  	[sflag:s25] =	ssyncadd.s32 $0xFFFFCE00  }
0x249: {  	[bflag:$0x0] =	sbarrier.arrive $0xFFFF  }
0x24a: {  	s7 =	sld [smem:$0x7F7]  }
0x24b: {  	s9 =	sld [smem:$0x7FD];
	_ =	sdelay $0x1  }
0x24c: {  	s4 =	sor.u32 $0x1C08, s7  }
0x24d: {  	[hbm:s9], [sflag:s4] =	dma.local [spmem:s10], $0x2710  }
0x24e: {  	_ =	swait.ge [sflag:s11], $0x2710  }
0x24f: {  	s24 =	sld [smem:$0x7F9];
	_ =	sdelay $0x1  }
0x250: {  	s16 =	sadd.s32 $0x1, s16  }
0x251: {  	p0 =	sne.s32 s16, s24  }
.Ltmp1:
0x252: {  	_ = 	snop;
	(pc) =	sbr.rel @p0 .LBB2_1-.Ltmp1, $3  }
0x253: {  	_ =	sdelay $0x1  }
0x254: {  	[sflag:s11] =	ssyncset.done $0x0  }
0x255: {  	[sflag:s11] =	ssyncadd.s32 $0xFFFFD8F0  }
0x256: {  	_ =	sfence.sel $0x180000  }
0x257: {  	[bflag:$0x0] =	sbarrier.arrive $0xFFFF  }
0x258: {  	_ =	strace $0x9000004D  }
0x259: {  	s0 =	stileid.u32;
	[bflag:$0x2] =	sbarrier.arrive $0xFFFF  }
0x25a: {  	p0 =	sne.s32 s0, $0x0;
	s0 =	rddreg [dreg:$0x3]  }
0x25b: {  	s0 =	sadd.s32 @!p0 $0x100000, s0  }
0x25c: {  	[sflag:s0] =	ssyncadd.tile.s32 @!p0 $0x1;
	_ =	shalt  }
.Lfunc_end2:
_tile_overlayer_lowered:
.L_overlay_start_2:
0x25d: {  	(tag) =	ssettag $0x2  }
0x25e: {  	s0 =	rddreg [dreg:$0x0];
	s2 =	stileid.u32  }
0x25f: {  	s1 =	rddreg [dreg:$0x1];
	p0 =	sne.s32 s2, $0x0  }
0x260: {  	s3 =	rddreg [dreg:$0x2];
	[bflag:$0x3] =	sbarrier.arrive $0xFFFF;
	s2 =	simm.s32 @!p0 $0x1C08  }
0x261: {  	[timem:s3], [sflag:s2] =	dma.local @!p0 [hbm:s0], s1  }
0x262: {  	s0 =	simm.s32 @!p0 $0x8  }
0x263: {  	_ =	swait.ge @!p0 [sflag:s0], s1  }
0x264: {  	s1 =	ssub.s32 @!p0 $0x0, s1;
	[sflag:s0] =	ssyncset.done @!p0 $0x0  }
0x265: {  	[sflag:s0] =	ssyncadd.s32 @!p0 s1  }
0x266: {  	[bflag:$0x3] =	sbarrier.arrive $0xFFFF  }
0x267: {  	_ =	shalt  }

// kernel: kernel.8.cloned.1.call-start
scs
__scs_entry_jumppad:
0x0: {  	(pc) =	sbr.rel $0x88, $3  }
0x1: {  	(tag) =	ssettag $0x0;
	lr =	simm.s32 $0x1  }
0x2: {  	[smem:$0x3F9B] =	sst lr;
	_ =	strace $0xD0000000  }
0x3: {  	_ = 	snop  }
0x4: {  	_ = 	snop  }
0x5: {  	_ = 	snop  }
0x6: {  	_ = 	snop  }
0x7: {  	_ = 	snop  }
__scs_overlays_trampoline_lowered:
0x8: {  	[smem:$0x3FAA] =	sst s0  }
0x9: {  	[smem:$0x3FAB] =	sst s1  }
0xa: {  	[smem:$0x3FAC] =	sst s2  }
0xb: {  	[smem:$0x3FAD] =	sst s3  }
0xc: {  	[smem:$0x3FAE] =	sst s4  }
0xd: {  	[smem:$0x3FAF] =	sst s5  }
0xe: {  	[smem:$0x3FB0] =	sst s6  }
0xf: {  	[smem:$0x3FB1] =	sst s7  }
0x10: {  	[smem:$0x3FB2] =	sst s8  }
0x11: {  	[smem:$0x3FB3] =	sst s9;
	s0 =	simm.s32 @!p0 $0x0  }
0x12: {  	s1 =	sld [smem:$0x3F99];
	s0 =	simm.s32 @p0 $0x1  }
0x13: {  	[smem:$0x3FB4] =	sst s0;
	s0 =	simm.s32 @!p1 $0x0  }
0x14: {  	s2 =	sld [smem:$0x3F98];
	s0 =	simm.s32 @p1 $0x1  }
0x15: {  	[smem:$0x3FB5] =	sst s0;
	s0 =	simm.s32 @!p2 $0x0  }
0x16: {  	s3 =	sld [smem:$0x3FDB];
	s0 =	simm.s32 @p2 $0x1  }
0x17: {  	s4 =	simm.s32 $0x1BF5;
	[smem:$0x3FB7] =	sst s0  }
0x18: {  	s0 =	sld [smem:$0x3F9A];
	_ =	swait.ge [sflag:s4], $0x0  }
0x19: {  	s7 =	sld [smem:$0x3F9B]  }
0x1a: {  	s8 =	sadd.s32 $0xFFFFE003, lr  }
0x1b: {  	s9 =	sadd.s32 $0xFFFFFEF7, lr;
	s5 =	simm.s32 $0xFFFFFFFF;
	p2 =	slt.u32 s8, $0xFFFFF086  }
0x1c: {  	p1 =	slt.u32 s9, $0xF7A;
	s5 =	simm.s32 @!p2 $0x0  }
0x1d: {  	s5 =	simm.s32 @p1 $0x1;
	p0 =	seq.s32 s7, s2  }
0x1e: {  	s7 =	smul.u32 @!p0 $0xF7A, s2;
	p2 =	seq.s32 @!p0 s5, $0x0  }
0x1f: {  	s9 =	smul.u32 $0xF7A, s1;
	s8 =	simm.s32 @!p0 $0x1BF5;
	p2 =	por !p2, p0  }
0x20: {  	[sflag:s8] =	ssyncset.s32 @!p0 $0xFFFFF086;
	s6 =	sadd.s32 @!p0 s3, s7;
	s7 =	simm.s32 @!p0 $0x108  }
0x21: {  	s3 =	sadd.s32 s3, s9;
	s6 =	sadd.s32 @!p0 $0x88, s6;
	s7 =	simm.s32 @p2 $0x1082  }
0x22: {  	[simem:s7], [sflag:s8] =	dma.local @!p0 [hbm:s6], $0xF7A  }
0x23: {  	s9 =	sor.u32 $0xD0000000, s2;
	s6 =	simm.s32 $0x108;
	_ =	swait.ge @!p0 [sflag:s8], $0x0  }
0x24: {  	s3 =	sadd.s32 $0x88, s3;
	s6 =	simm.s32 @!p1 $0x1082;
	[sflag:s4] =	ssyncset.s32 $0xFFFFF086  }
0x25: {  	[simem:s6], [sflag:s4] =	dma.local [hbm:s3], $0xF7A  }
0x26: {  	[smem:$0x3F9B] =	sst s1;
	(tag) =	ssettag s2;
	_ =	strace s9  }
0x27: {  	s1 =	sld [smem:$0x3FAB]  }
0x28: {  	s2 =	sld [smem:$0x3FAC]  }
0x29: {  	s4 =	sld [smem:$0x3FAE]  }
0x2a: {  	p0 =	seq.s32 s5, $0x0;
	s5 =	sld [smem:$0x3FAF]  }
0x2b: {  	s6 =	sld [smem:$0x3FB0]  }
0x2c: {  	s7 =	sld [smem:$0x3FB1]  }
0x2d: {  	s3 =	simm.s32 $0x108;
	s8 =	sld [smem:$0x3FB2]  }
0x2e: {  	s3 =	simm.s32 @!p0 $0x1082;
	s9 =	sld [smem:$0x3FB3]  }
0x2f: {  	lr =	sadd.s32 s0, s3;
	s0 =	sld [smem:$0x3FAA]  }
0x30: {  	s3 =	sld [smem:$0x3FAD]  }
0x31: {  	[smem:$0x3FB6] =	sst s10  }
0x32: {  	s10 =	sld [smem:$0x3FB4];
	_ =	sdelay $0x3  }
0x33: {  	p0 =	seq.s32 s10, $0x1;
	s10 =	sld [smem:$0x3FB6];
	_ =	sdelay $0x3  }
0x34: {  	[smem:$0x3FB6] =	sst s10  }
0x35: {  	s10 =	sld [smem:$0x3FB5];
	_ =	sdelay $0x3  }
0x36: {  	p1 =	seq.s32 s10, $0x1;
	s10 =	sld [smem:$0x3FB6];
	_ =	sdelay $0x3  }
0x37: {  	[smem:$0x3FB6] =	sst s10  }
0x38: {  	s10 =	sld [smem:$0x3FB7]  }
0x39: {  	_ = 	snop;
	(pc) =	sbr.ind lr, $3  }
0x3a: {  	_ = 	snop  }
0x3b: {  	_ = 	snop  }
0x3c: {  	p2 =	seq.s32 s10, $0x1;
	s10 =	sld [smem:$0x3FB6]  }
0x3d: {  	_ =	shalt  }
0x3e: {  	_ =	shalt  }
0x3f: {  	_ =	shalt  }
0x40: {  	_ =	shalt  }
0x41: {  	_ =	shalt  }
0x42: {  	_ =	shalt  }
0x43: {  	_ =	shalt  }
0x44: {  	_ =	shalt  }
0x45: {  	_ =	shalt  }
0x46: {  	_ =	shalt  }
0x47: {  	_ =	shalt  }
0x48: {  	_ =	shalt  }
0x49: {  	_ =	shalt  }
0x4a: {  	_ =	shalt  }
0x4b: {  	_ =	shalt  }
0x4c: {  	_ =	shalt  }
0x4d: {  	_ =	shalt  }
0x4e: {  	_ =	shalt  }
0x4f: {  	_ =	shalt  }
0x50: {  	_ =	shalt  }
0x51: {  	_ =	shalt  }
0x52: {  	_ =	shalt  }
0x53: {  	_ =	shalt  }
0x54: {  	_ =	shalt  }
0x55: {  	_ =	shalt  }
0x56: {  	_ =	shalt  }
0x57: {  	_ =	shalt  }
0x58: {  	_ =	shalt  }
0x59: {  	_ =	shalt  }
0x5a: {  	_ =	shalt  }
0x5b: {  	_ =	shalt  }
0x5c: {  	_ =	shalt  }
0x5d: {  	_ =	shalt  }
0x5e: {  	_ =	shalt  }
0x5f: {  	_ =	shalt  }
0x60: {  	_ =	shalt  }
0x61: {  	_ =	shalt  }
0x62: {  	_ =	shalt  }
0x63: {  	_ =	shalt  }
0x64: {  	_ =	shalt  }
0x65: {  	_ =	shalt  }
0x66: {  	_ =	shalt  }
0x67: {  	_ =	shalt  }
0x68: {  	_ =	shalt  }
0x69: {  	_ =	shalt  }
0x6a: {  	_ =	shalt  }
0x6b: {  	_ =	shalt  }
0x6c: {  	_ =	shalt  }
0x6d: {  	_ =	shalt  }
0x6e: {  	_ =	shalt  }
0x6f: {  	_ =	shalt  }
0x70: {  	_ =	shalt  }
0x71: {  	_ =	shalt  }
0x72: {  	_ =	shalt  }
0x73: {  	_ =	shalt  }
0x74: {  	_ =	shalt  }
0x75: {  	_ =	shalt  }
0x76: {  	_ =	shalt  }
0x77: {  	_ =	shalt  }
0x78: {  	_ =	shalt  }
0x79: {  	_ =	shalt  }
0x7a: {  	_ =	shalt  }
0x7b: {  	_ =	shalt  }
0x7c: {  	_ =	shalt  }
0x7d: {  	_ =	shalt  }
0x7e: {  	_ =	shalt  }
0x7f: {  	_ =	shalt  }
0x80: {  	_ =	shalt  }
0x81: {  	_ =	shalt  }
0x82: {  	_ =	shalt  }
0x83: {  	_ =	shalt  }
0x84: {  	_ =	shalt  }
0x85: {  	_ =	shalt  }
0x86: {  	_ =	shalt  }
0x87: {  	_ =	shalt  }
.Lfunc_end0:
.L_simem_size_0:
called_computation_lowered:
.L_overlay_start_0:
0x88: {  	s2 =	sld [smem:$0x3FD9]  }
0x89: {  	s3 =	sld [smem:$0x3FFE];
	_ =	sdelay $0x1  }
0x8a: {  	s1 =	srdreg.scid  }
0x8b: {  	s0 =	sand.u32 $0x1, s1  }
0x8c: {  	s17 =	sshll.u32 s0, $0xA;
	s2 =	sadd.s32 s3, s2  }
0x8d: {  	s2 =	sadd.s32 s2, s17  }
0x8e: {  	[smem:$0x3FC2] =	sst s2  }
0x8f: {  	_ = 	snop  }
0x90: {  	s2 =	sld [smem:$0x3FD0];
	(tm) =	ssettm $0x1  }
0x91: {  	s18 =	sld [smem:$0x3FFB];
	_ =	sdelay $0x3  }
0x92: {  	_ =	strace s18  }
0x93: {  	s3 =	sld [smem:$0x3FFC];
	_ =	sdelay $0x3  }
0x94: {  	_ =	strace s3  }
0x95: {  	s3 =	sld [smem:$0x3FFD];
	_ =	sdelay $0x3  }
0x96: {  	_ =	strace s3  }
0x97: {  	_ =	strace $0x8FFFFFFF  }
0x98: {  	s19 =	sld [smem:$0x3FDB];
	_ =	sdelay $0x1  }
0x99: {  	s4 =	simm.s32 $_scs_section_size  }
0x9a: {  	s5 =	simm.s32 $_size__tile_overlayer_lowered;
	s6 =	simm.s32 $_tile_overlayer_lowered  }
0x9b: {  	s22 =	simm.s32 $0x1BFF;
	s21 =	sshll.u32 s6, $0x1;
	s3 =	sadd.s32 s4, s19  }
0x9c: {  	s7 =	simm.s32 $0x0;
	s20 =	sshll.u32 s5, $0x1;
	s5 =	sadd.s32 s21, s3  }
0x9d: {  	[timem:s7], [sflag:s22] =	dma.local [hbm:s5], s20  }
0x9e: {  	_ =	swait.ge [sflag:s22], s20  }
0x9f: {  	s4 =	ssub.s32 $0x0, s20;
	[sflag:s22] =	ssyncset.done $0x0  }
0xa0: {  	[sflag:s22] =	ssyncadd.s32 s4;
	_ =	sdelay $0x1  }
0xa1: {  	s23 =	simm.s32 $0x1B8B  }
0xa2: {  	_ =	swait.ge [sflag:s23], $0x1  }
0xa3: {  	[sflag:s23] =	ssyncset.done $0x0  }
0xa4: {  	s25 =	simm.s32 $0x1B8E;
	s24 =	sld [smem:$0x3FFE];
	[sflag:s23] =	ssyncadd.s32 $0xFFFFFFFF  }
0xa5: {  	s26 =	simm.s32 $execute0_lowered;
	[smem:$0x3FD2] =	sst s25  }
0xa6: {  	s5 =	sshll.u32 s26, $0x1;
	_ =	strace $0x80000046;
	[dreg:$0x1] =	wrdreg $0xFFFFFFFF  }
0xa7: {  	s28 =	simm.s32 $_size_execute0_lowered;
	s3 =	sadd.s32 s3, s5;
	[dreg:$0x0] =	wrdreg $0x0  }
0xa8: {  	s5 =	sshll.u32 s28, $0x1;
	[dreg:$0x2] =	wrdreg s3  }
0xa9: {  	[dreg:$0x3] =	wrdreg s5  }
0xaa: {  	[dreg:$0x4] =	wrdreg $0xC0  }
0xab: {  	_ =	task [dreg:s7], $0x5FFFF  }
0xac: {  	[dreg:$0x1] =	wrdreg $0xFFFFFFFF  }
0xad: {  	[dreg:$0x0] =	wrdreg $0x60  }
0xae: {  	[dreg:$0x2] =	wrdreg s2  }
0xaf: {  	[dreg:$0x3] =	wrdreg s24  }
0xb0: {  	[dreg:$0x4] =	wrdreg $0x67000  }
0xb1: {  	[dreg:$0x5] =	wrdreg $0x9  }
0xb2: {  	_ =	task.clear_ibuf [dreg:s7], $0x6FFFF;
	_ =	strace $0x90000046  }
0xb3: {  	s29 =	simm.s32 $0x9;
	_ =	strace $0x80000048  }
0xb4: {  	_ =	swait.ge [sflag:s29], $0x1  }
0xb5: {  	[sflag:s29] =	ssyncadd.s32 $0xFFFFFFFF  }
0xb6: {  	_ =	strace $0x90000048  }
0xb7: {  	_ =	sfence  }
0xb8: {  	s30 =	sld [smem:$0x0];
	_ =	sdelay $0x2  }
0xb9: {  	s31 =	sshll.u32 s1, $0xD;
	s1 =	sshrl.u32 s1, $0x2  }
0xba: {  	s3 =	sand.u32 $0x4000, s31;
	s1 =	sadd.s32 s1, s30  }
0xbb: {  	s0 =	sor.u32 s3, s0;
	s1 =	sshll.u32 s1, $0x11  }
0xbc: {  	s0 =	sor.u32 s1, s0  }
0xbd: {  	s0 =	sadd.s32 $0x8F2B, s0  }
0xbe: {  	[sflag:s0] =	ssyncadd.remote.s32 $0x1  }
0xbf: {  	_ =	sfence.sel $0xFFFF  }
0xc0: {  	[dreg:$0x0] =	wrdreg $0xFFFFFFFF;
	(pc) =	sbr.abs _section_cstart, $3  }
0xc1: {  	[dreg:$0x1] =	wrdreg $0xFFFFFFFF  }
0xc2: {  	_ =	task.clear_ibuf [dreg:s7], $0x2FFFF;
	_ =	strace $0x9FFFFFFF  }
0xc3: {  	(tm) =	ssettm $0x7FFFFFFF  }
tec
execute0_lowered:
.L_overlay_start_1:
0x0: {  	(tag) =	ssettag $0x1  }
0x1: {  	s4 =	rddreg [dreg:$0x0]  }
0x2: {  	s5 =	rddreg [dreg:$0x1]  }
0x3: {  	s0 =	srdreg.scid;
	s2 =	stileid.u32  }
0x4: {  	s1 =	rddreg [dreg:$0x2];
	s3 =	simm.s32 $0x0;
	s9 =	smul.u32 $0xC80, s2  }
0x5: {  	s6 =	sand.u32 $0x1, s0;
	s0 =	rddreg [dreg:$0x3];
	s11 =	smul.u32 $0x280, s2  }
0x6: {  	s15 =	simm.s32 $0x0;
	[smem:$0x7FF] =	sst s3;
	s7 =	smul.u32 $0x500, s6  }
0x7: {  	s31 =	sshll.u32 s2, $0x6;
	s8 =	smul.u32 $0xC800, s6;
	s6 =	ssub.s32 $0x2, s6  }
0x8: {  	_ =	strace $0x80000047;
	s10 =	sshrl.u32 s6, $0x1;
	s13 =	sshrl.u32 s11, $0x3  }
0x9: {  	s7 =	sadd.s32 s7, s5;
	s6 =	ssub.s32 s6, s10;
	s4 =	sadd.s32 s4, s8  }
0xa: {  	s5 =	sadd.s32 s11, s1;
	s8 =	simm.s32 $0x6480;
	s10 =	simm.s32 $0x6400  }
0xb: {  	s11 =	simm.s32 $0x1;
	s4 =	sadd.s32 s9, s4;
	s12 =	sadd.s32 $0x3000, s7  }
0xc: {  	s6 =	smax.u32 s6, $0x1;
	s7 =	simm.s32 $0x2;
	s9 =	simm.s32 $0x64  }
0xd: {  	v0 =	vimm.f32 $1.000000000e+00;
	v1 =	vimm.f32 $0.0e+00;
	s14 =	sshrl.u32 s5, $0x3;
	s12 =	sadd.s32 s13, s12;
	s13 =	sor.u32 $0x1C02, s31  }
.LBB2_1:
0xe: {  	[tilespmem:s3], [sflag:$0x2] =	stream.linear.gather [hbm4b:s4+s3], $0x6400, $0x38;
	[tilespmem:$0x6980] =	vst v63  }
0xf: {  	_ =	swait.ge [sflag:s7], $0x6400  }
0x10: {  	[sflag:s7] =	ssyncset.done $0x0  }
0x11: {  	[sflag:s7] =	ssyncadd.s32 $0xFFFF9C00  }
0x12: {  	[tilespmem:$0x6400] =	vst v0  }
0x13: {  	[tilespmem:$0x6480] =	vst v1  }
0x14: {  	[tilespmem:$0x6410] =	vst v0  }
0x15: {  	[tilespmem:$0x6490] =	vst v1  }
0x16: {  	[tilespmem:$0x6420] =	vst v0  }
0x17: {  	[tilespmem:$0x64A0] =	vst v1  }
0x18: {  	[tilespmem:$0x6430] =	vst v0  }
0x19: {  	[tilespmem:$0x64B0] =	vst v1  }
0x1a: {  	[tilespmem:$0x6440] =	vst v0  }
0x1b: {  	[tilespmem:$0x64C0] =	vst v1  }
0x1c: {  	[tilespmem:$0x6450] =	vst v0  }
0x1d: {  	[tilespmem:$0x64D0] =	vst v1  }
0x1e: {  	[tilespmem:$0x6460] =	vst v0  }
0x1f: {  	[tilespmem:$0x64E0] =	vst v1  }
0x20: {  	[tilespmem:$0x64F0] =	vst v1  }
0x21: {  	[tilespmem:$0x6500] =	vst v1  }
0x22: {  	[tilespmem:$0x6510] =	vst v1  }
0x23: {  	[tilespmem:$0x6520] =	vst v1  }
0x24: {  	[tilespmem:$0x6530] =	vst v1  }
0x25: {  	[tilespmem:$0x6540] =	vst v1  }
0x26: {  	[tilespmem:$0x6550] =	vst v1  }
0x27: {  	[tilespmem:$0x6560] =	vst v1  }
0x28: {  	[tilespmem:$0x6570] =	vst v1  }
0x29: {  	[tilespmem:$0x6580] =	vst v1  }
0x2a: {  	[tilespmem:$0x6590] =	vst v1  }
0x2b: {  	[tilespmem:$0x65A0] =	vst v1  }
0x2c: {  	[tilespmem:$0x65B0] =	vst v1  }
0x2d: {  	[tilespmem:$0x65C0] =	vst v1  }
0x2e: {  	[tilespmem:$0x65D0] =	vst v1  }
0x2f: {  	[tilespmem:$0x65E0] =	vst v1  }
0x30: {  	[tilespmem:$0x65F0] =	vst v1  }
0x31: {  	[tilespmem:$0x6600] =	vst v1  }
0x32: {  	[tilespmem:$0x6610] =	vst v1  }
0x33: {  	[tilespmem:$0x6620] =	vst v1  }
0x34: {  	[tilespmem:$0x6630] =	vst v1  }
0x35: {  	[tilespmem:$0x6640] =	vst v1  }
0x36: {  	[tilespmem:$0x6650] =	vst v1  }
0x37: {  	[tilespmem:$0x6660] =	vst v1  }
0x38: {  	[tilespmem:$0x6670] =	vst v1  }
0x39: {  	[tilespmem:$0x6680] =	vst v1  }
0x3a: {  	[tilespmem:$0x6690] =	vst v1  }
0x3b: {  	[tilespmem:$0x66A0] =	vst v1  }
0x3c: {  	[tilespmem:$0x66B0] =	vst v1  }
0x3d: {  	[tilespmem:$0x66C0] =	vst v1  }
0x3e: {  	[tilespmem:$0x66D0] =	vst v1  }
0x3f: {  	[tilespmem:$0x66E0] =	vst v1  }
0x40: {  	[tilespmem:$0x66F0] =	vst v1  }
0x41: {  	[spmem:s5] =	stream.linear.scatter [tilespmem:s8], [sflag:$0x2], $0x280, $0x38;
	[tilespmem:$0x6980] =	vst v63  }
0x42: {  	_ =	swait.ge [sflag:s7], $0x280  }
0x43: {  	[sflag:s7] =	ssyncset.done $0x0  }
0x44: {  	[sflag:s7] =	ssyncadd.s32 $0xFFFFFD80  }
0x45: {  	s16 =	simm.s32 $0x0;
	[bflag:$0x0] =	sbarrier.arrive $0xFFFF  }
0x46: {  	[spmem:s1] =	stream.indirect.scatter.add.f32 [tilespmem:s10], [sflag:$0x1], $0x1, s16, s9, $0xb8;
	[tilespmem:$0x6980] =	vst v63  }
0x47: {  	s21 =	simm.s32 $0x80  }
0x48: {  	[spmem:s1] =	stream.indirect.scatter.add.f32 [tilespmem:s10], [sflag:$0x1], $0x1, s21, s9, $0xb8;
	[tilespmem:$0x6980] =	vst v63  }
0x49: {  	s22 =	simm.s32 $0x100  }
0x4a: {  	[spmem:s1] =	stream.indirect.scatter.add.f32 [tilespmem:s10], [sflag:$0x1], $0x1, s22, s9, $0xb8;
	[tilespmem:$0x6980] =	vst v63  }
0x4b: {  	s23 =	simm.s32 $0x180  }
0x4c: {  	[spmem:s1] =	stream.indirect.scatter.add.f32 [tilespmem:s10], [sflag:$0x1], $0x1, s23, s9, $0xb8;
	[tilespmem:$0x6980] =	vst v63  }
0x4d: {  	s24 =	simm.s32 $0x200  }
0x4e: {  	[spmem:s1] =	stream.indirect.scatter.add.f32 [tilespmem:s10], [sflag:$0x1], $0x1, s24, s9, $0xb8;
	[tilespmem:$0x6980] =	vst v63  }
0x4f: {  	s25 =	simm.s32 $0x280  }
0x50: {  	[spmem:s1] =	stream.indirect.scatter.add.f32 [tilespmem:s10], [sflag:$0x1], $0x1, s25, s9, $0xb8;
	[tilespmem:$0x6980] =	vst v63  }
0x51: {  	s26 =	simm.s32 $0x300  }
0x52: {  	[spmem:s1] =	stream.indirect.scatter.add.f32 [tilespmem:s10], [sflag:$0x1], $0x1, s26, s9, $0xb8;
	[tilespmem:$0x6980] =	vst v63  }
0x53: {  	s28 =	simm.s32 $0x380  }
0x54: {  	[spmem:s1] =	stream.indirect.scatter.add.f32 [tilespmem:s10], [sflag:$0x1], $0x1, s28, s9, $0xb8;
	[tilespmem:$0x6980] =	vst v63  }
0x55: {  	s29 =	simm.s32 $0x400  }
0x56: {  	[spmem:s1] =	stream.indirect.scatter.add.f32 [tilespmem:s10], [sflag:$0x1], $0x1, s29, s9, $0xb8;
	[tilespmem:$0x6980] =	vst v63  }
0x57: {  	s30 =	simm.s32 $0x480  }
0x58: {  	[spmem:s1] =	stream.indirect.scatter.add.f32 [tilespmem:s10], [sflag:$0x1], $0x1, s30, s9, $0xb8;
	[tilespmem:$0x6980] =	vst v63  }
0x59: {  	s31 =	simm.s32 $0x500  }
0x5a: {  	[spmem:s1] =	stream.indirect.scatter.add.f32 [tilespmem:s10], [sflag:$0x1], $0x1, s31, s9, $0xb8;
	[tilespmem:$0x6980] =	vst v63  }
0x5b: {  	s17 =	simm.s32 $0x580  }
0x5c: {  	[spmem:s1] =	stream.indirect.scatter.add.f32 [tilespmem:s10], [sflag:$0x1], $0x1, s17, s9, $0xb8;
	[tilespmem:$0x6980] =	vst v63  }
0x5d: {  	s18 =	simm.s32 $0x600  }
0x5e: {  	[spmem:s1] =	stream.indirect.scatter.add.f32 [tilespmem:s10], [sflag:$0x1], $0x1, s18, s9, $0xb8;
	[tilespmem:$0x6980] =	vst v63  }
0x5f: {  	s19 =	simm.s32 $0x680  }
0x60: {  	[spmem:s1] =	stream.indirect.scatter.add.f32 [tilespmem:s10], [sflag:$0x1], $0x1, s19, s9, $0xb8;
	[tilespmem:$0x6980] =	vst v63  }
0x61: {  	s20 =	simm.s32 $0x700  }
0x62: {  	[spmem:s1] =	stream.indirect.scatter.add.f32 [tilespmem:s10], [sflag:$0x1], $0x1, s20, s9, $0xb8;
	[tilespmem:$0x6980] =	vst v63  }
0x63: {  	s21 =	simm.s32 $0x780  }
0x64: {  	[spmem:s1] =	stream.indirect.scatter.add.f32 [tilespmem:s10], [sflag:$0x1], $0x1, s21, s9, $0xb8;
	[tilespmem:$0x6980] =	vst v63  }
0x65: {  	s22 =	simm.s32 $0x800  }
0x66: {  	[spmem:s1] =	stream.indirect.scatter.add.f32 [tilespmem:s10], [sflag:$0x1], $0x1, s22, s9, $0xb8;
	[tilespmem:$0x6980] =	vst v63  }
0x67: {  	s23 =	simm.s32 $0x880  }
0x68: {  	[spmem:s1] =	stream.indirect.scatter.add.f32 [tilespmem:s10], [sflag:$0x1], $0x1, s23, s9, $0xb8;
	[tilespmem:$0x6980] =	vst v63  }
0x69: {  	s24 =	simm.s32 $0x900  }
0x6a: {  	[spmem:s1] =	stream.indirect.scatter.add.f32 [tilespmem:s10], [sflag:$0x1], $0x1, s24, s9, $0xb8;
	[tilespmem:$0x6980] =	vst v63  }
0x6b: {  	s25 =	simm.s32 $0x980  }
0x6c: {  	[spmem:s1] =	stream.indirect.scatter.add.f32 [tilespmem:s10], [sflag:$0x1], $0x1, s25, s9, $0xb8;
	[tilespmem:$0x6980] =	vst v63  }
0x6d: {  	s26 =	simm.s32 $0xA00  }
0x6e: {  	[spmem:s1] =	stream.indirect.scatter.add.f32 [tilespmem:s10], [sflag:$0x1], $0x1, s26, s9, $0xb8;
	[tilespmem:$0x6980] =	vst v63  }
0x6f: {  	s28 =	simm.s32 $0xA80  }
0x70: {  	[spmem:s1] =	stream.indirect.scatter.add.f32 [tilespmem:s10], [sflag:$0x1], $0x1, s28, s9, $0xb8;
	[tilespmem:$0x6980] =	vst v63  }
0x71: {  	s29 =	simm.s32 $0xB00  }
0x72: {  	[spmem:s1] =	stream.indirect.scatter.add.f32 [tilespmem:s10], [sflag:$0x1], $0x1, s29, s9, $0xb8;
	[tilespmem:$0x6980] =	vst v63  }
0x73: {  	s30 =	simm.s32 $0xB80  }
0x74: {  	[spmem:s1] =	stream.indirect.scatter.add.f32 [tilespmem:s10], [sflag:$0x1], $0x1, s30, s9, $0xb8;
	[tilespmem:$0x6980] =	vst v63  }
0x75: {  	s31 =	simm.s32 $0xC00  }
0x76: {  	[spmem:s1] =	stream.indirect.scatter.add.f32 [tilespmem:s10], [sflag:$0x1], $0x1, s31, s9, $0xb8;
	[tilespmem:$0x6980] =	vst v63  }
0x77: {  	_ =	swait.ge [sflag:s11], $0x64  }
0x78: {  	[sflag:s11] =	ssyncset.done $0x0  }
0x79: {  	[sflag:s11] =	ssyncadd.s32 $0xFFFFFF9C  }
0x7a: {  	_ =	swait.ge [sflag:s11], $0x64  }
0x7b: {  	[sflag:s11] =	ssyncset.done $0x0  }
0x7c: {  	[sflag:s11] =	ssyncadd.s32 $0xFFFFFF9C  }
0x7d: {  	_ =	swait.ge [sflag:s11], $0x64  }
0x7e: {  	[sflag:s11] =	ssyncset.done $0x0  }
0x7f: {  	[sflag:s11] =	ssyncadd.s32 $0xFFFFFF9C  }
0x80: {  	_ =	swait.ge [sflag:s11], $0x64  }
0x81: {  	[sflag:s11] =	ssyncset.done $0x0  }
0x82: {  	[sflag:s11] =	ssyncadd.s32 $0xFFFFFF9C  }
0x83: {  	_ =	swait.ge [sflag:s11], $0x64  }
0x84: {  	[sflag:s11] =	ssyncset.done $0x0  }
0x85: {  	[sflag:s11] =	ssyncadd.s32 $0xFFFFFF9C  }
0x86: {  	_ =	swait.ge [sflag:s11], $0x64  }
0x87: {  	[sflag:s11] =	ssyncset.done $0x0  }
0x88: {  	[sflag:s11] =	ssyncadd.s32 $0xFFFFFF9C  }
0x89: {  	_ =	swait.ge [sflag:s11], $0x64  }
0x8a: {  	[sflag:s11] =	ssyncset.done $0x0  }
0x8b: {  	[sflag:s11] =	ssyncadd.s32 $0xFFFFFF9C  }
0x8c: {  	_ =	swait.ge [sflag:s11], $0x64  }
0x8d: {  	[sflag:s11] =	ssyncset.done $0x0  }
0x8e: {  	[sflag:s11] =	ssyncadd.s32 $0xFFFFFF9C  }
0x8f: {  	_ =	swait.ge [sflag:s11], $0x64  }
0x90: {  	[sflag:s11] =	ssyncset.done $0x0  }
0x91: {  	[sflag:s11] =	ssyncadd.s32 $0xFFFFFF9C  }
0x92: {  	_ =	swait.ge [sflag:s11], $0x64  }
0x93: {  	[sflag:s11] =	ssyncset.done $0x0  }
0x94: {  	[sflag:s11] =	ssyncadd.s32 $0xFFFFFF9C  }
0x95: {  	_ =	swait.ge [sflag:s11], $0x64  }
0x96: {  	[sflag:s11] =	ssyncset.done $0x0  }
0x97: {  	[sflag:s11] =	ssyncadd.s32 $0xFFFFFF9C  }
0x98: {  	_ =	swait.ge [sflag:s11], $0x64  }
0x99: {  	[sflag:s11] =	ssyncset.done $0x0  }
0x9a: {  	[sflag:s11] =	ssyncadd.s32 $0xFFFFFF9C  }
0x9b: {  	_ =	swait.ge [sflag:s11], $0x64  }
0x9c: {  	[sflag:s11] =	ssyncset.done $0x0  }
0x9d: {  	[sflag:s11] =	ssyncadd.s32 $0xFFFFFF9C  }
0x9e: {  	_ =	swait.ge [sflag:s11], $0x64  }
0x9f: {  	[sflag:s11] =	ssyncset.done $0x0  }
0xa0: {  	[sflag:s11] =	ssyncadd.s32 $0xFFFFFF9C  }
0xa1: {  	_ =	swait.ge [sflag:s11], $0x64  }
0xa2: {  	[sflag:s11] =	ssyncset.done $0x0  }
0xa3: {  	[sflag:s11] =	ssyncadd.s32 $0xFFFFFF9C  }
0xa4: {  	_ =	swait.ge [sflag:s11], $0x64  }
0xa5: {  	[sflag:s11] =	ssyncset.done $0x0  }
0xa6: {  	[sflag:s11] =	ssyncadd.s32 $0xFFFFFF9C  }
0xa7: {  	_ =	swait.ge [sflag:s11], $0x64  }
0xa8: {  	[sflag:s11] =	ssyncset.done $0x0  }
0xa9: {  	[sflag:s11] =	ssyncadd.s32 $0xFFFFFF9C  }
0xaa: {  	_ =	swait.ge [sflag:s11], $0x64  }
0xab: {  	[sflag:s11] =	ssyncset.done $0x0  }
0xac: {  	[sflag:s11] =	ssyncadd.s32 $0xFFFFFF9C  }
0xad: {  	_ =	swait.ge [sflag:s11], $0x64  }
0xae: {  	[sflag:s11] =	ssyncset.done $0x0  }
0xaf: {  	[sflag:s11] =	ssyncadd.s32 $0xFFFFFF9C  }
0xb0: {  	_ =	swait.ge [sflag:s11], $0x64  }
0xb1: {  	[sflag:s11] =	ssyncset.done $0x0  }
0xb2: {  	[sflag:s11] =	ssyncadd.s32 $0xFFFFFF9C  }
0xb3: {  	_ =	swait.ge [sflag:s11], $0x64  }
0xb4: {  	[sflag:s11] =	ssyncset.done $0x0  }
0xb5: {  	[sflag:s11] =	ssyncadd.s32 $0xFFFFFF9C  }
0xb6: {  	_ =	swait.ge [sflag:s11], $0x64  }
0xb7: {  	[sflag:s11] =	ssyncset.done $0x0  }
0xb8: {  	[sflag:s11] =	ssyncadd.s32 $0xFFFFFF9C  }
0xb9: {  	_ =	swait.ge [sflag:s11], $0x64  }
0xba: {  	[sflag:s11] =	ssyncset.done $0x0  }
0xbb: {  	[sflag:s11] =	ssyncadd.s32 $0xFFFFFF9C  }
0xbc: {  	_ =	swait.ge [sflag:s11], $0x64  }
0xbd: {  	[sflag:s11] =	ssyncset.done $0x0  }
0xbe: {  	[sflag:s11] =	ssyncadd.s32 $0xFFFFFF9C  }
0xbf: {  	_ =	swait.ge [sflag:s11], $0x64  }
0xc0: {  	s16 =	simm.s32 $0x3200;
	s19 =	simm.s32 $0x6400;
	[sflag:s11] =	ssyncset.done $0x0  }
.LBB2_2:
0xc1: {  	s18 =	sshra.s32 s16, $0x2  }
0xc2: {  	[sflag:s11] =	ssyncadd.s32 $0xFFFFFF9C;
	s16 =	smov.u32 s19;
	s17 =	sadd.s32 $0x3200, s19  }
0xc3: {  	[spmem:s1] =	stream.indirect.scatter.add.f32 [tilespmem:s10], [sflag:$0x1], $0x1, s18, s9, $0xb8;
	[tilespmem:$0x6980] =	vst v63  }
0xc4: {  	p0 =	sne.s32 s19, $0x15E00;
	s19 =	sadd.s32 $0x80, s18  }
0xc5: {  	[spmem:s1] =	stream.indirect.scatter.add.f32 [tilespmem:s10], [sflag:$0x1], $0x1, s19, s9, $0xb8;
	[tilespmem:$0x6980] =	vst v63  }
0xc6: {  	s19 =	sadd.s32 $0x100, s18  }
0xc7: {  	[spmem:s1] =	stream.indirect.scatter.add.f32 [tilespmem:s10], [sflag:$0x1], $0x1, s19, s9, $0xb8;
	[tilespmem:$0x6980] =	vst v63  }
0xc8: {  	s19 =	sadd.s32 $0x180, s18  }
0xc9: {  	[spmem:s1] =	stream.indirect.scatter.add.f32 [tilespmem:s10], [sflag:$0x1], $0x1, s19, s9, $0xb8;
	[tilespmem:$0x6980] =	vst v63  }
0xca: {  	s19 =	sadd.s32 $0x200, s18  }
0xcb: {  	[spmem:s1] =	stream.indirect.scatter.add.f32 [tilespmem:s10], [sflag:$0x1], $0x1, s19, s9, $0xb8;
	[tilespmem:$0x6980] =	vst v63  }
0xcc: {  	s19 =	sadd.s32 $0x280, s18  }
0xcd: {  	[spmem:s1] =	stream.indirect.scatter.add.f32 [tilespmem:s10], [sflag:$0x1], $0x1, s19, s9, $0xb8;
	[tilespmem:$0x6980] =	vst v63  }
0xce: {  	s19 =	sadd.s32 $0x300, s18  }
0xcf: {  	[spmem:s1] =	stream.indirect.scatter.add.f32 [tilespmem:s10], [sflag:$0x1], $0x1, s19, s9, $0xb8;
	[tilespmem:$0x6980] =	vst v63  }
0xd0: {  	s19 =	sadd.s32 $0x380, s18  }
0xd1: {  	[spmem:s1] =	stream.indirect.scatter.add.f32 [tilespmem:s10], [sflag:$0x1], $0x1, s19, s9, $0xb8;
	[tilespmem:$0x6980] =	vst v63  }
0xd2: {  	s19 =	sadd.s32 $0x400, s18  }
0xd3: {  	[spmem:s1] =	stream.indirect.scatter.add.f32 [tilespmem:s10], [sflag:$0x1], $0x1, s19, s9, $0xb8;
	[tilespmem:$0x6980] =	vst v63  }
0xd4: {  	s19 =	sadd.s32 $0x480, s18  }
0xd5: {  	[spmem:s1] =	stream.indirect.scatter.add.f32 [tilespmem:s10], [sflag:$0x1], $0x1, s19, s9, $0xb8;
	[tilespmem:$0x6980] =	vst v63  }
0xd6: {  	s19 =	sadd.s32 $0x500, s18  }
0xd7: {  	[spmem:s1] =	stream.indirect.scatter.add.f32 [tilespmem:s10], [sflag:$0x1], $0x1, s19, s9, $0xb8;
	[tilespmem:$0x6980] =	vst v63  }
0xd8: {  	s19 =	sadd.s32 $0x580, s18  }
0xd9: {  	[spmem:s1] =	stream.indirect.scatter.add.f32 [tilespmem:s10], [sflag:$0x1], $0x1, s19, s9, $0xb8;
	[tilespmem:$0x6980] =	vst v63  }
0xda: {  	s19 =	sadd.s32 $0x600, s18  }
0xdb: {  	[spmem:s1] =	stream.indirect.scatter.add.f32 [tilespmem:s10], [sflag:$0x1], $0x1, s19, s9, $0xb8;
	[tilespmem:$0x6980] =	vst v63  }
0xdc: {  	s19 =	sadd.s32 $0x680, s18  }
0xdd: {  	[spmem:s1] =	stream.indirect.scatter.add.f32 [tilespmem:s10], [sflag:$0x1], $0x1, s19, s9, $0xb8;
	[tilespmem:$0x6980] =	vst v63  }
0xde: {  	s19 =	sadd.s32 $0x700, s18  }
0xdf: {  	[spmem:s1] =	stream.indirect.scatter.add.f32 [tilespmem:s10], [sflag:$0x1], $0x1, s19, s9, $0xb8;
	[tilespmem:$0x6980] =	vst v63  }
0xe0: {  	s19 =	sadd.s32 $0x780, s18  }
0xe1: {  	[spmem:s1] =	stream.indirect.scatter.add.f32 [tilespmem:s10], [sflag:$0x1], $0x1, s19, s9, $0xb8;
	[tilespmem:$0x6980] =	vst v63  }
0xe2: {  	s19 =	sadd.s32 $0x800, s18  }
0xe3: {  	[spmem:s1] =	stream.indirect.scatter.add.f32 [tilespmem:s10], [sflag:$0x1], $0x1, s19, s9, $0xb8;
	[tilespmem:$0x6980] =	vst v63  }
0xe4: {  	s19 =	sadd.s32 $0x880, s18  }
0xe5: {  	[spmem:s1] =	stream.indirect.scatter.add.f32 [tilespmem:s10], [sflag:$0x1], $0x1, s19, s9, $0xb8;
	[tilespmem:$0x6980] =	vst v63  }
0xe6: {  	s19 =	sadd.s32 $0x900, s18  }
0xe7: {  	[spmem:s1] =	stream.indirect.scatter.add.f32 [tilespmem:s10], [sflag:$0x1], $0x1, s19, s9, $0xb8;
	[tilespmem:$0x6980] =	vst v63  }
0xe8: {  	s19 =	sadd.s32 $0x980, s18  }
0xe9: {  	[spmem:s1] =	stream.indirect.scatter.add.f32 [tilespmem:s10], [sflag:$0x1], $0x1, s19, s9, $0xb8;
	[tilespmem:$0x6980] =	vst v63  }
0xea: {  	s19 =	sadd.s32 $0xA00, s18  }
0xeb: {  	[spmem:s1] =	stream.indirect.scatter.add.f32 [tilespmem:s10], [sflag:$0x1], $0x1, s19, s9, $0xb8;
	[tilespmem:$0x6980] =	vst v63  }
0xec: {  	s19 =	sadd.s32 $0xA80, s18  }
0xed: {  	[spmem:s1] =	stream.indirect.scatter.add.f32 [tilespmem:s10], [sflag:$0x1], $0x1, s19, s9, $0xb8;
	[tilespmem:$0x6980] =	vst v63  }
0xee: {  	s19 =	sadd.s32 $0xB00, s18  }
0xef: {  	[spmem:s1] =	stream.indirect.scatter.add.f32 [tilespmem:s10], [sflag:$0x1], $0x1, s19, s9, $0xb8;
	[tilespmem:$0x6980] =	vst v63  }
0xf0: {  	s19 =	sadd.s32 $0xB80, s18  }
0xf1: {  	[spmem:s1] =	stream.indirect.scatter.add.f32 [tilespmem:s10], [sflag:$0x1], $0x1, s19, s9, $0xb8;
	[tilespmem:$0x6980] =	vst v63  }
0xf2: {  	s18 =	sadd.s32 $0xC00, s18  }
0xf3: {  	[spmem:s1] =	stream.indirect.scatter.add.f32 [tilespmem:s10], [sflag:$0x1], $0x1, s18, s9, $0xb8;
	[tilespmem:$0x6980] =	vst v63  }
0xf4: {  	_ =	swait.ge [sflag:s11], $0x64  }
0xf5: {  	[sflag:s11] =	ssyncset.done $0x0  }
0xf6: {  	[sflag:s11] =	ssyncadd.s32 $0xFFFFFF9C  }
0xf7: {  	_ =	swait.ge [sflag:s11], $0x64  }
0xf8: {  	[sflag:s11] =	ssyncset.done $0x0  }
0xf9: {  	[sflag:s11] =	ssyncadd.s32 $0xFFFFFF9C  }
0xfa: {  	_ =	swait.ge [sflag:s11], $0x64  }
0xfb: {  	[sflag:s11] =	ssyncset.done $0x0  }
0xfc: {  	[sflag:s11] =	ssyncadd.s32 $0xFFFFFF9C  }
0xfd: {  	_ =	swait.ge [sflag:s11], $0x64  }
0xfe: {  	[sflag:s11] =	ssyncset.done $0x0  }
0xff: {  	[sflag:s11] =	ssyncadd.s32 $0xFFFFFF9C  }
0x100: {  	_ =	swait.ge [sflag:s11], $0x64  }
0x101: {  	[sflag:s11] =	ssyncset.done $0x0  }
0x102: {  	[sflag:s11] =	ssyncadd.s32 $0xFFFFFF9C  }
0x103: {  	_ =	swait.ge [sflag:s11], $0x64  }
0x104: {  	[sflag:s11] =	ssyncset.done $0x0  }
0x105: {  	[sflag:s11] =	ssyncadd.s32 $0xFFFFFF9C  }
0x106: {  	_ =	swait.ge [sflag:s11], $0x64  }
0x107: {  	[sflag:s11] =	ssyncset.done $0x0  }
0x108: {  	[sflag:s11] =	ssyncadd.s32 $0xFFFFFF9C  }
0x109: {  	_ =	swait.ge [sflag:s11], $0x64  }
0x10a: {  	[sflag:s11] =	ssyncset.done $0x0  }
0x10b: {  	[sflag:s11] =	ssyncadd.s32 $0xFFFFFF9C  }
0x10c: {  	_ =	swait.ge [sflag:s11], $0x64  }
0x10d: {  	[sflag:s11] =	ssyncset.done $0x0  }
0x10e: {  	[sflag:s11] =	ssyncadd.s32 $0xFFFFFF9C  }
0x10f: {  	_ =	swait.ge [sflag:s11], $0x64  }
0x110: {  	[sflag:s11] =	ssyncset.done $0x0  }
0x111: {  	[sflag:s11] =	ssyncadd.s32 $0xFFFFFF9C  }
0x112: {  	_ =	swait.ge [sflag:s11], $0x64  }
0x113: {  	[sflag:s11] =	ssyncset.done $0x0  }
0x114: {  	[sflag:s11] =	ssyncadd.s32 $0xFFFFFF9C  }
0x115: {  	_ =	swait.ge [sflag:s11], $0x64  }
0x116: {  	[sflag:s11] =	ssyncset.done $0x0  }
0x117: {  	[sflag:s11] =	ssyncadd.s32 $0xFFFFFF9C  }
0x118: {  	_ =	swait.ge [sflag:s11], $0x64  }
0x119: {  	[sflag:s11] =	ssyncset.done $0x0  }
0x11a: {  	[sflag:s11] =	ssyncadd.s32 $0xFFFFFF9C  }
0x11b: {  	_ =	swait.ge [sflag:s11], $0x64  }
0x11c: {  	[sflag:s11] =	ssyncset.done $0x0  }
0x11d: {  	[sflag:s11] =	ssyncadd.s32 $0xFFFFFF9C  }
0x11e: {  	_ =	swait.ge [sflag:s11], $0x64  }
0x11f: {  	[sflag:s11] =	ssyncset.done $0x0  }
0x120: {  	[sflag:s11] =	ssyncadd.s32 $0xFFFFFF9C  }
0x121: {  	_ =	swait.ge [sflag:s11], $0x64  }
0x122: {  	[sflag:s11] =	ssyncset.done $0x0  }
0x123: {  	[sflag:s11] =	ssyncadd.s32 $0xFFFFFF9C  }
0x124: {  	_ =	swait.ge [sflag:s11], $0x64  }
0x125: {  	[sflag:s11] =	ssyncset.done $0x0  }
0x126: {  	[sflag:s11] =	ssyncadd.s32 $0xFFFFFF9C  }
0x127: {  	_ =	swait.ge [sflag:s11], $0x64  }
0x128: {  	[sflag:s11] =	ssyncset.done $0x0  }
0x129: {  	[sflag:s11] =	ssyncadd.s32 $0xFFFFFF9C  }
0x12a: {  	_ =	swait.ge [sflag:s11], $0x64  }
0x12b: {  	[sflag:s11] =	ssyncset.done $0x0  }
0x12c: {  	[sflag:s11] =	ssyncadd.s32 $0xFFFFFF9C  }
0x12d: {  	_ =	swait.ge [sflag:s11], $0x64  }
0x12e: {  	[sflag:s11] =	ssyncset.done $0x0  }
0x12f: {  	[sflag:s11] =	ssyncadd.s32 $0xFFFFFF9C  }
0x130: {  	_ =	swait.ge [sflag:s11], $0x64  }
0x131: {  	[sflag:s11] =	ssyncset.done $0x0  }
0x132: {  	[sflag:s11] =	ssyncadd.s32 $0xFFFFFF9C  }
0x133: {  	_ =	swait.ge [sflag:s11], $0x64  }
0x134: {  	[sflag:s11] =	ssyncset.done $0x0  }
0x135: {  	[sflag:s11] =	ssyncadd.s32 $0xFFFFFF9C  }
0x136: {  	_ =	swait.ge [sflag:s11], $0x64  }
0x137: {  	[sflag:s11] =	ssyncset.done $0x0  }
0x138: {  	[sflag:s11] =	ssyncadd.s32 $0xFFFFFF9C  }
.Ltmp0:
0x139: {  	_ =	swait.ge [sflag:s11], $0x64;
	(pc) =	sbr.rel @p0 .LBB2_2-.Ltmp0, $4  }
0x13a: {  	[sflag:s11] =	ssyncset.done $0x0  }
0x13b: {  	[sflag:s11] =	ssyncadd.s32 $0xFFFFFF9C  }
0x13c: {  	_ =	swait.ge [sflag:s11], $0x64  }
0x13d: {  	s19 =	smov.u32 s17;
	[sflag:s11] =	ssyncset.done $0x0  }
0x13e: {  	s16 =	sshra.s32 s16, $0x2;
	[sflag:s11] =	ssyncadd.s32 $0xFFFFFF9C  }
0x13f: {  	[spmem:s1] =	stream.indirect.scatter.add.f32 [tilespmem:s10], [sflag:$0x1], $0x1, s16, s9, $0xb8;
	[tilespmem:$0x6980] =	vst v63  }
0x140: {  	s17 =	sadd.s32 $0x80, s16  }
0x141: {  	[spmem:s1] =	stream.indirect.scatter.add.f32 [tilespmem:s10], [sflag:$0x1], $0x1, s17, s9, $0xb8;
	[tilespmem:$0x6980] =	vst v63  }
0x142: {  	s22 =	sadd.s32 $0x100, s16  }
0x143: {  	[spmem:s1] =	stream.indirect.scatter.add.f32 [tilespmem:s10], [sflag:$0x1], $0x1, s22, s9, $0xb8;
	[tilespmem:$0x6980] =	vst v63  }
0x144: {  	s23 =	sadd.s32 $0x180, s16  }
0x145: {  	[spmem:s1] =	stream.indirect.scatter.add.f32 [tilespmem:s10], [sflag:$0x1], $0x1, s23, s9, $0xb8;
	[tilespmem:$0x6980] =	vst v63  }
0x146: {  	s24 =	sadd.s32 $0x200, s16  }
0x147: {  	[spmem:s1] =	stream.indirect.scatter.add.f32 [tilespmem:s10], [sflag:$0x1], $0x1, s24, s9, $0xb8;
	[tilespmem:$0x6980] =	vst v63  }
0x148: {  	s25 =	sadd.s32 $0x280, s16  }
0x149: {  	[spmem:s1] =	stream.indirect.scatter.add.f32 [tilespmem:s10], [sflag:$0x1], $0x1, s25, s9, $0xb8;
	[tilespmem:$0x6980] =	vst v63  }
0x14a: {  	s26 =	sadd.s32 $0x300, s16  }
0x14b: {  	[spmem:s1] =	stream.indirect.scatter.add.f32 [tilespmem:s10], [sflag:$0x1], $0x1, s26, s9, $0xb8;
	[tilespmem:$0x6980] =	vst v63  }
0x14c: {  	s28 =	sadd.s32 $0x380, s16  }
0x14d: {  	[spmem:s1] =	stream.indirect.scatter.add.f32 [tilespmem:s10], [sflag:$0x1], $0x1, s28, s9, $0xb8;
	[tilespmem:$0x6980] =	vst v63  }
0x14e: {  	s29 =	sadd.s32 $0x400, s16  }
0x14f: {  	[spmem:s1] =	stream.indirect.scatter.add.f32 [tilespmem:s10], [sflag:$0x1], $0x1, s29, s9, $0xb8;
	[tilespmem:$0x6980] =	vst v63  }
0x150: {  	s30 =	sadd.s32 $0x480, s16  }
0x151: {  	[spmem:s1] =	stream.indirect.scatter.add.f32 [tilespmem:s10], [sflag:$0x1], $0x1, s30, s9, $0xb8;
	[tilespmem:$0x6980] =	vst v63  }
0x152: {  	s31 =	sadd.s32 $0x500, s16  }
0x153: {  	[spmem:s1] =	stream.indirect.scatter.add.f32 [tilespmem:s10], [sflag:$0x1], $0x1, s31, s9, $0xb8;
	[tilespmem:$0x6980] =	vst v63  }
0x154: {  	s18 =	sadd.s32 $0x580, s16  }
0x155: {  	[spmem:s1] =	stream.indirect.scatter.add.f32 [tilespmem:s10], [sflag:$0x1], $0x1, s18, s9, $0xb8;
	[tilespmem:$0x6980] =	vst v63  }
0x156: {  	s19 =	sadd.s32 $0x600, s16  }
0x157: {  	[spmem:s1] =	stream.indirect.scatter.add.f32 [tilespmem:s10], [sflag:$0x1], $0x1, s19, s9, $0xb8;
	[tilespmem:$0x6980] =	vst v63  }
0x158: {  	s20 =	sadd.s32 $0x680, s16  }
0x159: {  	[spmem:s1] =	stream.indirect.scatter.add.f32 [tilespmem:s10], [sflag:$0x1], $0x1, s20, s9, $0xb8;
	[tilespmem:$0x6980] =	vst v63  }
0x15a: {  	s21 =	sadd.s32 $0x700, s16  }
0x15b: {  	[spmem:s1] =	stream.indirect.scatter.add.f32 [tilespmem:s10], [sflag:$0x1], $0x1, s21, s9, $0xb8;
	[tilespmem:$0x6980] =	vst v63  }
0x15c: {  	s22 =	sadd.s32 $0x780, s16  }
0x15d: {  	[spmem:s1] =	stream.indirect.scatter.add.f32 [tilespmem:s10], [sflag:$0x1], $0x1, s22, s9, $0xb8;
	[tilespmem:$0x6980] =	vst v63  }
0x15e: {  	s23 =	sadd.s32 $0x800, s16  }
0x15f: {  	[spmem:s1] =	stream.indirect.scatter.add.f32 [tilespmem:s10], [sflag:$0x1], $0x1, s23, s9, $0xb8;
	[tilespmem:$0x6980] =	vst v63  }
0x160: {  	s24 =	sadd.s32 $0x880, s16  }
0x161: {  	[spmem:s1] =	stream.indirect.scatter.add.f32 [tilespmem:s10], [sflag:$0x1], $0x1, s24, s9, $0xb8;
	[tilespmem:$0x6980] =	vst v63  }
0x162: {  	s25 =	sadd.s32 $0x900, s16  }
0x163: {  	[spmem:s1] =	stream.indirect.scatter.add.f32 [tilespmem:s10], [sflag:$0x1], $0x1, s25, s9, $0xb8;
	[tilespmem:$0x6980] =	vst v63  }
0x164: {  	s26 =	sadd.s32 $0x980, s16  }
0x165: {  	[spmem:s1] =	stream.indirect.scatter.add.f32 [tilespmem:s10], [sflag:$0x1], $0x1, s26, s9, $0xb8;
	[tilespmem:$0x6980] =	vst v63  }
0x166: {  	s28 =	sadd.s32 $0xA00, s16  }
0x167: {  	[spmem:s1] =	stream.indirect.scatter.add.f32 [tilespmem:s10], [sflag:$0x1], $0x1, s28, s9, $0xb8;
	[tilespmem:$0x6980] =	vst v63  }
0x168: {  	s29 =	sadd.s32 $0xA80, s16  }
0x169: {  	[spmem:s1] =	stream.indirect.scatter.add.f32 [tilespmem:s10], [sflag:$0x1], $0x1, s29, s9, $0xb8;
	[tilespmem:$0x6980] =	vst v63  }
0x16a: {  	s30 =	sadd.s32 $0xB00, s16  }
0x16b: {  	[spmem:s1] =	stream.indirect.scatter.add.f32 [tilespmem:s10], [sflag:$0x1], $0x1, s30, s9, $0xb8;
	[tilespmem:$0x6980] =	vst v63  }
0x16c: {  	s31 =	sadd.s32 $0xB80, s16  }
0x16d: {  	[spmem:s1] =	stream.indirect.scatter.add.f32 [tilespmem:s10], [sflag:$0x1], $0x1, s31, s9, $0xb8;
	[tilespmem:$0x6980] =	vst v63  }
0x16e: {  	s16 =	sadd.s32 $0xC00, s16  }
0x16f: {  	[spmem:s1] =	stream.indirect.scatter.add.f32 [tilespmem:s10], [sflag:$0x1], $0x1, s16, s9, $0xb8;
	[tilespmem:$0x6980] =	vst v63  }
0x170: {  	_ =	swait.ge [sflag:s11], $0x64  }
0x171: {  	[sflag:s11] =	ssyncset.done $0x0  }
0x172: {  	[sflag:s11] =	ssyncadd.s32 $0xFFFFFF9C  }
0x173: {  	_ =	swait.ge [sflag:s11], $0x64  }
0x174: {  	[sflag:s11] =	ssyncset.done $0x0  }
0x175: {  	[sflag:s11] =	ssyncadd.s32 $0xFFFFFF9C  }
0x176: {  	_ =	swait.ge [sflag:s11], $0x64  }
0x177: {  	[sflag:s11] =	ssyncset.done $0x0  }
0x178: {  	[sflag:s11] =	ssyncadd.s32 $0xFFFFFF9C  }
0x179: {  	_ =	swait.ge [sflag:s11], $0x64  }
0x17a: {  	[sflag:s11] =	ssyncset.done $0x0  }
0x17b: {  	[sflag:s11] =	ssyncadd.s32 $0xFFFFFF9C  }
0x17c: {  	_ =	swait.ge [sflag:s11], $0x64  }
0x17d: {  	[sflag:s11] =	ssyncset.done $0x0  }
0x17e: {  	[sflag:s11] =	ssyncadd.s32 $0xFFFFFF9C  }
0x17f: {  	_ =	swait.ge [sflag:s11], $0x64  }
0x180: {  	[sflag:s11] =	ssyncset.done $0x0  }
0x181: {  	[sflag:s11] =	ssyncadd.s32 $0xFFFFFF9C  }
0x182: {  	_ =	swait.ge [sflag:s11], $0x64  }
0x183: {  	[sflag:s11] =	ssyncset.done $0x0  }
0x184: {  	[sflag:s11] =	ssyncadd.s32 $0xFFFFFF9C  }
0x185: {  	_ =	swait.ge [sflag:s11], $0x64  }
0x186: {  	[sflag:s11] =	ssyncset.done $0x0  }
0x187: {  	[sflag:s11] =	ssyncadd.s32 $0xFFFFFF9C  }
0x188: {  	_ =	swait.ge [sflag:s11], $0x64  }
0x189: {  	[sflag:s11] =	ssyncset.done $0x0  }
0x18a: {  	[sflag:s11] =	ssyncadd.s32 $0xFFFFFF9C  }
0x18b: {  	_ =	swait.ge [sflag:s11], $0x64  }
0x18c: {  	[sflag:s11] =	ssyncset.done $0x0  }
0x18d: {  	[sflag:s11] =	ssyncadd.s32 $0xFFFFFF9C  }
0x18e: {  	_ =	swait.ge [sflag:s11], $0x64  }
0x18f: {  	[sflag:s11] =	ssyncset.done $0x0  }
0x190: {  	[sflag:s11] =	ssyncadd.s32 $0xFFFFFF9C  }
0x191: {  	_ =	swait.ge [sflag:s11], $0x64  }
0x192: {  	[sflag:s11] =	ssyncset.done $0x0  }
0x193: {  	[sflag:s11] =	ssyncadd.s32 $0xFFFFFF9C  }
0x194: {  	_ =	swait.ge [sflag:s11], $0x64  }
0x195: {  	[sflag:s11] =	ssyncset.done $0x0  }
0x196: {  	[sflag:s11] =	ssyncadd.s32 $0xFFFFFF9C  }
0x197: {  	_ =	swait.ge [sflag:s11], $0x64  }
0x198: {  	[sflag:s11] =	ssyncset.done $0x0  }
0x199: {  	[sflag:s11] =	ssyncadd.s32 $0xFFFFFF9C  }
0x19a: {  	_ =	swait.ge [sflag:s11], $0x64  }
0x19b: {  	[sflag:s11] =	ssyncset.done $0x0  }
0x19c: {  	[sflag:s11] =	ssyncadd.s32 $0xFFFFFF9C  }
0x19d: {  	_ =	swait.ge [sflag:s11], $0x64  }
0x19e: {  	[sflag:s11] =	ssyncset.done $0x0  }
0x19f: {  	[sflag:s11] =	ssyncadd.s32 $0xFFFFFF9C  }
0x1a0: {  	_ =	swait.ge [sflag:s11], $0x64  }
0x1a1: {  	[sflag:s11] =	ssyncset.done $0x0  }
0x1a2: {  	[sflag:s11] =	ssyncadd.s32 $0xFFFFFF9C  }
0x1a3: {  	_ =	swait.ge [sflag:s11], $0x64  }
0x1a4: {  	[sflag:s11] =	ssyncset.done $0x0  }
0x1a5: {  	[sflag:s11] =	ssyncadd.s32 $0xFFFFFF9C  }
0x1a6: {  	_ =	swait.ge [sflag:s11], $0x64  }
0x1a7: {  	[sflag:s11] =	ssyncset.done $0x0  }
0x1a8: {  	[sflag:s11] =	ssyncadd.s32 $0xFFFFFF9C  }
0x1a9: {  	_ =	swait.ge [sflag:s11], $0x64  }
0x1aa: {  	[sflag:s11] =	ssyncset.done $0x0  }
0x1ab: {  	[sflag:s11] =	ssyncadd.s32 $0xFFFFFF9C  }
0x1ac: {  	_ =	swait.ge [sflag:s11], $0x64  }
0x1ad: {  	[sflag:s11] =	ssyncset.done $0x0  }
0x1ae: {  	[sflag:s11] =	ssyncadd.s32 $0xFFFFFF9C  }
0x1af: {  	_ =	swait.ge [sflag:s11], $0x64  }
0x1b0: {  	[sflag:s11] =	ssyncset.done $0x0  }
0x1b1: {  	[sflag:s11] =	ssyncadd.s32 $0xFFFFFF9C  }
0x1b2: {  	_ =	swait.ge [sflag:s11], $0x64  }
0x1b3: {  	[sflag:s11] =	ssyncset.done $0x0  }
0x1b4: {  	[sflag:s11] =	ssyncadd.s32 $0xFFFFFF9C  }
0x1b5: {  	_ =	swait.ge [sflag:s11], $0x64  }
0x1b6: {  	[sflag:s11] =	ssyncset.done $0x0  }
0x1b7: {  	[sflag:s11] =	ssyncadd.s32 $0xFFFFFF9C  }
0x1b8: {  	_ =	swait.ge [sflag:s11], $0x64  }
0x1b9: {  	s15 =	sadd.s32 $0x1, s15;
	[sflag:s11] =	ssyncset.done $0x0  }
0x1ba: {  	p0 =	sne.s32 s15, s6;
	[sflag:s11] =	ssyncadd.s32 $0xFFFFFF9C  }
.Ltmp1:
0x1bb: {  	[bflag:$0x0] =	sbarrier.arrive $0xFFFF;
	(pc) =	sbr.rel @p0 .LBB2_1-.Ltmp1, $4  }
0x1bc: {  	[hbm:s12], [sflag:s13] =	dma.local [spmem:s14], $0x50  }
0x1bd: {  	_ =	swait.ge [sflag:s7], $0x50  }
0x1be: {  	[sflag:s7] =	ssyncset.done $0x0  }
0x1bf: {  	[sflag:s7] =	ssyncadd.s32 $0xFFFFFFB0  }
0x1c0: {  	_ =	sfence.sel $0x180000  }
0x1c1: {  	[bflag:$0x0] =	sbarrier.arrive $0xFFFF  }
0x1c2: {  	p0 =	sne.s32 s2, $0x0;
	_ =	strace $0x90000047  }
0x1c3: {  	s0 =	sadd.s32 @!p0 $0x100000, s0;
	[bflag:$0x2] =	sbarrier.arrive $0xFFFF  }
0x1c4: {  	[sflag:s0] =	ssyncadd.tile.s32 @!p0 $0x1;
	_ =	shalt  }
.Lfunc_end2:
_tile_overlayer_lowered:
.L_overlay_start_2:
0x1c5: {  	(tag) =	ssettag $0x2  }
0x1c6: {  	s0 =	rddreg [dreg:$0x0];
	s2 =	stileid.u32  }
0x1c7: {  	s1 =	rddreg [dreg:$0x1];
	p0 =	sne.s32 s2, $0x0  }
0x1c8: {  	s3 =	rddreg [dreg:$0x2];
	[bflag:$0x3] =	sbarrier.arrive $0xFFFF;
	s2 =	simm.s32 @!p0 $0x1C02  }
0x1c9: {  	[timem:s3], [sflag:s2] =	dma.local @!p0 [hbm:s0], s1  }
0x1ca: {  	s0 =	simm.s32 @!p0 $0x2  }
0x1cb: {  	_ =	swait.ge @!p0 [sflag:s0], s1  }
0x1cc: {  	s1 =	ssub.s32 @!p0 $0x0, s1;
	[sflag:s0] =	ssyncset.done @!p0 $0x0  }
0x1cd: {  	[sflag:s0] =	ssyncadd.s32 @!p0 s1  }
0x1ce: {  	[bflag:$0x3] =	sbarrier.arrive $0xFFFF  }
0x1cf: {  	_ =	shalt  }

</sc_bundles>
